<compile_context>
chip_gen: v7x
topology: tpu7x:2x2x1
jax: 0.10.2.dev20260603
libtpu: 0.0.44.dev20260713+nightly
codegen_flags: <defaults>
</compile_context>

<pallas_src>
import functools

import jax
import jax.numpy as jnp
from jax import lax
from jax.experimental import pallas as pl
from jax.experimental.pallas import tpu as pltpu
from jax.experimental.pallas import tpu_sc as plsc

NN = 10000
EE = 320000
HH = 8
DD = 16
HD = HH * DD
CLAMP = 5.0

NW = 32
EPW = EE // NW
CB = 80
NCHUNK = EPW // CB
CBA = 80
NCHUNKA = EPW // CBA
NP = 10240
ROWS_PER_SUB = NP // 16
NPR = NP // 16
DRPS = NPR // 16



def _linear_body(x_ref, w_ref, b_ref, o_ref):
    o_ref[...] = (
        jnp.dot(x_ref[...], w_ref[...], preferred_element_type=jnp.float32)
        + b_ref[...]
    )


def _linear(x, w, b, rb):
    m, k = x.shape
    n = w.shape[1]
    return pl.pallas_call(
        _linear_body,
        grid=(m // rb,),
        in_specs=[
            pl.BlockSpec((rb, k), lambda i: (i, 0)),
            pl.BlockSpec((k, n), lambda i: (0, 0)),
            pl.BlockSpec((1, n), lambda i: (0, 0)),
        ],
        out_specs=pl.BlockSpec((rb, n), lambda i: (i, 0)),
        out_shape=jax.ShapeDtypeStruct((m, n), jnp.float32),
    )(x, w, b.reshape(1, -1))


def _edgew_body(c_ref, dst_ref, ewbd_ref, awm16_ref, awm8_ref, awm8t_ref,
                tw_ref, w8_ref, denr_ref, dst8_ref):
    c = c_ref[...]
    t = jnp.dot(c, ewbd_ref[...], preferred_element_type=jnp.float32)
    w16 = jnp.exp(jnp.clip(
        jnp.dot(c, awm16_ref[...], preferred_element_type=jnp.float32),
        -CLAMP, CLAMP))
    tw_ref[...] = w16 * t
    w8_ref[...] = jnp.exp(jnp.clip(
        jnp.dot(c, awm8_ref[...], preferred_element_type=jnp.float32),
        -CLAMP, CLAMP))
    w128 = jnp.exp(jnp.clip(
        jnp.dot(c, awm8t_ref[...], preferred_element_type=jnp.float32),
        -CLAMP, CLAMP))
    lane = lax.broadcasted_iota(jnp.int32, w128.shape, 1)
    slot = lax.rem(dst_ref[...], jnp.int32(16))
    denr_ref[...] = jnp.where((lane >> 3) == slot, w128, 0.0)
    dst8_ref[...] = dst_ref[...] >> 4


def _edge_weights(conn, dst2d, ewbd, awm16, awm8, awm8t, rb):
    return pl.pallas_call(
        _edgew_body,
        grid=(EE // rb,),
        in_specs=[
            pl.BlockSpec((rb, HD), lambda i: (i, 0)),
            pl.BlockSpec((rb, 1), lambda i: (i, 0)),
            pl.BlockSpec((HD, HD), lambda i: (0, 0)),
            pl.BlockSpec((HD, HD), lambda i: (0, 0)),
            pl.BlockSpec((HD, 16), lambda i: (0, 0)),
            pl.BlockSpec((HD, HD), lambda i: (0, 0)),
        ],
        out_specs=[
            pl.BlockSpec((rb, HD), lambda i: (i, 0)),
            pl.BlockSpec((rb, 16), lambda i: (i, 0)),
            pl.BlockSpec((rb, HD), lambda i: (i, 0)),
            pl.BlockSpec((rb, 1), lambda i: (i, 0)),
        ],
        out_shape=[
            jax.ShapeDtypeStruct((EE, HD), jnp.float32),
            jax.ShapeDtypeStruct((EE, 16), jnp.float32),
            jax.ShapeDtypeStruct((EE, HD), jnp.float32),
            jax.ShapeDtypeStruct((EE, 1), jnp.int32),
        ],
    )(conn, dst2d, ewbd, awm16, awm8, awm8t)


def _final_body(agg_ref, den_ref, r8_ref, o_ref):
    agg = agg_ref[0] + agg_ref[1]
    den = den_ref[0] + den_ref[1]
    d16 = jnp.dot(den, r8_ref[...], preferred_element_type=jnp.float32)
    o_ref[...] = agg / (d16 + 1e-16)


def _finalize(agg_p, den_p, r8, rb):
    return pl.pallas_call(
        _final_body,
        grid=(NN // rb,),
        in_specs=[
            pl.BlockSpec((2, rb, HD), lambda i: (0, i, 0)),
            pl.BlockSpec((2, rb, 8), lambda i: (0, i, 0)),
            pl.BlockSpec((8, HD), lambda i: (0, 0)),
        ],
        out_specs=pl.BlockSpec((rb, HD), lambda i: (i, 0)),
        out_shape=jax.ShapeDtypeStruct((NN, HD), jnp.float32),
    )(agg_p, den_p, r8)



_MESH = plsc.VectorSubcoreMesh(core_axis_name="c", subcore_axis_name="s")


@functools.partial(
    pl.kernel,
    mesh=_MESH,
    out_type=jax.ShapeDtypeStruct((EE, HD), jnp.float32),
    scratch_types=[
        pltpu.VMEM((2, CB), jnp.int32),
        pltpu.VMEM((2, CB), jnp.int32),
        pltpu.VMEM((2, CB, HD), jnp.float32),
        pltpu.VMEM((2, CB, HD), jnp.float32),
        pltpu.VMEM((2, CB, HD), jnp.float32),
        pltpu.SemaphoreType.DMA,
        pltpu.SemaphoreType.DMA,
    ],
)
def _conn_sc(nk_hbm, nq_hbm, eq_hbm, src_hbm, dst_hbm, out_hbm,
             srcs, dsts, nks, nqs, cns, g0, g1):
    wid = lax.axis_index("s") * 2 + lax.axis_index("c")

    def issue(i, b, sem):
        base = wid * EPW + i * CB
        pltpu.sync_copy(src_hbm.at[pl.ds(base, CB)], srcs.at[b])
        pltpu.sync_copy(dst_hbm.at[pl.ds(base, CB)], dsts.at[b])
        pltpu.async_copy(nk_hbm.at[srcs.at[b]], nks.at[b], sem)
        pltpu.async_copy(nq_hbm.at[dsts.at[b]], nqs.at[b], sem)
        pltpu.async_copy(eq_hbm.at[pl.ds(base, CB)], cns.at[b], sem)

    def drain(b, sem):
        pltpu.make_async_copy(nk_hbm.at[srcs.at[b]], nks.at[b], sem).wait()
        pltpu.make_async_copy(nq_hbm.at[dsts.at[b]], nqs.at[b], sem).wait()
        pltpu.make_async_copy(eq_hbm.at[pl.ds(0, CB)], cns.at[b], sem).wait()

    def compute(i, b):
        def edge(e, _):
            for h in range(HH):
                sl = (b, e, pl.ds(h * DD, DD))
                cns[sl] = jnp.maximum(nks[sl] + nqs[sl] + cns[sl], 0.0)
            return 0

        lax.fori_loop(0, CB, edge, 0)
        base = wid * EPW + i * CB
        pltpu.sync_copy(cns.at[b], out_hbm.at[pl.ds(base, CB)])

    issue(0, 0, g0)

    def pair(p, _):
        issue(2 * p + 1, 1, g1)
        drain(0, g0)
        compute(2 * p, 0)
        issue(2 * p + 2, 0, g0)
        drain(1, g1)
        compute(2 * p + 1, 1)
        return 0

    lax.fori_loop(0, (NCHUNK - 1) // 2, pair, 0)
    drain(0, g0)
    compute(NCHUNK - 1, 0)


@functools.partial(
    pl.kernel,
    mesh=_MESH,
    out_type=(
        jax.ShapeDtypeStruct((2, NP, HD), jnp.float32),
        jax.ShapeDtypeStruct((2, NPR, HD), jnp.float32),
    ),
    scratch_types=[
        pltpu.VMEM((2, CBA), jnp.int32),
        pltpu.VMEM((CBA,), jnp.int32),
        pltpu.VMEM((CBA,), jnp.int32),
        pltpu.VMEM((CBA, HD), jnp.float32),
        pltpu.VMEM((2, CBA, HD), jnp.float32),
        pltpu.VMEM((CBA, HD), jnp.float32),
        pltpu.VMEM((CBA * 16,), jnp.float32),
        pltpu.VMEM_SHARED((NP, HD), jnp.float32),
        pltpu.VMEM_SHARED((NPR, HD), jnp.float32),
        pltpu.SemaphoreType.DMA,
        pltpu.SemaphoreType.DMA,
    ],
)
def _agg_sc(tw_hbm, w8f_hbm, denr_hbm, nv_hbm, src_hbm, dst_hbm, dst8_hbm,
            z128_hbm, agg_out, den_out,
            srcs, dst_v, dst8_v, tw_v, nvs, denr_v, w8f_v, agg_sh, den_sh,
            g0, g1):
    cid = lax.axis_index("c")
    sid = lax.axis_index("s")
    wid = sid * 2 + cid
    row0 = pl.multiple_of(sid * ROWS_PER_SUB, ROWS_PER_SUB)
    drow0 = pl.multiple_of(sid * DRPS, DRPS)

    pltpu.sync_copy(z128_hbm, tw_v)
    for k in range(ROWS_PER_SUB // CBA):
        pltpu.sync_copy(tw_v, agg_sh.at[pl.ds(row0 + k * CBA, CBA)])
    pltpu.sync_copy(tw_v.at[pl.ds(0, DRPS)], den_sh.at[pl.ds(drow0, DRPS)])
    plsc.subcore_barrier()

    def prefetch(i, b, sem):
        base = wid * EPW + i * CBA
        pltpu.sync_copy(src_hbm.at[pl.ds(base, CBA)], srcs.at[b])
        pltpu.async_copy(nv_hbm.at[srcs.at[b]], nvs.at[b], sem)

    def compute(i, b, sem):
        base = wid * EPW + i * CBA
        pltpu.sync_copy(dst_hbm.at[pl.ds(base, CBA)], dst_v)
        pltpu.sync_copy(dst8_hbm.at[pl.ds(base, CBA)], dst8_v)
        pltpu.sync_copy(tw_hbm.at[pl.ds(base, CBA)], tw_v)
        pltpu.sync_copy(denr_hbm.at[pl.ds(base, CBA)], denr_v)
        pltpu.sync_copy(w8f_hbm.at[pl.ds(base * 16, CBA * 16)], w8f_v)
        pltpu.make_async_copy(nv_hbm.at[srcs.at[b]], nvs.at[b], sem).wait()

        def edge(e, _):
            wvec = w8f_v[pl.ds(e * 16, 16)]
            for h in range(HH):
                sl = (e, pl.ds(h * DD, DD))
                tw_v[sl] = tw_v[sl] + wvec[h] * nvs[(b,) + sl]
            return 0

        lax.fori_loop(0, CBA, edge, 0)
        pltpu.sync_copy(denr_v, den_sh.at[dst8_v], add=True)
        pltpu.sync_copy(tw_v, agg_sh.at[dst_v], add=True)

    prefetch(0, 0, g0)

    def pair(p, _):
        prefetch(2 * p + 1, 1, g1)
        compute(2 * p, 0, g0)
        prefetch(2 * p + 2, 0, g0)
        compute(2 * p + 1, 1, g1)
        return 0

    lax.fori_loop(0, (NCHUNKA - 1) // 2, pair, 0)
    compute(NCHUNKA - 1, 0, g0)
    plsc.subcore_barrier()

    for k in range(ROWS_PER_SUB // CBA):
        r = row0 + k * CBA
        pltpu.sync_copy(agg_sh.at[pl.ds(r, CBA)], tw_v)
        pltpu.sync_copy(tw_v, agg_out.at[cid, pl.ds(r, CBA)])
    pltpu.sync_copy(den_sh.at[pl.ds(drow0, DRPS)], denr_v.at[pl.ds(0, DRPS)])
    pltpu.sync_copy(denr_v.at[pl.ds(0, DRPS)], den_out.at[cid, pl.ds(drow0, DRPS)])



def kernel(x, edge_index, edge_attr, Wq, bq, Wk, bk, Wv, bv, We, be, Aw, Ew):
    src = edge_index[0]
    dst = edge_index[1]

    awm16 = jnp.zeros((HD, HD), jnp.float32)
    ewbd = jnp.zeros((HD, HD), jnp.float32)
    awm8 = jnp.zeros((HD, 16), jnp.float32)
    r8 = jnp.zeros((8, HD), jnp.float32)
    for h in range(HH):
        blk = Aw[:, h, 0:1] * jnp.ones((1, DD), jnp.float32)
        awm16 = awm16.at[h * DD:(h + 1) * DD, h * DD:(h + 1) * DD].set(blk)
        ewbd = ewbd.at[h * DD:(h + 1) * DD, h * DD:(h + 1) * DD].set(Ew[:, h, :])
        awm8 = awm8.at[h * DD:(h + 1) * DD, h].set(Aw[:, h, 0])
        awm8 = awm8.at[h * DD:(h + 1) * DD, h + 8].set(Aw[:, h, 0])
        r8 = r8.at[h, h * DD:(h + 1) * DD].set(1.0)

    wqkv = jnp.concatenate([Wq, Wk, Wv], axis=1)
    bqkv = jnp.concatenate([bq, bk, bv], axis=0)

    nqkv = _linear(x, wqkv, bqkv, rb=2000)
    nq = nqkv[:, :HD]
    nk = nqkv[:, HD:2 * HD]
    nv = nqkv[:, 2 * HD:]
    eq = _linear(edge_attr, We, be, rb=2000)

    conn = _conn_sc(nk, nq, eq, src, dst)

    awm8t = jnp.tile(awm8[:, :8], (1, 16))
    tw, w8, denr, dst8 = _edge_weights(conn, dst.reshape(-1, 1), ewbd,
                                       awm16, awm8, awm8t, rb=2000)

    z128 = jnp.zeros((CBA, HD), jnp.float32)
    agg_p, denr_p = _agg_sc(tw, w8.reshape(-1), denr, nv, src, dst,
                            dst8.reshape(-1), z128)
    den_p = denr_p.reshape(2, NP, 8)

    n_out = _finalize(agg_p[:, :NN], den_p[:, :NN], r8, rb=2000)
    return (n_out, conn)

# --- scband reference (transcript-rebuilt; emitter-appended) ---
"""Pipeline reference for scband-additive-attn-33792802685123 (READ-ONLY COPY).

The authoritative reference and input builder live on the scoring server;
editing this copy changes nothing except your own understanding.
"""

import jax, jax.numpy as jnp
import numpy as np

N = 10000
E = 320000
IN = 128
H = 8
D = 16
CLAMP = 5.0


def setup_inputs(seed: int = 0) -> dict:
    key = jax.random.key(seed)
    ks = jax.random.split(key, 14)
    x = jax.random.normal(ks[0], (N, IN), dtype=jnp.float32)
    edge_index = jax.random.randint(ks[1], (2, E), 0, N, dtype=jnp.int32)
    edge_attr = jax.random.normal(ks[2], (E, IN), dtype=jnp.float32)
    s_lin = float(np.sqrt(2.0 / (IN + H * D)))
    Wq = jax.random.normal(ks[3], (IN, H * D), dtype=jnp.float32) * s_lin
    bq = jnp.zeros((H * D,), dtype=jnp.float32)
    Wk = jax.random.normal(ks[4], (IN, H * D), dtype=jnp.float32) * s_lin
    bk = jnp.zeros((H * D,), dtype=jnp.float32)
    Wv = jax.random.normal(ks[5], (IN, H * D), dtype=jnp.float32) * s_lin
    bv = jnp.zeros((H * D,), dtype=jnp.float32)
    We = jax.random.normal(ks[6], (IN, H * D), dtype=jnp.float32) * s_lin
    be = jnp.zeros((H * D,), dtype=jnp.float32)
    Aw = jax.random.normal(ks[7], (D, H, 1), dtype=jnp.float32) * float(np.sqrt(2.0 / (D + 1)))
    Ew = jax.random.normal(ks[8], (D, H, D), dtype=jnp.float32) * float(np.sqrt(2.0 / (D + D)))
    return {"x": x, "edge_index": edge_index, "edge_attr": edge_attr,
            "Wq": Wq, "bq": bq, "Wk": Wk, "bk": bk, "Wv": Wv, "bv": bv,
            "We": We, "be": be, "Aw": Aw, "Ew": Ew}


def reference(x, edge_index, edge_attr, Wq, bq, Wk, bk, Wv, bv, We, be, Aw, Ew):
    n = x.shape[0]
    Nq = (x @ Wq + bq).reshape(-1, H, D)
    Nk = (x @ Wk + bk).reshape(-1, H, D)
    Nv = (x @ Wv + bv).reshape(-1, H, D)
    Eq = (edge_attr @ We + be).reshape(-1, H, D)
    src = edge_index[0]
    dst = edge_index[1]
    conn = Nk[src] + Nq[dst] + Eq
    conn = jax.nn.relu(conn)
    score = jnp.einsum('ehd,dhc->ehc', conn, Aw)
    score = jnp.clip(score, -CLAMP, CLAMP)
    smax = jax.ops.segment_max(score, dst, num_segments=n)
    out = jnp.exp(score - smax[dst])
    denom = jax.ops.segment_sum(out, dst, num_segments=n)
    score = out / (denom[dst] + 1e-16)
    agg1 = jax.ops.segment_sum(Nv[src] * score, dst, num_segments=n)
    agg2 = jax.ops.segment_sum(conn * score, dst, num_segments=n)
    agg3 = jnp.einsum('nhd,dhc->nhc', agg2, Ew)
    agg = agg1 + agg3
    n_out = agg.reshape(-1, H * D)
    e_out = conn.reshape(-1, H * D)
    return (n_out, e_out)

if __name__ == "__main__":
    import jax
    _d = setup_inputs()
    print(jax.jit(kernel)(*tuple(_d.values())))

</pallas_src>

<mosaic_0001>
#map = affine_map<(d0, d1) -> (0, 0)>
#map1 = affine_map<(d0, d1) -> (0)>
#map2 = affine_map<(d0, d1) -> (0, 0, 0)>
module attributes {stable_mosaic.version = 14 : i64} {
  func.func @_agg_sc(%arg0: i32, %arg1: i32, %arg2: memref<320000x128xf32, #tpu.memory_space<hbm>>, %arg3: memref<5120000xf32, #tpu.memory_space<hbm>>, %arg4: memref<320000x128xf32, #tpu.memory_space<hbm>>, %arg5: memref<10000x128xf32, #tpu.memory_space<hbm>>, %arg6: memref<320000xi32, #tpu.memory_space<hbm>>, %arg7: memref<320000xi32, #tpu.memory_space<hbm>>, %arg8: memref<320000xi32, #tpu.memory_space<hbm>>, %arg9: memref<80x128xf32, #tpu.memory_space<hbm>>, %arg10: memref<2x10240x128xf32, #tpu.memory_space<hbm>>, %arg11: memref<2x640x128xf32, #tpu.memory_space<hbm>>, %arg12: memref<2x80xi32, #tpu.memory_space<vmem>>, %arg13: memref<80xi32, #tpu.memory_space<vmem>>, %arg14: memref<80xi32, #tpu.memory_space<vmem>>, %arg15: memref<80x128xf32, #tpu.memory_space<vmem>>, %arg16: memref<2x80x128xf32, #tpu.memory_space<vmem>>, %arg17: memref<80x128xf32, #tpu.memory_space<vmem>>, %arg18: memref<1280xf32, #tpu.memory_space<vmem>>, %arg19: memref<10240x128xf32, #tpu.memory_space<vmem_shared>>, %arg20: memref<640x128xf32, #tpu.memory_space<vmem_shared>>, %arg21: memref<!tpu.dma_semaphore, #tpu.memory_space<semaphore_mem>>, %arg22: memref<!tpu.dma_semaphore, #tpu.memory_space<semaphore_mem>>) attributes {dimension_semantics = [#tpu.dimension_semantics<core_parallel>, #tpu.dimension_semantics<subcore_parallel>], iteration_bounds = array<i64: 2, 16>, scalar_prefetch = 0 : i64, scratch_operands = 11 : i64, tpu.core_type = #tpu.core_type<sc_vector_subcore>, window_params = [{transform_indices = #map}, {transform_indices = #map1}, {transform_indices = #map}, {transform_indices = #map}, {transform_indices = #map1}, {transform_indices = #map1}, {transform_indices = #map1}, {transform_indices = #map}, {transform_indices = #map2}, {transform_indices = #map2}]} {
    %mul3A = arith.constant 2 : i32
    %mul3A_0 = arith.muli %arg1, %mul3A : i32
    %add3A = arith.addi %mul3A_0, %arg0 : i32
    %mul3A_1 = arith.constant 640 : i32
    %mul3A_2 = arith.muli %arg1, %mul3A_1 : i32
    %multiple_of3A = tpu.assume_multiple %mul3A_2, 640 : i32
    %mul3A_3 = arith.constant 40 : i32
    %mul3A_4 = arith.muli %arg1, %mul3A_3 : i32
    %multiple_of3A_5 = tpu.assume_multiple %mul3A_4, 40 : i32
    "tpu.region"() ({
      %run_scoped3A_84 = tpu.sem_alloc : memref<!tpu.dma_semaphore, #tpu.memory_space<semaphore_mem>>
      tpu.enqueue_dma source(%arg9 : memref<80x128xf32, #tpu.memory_space<hbm>>) target(%arg15 : memref<80x128xf32, #tpu.memory_space<vmem>>) target_semaphore(%run_scoped3A_84 : memref<!tpu.dma_semaphore, #tpu.memory_space<semaphore_mem>>)
      tpu.wait_dma2 semaphore(%run_scoped3A_84 : memref<!tpu.dma_semaphore, #tpu.memory_space<semaphore_mem>>) src(%arg9 : memref<80x128xf32, #tpu.memory_space<hbm>>) dst(%arg15 : memref<80x128xf32, #tpu.memory_space<vmem>>)
      tpu.yield
    }) : () -> ()
    %add3A_6 = arith.constant 0 : i32
    %add3A_7 = arith.addi %multiple_of3A, %add3A_6 : i32
    "tpu.region"() ({
      %run_scoped3A_84 = tpu.sem_alloc : memref<!tpu.dma_semaphore, #tpu.memory_space<semaphore_mem>>
      %dma_start3A_85 = arith.constant 0 : i32
      %dma_start3A_86 = tpu.memref_slice %arg19[%add3A_7, %dma_start3A_85] : memref<10240x128xf32, #tpu.memory_space<vmem_shared>> -> memref<80x128xf32, #tpu.memory_space<vmem_shared>>
      %dma_start3A_87 = arith.constant 0 : i32
      %dma_start3A_88 = tpu.memref_slice %arg19[%add3A_7, %dma_start3A_87] : memref<10240x128xf32, #tpu.memory_space<vmem_shared>> -> memref<80x128xf32, #tpu.memory_space<vmem_shared>>
      tpu.enqueue_dma source(%arg15 : memref<80x128xf32, #tpu.memory_space<vmem>>) target(%dma_start3A_88 : memref<80x128xf32, #tpu.memory_space<vmem_shared>>) target_semaphore(%run_scoped3A_84 : memref<!tpu.dma_semaphore, #tpu.memory_space<semaphore_mem>>)
      %dma_wait3A_89 = arith.constant 0 : i32
      %dma_wait3A_90 = tpu.memref_slice %arg19[%add3A_7, %dma_wait3A_89] : memref<10240x128xf32, #tpu.memory_space<vmem_shared>> -> memref<80x128xf32, #tpu.memory_space<vmem_shared>>
      %dma_wait3A_91 = arith.constant 0 : i32
      %dma_wait3A_92 = tpu.memref_slice %arg19[%add3A_7, %dma_wait3A_91] : memref<10240x128xf32, #tpu.memory_space<vmem_shared>> -> memref<80x128xf32, #tpu.memory_space<vmem_shared>>
      tpu.wait_dma2 semaphore(%run_scoped3A_84 : memref<!tpu.dma_semaphore, #tpu.memory_space<semaphore_mem>>) src(%arg15 : memref<80x128xf32, #tpu.memory_space<vmem>>) dst(%dma_wait3A_92 : memref<80x128xf32, #tpu.memory_space<vmem_shared>>)
      tpu.yield
    }) : () -> ()
    %add3A_8 = arith.constant 80 : i32
    %add3A_9 = arith.addi %multiple_of3A, %add3A_8 : i32
    "tpu.region"() ({
      %run_scoped3A_84 = tpu.sem_alloc : memref<!tpu.dma_semaphore, #tpu.memory_space<semaphore_mem>>
      %dma_start3A_85 = arith.constant 0 : i32
      %dma_start3A_86 = tpu.memref_slice %arg19[%add3A_9, %dma_start3A_85] : memref<10240x128xf32, #tpu.memory_space<vmem_shared>> -> memref<80x128xf32, #tpu.memory_space<vmem_shared>>
      %dma_start3A_87 = arith.constant 0 : i32
      %dma_start3A_88 = tpu.memref_slice %arg19[%add3A_9, %dma_start3A_87] : memref<10240x128xf32, #tpu.memory_space<vmem_shared>> -> memref<80x128xf32, #tpu.memory_space<vmem_shared>>
      tpu.enqueue_dma source(%arg15 : memref<80x128xf32, #tpu.memory_space<vmem>>) target(%dma_start3A_88 : memref<80x128xf32, #tpu.memory_space<vmem_shared>>) target_semaphore(%run_scoped3A_84 : memref<!tpu.dma_semaphore, #tpu.memory_space<semaphore_mem>>)
      %dma_wait3A_89 = arith.constant 0 : i32
      %dma_wait3A_90 = tpu.memref_slice %arg19[%add3A_9, %dma_wait3A_89] : memref<10240x128xf32, #tpu.memory_space<vmem_shared>> -> memref<80x128xf32, #tpu.memory_space<vmem_shared>>
      %dma_wait3A_91 = arith.constant 0 : i32
      %dma_wait3A_92 = tpu.memref_slice %arg19[%add3A_9, %dma_wait3A_91] : memref<10240x128xf32, #tpu.memory_space<vmem_shared>> -> memref<80x128xf32, #tpu.memory_space<vmem_shared>>
      tpu.wait_dma2 semaphore(%run_scoped3A_84 : memref<!tpu.dma_semaphore, #tpu.memory_space<semaphore_mem>>) src(%arg15 : memref<80x128xf32, #tpu.memory_space<vmem>>) dst(%dma_wait3A_92 : memref<80x128xf32, #tpu.memory_space<vmem_shared>>)
      tpu.yield
    }) : () -> ()
    %add3A_10 = arith.constant 160 : i32
    %add3A_11 = arith.addi %multiple_of3A, %add3A_10 : i32
    "tpu.region"() ({
      %run_scoped3A_84 = tpu.sem_alloc : memref<!tpu.dma_semaphore, #tpu.memory_space<semaphore_mem>>
      %dma_start3A_85 = arith.constant 0 : i32
      %dma_start3A_86 = tpu.memref_slice %arg19[%add3A_11, %dma_start3A_85] : memref<10240x128xf32, #tpu.memory_space<vmem_shared>> -> memref<80x128xf32, #tpu.memory_space<vmem_shared>>
      %dma_start3A_87 = arith.constant 0 : i32
      %dma_start3A_88 = tpu.memref_slice %arg19[%add3A_11, %dma_start3A_87] : memref<10240x128xf32, #tpu.memory_space<vmem_shared>> -> memref<80x128xf32, #tpu.memory_space<vmem_shared>>
      tpu.enqueue_dma source(%arg15 : memref<80x128xf32, #tpu.memory_space<vmem>>) target(%dma_start3A_88 : memref<80x128xf32, #tpu.memory_space<vmem_shared>>) target_semaphore(%run_scoped3A_84 : memref<!tpu.dma_semaphore, #tpu.memory_space<semaphore_mem>>)
      %dma_wait3A_89 = arith.constant 0 : i32
      %dma_wait3A_90 = tpu.memref_slice %arg19[%add3A_11, %dma_wait3A_89] : memref<10240x128xf32, #tpu.memory_space<vmem_shared>> -> memref<80x128xf32, #tpu.memory_space<vmem_shared>>
      %dma_wait3A_91 = arith.constant 0 : i32
      %dma_wait3A_92 = tpu.memref_slice %arg19[%add3A_11, %dma_wait3A_91] : memref<10240x128xf32, #tpu.memory_space<vmem_shared>> -> memref<80x128xf32, #tpu.memory_space<vmem_shared>>
      tpu.wait_dma2 semaphore(%run_scoped3A_84 : memref<!tpu.dma_semaphore, #tpu.memory_space<semaphore_mem>>) src(%arg15 : memref<80x128xf32, #tpu.memory_space<vmem>>) dst(%dma_wait3A_92 : memref<80x128xf32, #tpu.memory_space<vmem_shared>>)
      tpu.yield
    }) : () -> ()
    %add3A_12 = arith.constant 240 : i32
    %add3A_13 = arith.addi %multiple_of3A, %add3A_12 : i32
    "tpu.region"() ({
      %run_scoped3A_84 = tpu.sem_alloc : memref<!tpu.dma_semaphore, #tpu.memory_space<semaphore_mem>>
      %dma_start3A_85 = arith.constant 0 : i32
      %dma_start3A_86 = tpu.memref_slice %arg19[%add3A_13, %dma_start3A_85] : memref<10240x128xf32, #tpu.memory_space<vmem_shared>> -> memref<80x128xf32, #tpu.memory_space<vmem_shared>>
      %dma_start3A_87 = arith.constant 0 : i32
      %dma_start3A_88 = tpu.memref_slice %arg19[%add3A_13, %dma_start3A_87] : memref<10240x128xf32, #tpu.memory_space<vmem_shared>> -> memref<80x128xf32, #tpu.memory_space<vmem_shared>>
      tpu.enqueue_dma source(%arg15 : memref<80x128xf32, #tpu.memory_space<vmem>>) target(%dma_start3A_88 : memref<80x128xf32, #tpu.memory_space<vmem_shared>>) target_semaphore(%run_scoped3A_84 : memref<!tpu.dma_semaphore, #tpu.memory_space<semaphore_mem>>)
      %dma_wait3A_89 = arith.constant 0 : i32
      %dma_wait3A_90 = tpu.memref_slice %arg19[%add3A_13, %dma_wait3A_89] : memref<10240x128xf32, #tpu.memory_space<vmem_shared>> -> memref<80x128xf32, #tpu.memory_space<vmem_shared>>
      %dma_wait3A_91 = arith.constant 0 : i32
      %dma_wait3A_92 = tpu.memref_slice %arg19[%add3A_13, %dma_wait3A_91] : memref<10240x128xf32, #tpu.memory_space<vmem_shared>> -> memref<80x128xf32, #tpu.memory_space<vmem_shared>>
      tpu.wait_dma2 semaphore(%run_scoped3A_84 : memref<!tpu.dma_semaphore, #tpu.memory_space<semaphore_mem>>) src(%arg15 : memref<80x128xf32, #tpu.memory_space<vmem>>) dst(%dma_wait3A_92 : memref<80x128xf32, #tpu.memory_space<vmem_shared>>)
      tpu.yield
    }) : () -> ()
    %add3A_14 = arith.constant 320 : i32
    %add3A_15 = arith.addi %multiple_of3A, %add3A_14 : i32
    "tpu.region"() ({
      %run_scoped3A_84 = tpu.sem_alloc : memref<!tpu.dma_semaphore, #tpu.memory_space<semaphore_mem>>
      %dma_start3A_85 = arith.constant 0 : i32
      %dma_start3A_86 = tpu.memref_slice %arg19[%add3A_15, %dma_start3A_85] : memref<10240x128xf32, #tpu.memory_space<vmem_shared>> -> memref<80x128xf32, #tpu.memory_space<vmem_shared>>
      %dma_start3A_87 = arith.constant 0 : i32
      %dma_start3A_88 = tpu.memref_slice %arg19[%add3A_15, %dma_start3A_87] : memref<10240x128xf32, #tpu.memory_space<vmem_shared>> -> memref<80x128xf32, #tpu.memory_space<vmem_shared>>
      tpu.enqueue_dma source(%arg15 : memref<80x128xf32, #tpu.memory_space<vmem>>) target(%dma_start3A_88 : memref<80x128xf32, #tpu.memory_space<vmem_shared>>) target_semaphore(%run_scoped3A_84 : memref<!tpu.dma_semaphore, #tpu.memory_space<semaphore_mem>>)
      %dma_wait3A_89 = arith.constant 0 : i32
      %dma_wait3A_90 = tpu.memref_slice %arg19[%add3A_15, %dma_wait3A_89] : memref<10240x128xf32, #tpu.memory_space<vmem_shared>> -> memref<80x128xf32, #tpu.memory_space<vmem_shared>>
      %dma_wait3A_91 = arith.constant 0 : i32
      %dma_wait3A_92 = tpu.memref_slice %arg19[%add3A_15, %dma_wait3A_91] : memref<10240x128xf32, #tpu.memory_space<vmem_shared>> -> memref<80x128xf32, #tpu.memory_space<vmem_shared>>
      tpu.wait_dma2 semaphore(%run_scoped3A_84 : memref<!tpu.dma_semaphore, #tpu.memory_space<semaphore_mem>>) src(%arg15 : memref<80x128xf32, #tpu.memory_space<vmem>>) dst(%dma_wait3A_92 : memref<80x128xf32, #tpu.memory_space<vmem_shared>>)
      tpu.yield
    }) : () -> ()
    %add3A_16 = arith.constant 400 : i32
    %add3A_17 = arith.addi %multiple_of3A, %add3A_16 : i32
    "tpu.region"() ({
      %run_scoped3A_84 = tpu.sem_alloc : memref<!tpu.dma_semaphore, #tpu.memory_space<semaphore_mem>>
      %dma_start3A_85 = arith.constant 0 : i32
      %dma_start3A_86 = tpu.memref_slice %arg19[%add3A_17, %dma_start3A_85] : memref<10240x128xf32, #tpu.memory_space<vmem_shared>> -> memref<80x128xf32, #tpu.memory_space<vmem_shared>>
      %dma_start3A_87 = arith.constant 0 : i32
      %dma_start3A_88 = tpu.memref_slice %arg19[%add3A_17, %dma_start3A_87] : memref<10240x128xf32, #tpu.memory_space<vmem_shared>> -> memref<80x128xf32, #tpu.memory_space<vmem_shared>>
      tpu.enqueue_dma source(%arg15 : memref<80x128xf32, #tpu.memory_space<vmem>>) target(%dma_start3A_88 : memref<80x128xf32, #tpu.memory_space<vmem_shared>>) target_semaphore(%run_scoped3A_84 : memref<!tpu.dma_semaphore, #tpu.memory_space<semaphore_mem>>)
      %dma_wait3A_89 = arith.constant 0 : i32
      %dma_wait3A_90 = tpu.memref_slice %arg19[%add3A_17, %dma_wait3A_89] : memref<10240x128xf32, #tpu.memory_space<vmem_shared>> -> memref<80x128xf32, #tpu.memory_space<vmem_shared>>
      %dma_wait3A_91 = arith.constant 0 : i32
      %dma_wait3A_92 = tpu.memref_slice %arg19[%add3A_17, %dma_wait3A_91] : memref<10240x128xf32, #tpu.memory_space<vmem_shared>> -> memref<80x128xf32, #tpu.memory_space<vmem_shared>>
      tpu.wait_dma2 semaphore(%run_scoped3A_84 : memref<!tpu.dma_semaphore, #tpu.memory_space<semaphore_mem>>) src(%arg15 : memref<80x128xf32, #tpu.memory_space<vmem>>) dst(%dma_wait3A_92 : memref<80x128xf32, #tpu.memory_space<vmem_shared>>)
      tpu.yield
    }) : () -> ()
    %add3A_18 = arith.constant 480 : i32
    %add3A_19 = arith.addi %multiple_of3A, %add3A_18 : i32
    "tpu.region"() ({
      %run_scoped3A_84 = tpu.sem_alloc : memref<!tpu.dma_semaphore, #tpu.memory_space<semaphore_mem>>
      %dma_start3A_85 = arith.constant 0 : i32
      %dma_start3A_86 = tpu.memref_slice %arg19[%add3A_19, %dma_start3A_85] : memref<10240x128xf32, #tpu.memory_space<vmem_shared>> -> memref<80x128xf32, #tpu.memory_space<vmem_shared>>
      %dma_start3A_87 = arith.constant 0 : i32
      %dma_start3A_88 = tpu.memref_slice %arg19[%add3A_19, %dma_start3A_87] : memref<10240x128xf32, #tpu.memory_space<vmem_shared>> -> memref<80x128xf32, #tpu.memory_space<vmem_shared>>
      tpu.enqueue_dma source(%arg15 : memref<80x128xf32, #tpu.memory_space<vmem>>) target(%dma_start3A_88 : memref<80x128xf32, #tpu.memory_space<vmem_shared>>) target_semaphore(%run_scoped3A_84 : memref<!tpu.dma_semaphore, #tpu.memory_space<semaphore_mem>>)
      %dma_wait3A_89 = arith.constant 0 : i32
      %dma_wait3A_90 = tpu.memref_slice %arg19[%add3A_19, %dma_wait3A_89] : memref<10240x128xf32, #tpu.memory_space<vmem_shared>> -> memref<80x128xf32, #tpu.memory_space<vmem_shared>>
      %dma_wait3A_91 = arith.constant 0 : i32
      %dma_wait3A_92 = tpu.memref_slice %arg19[%add3A_19, %dma_wait3A_91] : memref<10240x128xf32, #tpu.memory_space<vmem_shared>> -> memref<80x128xf32, #tpu.memory_space<vmem_shared>>
      tpu.wait_dma2 semaphore(%run_scoped3A_84 : memref<!tpu.dma_semaphore, #tpu.memory_space<semaphore_mem>>) src(%arg15 : memref<80x128xf32, #tpu.memory_space<vmem>>) dst(%dma_wait3A_92 : memref<80x128xf32, #tpu.memory_space<vmem_shared>>)
      tpu.yield
    }) : () -> ()
    %add3A_20 = arith.constant 560 : i32
    %add3A_21 = arith.addi %multiple_of3A, %add3A_20 : i32
    "tpu.region"() ({
      %run_scoped3A_84 = tpu.sem_alloc : memref<!tpu.dma_semaphore, #tpu.memory_space<semaphore_mem>>
      %dma_start3A_85 = arith.constant 0 : i32
      %dma_start3A_86 = tpu.memref_slice %arg19[%add3A_21, %dma_start3A_85] : memref<10240x128xf32, #tpu.memory_space<vmem_shared>> -> memref<80x128xf32, #tpu.memory_space<vmem_shared>>
      %dma_start3A_87 = arith.constant 0 : i32
      %dma_start3A_88 = tpu.memref_slice %arg19[%add3A_21, %dma_start3A_87] : memref<10240x128xf32, #tpu.memory_space<vmem_shared>> -> memref<80x128xf32, #tpu.memory_space<vmem_shared>>
      tpu.enqueue_dma source(%arg15 : memref<80x128xf32, #tpu.memory_space<vmem>>) target(%dma_start3A_88 : memref<80x128xf32, #tpu.memory_space<vmem_shared>>) target_semaphore(%run_scoped3A_84 : memref<!tpu.dma_semaphore, #tpu.memory_space<semaphore_mem>>)
      %dma_wait3A_89 = arith.constant 0 : i32
      %dma_wait3A_90 = tpu.memref_slice %arg19[%add3A_21, %dma_wait3A_89] : memref<10240x128xf32, #tpu.memory_space<vmem_shared>> -> memref<80x128xf32, #tpu.memory_space<vmem_shared>>
      %dma_wait3A_91 = arith.constant 0 : i32
      %dma_wait3A_92 = tpu.memref_slice %arg19[%add3A_21, %dma_wait3A_91] : memref<10240x128xf32, #tpu.memory_space<vmem_shared>> -> memref<80x128xf32, #tpu.memory_space<vmem_shared>>
      tpu.wait_dma2 semaphore(%run_scoped3A_84 : memref<!tpu.dma_semaphore, #tpu.memory_space<semaphore_mem>>) src(%arg15 : memref<80x128xf32, #tpu.memory_space<vmem>>) dst(%dma_wait3A_92 : memref<80x128xf32, #tpu.memory_space<vmem_shared>>)
      tpu.yield
    }) : () -> ()
    "tpu.region"() ({
      %run_scoped3A_84 = tpu.sem_alloc : memref<!tpu.dma_semaphore, #tpu.memory_space<semaphore_mem>>
      %dma_start3A_85 = arith.constant 0 : i32
      %dma_start3A_86 = arith.constant 0 : i32
      %dma_start3A_87 = tpu.memref_slice %arg15[%dma_start3A_85, %dma_start3A_86] : memref<80x128xf32, #tpu.memory_space<vmem>> -> memref<40x128xf32, #tpu.memory_space<vmem>>
      %dma_start3A_88 = arith.constant 0 : i32
      %dma_start3A_89 = tpu.memref_slice %arg20[%multiple_of3A_5, %dma_start3A_88] : memref<640x128xf32, #tpu.memory_space<vmem_shared>> -> memref<40x128xf32, #tpu.memory_space<vmem_shared>>
      %dma_start3A_90 = arith.constant 0 : i32
      %dma_start3A_91 = tpu.memref_slice %arg20[%multiple_of3A_5, %dma_start3A_90] : memref<640x128xf32, #tpu.memory_space<vmem_shared>> -> memref<40x128xf32, #tpu.memory_space<vmem_shared>>
      %dma_start3A_92 = arith.constant 0 : i32
      %dma_start3A_93 = arith.constant 0 : i32
      %dma_start3A_94 = tpu.memref_slice %arg15[%dma_start3A_92, %dma_start3A_93] : memref<80x128xf32, #tpu.memory_space<vmem>> -> memref<40x128xf32, #tpu.memory_space<vmem>>
      tpu.enqueue_dma source(%dma_start3A_94 : memref<40x128xf32, #tpu.memory_space<vmem>>) target(%dma_start3A_91 : memref<40x128xf32, #tpu.memory_space<vmem_shared>>) target_semaphore(%run_scoped3A_84 : memref<!tpu.dma_semaphore, #tpu.memory_space<semaphore_mem>>)
      %dma_wait3A_95 = arith.constant 0 : i32
      %dma_wait3A_96 = arith.constant 0 : i32
      %dma_wait3A_97 = tpu.memref_slice %arg15[%dma_wait3A_95, %dma_wait3A_96] : memref<80x128xf32, #tpu.memory_space<vmem>> -> memref<40x128xf32, #tpu.memory_space<vmem>>
      %dma_wait3A_98 = arith.constant 0 : i32
      %dma_wait3A_99 = tpu.memref_slice %arg20[%multiple_of3A_5, %dma_wait3A_98] : memref<640x128xf32, #tpu.memory_space<vmem_shared>> -> memref<40x128xf32, #tpu.memory_space<vmem_shared>>
      %dma_wait3A_100 = arith.constant 0 : i32
      %dma_wait3A_101 = tpu.memref_slice %arg20[%multiple_of3A_5, %dma_wait3A_100] : memref<640x128xf32, #tpu.memory_space<vmem_shared>> -> memref<40x128xf32, #tpu.memory_space<vmem_shared>>
      %dma_wait3A_102 = arith.constant 0 : i32
      %dma_wait3A_103 = arith.constant 0 : i32
      %dma_wait3A_104 = tpu.memref_slice %arg15[%dma_wait3A_102, %dma_wait3A_103] : memref<80x128xf32, #tpu.memory_space<vmem>> -> memref<40x128xf32, #tpu.memory_space<vmem>>
      tpu.wait_dma2 semaphore(%run_scoped3A_84 : memref<!tpu.dma_semaphore, #tpu.memory_space<semaphore_mem>>) src(%dma_wait3A_104 : memref<40x128xf32, #tpu.memory_space<vmem>>) dst(%dma_wait3A_101 : memref<40x128xf32, #tpu.memory_space<vmem_shared>>)
      tpu.yield
    }) : () -> ()
    %barrier3A = arith.constant 0 : index
    tpu.barrier barrier_id(%barrier3A)
    %mul3A_22 = arith.constant 10000 : i32
    %mul3A_23 = arith.muli %add3A, %mul3A_22 : i32
    %add3A_24 = arith.constant 0 : i32
    %add3A_25 = arith.addi %mul3A_23, %add3A_24 : i32
    %run_scoped3A = arith.constant 0 : i32
    "tpu.region"() ({
      %run_scoped3A_84 = tpu.sem_alloc : memref<!tpu.dma_semaphore, #tpu.memory_space<semaphore_mem>>
      %dma_start3A_85 = arith.constant 0 : i32
      %dma_start3A_86 = tpu.memref_slice %arg12[%run_scoped3A, %dma_start3A_85] : memref<2x80xi32, #tpu.memory_space<vmem>> -> memref<1x80xi32, #tpu.memory_space<vmem>>
      %dma_start3A_87 = tpu.memref_squeeze %dma_start3A_86 : memref<1x80xi32, #tpu.memory_space<vmem>> -> memref<80xi32, #tpu.memory_space<vmem>>
      %dma_start3A_88 = tpu.memref_slice %arg6[%add3A_25] : memref<320000xi32, #tpu.memory_space<hbm>> -> memref<80xi32, #tpu.memory_space<hbm>>
      %dma_start3A_89 = arith.constant 0 : i32
      %dma_start3A_90 = tpu.memref_slice %arg12[%run_scoped3A, %dma_start3A_89] : memref<2x80xi32, #tpu.memory_space<vmem>> -> memref<1x80xi32, #tpu.memory_space<vmem>>
      %dma_start3A_91 = tpu.memref_squeeze %dma_start3A_90 : memref<1x80xi32, #tpu.memory_space<vmem>> -> memref<80xi32, #tpu.memory_space<vmem>>
      %dma_start3A_92 = tpu.memref_slice %arg6[%add3A_25] : memref<320000xi32, #tpu.memory_space<hbm>> -> memref<80xi32, #tpu.memory_space<hbm>>
      tpu.enqueue_dma source(%dma_start3A_92 : memref<80xi32, #tpu.memory_space<hbm>>) target(%dma_start3A_91 : memref<80xi32, #tpu.memory_space<vmem>>) target_semaphore(%run_scoped3A_84 : memref<!tpu.dma_semaphore, #tpu.memory_space<semaphore_mem>>)
      %dma_wait3A_93 = arith.constant 0 : i32
      %dma_wait3A_94 = tpu.memref_slice %arg12[%run_scoped3A, %dma_wait3A_93] : memref<2x80xi32, #tpu.memory_space<vmem>> -> memref<1x80xi32, #tpu.memory_space<vmem>>
      %dma_wait3A_95 = tpu.memref_squeeze %dma_wait3A_94 : memref<1x80xi32, #tpu.memory_space<vmem>> -> memref<80xi32, #tpu.memory_space<vmem>>
      %dma_wait3A_96 = tpu.memref_slice %arg6[%add3A_25] : memref<320000xi32, #tpu.memory_space<hbm>> -> memref<80xi32, #tpu.memory_space<hbm>>
      %dma_wait3A_97 = arith.constant 0 : i32
      %dma_wait3A_98 = tpu.memref_slice %arg12[%run_scoped3A, %dma_wait3A_97] : memref<2x80xi32, #tpu.memory_space<vmem>> -> memref<1x80xi32, #tpu.memory_space<vmem>>
      %dma_wait3A_99 = tpu.memref_squeeze %dma_wait3A_98 : memref<1x80xi32, #tpu.memory_space<vmem>> -> memref<80xi32, #tpu.memory_space<vmem>>
      %dma_wait3A_100 = tpu.memref_slice %arg6[%add3A_25] : memref<320000xi32, #tpu.memory_space<hbm>> -> memref<80xi32, #tpu.memory_space<hbm>>
      tpu.wait_dma2 semaphore(%run_scoped3A_84 : memref<!tpu.dma_semaphore, #tpu.memory_space<semaphore_mem>>) src(%dma_wait3A_100 : memref<80xi32, #tpu.memory_space<hbm>>) dst(%dma_wait3A_99 : memref<80xi32, #tpu.memory_space<vmem>>)
      tpu.yield
    }) : () -> ()
    %dma_start3A = arith.constant 0 : i32
    %dma_start3A_26 = arith.constant 0 : i32
    %dma_start3A_27 = arith.constant 0 : i32
    %dma_start3A_28 = arith.constant 0 : i32
    %dma_start3A_29 = tpu.memref_slice %arg16[%dma_start3A_26, %dma_start3A_27, %dma_start3A_28] : memref<2x80x128xf32, #tpu.memory_space<vmem>> -> memref<1x80x128xf32, #tpu.memory_space<vmem>>
    %dma_start3A_30 = tpu.memref_squeeze %dma_start3A_29 : memref<1x80x128xf32, #tpu.memory_space<vmem>> -> memref<80x128xf32, #tpu.memory_space<vmem>>
    %dma_start3A_31 = arith.constant 0 : i32
    %dma_start3A_32 = tpu.memref_slice %arg12[%dma_start3A, %dma_start3A_31] : memref<2x80xi32, #tpu.memory_space<vmem>> -> memref<1x80xi32, #tpu.memory_space<vmem>>
    %dma_start3A_33 = tpu.memref_squeeze %dma_start3A_32 : memref<1x80xi32, #tpu.memory_space<vmem>> -> memref<80xi32, #tpu.memory_space<vmem>>
    %dma_start3A_34 = arith.constant 0 : i32
    %dma_start3A_35 = arith.constant 0 : i32
    %dma_start3A_36 = tpu.memref_slice %arg5[%dma_start3A_34, %dma_start3A_35] : memref<10000x128xf32, #tpu.memory_space<hbm>> -> memref<10000x128xf32, #tpu.memory_space<hbm>>
    tpu.enqueue_indirect_dma source(%dma_start3A_36 : memref<10000x128xf32, #tpu.memory_space<hbm>>) target(%dma_start3A_30 : memref<80x128xf32, #tpu.memory_space<vmem>>) offsets(%dma_start3A_33 : memref<80xi32, #tpu.memory_space<vmem>>) semaphore(%arg21 : memref<!tpu.dma_semaphore, #tpu.memory_space<semaphore_mem>>)
    %scan3A = arith.constant 0 : i32
    %scan3A_37 = arith.constant 0 : i32
    %scan3A_38 = arith.constant 62 : i32
    %scan3A_39 = arith.addi %scan3A_37, %scan3A_38 : i32
    %scan3A_40 = arith.constant 1 : i32
    %scan3A_41 = scf.for %scan3A_84 = %scan3A_37 to %scan3A_39 step %scan3A_40 iter_args(%scan3A_85 = %scan3A) -> (i32)  : i32 {
      %mul3A_86 = arith.constant 2 : i32
      %mul3A_87 = arith.muli %mul3A_86, %scan3A_84 : i32
      %add3A_88 = arith.constant 1 : i32
      %add3A_89 = arith.addi %mul3A_87, %add3A_88 : i32
      %mul3A_90 = arith.constant 10000 : i32
      %mul3A_91 = arith.muli %add3A, %mul3A_90 : i32
      %mul3A_92 = arith.constant 80 : i32
      %mul3A_93 = arith.muli %add3A_89, %mul3A_92 : i32
      %add3A_94 = arith.addi %mul3A_91, %mul3A_93 : i32
      %run_scoped3A_95 = arith.constant 1 : i32
      "tpu.region"() ({
        %run_scoped3A_189 = tpu.sem_alloc : memref<!tpu.dma_semaphore, #tpu.memory_space<semaphore_mem>>
        %dma_start3A_190 = arith.constant 0 : i32
        %dma_start3A_191 = tpu.memref_slice %arg12[%run_scoped3A_95, %dma_start3A_190] : memref<2x80xi32, #tpu.memory_space<vmem>> -> memref<1x80xi32, #tpu.memory_space<vmem>>
        %dma_start3A_192 = tpu.memref_squeeze %dma_start3A_191 : memref<1x80xi32, #tpu.memory_space<vmem>> -> memref<80xi32, #tpu.memory_space<vmem>>
        %dma_start3A_193 = tpu.memref_slice %arg6[%add3A_94] : memref<320000xi32, #tpu.memory_space<hbm>> -> memref<80xi32, #tpu.memory_space<hbm>>
        %dma_start3A_194 = arith.constant 0 : i32
        %dma_start3A_195 = tpu.memref_slice %arg12[%run_scoped3A_95, %dma_start3A_194] : memref<2x80xi32, #tpu.memory_space<vmem>> -> memref<1x80xi32, #tpu.memory_space<vmem>>
        %dma_start3A_196 = tpu.memref_squeeze %dma_start3A_195 : memref<1x80xi32, #tpu.memory_space<vmem>> -> memref<80xi32, #tpu.memory_space<vmem>>
        %dma_start3A_197 = tpu.memref_slice %arg6[%add3A_94] : memref<320000xi32, #tpu.memory_space<hbm>> -> memref<80xi32, #tpu.memory_space<hbm>>
        tpu.enqueue_dma source(%dma_start3A_197 : memref<80xi32, #tpu.memory_space<hbm>>) target(%dma_start3A_196 : memref<80xi32, #tpu.memory_space<vmem>>) target_semaphore(%run_scoped3A_189 : memref<!tpu.dma_semaphore, #tpu.memory_space<semaphore_mem>>)
        %dma_wait3A_198 = arith.constant 0 : i32
        %dma_wait3A_199 = tpu.memref_slice %arg12[%run_scoped3A_95, %dma_wait3A_198] : memref<2x80xi32, #tpu.memory_space<vmem>> -> memref<1x80xi32, #tpu.memory_space<vmem>>
        %dma_wait3A_200 = tpu.memref_squeeze %dma_wait3A_199 : memref<1x80xi32, #tpu.memory_space<vmem>> -> memref<80xi32, #tpu.memory_space<vmem>>
        %dma_wait3A_201 = tpu.memref_slice %arg6[%add3A_94] : memref<320000xi32, #tpu.memory_space<hbm>> -> memref<80xi32, #tpu.memory_space<hbm>>
        %dma_wait3A_202 = arith.constant 0 : i32
        %dma_wait3A_203 = tpu.memref_slice %arg12[%run_scoped3A_95, %dma_wait3A_202] : memref<2x80xi32, #tpu.memory_space<vmem>> -> memref<1x80xi32, #tpu.memory_space<vmem>>
        %dma_wait3A_204 = tpu.memref_squeeze %dma_wait3A_203 : memref<1x80xi32, #tpu.memory_space<vmem>> -> memref<80xi32, #tpu.memory_space<vmem>>
        %dma_wait3A_205 = tpu.memref_slice %arg6[%add3A_94] : memref<320000xi32, #tpu.memory_space<hbm>> -> memref<80xi32, #tpu.memory_space<hbm>>
        tpu.wait_dma2 semaphore(%run_scoped3A_189 : memref<!tpu.dma_semaphore, #tpu.memory_space<semaphore_mem>>) src(%dma_wait3A_205 : memref<80xi32, #tpu.memory_space<hbm>>) dst(%dma_wait3A_204 : memref<80xi32, #tpu.memory_space<vmem>>)
        tpu.yield
      }) : () -> ()
      %dma_start3A_96 = arith.constant 1 : i32
      %dma_start3A_97 = arith.constant 1 : i32
      %dma_start3A_98 = arith.constant 0 : i32
      %dma_start3A_99 = arith.constant 0 : i32
      %dma_start3A_100 = tpu.memref_slice %arg16[%dma_start3A_97, %dma_start3A_98, %dma_start3A_99] : memref<2x80x128xf32, #tpu.memory_space<vmem>> -> memref<1x80x128xf32, #tpu.memory_space<vmem>>
      %dma_start3A_101 = tpu.memref_squeeze %dma_start3A_100 : memref<1x80x128xf32, #tpu.memory_space<vmem>> -> memref<80x128xf32, #tpu.memory_space<vmem>>
      %dma_start3A_102 = arith.constant 0 : i32
      %dma_start3A_103 = tpu.memref_slice %arg12[%dma_start3A_96, %dma_start3A_102] : memref<2x80xi32, #tpu.memory_space<vmem>> -> memref<1x80xi32, #tpu.memory_space<vmem>>
      %dma_start3A_104 = tpu.memref_squeeze %dma_start3A_103 : memref<1x80xi32, #tpu.memory_space<vmem>> -> memref<80xi32, #tpu.memory_space<vmem>>
      %dma_start3A_105 = arith.constant 0 : i32
      %dma_start3A_106 = arith.constant 0 : i32
      %dma_start3A_107 = tpu.memref_slice %arg5[%dma_start3A_105, %dma_start3A_106] : memref<10000x128xf32, #tpu.memory_space<hbm>> -> memref<10000x128xf32, #tpu.memory_space<hbm>>
      tpu.enqueue_indirect_dma source(%dma_start3A_107 : memref<10000x128xf32, #tpu.memory_space<hbm>>) target(%dma_start3A_101 : memref<80x128xf32, #tpu.memory_space<vmem>>) offsets(%dma_start3A_104 : memref<80xi32, #tpu.memory_space<vmem>>) semaphore(%arg22 : memref<!tpu.dma_semaphore, #tpu.memory_space<semaphore_mem>>)
      %mul3A_108 = arith.constant 2 : i32
      %mul3A_109 = arith.muli %mul3A_108, %scan3A_84 : i32
      %mul3A_110 = arith.constant 10000 : i32
      %mul3A_111 = arith.muli %add3A, %mul3A_110 : i32
      %mul3A_112 = arith.constant 80 : i32
      %mul3A_113 = arith.muli %mul3A_109, %mul3A_112 : i32
      %add3A_114 = arith.addi %mul3A_111, %mul3A_113 : i32
      "tpu.region"() ({
        %run_scoped3A_189 = tpu.sem_alloc : memref<!tpu.dma_semaphore, #tpu.memory_space<semaphore_mem>>
        %dma_start3A_190 = tpu.memref_slice %arg7[%add3A_114] : memref<320000xi32, #tpu.memory_space<hbm>> -> memref<80xi32, #tpu.memory_space<hbm>>
        %dma_start3A_191 = tpu.memref_slice %arg7[%add3A_114] : memref<320000xi32, #tpu.memory_space<hbm>> -> memref<80xi32, #tpu.memory_space<hbm>>
        tpu.enqueue_dma source(%dma_start3A_191 : memref<80xi32, #tpu.memory_space<hbm>>) target(%arg13 : memref<80xi32, #tpu.memory_space<vmem>>) target_semaphore(%run_scoped3A_189 : memref<!tpu.dma_semaphore, #tpu.memory_space<semaphore_mem>>)
        %dma_wait3A_192 = tpu.memref_slice %arg7[%add3A_114] : memref<320000xi32, #tpu.memory_space<hbm>> -> memref<80xi32, #tpu.memory_space<hbm>>
        %dma_wait3A_193 = tpu.memref_slice %arg7[%add3A_114] : memref<320000xi32, #tpu.memory_space<hbm>> -> memref<80xi32, #tpu.memory_space<hbm>>
        tpu.wait_dma2 semaphore(%run_scoped3A_189 : memref<!tpu.dma_semaphore, #tpu.memory_space<semaphore_mem>>) src(%dma_wait3A_193 : memref<80xi32, #tpu.memory_space<hbm>>) dst(%arg13 : memref<80xi32, #tpu.memory_space<vmem>>)
        tpu.yield
      }) : () -> ()
      "tpu.region"() ({
        %run_scoped3A_189 = tpu.sem_alloc : memref<!tpu.dma_semaphore, #tpu.memory_space<semaphore_mem>>
        %dma_start3A_190 = tpu.memref_slice %arg8[%add3A_114] : memref<320000xi32, #tpu.memory_space<hbm>> -> memref<80xi32, #tpu.memory_space<hbm>>
        %dma_start3A_191 = tpu.memref_slice %arg8[%add3A_114] : memref<320000xi32, #tpu.memory_space<hbm>> -> memref<80xi32, #tpu.memory_space<hbm>>
        tpu.enqueue_dma source(%dma_start3A_191 : memref<80xi32, #tpu.memory_space<hbm>>) target(%arg14 : memref<80xi32, #tpu.memory_space<vmem>>) target_semaphore(%run_scoped3A_189 : memref<!tpu.dma_semaphore, #tpu.memory_space<semaphore_mem>>)
        %dma_wait3A_192 = tpu.memref_slice %arg8[%add3A_114] : memref<320000xi32, #tpu.memory_space<hbm>> -> memref<80xi32, #tpu.memory_space<hbm>>
        %dma_wait3A_193 = tpu.memref_slice %arg8[%add3A_114] : memref<320000xi32, #tpu.memory_space<hbm>> -> memref<80xi32, #tpu.memory_space<hbm>>
        tpu.wait_dma2 semaphore(%run_scoped3A_189 : memref<!tpu.dma_semaphore, #tpu.memory_space<semaphore_mem>>) src(%dma_wait3A_193 : memref<80xi32, #tpu.memory_space<hbm>>) dst(%arg14 : memref<80xi32, #tpu.memory_space<vmem>>)
        tpu.yield
      }) : () -> ()
      "tpu.region"() ({
        %run_scoped3A_189 = tpu.sem_alloc : memref<!tpu.dma_semaphore, #tpu.memory_space<semaphore_mem>>
        %dma_start3A_190 = arith.constant 0 : i32
        %dma_start3A_191 = tpu.memref_slice %arg2[%add3A_114, %dma_start3A_190] : memref<320000x128xf32, #tpu.memory_space<hbm>> -> memref<80x128xf32, #tpu.memory_space<hbm>>
        %dma_start3A_192 = arith.constant 0 : i32
        %dma_start3A_193 = tpu.memref_slice %arg2[%add3A_114, %dma_start3A_192] : memref<320000x128xf32, #tpu.memory_space<hbm>> -> memref<80x128xf32, #tpu.memory_space<hbm>>
        tpu.enqueue_dma source(%dma_start3A_193 : memref<80x128xf32, #tpu.memory_space<hbm>>) target(%arg15 : memref<80x128xf32, #tpu.memory_space<vmem>>) target_semaphore(%run_scoped3A_189 : memref<!tpu.dma_semaphore, #tpu.memory_space<semaphore_mem>>)
        %dma_wait3A_194 = arith.constant 0 : i32
        %dma_wait3A_195 = tpu.memref_slice %arg2[%add3A_114, %dma_wait3A_194] : memref<320000x128xf32, #tpu.memory_space<hbm>> -> memref<80x128xf32, #tpu.memory_space<hbm>>
        %dma_wait3A_196 = arith.constant 0 : i32
        %dma_wait3A_197 = tpu.memref_slice %arg2[%add3A_114, %dma_wait3A_196] : memref<320000x128xf32, #tpu.memory_space<hbm>> -> memref<80x128xf32, #tpu.memory_space<hbm>>
        tpu.wait_dma2 semaphore(%run_scoped3A_189 : memref<!tpu.dma_semaphore, #tpu.memory_space<semaphore_mem>>) src(%dma_wait3A_197 : memref<80x128xf32, #tpu.memory_space<hbm>>) dst(%arg15 : memref<80x128xf32, #tpu.memory_space<vmem>>)
        tpu.yield
      }) : () -> ()
      "tpu.region"() ({
        %run_scoped3A_189 = tpu.sem_alloc : memref<!tpu.dma_semaphore, #tpu.memory_space<semaphore_mem>>
        %dma_start3A_190 = arith.constant 0 : i32
        %dma_start3A_191 = tpu.memref_slice %arg4[%add3A_114, %dma_start3A_190] : memref<320000x128xf32, #tpu.memory_space<hbm>> -> memref<80x128xf32, #tpu.memory_space<hbm>>
        %dma_start3A_192 = arith.constant 0 : i32
        %dma_start3A_193 = tpu.memref_slice %arg4[%add3A_114, %dma_start3A_192] : memref<320000x128xf32, #tpu.memory_space<hbm>> -> memref<80x128xf32, #tpu.memory_space<hbm>>
        tpu.enqueue_dma source(%dma_start3A_193 : memref<80x128xf32, #tpu.memory_space<hbm>>) target(%arg17 : memref<80x128xf32, #tpu.memory_space<vmem>>) target_semaphore(%run_scoped3A_189 : memref<!tpu.dma_semaphore, #tpu.memory_space<semaphore_mem>>)
        %dma_wait3A_194 = arith.constant 0 : i32
        %dma_wait3A_195 = tpu.memref_slice %arg4[%add3A_114, %dma_wait3A_194] : memref<320000x128xf32, #tpu.memory_space<hbm>> -> memref<80x128xf32, #tpu.memory_space<hbm>>
        %dma_wait3A_196 = arith.constant 0 : i32
        %dma_wait3A_197 = tpu.memref_slice %arg4[%add3A_114, %dma_wait3A_196] : memref<320000x128xf32, #tpu.memory_space<hbm>> -> memref<80x128xf32, #tpu.memory_space<hbm>>
        tpu.wait_dma2 semaphore(%run_scoped3A_189 : memref<!tpu.dma_semaphore, #tpu.memory_space<semaphore_mem>>) src(%dma_wait3A_197 : memref<80x128xf32, #tpu.memory_space<hbm>>) dst(%arg17 : memref<80x128xf32, #tpu.memory_space<vmem>>)
        tpu.yield
      }) : () -> ()
      %mul3A_115 = arith.constant 16 : i32
      %mul3A_116 = arith.muli %add3A_114, %mul3A_115 : i32
      "tpu.region"() ({
        %run_scoped3A_189 = tpu.sem_alloc : memref<!tpu.dma_semaphore, #tpu.memory_space<semaphore_mem>>
        %dma_start3A_190 = tpu.memref_slice %arg3[%mul3A_116] : memref<5120000xf32, #tpu.memory_space<hbm>> -> memref<1280xf32, #tpu.memory_space<hbm>>
        %dma_start3A_191 = tpu.memref_slice %arg3[%mul3A_116] : memref<5120000xf32, #tpu.memory_space<hbm>> -> memref<1280xf32, #tpu.memory_space<hbm>>
        tpu.enqueue_dma source(%dma_start3A_191 : memref<1280xf32, #tpu.memory_space<hbm>>) target(%arg18 : memref<1280xf32, #tpu.memory_space<vmem>>) target_semaphore(%run_scoped3A_189 : memref<!tpu.dma_semaphore, #tpu.memory_space<semaphore_mem>>)
        %dma_wait3A_192 = tpu.memref_slice %arg3[%mul3A_116] : memref<5120000xf32, #tpu.memory_space<hbm>> -> memref<1280xf32, #tpu.memory_space<hbm>>
        %dma_wait3A_193 = tpu.memref_slice %arg3[%mul3A_116] : memref<5120000xf32, #tpu.memory_space<hbm>> -> memref<1280xf32, #tpu.memory_space<hbm>>
        tpu.wait_dma2 semaphore(%run_scoped3A_189 : memref<!tpu.dma_semaphore, #tpu.memory_space<semaphore_mem>>) src(%dma_wait3A_193 : memref<1280xf32, #tpu.memory_space<hbm>>) dst(%arg18 : memref<1280xf32, #tpu.memory_space<vmem>>)
        tpu.yield
      }) : () -> ()
      %dma_wait3A_117 = arith.constant 0 : i32
      %dma_wait3A_118 = arith.constant 0 : i32
      %dma_wait3A_119 = arith.constant 0 : i32
      %dma_wait3A_120 = arith.constant 0 : i32
      %dma_wait3A_121 = tpu.memref_slice %arg16[%dma_wait3A_118, %dma_wait3A_119, %dma_wait3A_120] : memref<2x80x128xf32, #tpu.memory_space<vmem>> -> memref<1x80x128xf32, #tpu.memory_space<vmem>>
      %dma_wait3A_122 = tpu.memref_squeeze %dma_wait3A_121 : memref<1x80x128xf32, #tpu.memory_space<vmem>> -> memref<80x128xf32, #tpu.memory_space<vmem>>
      %dma_wait3A_123 = arith.constant 0 : i32
      %dma_wait3A_124 = tpu.memref_slice %arg12[%dma_wait3A_117, %dma_wait3A_123] : memref<2x80xi32, #tpu.memory_space<vmem>> -> memref<1x80xi32, #tpu.memory_space<vmem>>
      %dma_wait3A_125 = tpu.memref_squeeze %dma_wait3A_124 : memref<1x80xi32, #tpu.memory_space<vmem>> -> memref<80xi32, #tpu.memory_space<vmem>>
      %dma_wait3A_126 = arith.constant 0 : i32
      %dma_wait3A_127 = arith.constant 0 : i32
      %dma_wait3A_128 = tpu.memref_slice %arg5[%dma_wait3A_126, %dma_wait3A_127] : memref<10000x128xf32, #tpu.memory_space<hbm>> -> memref<10000x128xf32, #tpu.memory_space<hbm>>
      tpu.wait_indirect_dma semaphore(%arg21 : memref<!tpu.dma_semaphore, #tpu.memory_space<semaphore_mem>>) src(%dma_wait3A_128 : memref<10000x128xf32, #tpu.memory_space<hbm>>) dst(%dma_wait3A_122 : memref<80x128xf32, #tpu.memory_space<vmem>>)
      %scan3A_129 = arith.constant 0 : i32
      %scan3A_130 = arith.constant 0 : i32
      %scan3A_131 = arith.constant 80 : i32
      %scan3A_132 = arith.addi %scan3A_130, %scan3A_131 : i32
      %scan3A_133 = arith.constant 1 : i32
      %scan3A_134 = scf.for %scan3A_189 = %scan3A_130 to %scan3A_132 step %scan3A_133 iter_args(%scan3A_190 = %scan3A_129) -> (i32)  : i32 {
        %mul3A_191 = arith.constant 16 : i32
        %mul3A_192 = arith.muli %scan3A_189, %mul3A_191 : i32
        %get3A = arith.index_cast %mul3A_192 : i32 to index
        %get3A_193 = tpu.vector_load %arg18[%get3A] {strides = array<i32>} : memref<1280xf32, #tpu.memory_space<vmem>>, vector<16xf32>,
        %get3A_194 = vector.shape_cast %get3A_193 : vector<16xf32> to vector<16xf32>
        %get3A_195 = arith.index_cast %scan3A_189 : i32 to index
        %get3A_196 = arith.constant 0 : index
        %get3A_197 = tpu.vector_load %arg15[%get3A_195, %get3A_196] {strides = array<i32>} : memref<80x128xf32, #tpu.memory_space<vmem>>, vector<1x16xf32>,
        %get3A_198 = vector.shape_cast %get3A_197 : vector<1x16xf32> to vector<16xf32>
        %slice3A = vector.extract_strided_slice %get3A_194 {offsets = [0], sizes = [1], strides = [1]} : vector<16xf32> to vector<1xf32>
        %squeeze3A = vector.extract %slice3A[0] : f32 from vector<1xf32>
        %get3A_199 = arith.constant 0 : i32
        %get3A_200 = arith.index_cast %get3A_199 : i32 to index
        %get3A_201 = arith.index_cast %scan3A_189 : i32 to index
        %get3A_202 = arith.constant 0 : index
        %get3A_203 = tpu.vector_load %arg16[%get3A_200, %get3A_201, %get3A_202] {strides = array<i32>} : memref<2x80x128xf32, #tpu.memory_space<vmem>>, vector<1x1x16xf32>,
        %get3A_204 = vector.shape_cast %get3A_203 : vector<1x1x16xf32> to vector<16xf32>
        %mul3A_205 = vector.broadcast %squeeze3A : f32 to vector<16xf32>
        %mul3A_206 = arith.mulf %mul3A_205, %get3A_204 : vector<16xf32>
        %add3A_207 = arith.addf %get3A_198, %mul3A_206 : vector<16xf32>
        %swap3A = arith.index_cast %scan3A_189 : i32 to index
        %swap3A_208 = arith.constant 0 : index
        %swap3A_209 = tpu.vector_load %arg15[%swap3A, %swap3A_208] {strides = array<i32>} : memref<80x128xf32, #tpu.memory_space<vmem>>, vector<1x16xf32>,
        %swap3A_210 = vector.shape_cast %swap3A_209 : vector<1x16xf32> to vector<16xf32>
        %swap3A_211 = vector.shape_cast %add3A_207 : vector<16xf32> to vector<1x16xf32>
        tpu.vector_store %arg15[%swap3A, %swap3A_208], %swap3A_211 {strides = array<i32>} : memref<80x128xf32, #tpu.memory_space<vmem>>, vector<1x16xf32>,
        %get3A_212 = arith.index_cast %scan3A_189 : i32 to index
        %get3A_213 = arith.constant 16 : index
        %get3A_214 = tpu.vector_load %arg15[%get3A_212, %get3A_213] {strides = array<i32>} : memref<80x128xf32, #tpu.memory_space<vmem>>, vector<1x16xf32>,
        %get3A_215 = vector.shape_cast %get3A_214 : vector<1x16xf32> to vector<16xf32>
        %slice3A_216 = vector.extract_strided_slice %get3A_194 {offsets = [1], sizes = [1], strides = [1]} : vector<16xf32> to vector<1xf32>
        %squeeze3A_217 = vector.extract %slice3A_216[0] : f32 from vector<1xf32>
        %get3A_218 = arith.constant 0 : i32
        %get3A_219 = arith.index_cast %get3A_218 : i32 to index
        %get3A_220 = arith.index_cast %scan3A_189 : i32 to index
        %get3A_221 = arith.constant 16 : index
        %get3A_222 = tpu.vector_load %arg16[%get3A_219, %get3A_220, %get3A_221] {strides = array<i32>} : memref<2x80x128xf32, #tpu.memory_space<vmem>>, vector<1x1x16xf32>,
        %get3A_223 = vector.shape_cast %get3A_222 : vector<1x1x16xf32> to vector<16xf32>
        %mul3A_224 = vector.broadcast %squeeze3A_217 : f32 to vector<16xf32>
        %mul3A_225 = arith.mulf %mul3A_224, %get3A_223 : vector<16xf32>
        %add3A_226 = arith.addf %get3A_215, %mul3A_225 : vector<16xf32>
        %swap3A_227 = arith.index_cast %scan3A_189 : i32 to index
        %swap3A_228 = arith.constant 16 : index
        %swap3A_229 = tpu.vector_load %arg15[%swap3A_227, %swap3A_228] {strides = array<i32>} : memref<80x128xf32, #tpu.memory_space<vmem>>, vector<1x16xf32>,
        %swap3A_230 = vector.shape_cast %swap3A_229 : vector<1x16xf32> to vector<16xf32>
        %swap3A_231 = vector.shape_cast %add3A_226 : vector<16xf32> to vector<1x16xf32>
        tpu.vector_store %arg15[%swap3A_227, %swap3A_228], %swap3A_231 {strides = array<i32>} : memref<80x128xf32, #tpu.memory_space<vmem>>, vector<1x16xf32>,
        %get3A_232 = arith.index_cast %scan3A_189 : i32 to index
        %get3A_233 = arith.constant 32 : index
        %get3A_234 = tpu.vector_load %arg15[%get3A_232, %get3A_233] {strides = array<i32>} : memref<80x128xf32, #tpu.memory_space<vmem>>, vector<1x16xf32>,
        %get3A_235 = vector.shape_cast %get3A_234 : vector<1x16xf32> to vector<16xf32>
        %slice3A_236 = vector.extract_strided_slice %get3A_194 {offsets = [2], sizes = [1], strides = [1]} : vector<16xf32> to vector<1xf32>
        %squeeze3A_237 = vector.extract %slice3A_236[0] : f32 from vector<1xf32>
        %get3A_238 = arith.constant 0 : i32
        %get3A_239 = arith.index_cast %get3A_238 : i32 to index
        %get3A_240 = arith.index_cast %scan3A_189 : i32 to index
        %get3A_241 = arith.constant 32 : index
        %get3A_242 = tpu.vector_load %arg16[%get3A_239, %get3A_240, %get3A_241] {strides = array<i32>} : memref<2x80x128xf32, #tpu.memory_space<vmem>>, vector<1x1x16xf32>,
        %get3A_243 = vector.shape_cast %get3A_242 : vector<1x1x16xf32> to vector<16xf32>
        %mul3A_244 = vector.broadcast %squeeze3A_237 : f32 to vector<16xf32>
        %mul3A_245 = arith.mulf %mul3A_244, %get3A_243 : vector<16xf32>
        %add3A_246 = arith.addf %get3A_235, %mul3A_245 : vector<16xf32>
        %swap3A_247 = arith.index_cast %scan3A_189 : i32 to index
        %swap3A_248 = arith.constant 32 : index
        %swap3A_249 = tpu.vector_load %arg15[%swap3A_247, %swap3A_248] {strides = array<i32>} : memref<80x128xf32, #tpu.memory_space<vmem>>, vector<1x16xf32>,
        %swap3A_250 = vector.shape_cast %swap3A_249 : vector<1x16xf32> to vector<16xf32>
        %swap3A_251 = vector.shape_cast %add3A_246 : vector<16xf32> to vector<1x16xf32>
        tpu.vector_store %arg15[%swap3A_247, %swap3A_248], %swap3A_251 {strides = array<i32>} : memref<80x128xf32, #tpu.memory_space<vmem>>, vector<1x16xf32>,
        %get3A_252 = arith.index_cast %scan3A_189 : i32 to index
        %get3A_253 = arith.constant 48 : index
        %get3A_254 = tpu.vector_load %arg15[%get3A_252, %get3A_253] {strides = array<i32>} : memref<80x128xf32, #tpu.memory_space<vmem>>, vector<1x16xf32>,
        %get3A_255 = vector.shape_cast %get3A_254 : vector<1x16xf32> to vector<16xf32>
        %slice3A_256 = vector.extract_strided_slice %get3A_194 {offsets = [3], sizes = [1], strides = [1]} : vector<16xf32> to vector<1xf32>
        %squeeze3A_257 = vector.extract %slice3A_256[0] : f32 from vector<1xf32>
        %get3A_258 = arith.constant 0 : i32
        %get3A_259 = arith.index_cast %get3A_258 : i32 to index
        %get3A_260 = arith.index_cast %scan3A_189 : i32 to index
        %get3A_261 = arith.constant 48 : index
        %get3A_262 = tpu.vector_load %arg16[%get3A_259, %get3A_260, %get3A_261] {strides = array<i32>} : memref<2x80x128xf32, #tpu.memory_space<vmem>>, vector<1x1x16xf32>,
        %get3A_263 = vector.shape_cast %get3A_262 : vector<1x1x16xf32> to vector<16xf32>
        %mul3A_264 = vector.broadcast %squeeze3A_257 : f32 to vector<16xf32>
        %mul3A_265 = arith.mulf %mul3A_264, %get3A_263 : vector<16xf32>
        %add3A_266 = arith.addf %get3A_255, %mul3A_265 : vector<16xf32>
        %swap3A_267 = arith.index_cast %scan3A_189 : i32 to index
        %swap3A_268 = arith.constant 48 : index
        %swap3A_269 = tpu.vector_load %arg15[%swap3A_267, %swap3A_268] {strides = array<i32>} : memref<80x128xf32, #tpu.memory_space<vmem>>, vector<1x16xf32>,
        %swap3A_270 = vector.shape_cast %swap3A_269 : vector<1x16xf32> to vector<16xf32>
        %swap3A_271 = vector.shape_cast %add3A_266 : vector<16xf32> to vector<1x16xf32>
        tpu.vector_store %arg15[%swap3A_267, %swap3A_268], %swap3A_271 {strides = array<i32>} : memref<80x128xf32, #tpu.memory_space<vmem>>, vector<1x16xf32>,
        %get3A_272 = arith.index_cast %scan3A_189 : i32 to index
        %get3A_273 = arith.constant 64 : index
        %get3A_274 = tpu.vector_load %arg15[%get3A_272, %get3A_273] {strides = array<i32>} : memref<80x128xf32, #tpu.memory_space<vmem>>, vector<1x16xf32>,
        %get3A_275 = vector.shape_cast %get3A_274 : vector<1x16xf32> to vector<16xf32>
        %slice3A_276 = vector.extract_strided_slice %get3A_194 {offsets = [4], sizes = [1], strides = [1]} : vector<16xf32> to vector<1xf32>
        %squeeze3A_277 = vector.extract %slice3A_276[0] : f32 from vector<1xf32>
        %get3A_278 = arith.constant 0 : i32
        %get3A_279 = arith.index_cast %get3A_278 : i32 to index
        %get3A_280 = arith.index_cast %scan3A_189 : i32 to index
        %get3A_281 = arith.constant 64 : index
        %get3A_282 = tpu.vector_load %arg16[%get3A_279, %get3A_280, %get3A_281] {strides = array<i32>} : memref<2x80x128xf32, #tpu.memory_space<vmem>>, vector<1x1x16xf32>,
        %get3A_283 = vector.shape_cast %get3A_282 : vector<1x1x16xf32> to vector<16xf32>
        %mul3A_284 = vector.broadcast %squeeze3A_277 : f32 to vector<16xf32>
        %mul3A_285 = arith.mulf %mul3A_284, %get3A_283 : vector<16xf32>
        %add3A_286 = arith.addf %get3A_275, %mul3A_285 : vector<16xf32>
        %swap3A_287 = arith.index_cast %scan3A_189 : i32 to index
        %swap3A_288 = arith.constant 64 : index
        %swap3A_289 = tpu.vector_load %arg15[%swap3A_287, %swap3A_288] {strides = array<i32>} : memref<80x128xf32, #tpu.memory_space<vmem>>, vector<1x16xf32>,
        %swap3A_290 = vector.shape_cast %swap3A_289 : vector<1x16xf32> to vector<16xf32>
        %swap3A_291 = vector.shape_cast %add3A_286 : vector<16xf32> to vector<1x16xf32>
        tpu.vector_store %arg15[%swap3A_287, %swap3A_288], %swap3A_291 {strides = array<i32>} : memref<80x128xf32, #tpu.memory_space<vmem>>, vector<1x16xf32>,
        %get3A_292 = arith.index_cast %scan3A_189 : i32 to index
        %get3A_293 = arith.constant 80 : index
        %get3A_294 = tpu.vector_load %arg15[%get3A_292, %get3A_293] {strides = array<i32>} : memref<80x128xf32, #tpu.memory_space<vmem>>, vector<1x16xf32>,
        %get3A_295 = vector.shape_cast %get3A_294 : vector<1x16xf32> to vector<16xf32>
        %slice3A_296 = vector.extract_strided_slice %get3A_194 {offsets = [5], sizes = [1], strides = [1]} : vector<16xf32> to vector<1xf32>
        %squeeze3A_297 = vector.extract %slice3A_296[0] : f32 from vector<1xf32>
        %get3A_298 = arith.constant 0 : i32
        %get3A_299 = arith.index_cast %get3A_298 : i32 to index
        %get3A_300 = arith.index_cast %scan3A_189 : i32 to index
        %get3A_301 = arith.constant 80 : index
        %get3A_302 = tpu.vector_load %arg16[%get3A_299, %get3A_300, %get3A_301] {strides = array<i32>} : memref<2x80x128xf32, #tpu.memory_space<vmem>>, vector<1x1x16xf32>,
        %get3A_303 = vector.shape_cast %get3A_302 : vector<1x1x16xf32> to vector<16xf32>
        %mul3A_304 = vector.broadcast %squeeze3A_297 : f32 to vector<16xf32>
        %mul3A_305 = arith.mulf %mul3A_304, %get3A_303 : vector<16xf32>
        %add3A_306 = arith.addf %get3A_295, %mul3A_305 : vector<16xf32>
        %swap3A_307 = arith.index_cast %scan3A_189 : i32 to index
        %swap3A_308 = arith.constant 80 : index
        %swap3A_309 = tpu.vector_load %arg15[%swap3A_307, %swap3A_308] {strides = array<i32>} : memref<80x128xf32, #tpu.memory_space<vmem>>, vector<1x16xf32>,
        %swap3A_310 = vector.shape_cast %swap3A_309 : vector<1x16xf32> to vector<16xf32>
        %swap3A_311 = vector.shape_cast %add3A_306 : vector<16xf32> to vector<1x16xf32>
        tpu.vector_store %arg15[%swap3A_307, %swap3A_308], %swap3A_311 {strides = array<i32>} : memref<80x128xf32, #tpu.memory_space<vmem>>, vector<1x16xf32>,
        %get3A_312 = arith.index_cast %scan3A_189 : i32 to index
        %get3A_313 = arith.constant 96 : index
        %get3A_314 = tpu.vector_load %arg15[%get3A_312, %get3A_313] {strides = array<i32>} : memref<80x128xf32, #tpu.memory_space<vmem>>, vector<1x16xf32>,
        %get3A_315 = vector.shape_cast %get3A_314 : vector<1x16xf32> to vector<16xf32>
        %slice3A_316 = vector.extract_strided_slice %get3A_194 {offsets = [6], sizes = [1], strides = [1]} : vector<16xf32> to vector<1xf32>
        %squeeze3A_317 = vector.extract %slice3A_316[0] : f32 from vector<1xf32>
        %get3A_318 = arith.constant 0 : i32
        %get3A_319 = arith.index_cast %get3A_318 : i32 to index
        %get3A_320 = arith.index_cast %scan3A_189 : i32 to index
        %get3A_321 = arith.constant 96 : index
        %get3A_322 = tpu.vector_load %arg16[%get3A_319, %get3A_320, %get3A_321] {strides = array<i32>} : memref<2x80x128xf32, #tpu.memory_space<vmem>>, vector<1x1x16xf32>,
        %get3A_323 = vector.shape_cast %get3A_322 : vector<1x1x16xf32> to vector<16xf32>
        %mul3A_324 = vector.broadcast %squeeze3A_317 : f32 to vector<16xf32>
        %mul3A_325 = arith.mulf %mul3A_324, %get3A_323 : vector<16xf32>
        %add3A_326 = arith.addf %get3A_315, %mul3A_325 : vector<16xf32>
        %swap3A_327 = arith.index_cast %scan3A_189 : i32 to index
        %swap3A_328 = arith.constant 96 : index
        %swap3A_329 = tpu.vector_load %arg15[%swap3A_327, %swap3A_328] {strides = array<i32>} : memref<80x128xf32, #tpu.memory_space<vmem>>, vector<1x16xf32>,
        %swap3A_330 = vector.shape_cast %swap3A_329 : vector<1x16xf32> to vector<16xf32>
        %swap3A_331 = vector.shape_cast %add3A_326 : vector<16xf32> to vector<1x16xf32>
        tpu.vector_store %arg15[%swap3A_327, %swap3A_328], %swap3A_331 {strides = array<i32>} : memref<80x128xf32, #tpu.memory_space<vmem>>, vector<1x16xf32>,
        %get3A_332 = arith.index_cast %scan3A_189 : i32 to index
        %get3A_333 = arith.constant 112 : index
        %get3A_334 = tpu.vector_load %arg15[%get3A_332, %get3A_333] {strides = array<i32>} : memref<80x128xf32, #tpu.memory_space<vmem>>, vector<1x16xf32>,
        %get3A_335 = vector.shape_cast %get3A_334 : vector<1x16xf32> to vector<16xf32>
        %slice3A_336 = vector.extract_strided_slice %get3A_194 {offsets = [7], sizes = [1], strides = [1]} : vector<16xf32> to vector<1xf32>
        %squeeze3A_337 = vector.extract %slice3A_336[0] : f32 from vector<1xf32>
        %get3A_338 = arith.constant 0 : i32
        %get3A_339 = arith.index_cast %get3A_338 : i32 to index
        %get3A_340 = arith.index_cast %scan3A_189 : i32 to index
        %get3A_341 = arith.constant 112 : index
        %get3A_342 = tpu.vector_load %arg16[%get3A_339, %get3A_340, %get3A_341] {strides = array<i32>} : memref<2x80x128xf32, #tpu.memory_space<vmem>>, vector<1x1x16xf32>,
        %get3A_343 = vector.shape_cast %get3A_342 : vector<1x1x16xf32> to vector<16xf32>
        %mul3A_344 = vector.broadcast %squeeze3A_337 : f32 to vector<16xf32>
        %mul3A_345 = arith.mulf %mul3A_344, %get3A_343 : vector<16xf32>
        %add3A_346 = arith.addf %get3A_335, %mul3A_345 : vector<16xf32>
        %swap3A_347 = arith.index_cast %scan3A_189 : i32 to index
        %swap3A_348 = arith.constant 112 : index
        %swap3A_349 = tpu.vector_load %arg15[%swap3A_347, %swap3A_348] {strides = array<i32>} : memref<80x128xf32, #tpu.memory_space<vmem>>, vector<1x16xf32>,
        %swap3A_350 = vector.shape_cast %swap3A_349 : vector<1x16xf32> to vector<16xf32>
        %swap3A_351 = vector.shape_cast %add3A_346 : vector<16xf32> to vector<1x16xf32>
        tpu.vector_store %arg15[%swap3A_347, %swap3A_348], %swap3A_351 {strides = array<i32>} : memref<80x128xf32, #tpu.memory_space<vmem>>, vector<1x16xf32>,
        %scan3A_352 = arith.constant 0 : i32
        scf.yield %scan3A_352 : i32
      }
      %scan3A_135 = arith.constant 80 : i32
      "tpu.region"() ({
        %run_scoped3A_189 = tpu.sem_alloc : memref<!tpu.dma_semaphore, #tpu.memory_space<semaphore_mem>>
        %dma_start3A_190 = arith.constant 0 : i32
        %dma_start3A_191 = arith.constant 0 : i32
        %dma_start3A_192 = tpu.memref_slice %arg20[%dma_start3A_190, %dma_start3A_191] : memref<640x128xf32, #tpu.memory_space<vmem_shared>> -> memref<640x128xf32, #tpu.memory_space<vmem_shared>>
        tpu.enqueue_indirect_dma source(%arg17 : memref<80x128xf32, #tpu.memory_space<vmem>>) target(%dma_start3A_192 : memref<640x128xf32, #tpu.memory_space<vmem_shared>>) offsets(%arg14 : memref<80xi32, #tpu.memory_space<vmem>>) semaphore(%run_scoped3A_189 : memref<!tpu.dma_semaphore, #tpu.memory_space<semaphore_mem>>) {add = true}
        %dma_wait3A_193 = arith.constant 0 : i32
        %dma_wait3A_194 = arith.constant 0 : i32
        %dma_wait3A_195 = tpu.memref_slice %arg20[%dma_wait3A_193, %dma_wait3A_194] : memref<640x128xf32, #tpu.memory_space<vmem_shared>> -> memref<640x128xf32, #tpu.memory_space<vmem_shared>>
        tpu.wait_indirect_dma semaphore(%run_scoped3A_189 : memref<!tpu.dma_semaphore, #tpu.memory_space<semaphore_mem>>) src(%arg17 : memref<80x128xf32, #tpu.memory_space<vmem>>) dst(%dma_wait3A_195 : memref<640x128xf32, #tpu.memory_space<vmem_shared>>)
        tpu.yield
      }) : () -> ()
      "tpu.region"() ({
        %run_scoped3A_189 = tpu.sem_alloc : memref<!tpu.dma_semaphore, #tpu.memory_space<semaphore_mem>>
        %dma_start3A_190 = arith.constant 0 : i32
        %dma_start3A_191 = arith.constant 0 : i32
        %dma_start3A_192 = tpu.memref_slice %arg19[%dma_start3A_190, %dma_start3A_191] : memref<10240x128xf32, #tpu.memory_space<vmem_shared>> -> memref<10240x128xf32, #tpu.memory_space<vmem_shared>>
        tpu.enqueue_indirect_dma source(%arg15 : memref<80x128xf32, #tpu.memory_space<vmem>>) target(%dma_start3A_192 : memref<10240x128xf32, #tpu.memory_space<vmem_shared>>) offsets(%arg13 : memref<80xi32, #tpu.memory_space<vmem>>) semaphore(%run_scoped3A_189 : memref<!tpu.dma_semaphore, #tpu.memory_space<semaphore_mem>>) {add = true}
        %dma_wait3A_193 = arith.constant 0 : i32
        %dma_wait3A_194 = arith.constant 0 : i32
        %dma_wait3A_195 = tpu.memref_slice %arg19[%dma_wait3A_193, %dma_wait3A_194] : memref<10240x128xf32, #tpu.memory_space<vmem_shared>> -> memref<10240x128xf32, #tpu.memory_space<vmem_shared>>
        tpu.wait_indirect_dma semaphore(%run_scoped3A_189 : memref<!tpu.dma_semaphore, #tpu.memory_space<semaphore_mem>>) src(%arg15 : memref<80x128xf32, #tpu.memory_space<vmem>>) dst(%dma_wait3A_195 : memref<10240x128xf32, #tpu.memory_space<vmem_shared>>)
        tpu.yield
      }) : () -> ()
      %mul3A_136 = arith.constant 2 : i32
      %mul3A_137 = arith.muli %mul3A_136, %scan3A_84 : i32
      %add3A_138 = arith.constant 2 : i32
      %add3A_139 = arith.addi %mul3A_137, %add3A_138 : i32
      %mul3A_140 = arith.constant 10000 : i32
      %mul3A_141 = arith.muli %add3A, %mul3A_140 : i32
      %mul3A_142 = arith.constant 80 : i32
      %mul3A_143 = arith.muli %add3A_139, %mul3A_142 : i32
      %add3A_144 = arith.addi %mul3A_141, %mul3A_143 : i32
      %run_scoped3A_145 = arith.constant 0 : i32
      "tpu.region"() ({
        %run_scoped3A_189 = tpu.sem_alloc : memref<!tpu.dma_semaphore, #tpu.memory_space<semaphore_mem>>
        %dma_start3A_190 = arith.constant 0 : i32
        %dma_start3A_191 = tpu.memref_slice %arg12[%run_scoped3A_145, %dma_start3A_190] : memref<2x80xi32, #tpu.memory_space<vmem>> -> memref<1x80xi32, #tpu.memory_space<vmem>>
        %dma_start3A_192 = tpu.memref_squeeze %dma_start3A_191 : memref<1x80xi32, #tpu.memory_space<vmem>> -> memref<80xi32, #tpu.memory_space<vmem>>
        %dma_start3A_193 = tpu.memref_slice %arg6[%add3A_144] : memref<320000xi32, #tpu.memory_space<hbm>> -> memref<80xi32, #tpu.memory_space<hbm>>
        %dma_start3A_194 = arith.constant 0 : i32
        %dma_start3A_195 = tpu.memref_slice %arg12[%run_scoped3A_145, %dma_start3A_194] : memref<2x80xi32, #tpu.memory_space<vmem>> -> memref<1x80xi32, #tpu.memory_space<vmem>>
        %dma_start3A_196 = tpu.memref_squeeze %dma_start3A_195 : memref<1x80xi32, #tpu.memory_space<vmem>> -> memref<80xi32, #tpu.memory_space<vmem>>
        %dma_start3A_197 = tpu.memref_slice %arg6[%add3A_144] : memref<320000xi32, #tpu.memory_space<hbm>> -> memref<80xi32, #tpu.memory_space<hbm>>
        tpu.enqueue_dma source(%dma_start3A_197 : memref<80xi32, #tpu.memory_space<hbm>>) target(%dma_start3A_196 : memref<80xi32, #tpu.memory_space<vmem>>) target_semaphore(%run_scoped3A_189 : memref<!tpu.dma_semaphore, #tpu.memory_space<semaphore_mem>>)
        %dma_wait3A_198 = arith.constant 0 : i32
        %dma_wait3A_199 = tpu.memref_slice %arg12[%run_scoped3A_145, %dma_wait3A_198] : memref<2x80xi32, #tpu.memory_space<vmem>> -> memref<1x80xi32, #tpu.memory_space<vmem>>
        %dma_wait3A_200 = tpu.memref_squeeze %dma_wait3A_199 : memref<1x80xi32, #tpu.memory_space<vmem>> -> memref<80xi32, #tpu.memory_space<vmem>>
        %dma_wait3A_201 = tpu.memref_slice %arg6[%add3A_144] : memref<320000xi32, #tpu.memory_space<hbm>> -> memref<80xi32, #tpu.memory_space<hbm>>
        %dma_wait3A_202 = arith.constant 0 : i32
        %dma_wait3A_203 = tpu.memref_slice %arg12[%run_scoped3A_145, %dma_wait3A_202] : memref<2x80xi32, #tpu.memory_space<vmem>> -> memref<1x80xi32, #tpu.memory_space<vmem>>
        %dma_wait3A_204 = tpu.memref_squeeze %dma_wait3A_203 : memref<1x80xi32, #tpu.memory_space<vmem>> -> memref<80xi32, #tpu.memory_space<vmem>>
        %dma_wait3A_205 = tpu.memref_slice %arg6[%add3A_144] : memref<320000xi32, #tpu.memory_space<hbm>> -> memref<80xi32, #tpu.memory_space<hbm>>
        tpu.wait_dma2 semaphore(%run_scoped3A_189 : memref<!tpu.dma_semaphore, #tpu.memory_space<semaphore_mem>>) src(%dma_wait3A_205 : memref<80xi32, #tpu.memory_space<hbm>>) dst(%dma_wait3A_204 : memref<80xi32, #tpu.memory_space<vmem>>)
        tpu.yield
      }) : () -> ()
      %dma_start3A_146 = arith.constant 0 : i32
      %dma_start3A_147 = arith.constant 0 : i32
      %dma_start3A_148 = arith.constant 0 : i32
      %dma_start3A_149 = arith.constant 0 : i32
      %dma_start3A_150 = tpu.memref_slice %arg16[%dma_start3A_147, %dma_start3A_148, %dma_start3A_149] : memref<2x80x128xf32, #tpu.memory_space<vmem>> -> memref<1x80x128xf32, #tpu.memory_space<vmem>>
      %dma_start3A_151 = tpu.memref_squeeze %dma_start3A_150 : memref<1x80x128xf32, #tpu.memory_space<vmem>> -> memref<80x128xf32, #tpu.memory_space<vmem>>
      %dma_start3A_152 = arith.constant 0 : i32
      %dma_start3A_153 = tpu.memref_slice %arg12[%dma_start3A_146, %dma_start3A_152] : memref<2x80xi32, #tpu.memory_space<vmem>> -> memref<1x80xi32, #tpu.memory_space<vmem>>
      %dma_start3A_154 = tpu.memref_squeeze %dma_start3A_153 : memref<1x80xi32, #tpu.memory_space<vmem>> -> memref<80xi32, #tpu.memory_space<vmem>>
      %dma_start3A_155 = arith.constant 0 : i32
      %dma_start3A_156 = arith.constant 0 : i32
      %dma_start3A_157 = tpu.memref_slice %arg5[%dma_start3A_155, %dma_start3A_156] : memref<10000x128xf32, #tpu.memory_space<hbm>> -> memref<10000x128xf32, #tpu.memory_space<hbm>>
      tpu.enqueue_indirect_dma source(%dma_start3A_157 : memref<10000x128xf32, #tpu.memory_space<hbm>>) target(%dma_start3A_151 : memref<80x128xf32, #tpu.memory_space<vmem>>) offsets(%dma_start3A_154 : memref<80xi32, #tpu.memory_space<vmem>>) semaphore(%arg21 : memref<!tpu.dma_semaphore, #tpu.memory_space<semaphore_mem>>)
      %mul3A_158 = arith.constant 2 : i32
      %mul3A_159 = arith.muli %mul3A_158, %scan3A_84 : i32
      %add3A_160 = arith.constant 1 : i32
      %add3A_161 = arith.addi %mul3A_159, %add3A_160 : i32
      %mul3A_162 = arith.constant 10000 : i32
      %mul3A_163 = arith.muli %add3A, %mul3A_162 : i32
      %mul3A_164 = arith.constant 80 : i32
      %mul3A_165 = arith.muli %add3A_161, %mul3A_164 : i32
      %add3A_166 = arith.addi %mul3A_163, %mul3A_165 : i32
      "tpu.region"() ({
        %run_scoped3A_189 = tpu.sem_alloc : memref<!tpu.dma_semaphore, #tpu.memory_space<semaphore_mem>>
        %dma_start3A_190 = tpu.memref_slice %arg7[%add3A_166] : memref<320000xi32, #tpu.memory_space<hbm>> -> memref<80xi32, #tpu.memory_space<hbm>>
        %dma_start3A_191 = tpu.memref_slice %arg7[%add3A_166] : memref<320000xi32, #tpu.memory_space<hbm>> -> memref<80xi32, #tpu.memory_space<hbm>>
        tpu.enqueue_dma source(%dma_start3A_191 : memref<80xi32, #tpu.memory_space<hbm>>) target(%arg13 : memref<80xi32, #tpu.memory_space<vmem>>) target_semaphore(%run_scoped3A_189 : memref<!tpu.dma_semaphore, #tpu.memory_space<semaphore_mem>>)
        %dma_wait3A_192 = tpu.memref_slice %arg7[%add3A_166] : memref<320000xi32, #tpu.memory_space<hbm>> -> memref<80xi32, #tpu.memory_space<hbm>>
        %dma_wait3A_193 = tpu.memref_slice %arg7[%add3A_166] : memref<320000xi32, #tpu.memory_space<hbm>> -> memref<80xi32, #tpu.memory_space<hbm>>
        tpu.wait_dma2 semaphore(%run_scoped3A_189 : memref<!tpu.dma_semaphore, #tpu.memory_space<semaphore_mem>>) src(%dma_wait3A_193 : memref<80xi32, #tpu.memory_space<hbm>>) dst(%arg13 : memref<80xi32, #tpu.memory_space<vmem>>)
        tpu.yield
      }) : () -> ()
      "tpu.region"() ({
        %run_scoped3A_189 = tpu.sem_alloc : memref<!tpu.dma_semaphore, #tpu.memory_space<semaphore_mem>>
        %dma_start3A_190 = tpu.memref_slice %arg8[%add3A_166] : memref<320000xi32, #tpu.memory_space<hbm>> -> memref<80xi32, #tpu.memory_space<hbm>>
        %dma_start3A_191 = tpu.memref_slice %arg8[%add3A_166] : memref<320000xi32, #tpu.memory_space<hbm>> -> memref<80xi32, #tpu.memory_space<hbm>>
        tpu.enqueue_dma source(%dma_start3A_191 : memref<80xi32, #tpu.memory_space<hbm>>) target(%arg14 : memref<80xi32, #tpu.memory_space<vmem>>) target_semaphore(%run_scoped3A_189 : memref<!tpu.dma_semaphore, #tpu.memory_space<semaphore_mem>>)
        %dma_wait3A_192 = tpu.memref_slice %arg8[%add3A_166] : memref<320000xi32, #tpu.memory_space<hbm>> -> memref<80xi32, #tpu.memory_space<hbm>>
        %dma_wait3A_193 = tpu.memref_slice %arg8[%add3A_166] : memref<320000xi32, #tpu.memory_space<hbm>> -> memref<80xi32, #tpu.memory_space<hbm>>
        tpu.wait_dma2 semaphore(%run_scoped3A_189 : memref<!tpu.dma_semaphore, #tpu.memory_space<semaphore_mem>>) src(%dma_wait3A_193 : memref<80xi32, #tpu.memory_space<hbm>>) dst(%arg14 : memref<80xi32, #tpu.memory_space<vmem>>)
        tpu.yield
      }) : () -> ()
      "tpu.region"() ({
        %run_scoped3A_189 = tpu.sem_alloc : memref<!tpu.dma_semaphore, #tpu.memory_space<semaphore_mem>>
        %dma_start3A_190 = arith.constant 0 : i32
        %dma_start3A_191 = tpu.memref_slice %arg2[%add3A_166, %dma_start3A_190] : memref<320000x128xf32, #tpu.memory_space<hbm>> -> memref<80x128xf32, #tpu.memory_space<hbm>>
        %dma_start3A_192 = arith.constant 0 : i32
        %dma_start3A_193 = tpu.memref_slice %arg2[%add3A_166, %dma_start3A_192] : memref<320000x128xf32, #tpu.memory_space<hbm>> -> memref<80x128xf32, #tpu.memory_space<hbm>>
        tpu.enqueue_dma source(%dma_start3A_193 : memref<80x128xf32, #tpu.memory_space<hbm>>) target(%arg15 : memref<80x128xf32, #tpu.memory_space<vmem>>) target_semaphore(%run_scoped3A_189 : memref<!tpu.dma_semaphore, #tpu.memory_space<semaphore_mem>>)
        %dma_wait3A_194 = arith.constant 0 : i32
        %dma_wait3A_195 = tpu.memref_slice %arg2[%add3A_166, %dma_wait3A_194] : memref<320000x128xf32, #tpu.memory_space<hbm>> -> memref<80x128xf32, #tpu.memory_space<hbm>>
        %dma_wait3A_196 = arith.constant 0 : i32
        %dma_wait3A_197 = tpu.memref_slice %arg2[%add3A_166, %dma_wait3A_196] : memref<320000x128xf32, #tpu.memory_space<hbm>> -> memref<80x128xf32, #tpu.memory_space<hbm>>
        tpu.wait_dma2 semaphore(%run_scoped3A_189 : memref<!tpu.dma_semaphore, #tpu.memory_space<semaphore_mem>>) src(%dma_wait3A_197 : memref<80x128xf32, #tpu.memory_space<hbm>>) dst(%arg15 : memref<80x128xf32, #tpu.memory_space<vmem>>)
        tpu.yield
      }) : () -> ()
      "tpu.region"() ({
        %run_scoped3A_189 = tpu.sem_alloc : memref<!tpu.dma_semaphore, #tpu.memory_space<semaphore_mem>>
        %dma_start3A_190 = arith.constant 0 : i32
        %dma_start3A_191 = tpu.memref_slice %arg4[%add3A_166, %dma_start3A_190] : memref<320000x128xf32, #tpu.memory_space<hbm>> -> memref<80x128xf32, #tpu.memory_space<hbm>>
        %dma_start3A_192 = arith.constant 0 : i32
        %dma_start3A_193 = tpu.memref_slice %arg4[%add3A_166, %dma_start3A_192] : memref<320000x128xf32, #tpu.memory_space<hbm>> -> memref<80x128xf32, #tpu.memory_space<hbm>>
        tpu.enqueue_dma source(%dma_start3A_193 : memref<80x128xf32, #tpu.memory_space<hbm>>) target(%arg17 : memref<80x128xf32, #tpu.memory_space<vmem>>) target_semaphore(%run_scoped3A_189 : memref<!tpu.dma_semaphore, #tpu.memory_space<semaphore_mem>>)
        %dma_wait3A_194 = arith.constant 0 : i32
        %dma_wait3A_195 = tpu.memref_slice %arg4[%add3A_166, %dma_wait3A_194] : memref<320000x128xf32, #tpu.memory_space<hbm>> -> memref<80x128xf32, #tpu.memory_space<hbm>>
        %dma_wait3A_196 = arith.constant 0 : i32
        %dma_wait3A_197 = tpu.memref_slice %arg4[%add3A_166, %dma_wait3A_196] : memref<320000x128xf32, #tpu.memory_space<hbm>> -> memref<80x128xf32, #tpu.memory_space<hbm>>
        tpu.wait_dma2 semaphore(%run_scoped3A_189 : memref<!tpu.dma_semaphore, #tpu.memory_space<semaphore_mem>>) src(%dma_wait3A_197 : memref<80x128xf32, #tpu.memory_space<hbm>>) dst(%arg17 : memref<80x128xf32, #tpu.memory_space<vmem>>)
        tpu.yield
      }) : () -> ()
      %mul3A_167 = arith.constant 16 : i32
      %mul3A_168 = arith.muli %add3A_166, %mul3A_167 : i32
      "tpu.region"() ({
        %run_scoped3A_189 = tpu.sem_alloc : memref<!tpu.dma_semaphore, #tpu.memory_space<semaphore_mem>>
        %dma_start3A_190 = tpu.memref_slice %arg3[%mul3A_168] : memref<5120000xf32, #tpu.memory_space<hbm>> -> memref<1280xf32, #tpu.memory_space<hbm>>
        %dma_start3A_191 = tpu.memref_slice %arg3[%mul3A_168] : memref<5120000xf32, #tpu.memory_space<hbm>> -> memref<1280xf32, #tpu.memory_space<hbm>>
        tpu.enqueue_dma source(%dma_start3A_191 : memref<1280xf32, #tpu.memory_space<hbm>>) target(%arg18 : memref<1280xf32, #tpu.memory_space<vmem>>) target_semaphore(%run_scoped3A_189 : memref<!tpu.dma_semaphore, #tpu.memory_space<semaphore_mem>>)
        %dma_wait3A_192 = tpu.memref_slice %arg3[%mul3A_168] : memref<5120000xf32, #tpu.memory_space<hbm>> -> memref<1280xf32, #tpu.memory_space<hbm>>
        %dma_wait3A_193 = tpu.memref_slice %arg3[%mul3A_168] : memref<5120000xf32, #tpu.memory_space<hbm>> -> memref<1280xf32, #tpu.memory_space<hbm>>
        tpu.wait_dma2 semaphore(%run_scoped3A_189 : memref<!tpu.dma_semaphore, #tpu.memory_space<semaphore_mem>>) src(%dma_wait3A_193 : memref<1280xf32, #tpu.memory_space<hbm>>) dst(%arg18 : memref<1280xf32, #tpu.memory_space<vmem>>)
        tpu.yield
      }) : () -> ()
      %dma_wait3A_169 = arith.constant 1 : i32
      %dma_wait3A_170 = arith.constant 1 : i32
      %dma_wait3A_171 = arith.constant 0 : i32
      %dma_wait3A_172 = arith.constant 0 : i32
      %dma_wait3A_173 = tpu.memref_slice %arg16[%dma_wait3A_170, %dma_wait3A_171, %dma_wait3A_172] : memref<2x80x128xf32, #tpu.memory_space<vmem>> -> memref<1x80x128xf32, #tpu.memory_space<vmem>>
      %dma_wait3A_174 = tpu.memref_squeeze %dma_wait3A_173 : memref<1x80x128xf32, #tpu.memory_space<vmem>> -> memref<80x128xf32, #tpu.memory_space<vmem>>
      %dma_wait3A_175 = arith.constant 0 : i32
      %dma_wait3A_176 = tpu.memref_slice %arg12[%dma_wait3A_169, %dma_wait3A_175] : memref<2x80xi32, #tpu.memory_space<vmem>> -> memref<1x80xi32, #tpu.memory_space<vmem>>
      %dma_wait3A_177 = tpu.memref_squeeze %dma_wait3A_176 : memref<1x80xi32, #tpu.memory_space<vmem>> -> memref<80xi32, #tpu.memory_space<vmem>>
      %dma_wait3A_178 = arith.constant 0 : i32
      %dma_wait3A_179 = arith.constant 0 : i32
      %dma_wait3A_180 = tpu.memref_slice %arg5[%dma_wait3A_178, %dma_wait3A_179] : memref<10000x128xf32, #tpu.memory_space<hbm>> -> memref<10000x128xf32, #tpu.memory_space<hbm>>
      tpu.wait_indirect_dma semaphore(%arg22 : memref<!tpu.dma_semaphore, #tpu.memory_space<semaphore_mem>>) src(%dma_wait3A_180 : memref<10000x128xf32, #tpu.memory_space<hbm>>) dst(%dma_wait3A_174 : memref<80x128xf32, #tpu.memory_space<vmem>>)
      %scan3A_181 = arith.constant 0 : i32
      %scan3A_182 = arith.constant 0 : i32
      %scan3A_183 = arith.constant 80 : i32
      %scan3A_184 = arith.addi %scan3A_182, %scan3A_183 : i32
      %scan3A_185 = arith.constant 1 : i32
      %scan3A_186 = scf.for %scan3A_189 = %scan3A_182 to %scan3A_184 step %scan3A_185 iter_args(%scan3A_190 = %scan3A_181) -> (i32)  : i32 {
        %mul3A_191 = arith.constant 16 : i32
        %mul3A_192 = arith.muli %scan3A_189, %mul3A_191 : i32
        %get3A = arith.index_cast %mul3A_192 : i32 to index
        %get3A_193 = tpu.vector_load %arg18[%get3A] {strides = array<i32>} : memref<1280xf32, #tpu.memory_space<vmem>>, vector<16xf32>,
        %get3A_194 = vector.shape_cast %get3A_193 : vector<16xf32> to vector<16xf32>
        %get3A_195 = arith.index_cast %scan3A_189 : i32 to index
        %get3A_196 = arith.constant 0 : index
        %get3A_197 = tpu.vector_load %arg15[%get3A_195, %get3A_196] {strides = array<i32>} : memref<80x128xf32, #tpu.memory_space<vmem>>, vector<1x16xf32>,
        %get3A_198 = vector.shape_cast %get3A_197 : vector<1x16xf32> to vector<16xf32>
        %slice3A = vector.extract_strided_slice %get3A_194 {offsets = [0], sizes = [1], strides = [1]} : vector<16xf32> to vector<1xf32>
        %squeeze3A = vector.extract %slice3A[0] : f32 from vector<1xf32>
        %get3A_199 = arith.constant 1 : i32
        %get3A_200 = arith.index_cast %get3A_199 : i32 to index
        %get3A_201 = arith.index_cast %scan3A_189 : i32 to index
        %get3A_202 = arith.constant 0 : index
        %get3A_203 = tpu.vector_load %arg16[%get3A_200, %get3A_201, %get3A_202] {strides = array<i32>} : memref<2x80x128xf32, #tpu.memory_space<vmem>>, vector<1x1x16xf32>,
        %get3A_204 = vector.shape_cast %get3A_203 : vector<1x1x16xf32> to vector<16xf32>
        %mul3A_205 = vector.broadcast %squeeze3A : f32 to vector<16xf32>
        %mul3A_206 = arith.mulf %mul3A_205, %get3A_204 : vector<16xf32>
        %add3A_207 = arith.addf %get3A_198, %mul3A_206 : vector<16xf32>
        %swap3A = arith.index_cast %scan3A_189 : i32 to index
        %swap3A_208 = arith.constant 0 : index
        %swap3A_209 = tpu.vector_load %arg15[%swap3A, %swap3A_208] {strides = array<i32>} : memref<80x128xf32, #tpu.memory_space<vmem>>, vector<1x16xf32>,
        %swap3A_210 = vector.shape_cast %swap3A_209 : vector<1x16xf32> to vector<16xf32>
        %swap3A_211 = vector.shape_cast %add3A_207 : vector<16xf32> to vector<1x16xf32>
        tpu.vector_store %arg15[%swap3A, %swap3A_208], %swap3A_211 {strides = array<i32>} : memref<80x128xf32, #tpu.memory_space<vmem>>, vector<1x16xf32>,
        %get3A_212 = arith.index_cast %scan3A_189 : i32 to index
        %get3A_213 = arith.constant 16 : index
        %get3A_214 = tpu.vector_load %arg15[%get3A_212, %get3A_213] {strides = array<i32>} : memref<80x128xf32, #tpu.memory_space<vmem>>, vector<1x16xf32>,
        %get3A_215 = vector.shape_cast %get3A_214 : vector<1x16xf32> to vector<16xf32>
        %slice3A_216 = vector.extract_strided_slice %get3A_194 {offsets = [1], sizes = [1], strides = [1]} : vector<16xf32> to vector<1xf32>
        %squeeze3A_217 = vector.extract %slice3A_216[0] : f32 from vector<1xf32>
        %get3A_218 = arith.constant 1 : i32
        %get3A_219 = arith.index_cast %get3A_218 : i32 to index
        %get3A_220 = arith.index_cast %scan3A_189 : i32 to index
        %get3A_221 = arith.constant 16 : index
        %get3A_222 = tpu.vector_load %arg16[%get3A_219, %get3A_220, %get3A_221] {strides = array<i32>} : memref<2x80x128xf32, #tpu.memory_space<vmem>>, vector<1x1x16xf32>,
        %get3A_223 = vector.shape_cast %get3A_222 : vector<1x1x16xf32> to vector<16xf32>
        %mul3A_224 = vector.broadcast %squeeze3A_217 : f32 to vector<16xf32>
        %mul3A_225 = arith.mulf %mul3A_224, %get3A_223 : vector<16xf32>
        %add3A_226 = arith.addf %get3A_215, %mul3A_225 : vector<16xf32>
        %swap3A_227 = arith.index_cast %scan3A_189 : i32 to index
        %swap3A_228 = arith.constant 16 : index
        %swap3A_229 = tpu.vector_load %arg15[%swap3A_227, %swap3A_228] {strides = array<i32>} : memref<80x128xf32, #tpu.memory_space<vmem>>, vector<1x16xf32>,
        %swap3A_230 = vector.shape_cast %swap3A_229 : vector<1x16xf32> to vector<16xf32>
        %swap3A_231 = vector.shape_cast %add3A_226 : vector<16xf32> to vector<1x16xf32>
        tpu.vector_store %arg15[%swap3A_227, %swap3A_228], %swap3A_231 {strides = array<i32>} : memref<80x128xf32, #tpu.memory_space<vmem>>, vector<1x16xf32>,
        %get3A_232 = arith.index_cast %scan3A_189 : i32 to index
        %get3A_233 = arith.constant 32 : index
        %get3A_234 = tpu.vector_load %arg15[%get3A_232, %get3A_233] {strides = array<i32>} : memref<80x128xf32, #tpu.memory_space<vmem>>, vector<1x16xf32>,
        %get3A_235 = vector.shape_cast %get3A_234 : vector<1x16xf32> to vector<16xf32>
        %slice3A_236 = vector.extract_strided_slice %get3A_194 {offsets = [2], sizes = [1], strides = [1]} : vector<16xf32> to vector<1xf32>
        %squeeze3A_237 = vector.extract %slice3A_236[0] : f32 from vector<1xf32>
        %get3A_238 = arith.constant 1 : i32
        %get3A_239 = arith.index_cast %get3A_238 : i32 to index
        %get3A_240 = arith.index_cast %scan3A_189 : i32 to index
        %get3A_241 = arith.constant 32 : index
        %get3A_242 = tpu.vector_load %arg16[%get3A_239, %get3A_240, %get3A_241] {strides = array<i32>} : memref<2x80x128xf32, #tpu.memory_space<vmem>>, vector<1x1x16xf32>,
        %get3A_243 = vector.shape_cast %get3A_242 : vector<1x1x16xf32> to vector<16xf32>
        %mul3A_244 = vector.broadcast %squeeze3A_237 : f32 to vector<16xf32>
        %mul3A_245 = arith.mulf %mul3A_244, %get3A_243 : vector<16xf32>
        %add3A_246 = arith.addf %get3A_235, %mul3A_245 : vector<16xf32>
        %swap3A_247 = arith.index_cast %scan3A_189 : i32 to index
        %swap3A_248 = arith.constant 32 : index
        %swap3A_249 = tpu.vector_load %arg15[%swap3A_247, %swap3A_248] {strides = array<i32>} : memref<80x128xf32, #tpu.memory_space<vmem>>, vector<1x16xf32>,
        %swap3A_250 = vector.shape_cast %swap3A_249 : vector<1x16xf32> to vector<16xf32>
        %swap3A_251 = vector.shape_cast %add3A_246 : vector<16xf32> to vector<1x16xf32>
        tpu.vector_store %arg15[%swap3A_247, %swap3A_248], %swap3A_251 {strides = array<i32>} : memref<80x128xf32, #tpu.memory_space<vmem>>, vector<1x16xf32>,
        %get3A_252 = arith.index_cast %scan3A_189 : i32 to index
        %get3A_253 = arith.constant 48 : index
        %get3A_254 = tpu.vector_load %arg15[%get3A_252, %get3A_253] {strides = array<i32>} : memref<80x128xf32, #tpu.memory_space<vmem>>, vector<1x16xf32>,
        %get3A_255 = vector.shape_cast %get3A_254 : vector<1x16xf32> to vector<16xf32>
        %slice3A_256 = vector.extract_strided_slice %get3A_194 {offsets = [3], sizes = [1], strides = [1]} : vector<16xf32> to vector<1xf32>
        %squeeze3A_257 = vector.extract %slice3A_256[0] : f32 from vector<1xf32>
        %get3A_258 = arith.constant 1 : i32
        %get3A_259 = arith.index_cast %get3A_258 : i32 to index
        %get3A_260 = arith.index_cast %scan3A_189 : i32 to index
        %get3A_261 = arith.constant 48 : index
        %get3A_262 = tpu.vector_load %arg16[%get3A_259, %get3A_260, %get3A_261] {strides = array<i32>} : memref<2x80x128xf32, #tpu.memory_space<vmem>>, vector<1x1x16xf32>,
        %get3A_263 = vector.shape_cast %get3A_262 : vector<1x1x16xf32> to vector<16xf32>
        %mul3A_264 = vector.broadcast %squeeze3A_257 : f32 to vector<16xf32>
        %mul3A_265 = arith.mulf %mul3A_264, %get3A_263 : vector<16xf32>
        %add3A_266 = arith.addf %get3A_255, %mul3A_265 : vector<16xf32>
        %swap3A_267 = arith.index_cast %scan3A_189 : i32 to index
        %swap3A_268 = arith.constant 48 : index
        %swap3A_269 = tpu.vector_load %arg15[%swap3A_267, %swap3A_268] {strides = array<i32>} : memref<80x128xf32, #tpu.memory_space<vmem>>, vector<1x16xf32>,
        %swap3A_270 = vector.shape_cast %swap3A_269 : vector<1x16xf32> to vector<16xf32>
        %swap3A_271 = vector.shape_cast %add3A_266 : vector<16xf32> to vector<1x16xf32>
        tpu.vector_store %arg15[%swap3A_267, %swap3A_268], %swap3A_271 {strides = array<i32>} : memref<80x128xf32, #tpu.memory_space<vmem>>, vector<1x16xf32>,
        %get3A_272 = arith.index_cast %scan3A_189 : i32 to index
        %get3A_273 = arith.constant 64 : index
        %get3A_274 = tpu.vector_load %arg15[%get3A_272, %get3A_273] {strides = array<i32>} : memref<80x128xf32, #tpu.memory_space<vmem>>, vector<1x16xf32>,
        %get3A_275 = vector.shape_cast %get3A_274 : vector<1x16xf32> to vector<16xf32>
        %slice3A_276 = vector.extract_strided_slice %get3A_194 {offsets = [4], sizes = [1], strides = [1]} : vector<16xf32> to vector<1xf32>
        %squeeze3A_277 = vector.extract %slice3A_276[0] : f32 from vector<1xf32>
        %get3A_278 = arith.constant 1 : i32
        %get3A_279 = arith.index_cast %get3A_278 : i32 to index
        %get3A_280 = arith.index_cast %scan3A_189 : i32 to index
        %get3A_281 = arith.constant 64 : index
        %get3A_282 = tpu.vector_load %arg16[%get3A_279, %get3A_280, %get3A_281] {strides = array<i32>} : memref<2x80x128xf32, #tpu.memory_space<vmem>>, vector<1x1x16xf32>,
        %get3A_283 = vector.shape_cast %get3A_282 : vector<1x1x16xf32> to vector<16xf32>
        %mul3A_284 = vector.broadcast %squeeze3A_277 : f32 to vector<16xf32>
        %mul3A_285 = arith.mulf %mul3A_284, %get3A_283 : vector<16xf32>
        %add3A_286 = arith.addf %get3A_275, %mul3A_285 : vector<16xf32>
        %swap3A_287 = arith.index_cast %scan3A_189 : i32 to index
        %swap3A_288 = arith.constant 64 : index
        %swap3A_289 = tpu.vector_load %arg15[%swap3A_287, %swap3A_288] {strides = array<i32>} : memref<80x128xf32, #tpu.memory_space<vmem>>, vector<1x16xf32>,
        %swap3A_290 = vector.shape_cast %swap3A_289 : vector<1x16xf32> to vector<16xf32>
        %swap3A_291 = vector.shape_cast %add3A_286 : vector<16xf32> to vector<1x16xf32>
        tpu.vector_store %arg15[%swap3A_287, %swap3A_288], %swap3A_291 {strides = array<i32>} : memref<80x128xf32, #tpu.memory_space<vmem>>, vector<1x16xf32>,
        %get3A_292 = arith.index_cast %scan3A_189 : i32 to index
        %get3A_293 = arith.constant 80 : index
        %get3A_294 = tpu.vector_load %arg15[%get3A_292, %get3A_293] {strides = array<i32>} : memref<80x128xf32, #tpu.memory_space<vmem>>, vector<1x16xf32>,
        %get3A_295 = vector.shape_cast %get3A_294 : vector<1x16xf32> to vector<16xf32>
        %slice3A_296 = vector.extract_strided_slice %get3A_194 {offsets = [5], sizes = [1], strides = [1]} : vector<16xf32> to vector<1xf32>
        %squeeze3A_297 = vector.extract %slice3A_296[0] : f32 from vector<1xf32>
        %get3A_298 = arith.constant 1 : i32
        %get3A_299 = arith.index_cast %get3A_298 : i32 to index
        %get3A_300 = arith.index_cast %scan3A_189 : i32 to index
        %get3A_301 = arith.constant 80 : index
        %get3A_302 = tpu.vector_load %arg16[%get3A_299, %get3A_300, %get3A_301] {strides = array<i32>} : memref<2x80x128xf32, #tpu.memory_space<vmem>>, vector<1x1x16xf32>,
        %get3A_303 = vector.shape_cast %get3A_302 : vector<1x1x16xf32> to vector<16xf32>
        %mul3A_304 = vector.broadcast %squeeze3A_297 : f32 to vector<16xf32>
        %mul3A_305 = arith.mulf %mul3A_304, %get3A_303 : vector<16xf32>
        %add3A_306 = arith.addf %get3A_295, %mul3A_305 : vector<16xf32>
        %swap3A_307 = arith.index_cast %scan3A_189 : i32 to index
        %swap3A_308 = arith.constant 80 : index
        %swap3A_309 = tpu.vector_load %arg15[%swap3A_307, %swap3A_308] {strides = array<i32>} : memref<80x128xf32, #tpu.memory_space<vmem>>, vector<1x16xf32>,
        %swap3A_310 = vector.shape_cast %swap3A_309 : vector<1x16xf32> to vector<16xf32>
        %swap3A_311 = vector.shape_cast %add3A_306 : vector<16xf32> to vector<1x16xf32>
        tpu.vector_store %arg15[%swap3A_307, %swap3A_308], %swap3A_311 {strides = array<i32>} : memref<80x128xf32, #tpu.memory_space<vmem>>, vector<1x16xf32>,
        %get3A_312 = arith.index_cast %scan3A_189 : i32 to index
        %get3A_313 = arith.constant 96 : index
        %get3A_314 = tpu.vector_load %arg15[%get3A_312, %get3A_313] {strides = array<i32>} : memref<80x128xf32, #tpu.memory_space<vmem>>, vector<1x16xf32>,
        %get3A_315 = vector.shape_cast %get3A_314 : vector<1x16xf32> to vector<16xf32>
        %slice3A_316 = vector.extract_strided_slice %get3A_194 {offsets = [6], sizes = [1], strides = [1]} : vector<16xf32> to vector<1xf32>
        %squeeze3A_317 = vector.extract %slice3A_316[0] : f32 from vector<1xf32>
        %get3A_318 = arith.constant 1 : i32
        %get3A_319 = arith.index_cast %get3A_318 : i32 to index
        %get3A_320 = arith.index_cast %scan3A_189 : i32 to index
        %get3A_321 = arith.constant 96 : index
        %get3A_322 = tpu.vector_load %arg16[%get3A_319, %get3A_320, %get3A_321] {strides = array<i32>} : memref<2x80x128xf32, #tpu.memory_space<vmem>>, vector<1x1x16xf32>,
        %get3A_323 = vector.shape_cast %get3A_322 : vector<1x1x16xf32> to vector<16xf32>
        %mul3A_324 = vector.broadcast %squeeze3A_317 : f32 to vector<16xf32>
        %mul3A_325 = arith.mulf %mul3A_324, %get3A_323 : vector<16xf32>
        %add3A_326 = arith.addf %get3A_315, %mul3A_325 : vector<16xf32>
        %swap3A_327 = arith.index_cast %scan3A_189 : i32 to index
        %swap3A_328 = arith.constant 96 : index
        %swap3A_329 = tpu.vector_load %arg15[%swap3A_327, %swap3A_328] {strides = array<i32>} : memref<80x128xf32, #tpu.memory_space<vmem>>, vector<1x16xf32>,
        %swap3A_330 = vector.shape_cast %swap3A_329 : vector<1x16xf32> to vector<16xf32>
        %swap3A_331 = vector.shape_cast %add3A_326 : vector<16xf32> to vector<1x16xf32>
        tpu.vector_store %arg15[%swap3A_327, %swap3A_328], %swap3A_331 {strides = array<i32>} : memref<80x128xf32, #tpu.memory_space<vmem>>, vector<1x16xf32>,
        %get3A_332 = arith.index_cast %scan3A_189 : i32 to index
        %get3A_333 = arith.constant 112 : index
        %get3A_334 = tpu.vector_load %arg15[%get3A_332, %get3A_333] {strides = array<i32>} : memref<80x128xf32, #tpu.memory_space<vmem>>, vector<1x16xf32>,
        %get3A_335 = vector.shape_cast %get3A_334 : vector<1x16xf32> to vector<16xf32>
        %slice3A_336 = vector.extract_strided_slice %get3A_194 {offsets = [7], sizes = [1], strides = [1]} : vector<16xf32> to vector<1xf32>
        %squeeze3A_337 = vector.extract %slice3A_336[0] : f32 from vector<1xf32>
        %get3A_338 = arith.constant 1 : i32
        %get3A_339 = arith.index_cast %get3A_338 : i32 to index
        %get3A_340 = arith.index_cast %scan3A_189 : i32 to index
        %get3A_341 = arith.constant 112 : index
        %get3A_342 = tpu.vector_load %arg16[%get3A_339, %get3A_340, %get3A_341] {strides = array<i32>} : memref<2x80x128xf32, #tpu.memory_space<vmem>>, vector<1x1x16xf32>,
        %get3A_343 = vector.shape_cast %get3A_342 : vector<1x1x16xf32> to vector<16xf32>
        %mul3A_344 = vector.broadcast %squeeze3A_337 : f32 to vector<16xf32>
        %mul3A_345 = arith.mulf %mul3A_344, %get3A_343 : vector<16xf32>
        %add3A_346 = arith.addf %get3A_335, %mul3A_345 : vector<16xf32>
        %swap3A_347 = arith.index_cast %scan3A_189 : i32 to index
        %swap3A_348 = arith.constant 112 : index
        %swap3A_349 = tpu.vector_load %arg15[%swap3A_347, %swap3A_348] {strides = array<i32>} : memref<80x128xf32, #tpu.memory_space<vmem>>, vector<1x16xf32>,
        %swap3A_350 = vector.shape_cast %swap3A_349 : vector<1x16xf32> to vector<16xf32>
        %swap3A_351 = vector.shape_cast %add3A_346 : vector<16xf32> to vector<1x16xf32>
        tpu.vector_store %arg15[%swap3A_347, %swap3A_348], %swap3A_351 {strides = array<i32>} : memref<80x128xf32, #tpu.memory_space<vmem>>, vector<1x16xf32>,
        %scan3A_352 = arith.constant 0 : i32
        scf.yield %scan3A_352 : i32
      }
      %scan3A_187 = arith.constant 80 : i32
      "tpu.region"() ({
        %run_scoped3A_189 = tpu.sem_alloc : memref<!tpu.dma_semaphore, #tpu.memory_space<semaphore_mem>>
        %dma_start3A_190 = arith.constant 0 : i32
        %dma_start3A_191 = arith.constant 0 : i32
        %dma_start3A_192 = tpu.memref_slice %arg20[%dma_start3A_190, %dma_start3A_191] : memref<640x128xf32, #tpu.memory_space<vmem_shared>> -> memref<640x128xf32, #tpu.memory_space<vmem_shared>>
        tpu.enqueue_indirect_dma source(%arg17 : memref<80x128xf32, #tpu.memory_space<vmem>>) target(%dma_start3A_192 : memref<640x128xf32, #tpu.memory_space<vmem_shared>>) offsets(%arg14 : memref<80xi32, #tpu.memory_space<vmem>>) semaphore(%run_scoped3A_189 : memref<!tpu.dma_semaphore, #tpu.memory_space<semaphore_mem>>) {add = true}
        %dma_wait3A_193 = arith.constant 0 : i32
        %dma_wait3A_194 = arith.constant 0 : i32
        %dma_wait3A_195 = tpu.memref_slice %arg20[%dma_wait3A_193, %dma_wait3A_194] : memref<640x128xf32, #tpu.memory_space<vmem_shared>> -> memref<640x128xf32, #tpu.memory_space<vmem_shared>>
        tpu.wait_indirect_dma semaphore(%run_scoped3A_189 : memref<!tpu.dma_semaphore, #tpu.memory_space<semaphore_mem>>) src(%arg17 : memref<80x128xf32, #tpu.memory_space<vmem>>) dst(%dma_wait3A_195 : memref<640x128xf32, #tpu.memory_space<vmem_shared>>)
        tpu.yield
      }) : () -> ()
      "tpu.region"() ({
        %run_scoped3A_189 = tpu.sem_alloc : memref<!tpu.dma_semaphore, #tpu.memory_space<semaphore_mem>>
        %dma_start3A_190 = arith.constant 0 : i32
        %dma_start3A_191 = arith.constant 0 : i32
        %dma_start3A_192 = tpu.memref_slice %arg19[%dma_start3A_190, %dma_start3A_191] : memref<10240x128xf32, #tpu.memory_space<vmem_shared>> -> memref<10240x128xf32, #tpu.memory_space<vmem_shared>>
        tpu.enqueue_indirect_dma source(%arg15 : memref<80x128xf32, #tpu.memory_space<vmem>>) target(%dma_start3A_192 : memref<10240x128xf32, #tpu.memory_space<vmem_shared>>) offsets(%arg13 : memref<80xi32, #tpu.memory_space<vmem>>) semaphore(%run_scoped3A_189 : memref<!tpu.dma_semaphore, #tpu.memory_space<semaphore_mem>>) {add = true}
        %dma_wait3A_193 = arith.constant 0 : i32
        %dma_wait3A_194 = arith.constant 0 : i32
        %dma_wait3A_195 = tpu.memref_slice %arg19[%dma_wait3A_193, %dma_wait3A_194] : memref<10240x128xf32, #tpu.memory_space<vmem_shared>> -> memref<10240x128xf32, #tpu.memory_space<vmem_shared>>
        tpu.wait_indirect_dma semaphore(%run_scoped3A_189 : memref<!tpu.dma_semaphore, #tpu.memory_space<semaphore_mem>>) src(%arg15 : memref<80x128xf32, #tpu.memory_space<vmem>>) dst(%dma_wait3A_195 : memref<10240x128xf32, #tpu.memory_space<vmem_shared>>)
        tpu.yield
      }) : () -> ()
      %scan3A_188 = arith.constant 0 : i32
      scf.yield %scan3A_188 : i32
    }
    %scan3A_42 = arith.constant 62 : i32
    %mul3A_43 = arith.constant 10000 : i32
    %mul3A_44 = arith.muli %add3A, %mul3A_43 : i32
    %add3A_45 = arith.constant 9920 : i32
    %add3A_46 = arith.addi %mul3A_44, %add3A_45 : i32
    "tpu.region"() ({
      %run_scoped3A_84 = tpu.sem_alloc : memref<!tpu.dma_semaphore, #tpu.memory_space<semaphore_mem>>
      %dma_start3A_85 = tpu.memref_slice %arg7[%add3A_46] : memref<320000xi32, #tpu.memory_space<hbm>> -> memref<80xi32, #tpu.memory_space<hbm>>
      %dma_start3A_86 = tpu.memref_slice %arg7[%add3A_46] : memref<320000xi32, #tpu.memory_space<hbm>> -> memref<80xi32, #tpu.memory_space<hbm>>
      tpu.enqueue_dma source(%dma_start3A_86 : memref<80xi32, #tpu.memory_space<hbm>>) target(%arg13 : memref<80xi32, #tpu.memory_space<vmem>>) target_semaphore(%run_scoped3A_84 : memref<!tpu.dma_semaphore, #tpu.memory_space<semaphore_mem>>)
      %dma_wait3A_87 = tpu.memref_slice %arg7[%add3A_46] : memref<320000xi32, #tpu.memory_space<hbm>> -> memref<80xi32, #tpu.memory_space<hbm>>
      %dma_wait3A_88 = tpu.memref_slice %arg7[%add3A_46] : memref<320000xi32, #tpu.memory_space<hbm>> -> memref<80xi32, #tpu.memory_space<hbm>>
      tpu.wait_dma2 semaphore(%run_scoped3A_84 : memref<!tpu.dma_semaphore, #tpu.memory_space<semaphore_mem>>) src(%dma_wait3A_88 : memref<80xi32, #tpu.memory_space<hbm>>) dst(%arg13 : memref<80xi32, #tpu.memory_space<vmem>>)
      tpu.yield
    }) : () -> ()
    "tpu.region"() ({
      %run_scoped3A_84 = tpu.sem_alloc : memref<!tpu.dma_semaphore, #tpu.memory_space<semaphore_mem>>
      %dma_start3A_85 = tpu.memref_slice %arg8[%add3A_46] : memref<320000xi32, #tpu.memory_space<hbm>> -> memref<80xi32, #tpu.memory_space<hbm>>
      %dma_start3A_86 = tpu.memref_slice %arg8[%add3A_46] : memref<320000xi32, #tpu.memory_space<hbm>> -> memref<80xi32, #tpu.memory_space<hbm>>
      tpu.enqueue_dma source(%dma_start3A_86 : memref<80xi32, #tpu.memory_space<hbm>>) target(%arg14 : memref<80xi32, #tpu.memory_space<vmem>>) target_semaphore(%run_scoped3A_84 : memref<!tpu.dma_semaphore, #tpu.memory_space<semaphore_mem>>)
      %dma_wait3A_87 = tpu.memref_slice %arg8[%add3A_46] : memref<320000xi32, #tpu.memory_space<hbm>> -> memref<80xi32, #tpu.memory_space<hbm>>
      %dma_wait3A_88 = tpu.memref_slice %arg8[%add3A_46] : memref<320000xi32, #tpu.memory_space<hbm>> -> memref<80xi32, #tpu.memory_space<hbm>>
      tpu.wait_dma2 semaphore(%run_scoped3A_84 : memref<!tpu.dma_semaphore, #tpu.memory_space<semaphore_mem>>) src(%dma_wait3A_88 : memref<80xi32, #tpu.memory_space<hbm>>) dst(%arg14 : memref<80xi32, #tpu.memory_space<vmem>>)
      tpu.yield
    }) : () -> ()
    "tpu.region"() ({
      %run_scoped3A_84 = tpu.sem_alloc : memref<!tpu.dma_semaphore, #tpu.memory_space<semaphore_mem>>
      %dma_start3A_85 = arith.constant 0 : i32
      %dma_start3A_86 = tpu.memref_slice %arg2[%add3A_46, %dma_start3A_85] : memref<320000x128xf32, #tpu.memory_space<hbm>> -> memref<80x128xf32, #tpu.memory_space<hbm>>
      %dma_start3A_87 = arith.constant 0 : i32
      %dma_start3A_88 = tpu.memref_slice %arg2[%add3A_46, %dma_start3A_87] : memref<320000x128xf32, #tpu.memory_space<hbm>> -> memref<80x128xf32, #tpu.memory_space<hbm>>
      tpu.enqueue_dma source(%dma_start3A_88 : memref<80x128xf32, #tpu.memory_space<hbm>>) target(%arg15 : memref<80x128xf32, #tpu.memory_space<vmem>>) target_semaphore(%run_scoped3A_84 : memref<!tpu.dma_semaphore, #tpu.memory_space<semaphore_mem>>)
      %dma_wait3A_89 = arith.constant 0 : i32
      %dma_wait3A_90 = tpu.memref_slice %arg2[%add3A_46, %dma_wait3A_89] : memref<320000x128xf32, #tpu.memory_space<hbm>> -> memref<80x128xf32, #tpu.memory_space<hbm>>
      %dma_wait3A_91 = arith.constant 0 : i32
      %dma_wait3A_92 = tpu.memref_slice %arg2[%add3A_46, %dma_wait3A_91] : memref<320000x128xf32, #tpu.memory_space<hbm>> -> memref<80x128xf32, #tpu.memory_space<hbm>>
      tpu.wait_dma2 semaphore(%run_scoped3A_84 : memref<!tpu.dma_semaphore, #tpu.memory_space<semaphore_mem>>) src(%dma_wait3A_92 : memref<80x128xf32, #tpu.memory_space<hbm>>) dst(%arg15 : memref<80x128xf32, #tpu.memory_space<vmem>>)
      tpu.yield
    }) : () -> ()
    "tpu.region"() ({
      %run_scoped3A_84 = tpu.sem_alloc : memref<!tpu.dma_semaphore, #tpu.memory_space<semaphore_mem>>
      %dma_start3A_85 = arith.constant 0 : i32
      %dma_start3A_86 = tpu.memref_slice %arg4[%add3A_46, %dma_start3A_85] : memref<320000x128xf32, #tpu.memory_space<hbm>> -> memref<80x128xf32, #tpu.memory_space<hbm>>
      %dma_start3A_87 = arith.constant 0 : i32
      %dma_start3A_88 = tpu.memref_slice %arg4[%add3A_46, %dma_start3A_87] : memref<320000x128xf32, #tpu.memory_space<hbm>> -> memref<80x128xf32, #tpu.memory_space<hbm>>
      tpu.enqueue_dma source(%dma_start3A_88 : memref<80x128xf32, #tpu.memory_space<hbm>>) target(%arg17 : memref<80x128xf32, #tpu.memory_space<vmem>>) target_semaphore(%run_scoped3A_84 : memref<!tpu.dma_semaphore, #tpu.memory_space<semaphore_mem>>)
      %dma_wait3A_89 = arith.constant 0 : i32
      %dma_wait3A_90 = tpu.memref_slice %arg4[%add3A_46, %dma_wait3A_89] : memref<320000x128xf32, #tpu.memory_space<hbm>> -> memref<80x128xf32, #tpu.memory_space<hbm>>
      %dma_wait3A_91 = arith.constant 0 : i32
      %dma_wait3A_92 = tpu.memref_slice %arg4[%add3A_46, %dma_wait3A_91] : memref<320000x128xf32, #tpu.memory_space<hbm>> -> memref<80x128xf32, #tpu.memory_space<hbm>>
      tpu.wait_dma2 semaphore(%run_scoped3A_84 : memref<!tpu.dma_semaphore, #tpu.memory_space<semaphore_mem>>) src(%dma_wait3A_92 : memref<80x128xf32, #tpu.memory_space<hbm>>) dst(%arg17 : memref<80x128xf32, #tpu.memory_space<vmem>>)
      tpu.yield
    }) : () -> ()
    %mul3A_47 = arith.constant 16 : i32
    %mul3A_48 = arith.muli %add3A_46, %mul3A_47 : i32
    "tpu.region"() ({
      %run_scoped3A_84 = tpu.sem_alloc : memref<!tpu.dma_semaphore, #tpu.memory_space<semaphore_mem>>
      %dma_start3A_85 = tpu.memref_slice %arg3[%mul3A_48] : memref<5120000xf32, #tpu.memory_space<hbm>> -> memref<1280xf32, #tpu.memory_space<hbm>>
      %dma_start3A_86 = tpu.memref_slice %arg3[%mul3A_48] : memref<5120000xf32, #tpu.memory_space<hbm>> -> memref<1280xf32, #tpu.memory_space<hbm>>
      tpu.enqueue_dma source(%dma_start3A_86 : memref<1280xf32, #tpu.memory_space<hbm>>) target(%arg18 : memref<1280xf32, #tpu.memory_space<vmem>>) target_semaphore(%run_scoped3A_84 : memref<!tpu.dma_semaphore, #tpu.memory_space<semaphore_mem>>)
      %dma_wait3A_87 = tpu.memref_slice %arg3[%mul3A_48] : memref<5120000xf32, #tpu.memory_space<hbm>> -> memref<1280xf32, #tpu.memory_space<hbm>>
      %dma_wait3A_88 = tpu.memref_slice %arg3[%mul3A_48] : memref<5120000xf32, #tpu.memory_space<hbm>> -> memref<1280xf32, #tpu.memory_space<hbm>>
      tpu.wait_dma2 semaphore(%run_scoped3A_84 : memref<!tpu.dma_semaphore, #tpu.memory_space<semaphore_mem>>) src(%dma_wait3A_88 : memref<1280xf32, #tpu.memory_space<hbm>>) dst(%arg18 : memref<1280xf32, #tpu.memory_space<vmem>>)
      tpu.yield
    }) : () -> ()
    %dma_wait3A = arith.constant 0 : i32
    %dma_wait3A_49 = arith.constant 0 : i32
    %dma_wait3A_50 = arith.constant 0 : i32
    %dma_wait3A_51 = arith.constant 0 : i32
    %dma_wait3A_52 = tpu.memref_slice %arg16[%dma_wait3A_49, %dma_wait3A_50, %dma_wait3A_51] : memref<2x80x128xf32, #tpu.memory_space<vmem>> -> memref<1x80x128xf32, #tpu.memory_space<vmem>>
    %dma_wait3A_53 = tpu.memref_squeeze %dma_wait3A_52 : memref<1x80x128xf32, #tpu.memory_space<vmem>> -> memref<80x128xf32, #tpu.memory_space<vmem>>
    %dma_wait3A_54 = arith.constant 0 : i32
    %dma_wait3A_55 = tpu.memref_slice %arg12[%dma_wait3A, %dma_wait3A_54] : memref<2x80xi32, #tpu.memory_space<vmem>> -> memref<1x80xi32, #tpu.memory_space<vmem>>
    %dma_wait3A_56 = tpu.memref_squeeze %dma_wait3A_55 : memref<1x80xi32, #tpu.memory_space<vmem>> -> memref<80xi32, #tpu.memory_space<vmem>>
    %dma_wait3A_57 = arith.constant 0 : i32
    %dma_wait3A_58 = arith.constant 0 : i32
    %dma_wait3A_59 = tpu.memref_slice %arg5[%dma_wait3A_57, %dma_wait3A_58] : memref<10000x128xf32, #tpu.memory_space<hbm>> -> memref<10000x128xf32, #tpu.memory_space<hbm>>
    tpu.wait_indirect_dma semaphore(%arg21 : memref<!tpu.dma_semaphore, #tpu.memory_space<semaphore_mem>>) src(%dma_wait3A_59 : memref<10000x128xf32, #tpu.memory_space<hbm>>) dst(%dma_wait3A_53 : memref<80x128xf32, #tpu.memory_space<vmem>>)
    %scan3A_60 = arith.constant 0 : i32
    %scan3A_61 = arith.constant 0 : i32
    %scan3A_62 = arith.constant 80 : i32
    %scan3A_63 = arith.addi %scan3A_61, %scan3A_62 : i32
    %scan3A_64 = arith.constant 1 : i32
    %scan3A_65 = scf.for %scan3A_84 = %scan3A_61 to %scan3A_63 step %scan3A_64 iter_args(%scan3A_85 = %scan3A_60) -> (i32)  : i32 {
      %mul3A_86 = arith.constant 16 : i32
      %mul3A_87 = arith.muli %scan3A_84, %mul3A_86 : i32
      %get3A = arith.index_cast %mul3A_87 : i32 to index
      %get3A_88 = tpu.vector_load %arg18[%get3A] {strides = array<i32>} : memref<1280xf32, #tpu.memory_space<vmem>>, vector<16xf32>,
      %get3A_89 = vector.shape_cast %get3A_88 : vector<16xf32> to vector<16xf32>
      %get3A_90 = arith.index_cast %scan3A_84 : i32 to index
      %get3A_91 = arith.constant 0 : index
      %get3A_92 = tpu.vector_load %arg15[%get3A_90, %get3A_91] {strides = array<i32>} : memref<80x128xf32, #tpu.memory_space<vmem>>, vector<1x16xf32>,
      %get3A_93 = vector.shape_cast %get3A_92 : vector<1x16xf32> to vector<16xf32>
      %slice3A = vector.extract_strided_slice %get3A_89 {offsets = [0], sizes = [1], strides = [1]} : vector<16xf32> to vector<1xf32>
      %squeeze3A = vector.extract %slice3A[0] : f32 from vector<1xf32>
      %get3A_94 = arith.constant 0 : i32
      %get3A_95 = arith.index_cast %get3A_94 : i32 to index
      %get3A_96 = arith.index_cast %scan3A_84 : i32 to index
      %get3A_97 = arith.constant 0 : index
      %get3A_98 = tpu.vector_load %arg16[%get3A_95, %get3A_96, %get3A_97] {strides = array<i32>} : memref<2x80x128xf32, #tpu.memory_space<vmem>>, vector<1x1x16xf32>,
      %get3A_99 = vector.shape_cast %get3A_98 : vector<1x1x16xf32> to vector<16xf32>
      %mul3A_100 = vector.broadcast %squeeze3A : f32 to vector<16xf32>
      %mul3A_101 = arith.mulf %mul3A_100, %get3A_99 : vector<16xf32>
      %add3A_102 = arith.addf %get3A_93, %mul3A_101 : vector<16xf32>
      %swap3A = arith.index_cast %scan3A_84 : i32 to index
      %swap3A_103 = arith.constant 0 : index
      %swap3A_104 = tpu.vector_load %arg15[%swap3A, %swap3A_103] {strides = array<i32>} : memref<80x128xf32, #tpu.memory_space<vmem>>, vector<1x16xf32>,
      %swap3A_105 = vector.shape_cast %swap3A_104 : vector<1x16xf32> to vector<16xf32>
      %swap3A_106 = vector.shape_cast %add3A_102 : vector<16xf32> to vector<1x16xf32>
      tpu.vector_store %arg15[%swap3A, %swap3A_103], %swap3A_106 {strides = array<i32>} : memref<80x128xf32, #tpu.memory_space<vmem>>, vector<1x16xf32>,
      %get3A_107 = arith.index_cast %scan3A_84 : i32 to index
      %get3A_108 = arith.constant 16 : index
      %get3A_109 = tpu.vector_load %arg15[%get3A_107, %get3A_108] {strides = array<i32>} : memref<80x128xf32, #tpu.memory_space<vmem>>, vector<1x16xf32>,
      %get3A_110 = vector.shape_cast %get3A_109 : vector<1x16xf32> to vector<16xf32>
      %slice3A_111 = vector.extract_strided_slice %get3A_89 {offsets = [1], sizes = [1], strides = [1]} : vector<16xf32> to vector<1xf32>
      %squeeze3A_112 = vector.extract %slice3A_111[0] : f32 from vector<1xf32>
      %get3A_113 = arith.constant 0 : i32
      %get3A_114 = arith.index_cast %get3A_113 : i32 to index
      %get3A_115 = arith.index_cast %scan3A_84 : i32 to index
      %get3A_116 = arith.constant 16 : index
      %get3A_117 = tpu.vector_load %arg16[%get3A_114, %get3A_115, %get3A_116] {strides = array<i32>} : memref<2x80x128xf32, #tpu.memory_space<vmem>>, vector<1x1x16xf32>,
      %get3A_118 = vector.shape_cast %get3A_117 : vector<1x1x16xf32> to vector<16xf32>
      %mul3A_119 = vector.broadcast %squeeze3A_112 : f32 to vector<16xf32>
      %mul3A_120 = arith.mulf %mul3A_119, %get3A_118 : vector<16xf32>
      %add3A_121 = arith.addf %get3A_110, %mul3A_120 : vector<16xf32>
      %swap3A_122 = arith.index_cast %scan3A_84 : i32 to index
      %swap3A_123 = arith.constant 16 : index
      %swap3A_124 = tpu.vector_load %arg15[%swap3A_122, %swap3A_123] {strides = array<i32>} : memref<80x128xf32, #tpu.memory_space<vmem>>, vector<1x16xf32>,
      %swap3A_125 = vector.shape_cast %swap3A_124 : vector<1x16xf32> to vector<16xf32>
      %swap3A_126 = vector.shape_cast %add3A_121 : vector<16xf32> to vector<1x16xf32>
      tpu.vector_store %arg15[%swap3A_122, %swap3A_123], %swap3A_126 {strides = array<i32>} : memref<80x128xf32, #tpu.memory_space<vmem>>, vector<1x16xf32>,
      %get3A_127 = arith.index_cast %scan3A_84 : i32 to index
      %get3A_128 = arith.constant 32 : index
      %get3A_129 = tpu.vector_load %arg15[%get3A_127, %get3A_128] {strides = array<i32>} : memref<80x128xf32, #tpu.memory_space<vmem>>, vector<1x16xf32>,
      %get3A_130 = vector.shape_cast %get3A_129 : vector<1x16xf32> to vector<16xf32>
      %slice3A_131 = vector.extract_strided_slice %get3A_89 {offsets = [2], sizes = [1], strides = [1]} : vector<16xf32> to vector<1xf32>
      %squeeze3A_132 = vector.extract %slice3A_131[0] : f32 from vector<1xf32>
      %get3A_133 = arith.constant 0 : i32
      %get3A_134 = arith.index_cast %get3A_133 : i32 to index
      %get3A_135 = arith.index_cast %scan3A_84 : i32 to index
      %get3A_136 = arith.constant 32 : index
      %get3A_137 = tpu.vector_load %arg16[%get3A_134, %get3A_135, %get3A_136] {strides = array<i32>} : memref<2x80x128xf32, #tpu.memory_space<vmem>>, vector<1x1x16xf32>,
      %get3A_138 = vector.shape_cast %get3A_137 : vector<1x1x16xf32> to vector<16xf32>
      %mul3A_139 = vector.broadcast %squeeze3A_132 : f32 to vector<16xf32>
      %mul3A_140 = arith.mulf %mul3A_139, %get3A_138 : vector<16xf32>
      %add3A_141 = arith.addf %get3A_130, %mul3A_140 : vector<16xf32>
      %swap3A_142 = arith.index_cast %scan3A_84 : i32 to index
      %swap3A_143 = arith.constant 32 : index
      %swap3A_144 = tpu.vector_load %arg15[%swap3A_142, %swap3A_143] {strides = array<i32>} : memref<80x128xf32, #tpu.memory_space<vmem>>, vector<1x16xf32>,
      %swap3A_145 = vector.shape_cast %swap3A_144 : vector<1x16xf32> to vector<16xf32>
      %swap3A_146 = vector.shape_cast %add3A_141 : vector<16xf32> to vector<1x16xf32>
      tpu.vector_store %arg15[%swap3A_142, %swap3A_143], %swap3A_146 {strides = array<i32>} : memref<80x128xf32, #tpu.memory_space<vmem>>, vector<1x16xf32>,
      %get3A_147 = arith.index_cast %scan3A_84 : i32 to index
      %get3A_148 = arith.constant 48 : index
      %get3A_149 = tpu.vector_load %arg15[%get3A_147, %get3A_148] {strides = array<i32>} : memref<80x128xf32, #tpu.memory_space<vmem>>, vector<1x16xf32>,
      %get3A_150 = vector.shape_cast %get3A_149 : vector<1x16xf32> to vector<16xf32>
      %slice3A_151 = vector.extract_strided_slice %get3A_89 {offsets = [3], sizes = [1], strides = [1]} : vector<16xf32> to vector<1xf32>
      %squeeze3A_152 = vector.extract %slice3A_151[0] : f32 from vector<1xf32>
      %get3A_153 = arith.constant 0 : i32
      %get3A_154 = arith.index_cast %get3A_153 : i32 to index
      %get3A_155 = arith.index_cast %scan3A_84 : i32 to index
      %get3A_156 = arith.constant 48 : index
      %get3A_157 = tpu.vector_load %arg16[%get3A_154, %get3A_155, %get3A_156] {strides = array<i32>} : memref<2x80x128xf32, #tpu.memory_space<vmem>>, vector<1x1x16xf32>,
      %get3A_158 = vector.shape_cast %get3A_157 : vector<1x1x16xf32> to vector<16xf32>
      %mul3A_159 = vector.broadcast %squeeze3A_152 : f32 to vector<16xf32>
      %mul3A_160 = arith.mulf %mul3A_159, %get3A_158 : vector<16xf32>
      %add3A_161 = arith.addf %get3A_150, %mul3A_160 : vector<16xf32>
      %swap3A_162 = arith.index_cast %scan3A_84 : i32 to index
      %swap3A_163 = arith.constant 48 : index
      %swap3A_164 = tpu.vector_load %arg15[%swap3A_162, %swap3A_163] {strides = array<i32>} : memref<80x128xf32, #tpu.memory_space<vmem>>, vector<1x16xf32>,
      %swap3A_165 = vector.shape_cast %swap3A_164 : vector<1x16xf32> to vector<16xf32>
      %swap3A_166 = vector.shape_cast %add3A_161 : vector<16xf32> to vector<1x16xf32>
      tpu.vector_store %arg15[%swap3A_162, %swap3A_163], %swap3A_166 {strides = array<i32>} : memref<80x128xf32, #tpu.memory_space<vmem>>, vector<1x16xf32>,
      %get3A_167 = arith.index_cast %scan3A_84 : i32 to index
      %get3A_168 = arith.constant 64 : index
      %get3A_169 = tpu.vector_load %arg15[%get3A_167, %get3A_168] {strides = array<i32>} : memref<80x128xf32, #tpu.memory_space<vmem>>, vector<1x16xf32>,
      %get3A_170 = vector.shape_cast %get3A_169 : vector<1x16xf32> to vector<16xf32>
      %slice3A_171 = vector.extract_strided_slice %get3A_89 {offsets = [4], sizes = [1], strides = [1]} : vector<16xf32> to vector<1xf32>
      %squeeze3A_172 = vector.extract %slice3A_171[0] : f32 from vector<1xf32>
      %get3A_173 = arith.constant 0 : i32
      %get3A_174 = arith.index_cast %get3A_173 : i32 to index
      %get3A_175 = arith.index_cast %scan3A_84 : i32 to index
      %get3A_176 = arith.constant 64 : index
      %get3A_177 = tpu.vector_load %arg16[%get3A_174, %get3A_175, %get3A_176] {strides = array<i32>} : memref<2x80x128xf32, #tpu.memory_space<vmem>>, vector<1x1x16xf32>,
      %get3A_178 = vector.shape_cast %get3A_177 : vector<1x1x16xf32> to vector<16xf32>
      %mul3A_179 = vector.broadcast %squeeze3A_172 : f32 to vector<16xf32>
      %mul3A_180 = arith.mulf %mul3A_179, %get3A_178 : vector<16xf32>
      %add3A_181 = arith.addf %get3A_170, %mul3A_180 : vector<16xf32>
      %swap3A_182 = arith.index_cast %scan3A_84 : i32 to index
      %swap3A_183 = arith.constant 64 : index
      %swap3A_184 = tpu.vector_load %arg15[%swap3A_182, %swap3A_183] {strides = array<i32>} : memref<80x128xf32, #tpu.memory_space<vmem>>, vector<1x16xf32>,
      %swap3A_185 = vector.shape_cast %swap3A_184 : vector<1x16xf32> to vector<16xf32>
      %swap3A_186 = vector.shape_cast %add3A_181 : vector<16xf32> to vector<1x16xf32>
      tpu.vector_store %arg15[%swap3A_182, %swap3A_183], %swap3A_186 {strides = array<i32>} : memref<80x128xf32, #tpu.memory_space<vmem>>, vector<1x16xf32>,
      %get3A_187 = arith.index_cast %scan3A_84 : i32 to index
      %get3A_188 = arith.constant 80 : index
      %get3A_189 = tpu.vector_load %arg15[%get3A_187, %get3A_188] {strides = array<i32>} : memref<80x128xf32, #tpu.memory_space<vmem>>, vector<1x16xf32>,
      %get3A_190 = vector.shape_cast %get3A_189 : vector<1x16xf32> to vector<16xf32>
      %slice3A_191 = vector.extract_strided_slice %get3A_89 {offsets = [5], sizes = [1], strides = [1]} : vector<16xf32> to vector<1xf32>
      %squeeze3A_192 = vector.extract %slice3A_191[0] : f32 from vector<1xf32>
      %get3A_193 = arith.constant 0 : i32
      %get3A_194 = arith.index_cast %get3A_193 : i32 to index
      %get3A_195 = arith.index_cast %scan3A_84 : i32 to index
      %get3A_196 = arith.constant 80 : index
      %get3A_197 = tpu.vector_load %arg16[%get3A_194, %get3A_195, %get3A_196] {strides = array<i32>} : memref<2x80x128xf32, #tpu.memory_space<vmem>>, vector<1x1x16xf32>,
      %get3A_198 = vector.shape_cast %get3A_197 : vector<1x1x16xf32> to vector<16xf32>
      %mul3A_199 = vector.broadcast %squeeze3A_192 : f32 to vector<16xf32>
      %mul3A_200 = arith.mulf %mul3A_199, %get3A_198 : vector<16xf32>
      %add3A_201 = arith.addf %get3A_190, %mul3A_200 : vector<16xf32>
      %swap3A_202 = arith.index_cast %scan3A_84 : i32 to index
      %swap3A_203 = arith.constant 80 : index
      %swap3A_204 = tpu.vector_load %arg15[%swap3A_202, %swap3A_203] {strides = array<i32>} : memref<80x128xf32, #tpu.memory_space<vmem>>, vector<1x16xf32>,
      %swap3A_205 = vector.shape_cast %swap3A_204 : vector<1x16xf32> to vector<16xf32>
      %swap3A_206 = vector.shape_cast %add3A_201 : vector<16xf32> to vector<1x16xf32>
      tpu.vector_store %arg15[%swap3A_202, %swap3A_203], %swap3A_206 {strides = array<i32>} : memref<80x128xf32, #tpu.memory_space<vmem>>, vector<1x16xf32>,
      %get3A_207 = arith.index_cast %scan3A_84 : i32 to index
      %get3A_208 = arith.constant 96 : index
      %get3A_209 = tpu.vector_load %arg15[%get3A_207, %get3A_208] {strides = array<i32>} : memref<80x128xf32, #tpu.memory_space<vmem>>, vector<1x16xf32>,
      %get3A_210 = vector.shape_cast %get3A_209 : vector<1x16xf32> to vector<16xf32>
      %slice3A_211 = vector.extract_strided_slice %get3A_89 {offsets = [6], sizes = [1], strides = [1]} : vector<16xf32> to vector<1xf32>
      %squeeze3A_212 = vector.extract %slice3A_211[0] : f32 from vector<1xf32>
      %get3A_213 = arith.constant 0 : i32
      %get3A_214 = arith.index_cast %get3A_213 : i32 to index
      %get3A_215 = arith.index_cast %scan3A_84 : i32 to index
      %get3A_216 = arith.constant 96 : index
      %get3A_217 = tpu.vector_load %arg16[%get3A_214, %get3A_215, %get3A_216] {strides = array<i32>} : memref<2x80x128xf32, #tpu.memory_space<vmem>>, vector<1x1x16xf32>,
      %get3A_218 = vector.shape_cast %get3A_217 : vector<1x1x16xf32> to vector<16xf32>
      %mul3A_219 = vector.broadcast %squeeze3A_212 : f32 to vector<16xf32>
      %mul3A_220 = arith.mulf %mul3A_219, %get3A_218 : vector<16xf32>
      %add3A_221 = arith.addf %get3A_210, %mul3A_220 : vector<16xf32>
      %swap3A_222 = arith.index_cast %scan3A_84 : i32 to index
      %swap3A_223 = arith.constant 96 : index
      %swap3A_224 = tpu.vector_load %arg15[%swap3A_222, %swap3A_223] {strides = array<i32>} : memref<80x128xf32, #tpu.memory_space<vmem>>, vector<1x16xf32>,
      %swap3A_225 = vector.shape_cast %swap3A_224 : vector<1x16xf32> to vector<16xf32>
      %swap3A_226 = vector.shape_cast %add3A_221 : vector<16xf32> to vector<1x16xf32>
      tpu.vector_store %arg15[%swap3A_222, %swap3A_223], %swap3A_226 {strides = array<i32>} : memref<80x128xf32, #tpu.memory_space<vmem>>, vector<1x16xf32>,
      %get3A_227 = arith.index_cast %scan3A_84 : i32 to index
      %get3A_228 = arith.constant 112 : index
      %get3A_229 = tpu.vector_load %arg15[%get3A_227, %get3A_228] {strides = array<i32>} : memref<80x128xf32, #tpu.memory_space<vmem>>, vector<1x16xf32>,
      %get3A_230 = vector.shape_cast %get3A_229 : vector<1x16xf32> to vector<16xf32>
      %slice3A_231 = vector.extract_strided_slice %get3A_89 {offsets = [7], sizes = [1], strides = [1]} : vector<16xf32> to vector<1xf32>
      %squeeze3A_232 = vector.extract %slice3A_231[0] : f32 from vector<1xf32>
      %get3A_233 = arith.constant 0 : i32
      %get3A_234 = arith.index_cast %get3A_233 : i32 to index
      %get3A_235 = arith.index_cast %scan3A_84 : i32 to index
      %get3A_236 = arith.constant 112 : index
      %get3A_237 = tpu.vector_load %arg16[%get3A_234, %get3A_235, %get3A_236] {strides = array<i32>} : memref<2x80x128xf32, #tpu.memory_space<vmem>>, vector<1x1x16xf32>,
      %get3A_238 = vector.shape_cast %get3A_237 : vector<1x1x16xf32> to vector<16xf32>
      %mul3A_239 = vector.broadcast %squeeze3A_232 : f32 to vector<16xf32>
      %mul3A_240 = arith.mulf %mul3A_239, %get3A_238 : vector<16xf32>
      %add3A_241 = arith.addf %get3A_230, %mul3A_240 : vector<16xf32>
      %swap3A_242 = arith.index_cast %scan3A_84 : i32 to index
      %swap3A_243 = arith.constant 112 : index
      %swap3A_244 = tpu.vector_load %arg15[%swap3A_242, %swap3A_243] {strides = array<i32>} : memref<80x128xf32, #tpu.memory_space<vmem>>, vector<1x16xf32>,
      %swap3A_245 = vector.shape_cast %swap3A_244 : vector<1x16xf32> to vector<16xf32>
      %swap3A_246 = vector.shape_cast %add3A_241 : vector<16xf32> to vector<1x16xf32>
      tpu.vector_store %arg15[%swap3A_242, %swap3A_243], %swap3A_246 {strides = array<i32>} : memref<80x128xf32, #tpu.memory_space<vmem>>, vector<1x16xf32>,
      %scan3A_247 = arith.constant 0 : i32
      scf.yield %scan3A_247 : i32
    }
    %scan3A_66 = arith.constant 80 : i32
    "tpu.region"() ({
      %run_scoped3A_84 = tpu.sem_alloc : memref<!tpu.dma_semaphore, #tpu.memory_space<semaphore_mem>>
      %dma_start3A_85 = arith.constant 0 : i32
      %dma_start3A_86 = arith.constant 0 : i32
      %dma_start3A_87 = tpu.memref_slice %arg20[%dma_start3A_85, %dma_start3A_86] : memref<640x128xf32, #tpu.memory_space<vmem_shared>> -> memref<640x128xf32, #tpu.memory_space<vmem_shared>>
      tpu.enqueue_indirect_dma source(%arg17 : memref<80x128xf32, #tpu.memory_space<vmem>>) target(%dma_start3A_87 : memref<640x128xf32, #tpu.memory_space<vmem_shared>>) offsets(%arg14 : memref<80xi32, #tpu.memory_space<vmem>>) semaphore(%run_scoped3A_84 : memref<!tpu.dma_semaphore, #tpu.memory_space<semaphore_mem>>) {add = true}
      %dma_wait3A_88 = arith.constant 0 : i32
      %dma_wait3A_89 = arith.constant 0 : i32
      %dma_wait3A_90 = tpu.memref_slice %arg20[%dma_wait3A_88, %dma_wait3A_89] : memref<640x128xf32, #tpu.memory_space<vmem_shared>> -> memref<640x128xf32, #tpu.memory_space<vmem_shared>>
      tpu.wait_indirect_dma semaphore(%run_scoped3A_84 : memref<!tpu.dma_semaphore, #tpu.memory_space<semaphore_mem>>) src(%arg17 : memref<80x128xf32, #tpu.memory_space<vmem>>) dst(%dma_wait3A_90 : memref<640x128xf32, #tpu.memory_space<vmem_shared>>)
      tpu.yield
    }) : () -> ()
    "tpu.region"() ({
      %run_scoped3A_84 = tpu.sem_alloc : memref<!tpu.dma_semaphore, #tpu.memory_space<semaphore_mem>>
      %dma_start3A_85 = arith.constant 0 : i32
      %dma_start3A_86 = arith.constant 0 : i32
      %dma_start3A_87 = tpu.memref_slice %arg19[%dma_start3A_85, %dma_start3A_86] : memref<10240x128xf32, #tpu.memory_space<vmem_shared>> -> memref<10240x128xf32, #tpu.memory_space<vmem_shared>>
      tpu.enqueue_indirect_dma source(%arg15 : memref<80x128xf32, #tpu.memory_space<vmem>>) target(%dma_start3A_87 : memref<10240x128xf32, #tpu.memory_space<vmem_shared>>) offsets(%arg13 : memref<80xi32, #tpu.memory_space<vmem>>) semaphore(%run_scoped3A_84 : memref<!tpu.dma_semaphore, #tpu.memory_space<semaphore_mem>>) {add = true}
      %dma_wait3A_88 = arith.constant 0 : i32
      %dma_wait3A_89 = arith.constant 0 : i32
      %dma_wait3A_90 = tpu.memref_slice %arg19[%dma_wait3A_88, %dma_wait3A_89] : memref<10240x128xf32, #tpu.memory_space<vmem_shared>> -> memref<10240x128xf32, #tpu.memory_space<vmem_shared>>
      tpu.wait_indirect_dma semaphore(%run_scoped3A_84 : memref<!tpu.dma_semaphore, #tpu.memory_space<semaphore_mem>>) src(%arg15 : memref<80x128xf32, #tpu.memory_space<vmem>>) dst(%dma_wait3A_90 : memref<10240x128xf32, #tpu.memory_space<vmem_shared>>)
      tpu.yield
    }) : () -> ()
    %barrier3A_67 = arith.constant 0 : index
    tpu.barrier barrier_id(%barrier3A_67)
    %add3A_68 = arith.constant 0 : i32
    %add3A_69 = arith.addi %multiple_of3A, %add3A_68 : i32
    "tpu.region"() ({
      %run_scoped3A_84 = tpu.sem_alloc : memref<!tpu.dma_semaphore, #tpu.memory_space<semaphore_mem>>
      %dma_start3A_85 = arith.constant 0 : i32
      %dma_start3A_86 = tpu.memref_slice %arg19[%add3A_69, %dma_start3A_85] : memref<10240x128xf32, #tpu.memory_space<vmem_shared>> -> memref<80x128xf32, #tpu.memory_space<vmem_shared>>
      %dma_start3A_87 = arith.constant 0 : i32
      %dma_start3A_88 = tpu.memref_slice %arg19[%add3A_69, %dma_start3A_87] : memref<10240x128xf32, #tpu.memory_space<vmem_shared>> -> memref<80x128xf32, #tpu.memory_space<vmem_shared>>
      tpu.enqueue_dma source(%dma_start3A_88 : memref<80x128xf32, #tpu.memory_space<vmem_shared>>) target(%arg15 : memref<80x128xf32, #tpu.memory_space<vmem>>) target_semaphore(%run_scoped3A_84 : memref<!tpu.dma_semaphore, #tpu.memory_space<semaphore_mem>>)
      %dma_wait3A_89 = arith.constant 0 : i32
      %dma_wait3A_90 = tpu.memref_slice %arg19[%add3A_69, %dma_wait3A_89] : memref<10240x128xf32, #tpu.memory_space<vmem_shared>> -> memref<80x128xf32, #tpu.memory_space<vmem_shared>>
      %dma_wait3A_91 = arith.constant 0 : i32
      %dma_wait3A_92 = tpu.memref_slice %arg19[%add3A_69, %dma_wait3A_91] : memref<10240x128xf32, #tpu.memory_space<vmem_shared>> -> memref<80x128xf32, #tpu.memory_space<vmem_shared>>
      tpu.wait_dma2 semaphore(%run_scoped3A_84 : memref<!tpu.dma_semaphore, #tpu.memory_space<semaphore_mem>>) src(%dma_wait3A_92 : memref<80x128xf32, #tpu.memory_space<vmem_shared>>) dst(%arg15 : memref<80x128xf32, #tpu.memory_space<vmem>>)
      tpu.yield
    }) : () -> ()
    "tpu.region"() ({
      %run_scoped3A_84 = tpu.sem_alloc : memref<!tpu.dma_semaphore, #tpu.memory_space<semaphore_mem>>
      %dma_start3A_85 = arith.constant 0 : i32
      %dma_start3A_86 = tpu.memref_slice %arg10[%arg0, %add3A_69, %dma_start3A_85] : memref<2x10240x128xf32, #tpu.memory_space<hbm>> -> memref<1x80x128xf32, #tpu.memory_space<hbm>>
      %dma_start3A_87 = tpu.memref_squeeze %dma_start3A_86 : memref<1x80x128xf32, #tpu.memory_space<hbm>> -> memref<80x128xf32, #tpu.memory_space<hbm>>
      %dma_start3A_88 = arith.constant 0 : i32
      %dma_start3A_89 = tpu.memref_slice %arg10[%arg0, %add3A_69, %dma_start3A_88] : memref<2x10240x128xf32, #tpu.memory_space<hbm>> -> memref<1x80x128xf32, #tpu.memory_space<hbm>>
      %dma_start3A_90 = tpu.memref_squeeze %dma_start3A_89 : memref<1x80x128xf32, #tpu.memory_space<hbm>> -> memref<80x128xf32, #tpu.memory_space<hbm>>
      tpu.enqueue_dma source(%arg15 : memref<80x128xf32, #tpu.memory_space<vmem>>) target(%dma_start3A_90 : memref<80x128xf32, #tpu.memory_space<hbm>>) target_semaphore(%run_scoped3A_84 : memref<!tpu.dma_semaphore, #tpu.memory_space<semaphore_mem>>)
      %dma_wait3A_91 = arith.constant 0 : i32
      %dma_wait3A_92 = tpu.memref_slice %arg10[%arg0, %add3A_69, %dma_wait3A_91] : memref<2x10240x128xf32, #tpu.memory_space<hbm>> -> memref<1x80x128xf32, #tpu.memory_space<hbm>>
      %dma_wait3A_93 = tpu.memref_squeeze %dma_wait3A_92 : memref<1x80x128xf32, #tpu.memory_space<hbm>> -> memref<80x128xf32, #tpu.memory_space<hbm>>
      %dma_wait3A_94 = arith.constant 0 : i32
      %dma_wait3A_95 = tpu.memref_slice %arg10[%arg0, %add3A_69, %dma_wait3A_94] : memref<2x10240x128xf32, #tpu.memory_space<hbm>> -> memref<1x80x128xf32, #tpu.memory_space<hbm>>
      %dma_wait3A_96 = tpu.memref_squeeze %dma_wait3A_95 : memref<1x80x128xf32, #tpu.memory_space<hbm>> -> memref<80x128xf32, #tpu.memory_space<hbm>>
      tpu.wait_dma2 semaphore(%run_scoped3A_84 : memref<!tpu.dma_semaphore, #tpu.memory_space<semaphore_mem>>) src(%arg15 : memref<80x128xf32, #tpu.memory_space<vmem>>) dst(%dma_wait3A_96 : memref<80x128xf32, #tpu.memory_space<hbm>>)
      tpu.yield
    }) : () -> ()
    %add3A_70 = arith.constant 80 : i32
    %add3A_71 = arith.addi %multiple_of3A, %add3A_70 : i32
    "tpu.region"() ({
      %run_scoped3A_84 = tpu.sem_alloc : memref<!tpu.dma_semaphore, #tpu.memory_space<semaphore_mem>>
      %dma_start3A_85 = arith.constant 0 : i32
      %dma_start3A_86 = tpu.memref_slice %arg19[%add3A_71, %dma_start3A_85] : memref<10240x128xf32, #tpu.memory_space<vmem_shared>> -> memref<80x128xf32, #tpu.memory_space<vmem_shared>>
      %dma_start3A_87 = arith.constant 0 : i32
      %dma_start3A_88 = tpu.memref_slice %arg19[%add3A_71, %dma_start3A_87] : memref<10240x128xf32, #tpu.memory_space<vmem_shared>> -> memref<80x128xf32, #tpu.memory_space<vmem_shared>>
      tpu.enqueue_dma source(%dma_start3A_88 : memref<80x128xf32, #tpu.memory_space<vmem_shared>>) target(%arg15 : memref<80x128xf32, #tpu.memory_space<vmem>>) target_semaphore(%run_scoped3A_84 : memref<!tpu.dma_semaphore, #tpu.memory_space<semaphore_mem>>)
      %dma_wait3A_89 = arith.constant 0 : i32
      %dma_wait3A_90 = tpu.memref_slice %arg19[%add3A_71, %dma_wait3A_89] : memref<10240x128xf32, #tpu.memory_space<vmem_shared>> -> memref<80x128xf32, #tpu.memory_space<vmem_shared>>
      %dma_wait3A_91 = arith.constant 0 : i32
      %dma_wait3A_92 = tpu.memref_slice %arg19[%add3A_71, %dma_wait3A_91] : memref<10240x128xf32, #tpu.memory_space<vmem_shared>> -> memref<80x128xf32, #tpu.memory_space<vmem_shared>>
      tpu.wait_dma2 semaphore(%run_scoped3A_84 : memref<!tpu.dma_semaphore, #tpu.memory_space<semaphore_mem>>) src(%dma_wait3A_92 : memref<80x128xf32, #tpu.memory_space<vmem_shared>>) dst(%arg15 : memref<80x128xf32, #tpu.memory_space<vmem>>)
      tpu.yield
    }) : () -> ()
    "tpu.region"() ({
      %run_scoped3A_84 = tpu.sem_alloc : memref<!tpu.dma_semaphore, #tpu.memory_space<semaphore_mem>>
      %dma_start3A_85 = arith.constant 0 : i32
      %dma_start3A_86 = tpu.memref_slice %arg10[%arg0, %add3A_71, %dma_start3A_85] : memref<2x10240x128xf32, #tpu.memory_space<hbm>> -> memref<1x80x128xf32, #tpu.memory_space<hbm>>
      %dma_start3A_87 = tpu.memref_squeeze %dma_start3A_86 : memref<1x80x128xf32, #tpu.memory_space<hbm>> -> memref<80x128xf32, #tpu.memory_space<hbm>>
      %dma_start3A_88 = arith.constant 0 : i32
      %dma_start3A_89 = tpu.memref_slice %arg10[%arg0, %add3A_71, %dma_start3A_88] : memref<2x10240x128xf32, #tpu.memory_space<hbm>> -> memref<1x80x128xf32, #tpu.memory_space<hbm>>
      %dma_start3A_90 = tpu.memref_squeeze %dma_start3A_89 : memref<1x80x128xf32, #tpu.memory_space<hbm>> -> memref<80x128xf32, #tpu.memory_space<hbm>>
      tpu.enqueue_dma source(%arg15 : memref<80x128xf32, #tpu.memory_space<vmem>>) target(%dma_start3A_90 : memref<80x128xf32, #tpu.memory_space<hbm>>) target_semaphore(%run_scoped3A_84 : memref<!tpu.dma_semaphore, #tpu.memory_space<semaphore_mem>>)
      %dma_wait3A_91 = arith.constant 0 : i32
      %dma_wait3A_92 = tpu.memref_slice %arg10[%arg0, %add3A_71, %dma_wait3A_91] : memref<2x10240x128xf32, #tpu.memory_space<hbm>> -> memref<1x80x128xf32, #tpu.memory_space<hbm>>
      %dma_wait3A_93 = tpu.memref_squeeze %dma_wait3A_92 : memref<1x80x128xf32, #tpu.memory_space<hbm>> -> memref<80x128xf32, #tpu.memory_space<hbm>>
      %dma_wait3A_94 = arith.constant 0 : i32
      %dma_wait3A_95 = tpu.memref_slice %arg10[%arg0, %add3A_71, %dma_wait3A_94] : memref<2x10240x128xf32, #tpu.memory_space<hbm>> -> memref<1x80x128xf32, #tpu.memory_space<hbm>>
      %dma_wait3A_96 = tpu.memref_squeeze %dma_wait3A_95 : memref<1x80x128xf32, #tpu.memory_space<hbm>> -> memref<80x128xf32, #tpu.memory_space<hbm>>
      tpu.wait_dma2 semaphore(%run_scoped3A_84 : memref<!tpu.dma_semaphore, #tpu.memory_space<semaphore_mem>>) src(%arg15 : memref<80x128xf32, #tpu.memory_space<vmem>>) dst(%dma_wait3A_96 : memref<80x128xf32, #tpu.memory_space<hbm>>)
      tpu.yield
    }) : () -> ()
    %add3A_72 = arith.constant 160 : i32
    %add3A_73 = arith.addi %multiple_of3A, %add3A_72 : i32
    "tpu.region"() ({
      %run_scoped3A_84 = tpu.sem_alloc : memref<!tpu.dma_semaphore, #tpu.memory_space<semaphore_mem>>
      %dma_start3A_85 = arith.constant 0 : i32
      %dma_start3A_86 = tpu.memref_slice %arg19[%add3A_73, %dma_start3A_85] : memref<10240x128xf32, #tpu.memory_space<vmem_shared>> -> memref<80x128xf32, #tpu.memory_space<vmem_shared>>
      %dma_start3A_87 = arith.constant 0 : i32
      %dma_start3A_88 = tpu.memref_slice %arg19[%add3A_73, %dma_start3A_87] : memref<10240x128xf32, #tpu.memory_space<vmem_shared>> -> memref<80x128xf32, #tpu.memory_space<vmem_shared>>
      tpu.enqueue_dma source(%dma_start3A_88 : memref<80x128xf32, #tpu.memory_space<vmem_shared>>) target(%arg15 : memref<80x128xf32, #tpu.memory_space<vmem>>) target_semaphore(%run_scoped3A_84 : memref<!tpu.dma_semaphore, #tpu.memory_space<semaphore_mem>>)
      %dma_wait3A_89 = arith.constant 0 : i32
      %dma_wait3A_90 = tpu.memref_slice %arg19[%add3A_73, %dma_wait3A_89] : memref<10240x128xf32, #tpu.memory_space<vmem_shared>> -> memref<80x128xf32, #tpu.memory_space<vmem_shared>>
      %dma_wait3A_91 = arith.constant 0 : i32
      %dma_wait3A_92 = tpu.memref_slice %arg19[%add3A_73, %dma_wait3A_91] : memref<10240x128xf32, #tpu.memory_space<vmem_shared>> -> memref<80x128xf32, #tpu.memory_space<vmem_shared>>
      tpu.wait_dma2 semaphore(%run_scoped3A_84 : memref<!tpu.dma_semaphore, #tpu.memory_space<semaphore_mem>>) src(%dma_wait3A_92 : memref<80x128xf32, #tpu.memory_space<vmem_shared>>) dst(%arg15 : memref<80x128xf32, #tpu.memory_space<vmem>>)
      tpu.yield
    }) : () -> ()
    "tpu.region"() ({
      %run_scoped3A_84 = tpu.sem_alloc : memref<!tpu.dma_semaphore, #tpu.memory_space<semaphore_mem>>
      %dma_start3A_85 = arith.constant 0 : i32
      %dma_start3A_86 = tpu.memref_slice %arg10[%arg0, %add3A_73, %dma_start3A_85] : memref<2x10240x128xf32, #tpu.memory_space<hbm>> -> memref<1x80x128xf32, #tpu.memory_space<hbm>>
      %dma_start3A_87 = tpu.memref_squeeze %dma_start3A_86 : memref<1x80x128xf32, #tpu.memory_space<hbm>> -> memref<80x128xf32, #tpu.memory_space<hbm>>
      %dma_start3A_88 = arith.constant 0 : i32
      %dma_start3A_89 = tpu.memref_slice %arg10[%arg0, %add3A_73, %dma_start3A_88] : memref<2x10240x128xf32, #tpu.memory_space<hbm>> -> memref<1x80x128xf32, #tpu.memory_space<hbm>>
      %dma_start3A_90 = tpu.memref_squeeze %dma_start3A_89 : memref<1x80x128xf32, #tpu.memory_space<hbm>> -> memref<80x128xf32, #tpu.memory_space<hbm>>
      tpu.enqueue_dma source(%arg15 : memref<80x128xf32, #tpu.memory_space<vmem>>) target(%dma_start3A_90 : memref<80x128xf32, #tpu.memory_space<hbm>>) target_semaphore(%run_scoped3A_84 : memref<!tpu.dma_semaphore, #tpu.memory_space<semaphore_mem>>)
      %dma_wait3A_91 = arith.constant 0 : i32
      %dma_wait3A_92 = tpu.memref_slice %arg10[%arg0, %add3A_73, %dma_wait3A_91] : memref<2x10240x128xf32, #tpu.memory_space<hbm>> -> memref<1x80x128xf32, #tpu.memory_space<hbm>>
      %dma_wait3A_93 = tpu.memref_squeeze %dma_wait3A_92 : memref<1x80x128xf32, #tpu.memory_space<hbm>> -> memref<80x128xf32, #tpu.memory_space<hbm>>
      %dma_wait3A_94 = arith.constant 0 : i32
      %dma_wait3A_95 = tpu.memref_slice %arg10[%arg0, %add3A_73, %dma_wait3A_94] : memref<2x10240x128xf32, #tpu.memory_space<hbm>> -> memref<1x80x128xf32, #tpu.memory_space<hbm>>
      %dma_wait3A_96 = tpu.memref_squeeze %dma_wait3A_95 : memref<1x80x128xf32, #tpu.memory_space<hbm>> -> memref<80x128xf32, #tpu.memory_space<hbm>>
      tpu.wait_dma2 semaphore(%run_scoped3A_84 : memref<!tpu.dma_semaphore, #tpu.memory_space<semaphore_mem>>) src(%arg15 : memref<80x128xf32, #tpu.memory_space<vmem>>) dst(%dma_wait3A_96 : memref<80x128xf32, #tpu.memory_space<hbm>>)
      tpu.yield
    }) : () -> ()
    %add3A_74 = arith.constant 240 : i32
    %add3A_75 = arith.addi %multiple_of3A, %add3A_74 : i32
    "tpu.region"() ({
      %run_scoped3A_84 = tpu.sem_alloc : memref<!tpu.dma_semaphore, #tpu.memory_space<semaphore_mem>>
      %dma_start3A_85 = arith.constant 0 : i32
      %dma_start3A_86 = tpu.memref_slice %arg19[%add3A_75, %dma_start3A_85] : memref<10240x128xf32, #tpu.memory_space<vmem_shared>> -> memref<80x128xf32, #tpu.memory_space<vmem_shared>>
      %dma_start3A_87 = arith.constant 0 : i32
      %dma_start3A_88 = tpu.memref_slice %arg19[%add3A_75, %dma_start3A_87] : memref<10240x128xf32, #tpu.memory_space<vmem_shared>> -> memref<80x128xf32, #tpu.memory_space<vmem_shared>>
      tpu.enqueue_dma source(%dma_start3A_88 : memref<80x128xf32, #tpu.memory_space<vmem_shared>>) target(%arg15 : memref<80x128xf32, #tpu.memory_space<vmem>>) target_semaphore(%run_scoped3A_84 : memref<!tpu.dma_semaphore, #tpu.memory_space<semaphore_mem>>)
      %dma_wait3A_89 = arith.constant 0 : i32
      %dma_wait3A_90 = tpu.memref_slice %arg19[%add3A_75, %dma_wait3A_89] : memref<10240x128xf32, #tpu.memory_space<vmem_shared>> -> memref<80x128xf32, #tpu.memory_space<vmem_shared>>
      %dma_wait3A_91 = arith.constant 0 : i32
      %dma_wait3A_92 = tpu.memref_slice %arg19[%add3A_75, %dma_wait3A_91] : memref<10240x128xf32, #tpu.memory_space<vmem_shared>> -> memref<80x128xf32, #tpu.memory_space<vmem_shared>>
      tpu.wait_dma2 semaphore(%run_scoped3A_84 : memref<!tpu.dma_semaphore, #tpu.memory_space<semaphore_mem>>) src(%dma_wait3A_92 : memref<80x128xf32, #tpu.memory_space<vmem_shared>>) dst(%arg15 : memref<80x128xf32, #tpu.memory_space<vmem>>)
      tpu.yield
    }) : () -> ()
    "tpu.region"() ({
      %run_scoped3A_84 = tpu.sem_alloc : memref<!tpu.dma_semaphore, #tpu.memory_space<semaphore_mem>>
      %dma_start3A_85 = arith.constant 0 : i32
      %dma_start3A_86 = tpu.memref_slice %arg10[%arg0, %add3A_75, %dma_start3A_85] : memref<2x10240x128xf32, #tpu.memory_space<hbm>> -> memref<1x80x128xf32, #tpu.memory_space<hbm>>
      %dma_start3A_87 = tpu.memref_squeeze %dma_start3A_86 : memref<1x80x128xf32, #tpu.memory_space<hbm>> -> memref<80x128xf32, #tpu.memory_space<hbm>>
      %dma_start3A_88 = arith.constant 0 : i32
      %dma_start3A_89 = tpu.memref_slice %arg10[%arg0, %add3A_75, %dma_start3A_88] : memref<2x10240x128xf32, #tpu.memory_space<hbm>> -> memref<1x80x128xf32, #tpu.memory_space<hbm>>
      %dma_start3A_90 = tpu.memref_squeeze %dma_start3A_89 : memref<1x80x128xf32, #tpu.memory_space<hbm>> -> memref<80x128xf32, #tpu.memory_space<hbm>>
      tpu.enqueue_dma source(%arg15 : memref<80x128xf32, #tpu.memory_space<vmem>>) target(%dma_start3A_90 : memref<80x128xf32, #tpu.memory_space<hbm>>) target_semaphore(%run_scoped3A_84 : memref<!tpu.dma_semaphore, #tpu.memory_space<semaphore_mem>>)
      %dma_wait3A_91 = arith.constant 0 : i32
      %dma_wait3A_92 = tpu.memref_slice %arg10[%arg0, %add3A_75, %dma_wait3A_91] : memref<2x10240x128xf32, #tpu.memory_space<hbm>> -> memref<1x80x128xf32, #tpu.memory_space<hbm>>
      %dma_wait3A_93 = tpu.memref_squeeze %dma_wait3A_92 : memref<1x80x128xf32, #tpu.memory_space<hbm>> -> memref<80x128xf32, #tpu.memory_space<hbm>>
      %dma_wait3A_94 = arith.constant 0 : i32
      %dma_wait3A_95 = tpu.memref_slice %arg10[%arg0, %add3A_75, %dma_wait3A_94] : memref<2x10240x128xf32, #tpu.memory_space<hbm>> -> memref<1x80x128xf32, #tpu.memory_space<hbm>>
      %dma_wait3A_96 = tpu.memref_squeeze %dma_wait3A_95 : memref<1x80x128xf32, #tpu.memory_space<hbm>> -> memref<80x128xf32, #tpu.memory_space<hbm>>
      tpu.wait_dma2 semaphore(%run_scoped3A_84 : memref<!tpu.dma_semaphore, #tpu.memory_space<semaphore_mem>>) src(%arg15 : memref<80x128xf32, #tpu.memory_space<vmem>>) dst(%dma_wait3A_96 : memref<80x128xf32, #tpu.memory_space<hbm>>)
      tpu.yield
    }) : () -> ()
    %add3A_76 = arith.constant 320 : i32
    %add3A_77 = arith.addi %multiple_of3A, %add3A_76 : i32
    "tpu.region"() ({
      %run_scoped3A_84 = tpu.sem_alloc : memref<!tpu.dma_semaphore, #tpu.memory_space<semaphore_mem>>
      %dma_start3A_85 = arith.constant 0 : i32
      %dma_start3A_86 = tpu.memref_slice %arg19[%add3A_77, %dma_start3A_85] : memref<10240x128xf32, #tpu.memory_space<vmem_shared>> -> memref<80x128xf32, #tpu.memory_space<vmem_shared>>
      %dma_start3A_87 = arith.constant 0 : i32
      %dma_start3A_88 = tpu.memref_slice %arg19[%add3A_77, %dma_start3A_87] : memref<10240x128xf32, #tpu.memory_space<vmem_shared>> -> memref<80x128xf32, #tpu.memory_space<vmem_shared>>
      tpu.enqueue_dma source(%dma_start3A_88 : memref<80x128xf32, #tpu.memory_space<vmem_shared>>) target(%arg15 : memref<80x128xf32, #tpu.memory_space<vmem>>) target_semaphore(%run_scoped3A_84 : memref<!tpu.dma_semaphore, #tpu.memory_space<semaphore_mem>>)
      %dma_wait3A_89 = arith.constant 0 : i32
      %dma_wait3A_90 = tpu.memref_slice %arg19[%add3A_77, %dma_wait3A_89] : memref<10240x128xf32, #tpu.memory_space<vmem_shared>> -> memref<80x128xf32, #tpu.memory_space<vmem_shared>>
      %dma_wait3A_91 = arith.constant 0 : i32
      %dma_wait3A_92 = tpu.memref_slice %arg19[%add3A_77, %dma_wait3A_91] : memref<10240x128xf32, #tpu.memory_space<vmem_shared>> -> memref<80x128xf32, #tpu.memory_space<vmem_shared>>
      tpu.wait_dma2 semaphore(%run_scoped3A_84 : memref<!tpu.dma_semaphore, #tpu.memory_space<semaphore_mem>>) src(%dma_wait3A_92 : memref<80x128xf32, #tpu.memory_space<vmem_shared>>) dst(%arg15 : memref<80x128xf32, #tpu.memory_space<vmem>>)
      tpu.yield
    }) : () -> ()
    "tpu.region"() ({
      %run_scoped3A_84 = tpu.sem_alloc : memref<!tpu.dma_semaphore, #tpu.memory_space<semaphore_mem>>
      %dma_start3A_85 = arith.constant 0 : i32
      %dma_start3A_86 = tpu.memref_slice %arg10[%arg0, %add3A_77, %dma_start3A_85] : memref<2x10240x128xf32, #tpu.memory_space<hbm>> -> memref<1x80x128xf32, #tpu.memory_space<hbm>>
      %dma_start3A_87 = tpu.memref_squeeze %dma_start3A_86 : memref<1x80x128xf32, #tpu.memory_space<hbm>> -> memref<80x128xf32, #tpu.memory_space<hbm>>
      %dma_start3A_88 = arith.constant 0 : i32
      %dma_start3A_89 = tpu.memref_slice %arg10[%arg0, %add3A_77, %dma_start3A_88] : memref<2x10240x128xf32, #tpu.memory_space<hbm>> -> memref<1x80x128xf32, #tpu.memory_space<hbm>>
      %dma_start3A_90 = tpu.memref_squeeze %dma_start3A_89 : memref<1x80x128xf32, #tpu.memory_space<hbm>> -> memref<80x128xf32, #tpu.memory_space<hbm>>
      tpu.enqueue_dma source(%arg15 : memref<80x128xf32, #tpu.memory_space<vmem>>) target(%dma_start3A_90 : memref<80x128xf32, #tpu.memory_space<hbm>>) target_semaphore(%run_scoped3A_84 : memref<!tpu.dma_semaphore, #tpu.memory_space<semaphore_mem>>)
      %dma_wait3A_91 = arith.constant 0 : i32
      %dma_wait3A_92 = tpu.memref_slice %arg10[%arg0, %add3A_77, %dma_wait3A_91] : memref<2x10240x128xf32, #tpu.memory_space<hbm>> -> memref<1x80x128xf32, #tpu.memory_space<hbm>>
      %dma_wait3A_93 = tpu.memref_squeeze %dma_wait3A_92 : memref<1x80x128xf32, #tpu.memory_space<hbm>> -> memref<80x128xf32, #tpu.memory_space<hbm>>
      %dma_wait3A_94 = arith.constant 0 : i32
      %dma_wait3A_95 = tpu.memref_slice %arg10[%arg0, %add3A_77, %dma_wait3A_94] : memref<2x10240x128xf32, #tpu.memory_space<hbm>> -> memref<1x80x128xf32, #tpu.memory_space<hbm>>
      %dma_wait3A_96 = tpu.memref_squeeze %dma_wait3A_95 : memref<1x80x128xf32, #tpu.memory_space<hbm>> -> memref<80x128xf32, #tpu.memory_space<hbm>>
      tpu.wait_dma2 semaphore(%run_scoped3A_84 : memref<!tpu.dma_semaphore, #tpu.memory_space<semaphore_mem>>) src(%arg15 : memref<80x128xf32, #tpu.memory_space<vmem>>) dst(%dma_wait3A_96 : memref<80x128xf32, #tpu.memory_space<hbm>>)
      tpu.yield
    }) : () -> ()
    %add3A_78 = arith.constant 400 : i32
    %add3A_79 = arith.addi %multiple_of3A, %add3A_78 : i32
    "tpu.region"() ({
      %run_scoped3A_84 = tpu.sem_alloc : memref<!tpu.dma_semaphore, #tpu.memory_space<semaphore_mem>>
      %dma_start3A_85 = arith.constant 0 : i32
      %dma_start3A_86 = tpu.memref_slice %arg19[%add3A_79, %dma_start3A_85] : memref<10240x128xf32, #tpu.memory_space<vmem_shared>> -> memref<80x128xf32, #tpu.memory_space<vmem_shared>>
      %dma_start3A_87 = arith.constant 0 : i32
      %dma_start3A_88 = tpu.memref_slice %arg19[%add3A_79, %dma_start3A_87] : memref<10240x128xf32, #tpu.memory_space<vmem_shared>> -> memref<80x128xf32, #tpu.memory_space<vmem_shared>>
      tpu.enqueue_dma source(%dma_start3A_88 : memref<80x128xf32, #tpu.memory_space<vmem_shared>>) target(%arg15 : memref<80x128xf32, #tpu.memory_space<vmem>>) target_semaphore(%run_scoped3A_84 : memref<!tpu.dma_semaphore, #tpu.memory_space<semaphore_mem>>)
      %dma_wait3A_89 = arith.constant 0 : i32
      %dma_wait3A_90 = tpu.memref_slice %arg19[%add3A_79, %dma_wait3A_89] : memref<10240x128xf32, #tpu.memory_space<vmem_shared>> -> memref<80x128xf32, #tpu.memory_space<vmem_shared>>
      %dma_wait3A_91 = arith.constant 0 : i32
      %dma_wait3A_92 = tpu.memref_slice %arg19[%add3A_79, %dma_wait3A_91] : memref<10240x128xf32, #tpu.memory_space<vmem_shared>> -> memref<80x128xf32, #tpu.memory_space<vmem_shared>>
      tpu.wait_dma2 semaphore(%run_scoped3A_84 : memref<!tpu.dma_semaphore, #tpu.memory_space<semaphore_mem>>) src(%dma_wait3A_92 : memref<80x128xf32, #tpu.memory_space<vmem_shared>>) dst(%arg15 : memref<80x128xf32, #tpu.memory_space<vmem>>)
      tpu.yield
    }) : () -> ()
    "tpu.region"() ({
      %run_scoped3A_84 = tpu.sem_alloc : memref<!tpu.dma_semaphore, #tpu.memory_space<semaphore_mem>>
      %dma_start3A_85 = arith.constant 0 : i32
      %dma_start3A_86 = tpu.memref_slice %arg10[%arg0, %add3A_79, %dma_start3A_85] : memref<2x10240x128xf32, #tpu.memory_space<hbm>> -> memref<1x80x128xf32, #tpu.memory_space<hbm>>
      %dma_start3A_87 = tpu.memref_squeeze %dma_start3A_86 : memref<1x80x128xf32, #tpu.memory_space<hbm>> -> memref<80x128xf32, #tpu.memory_space<hbm>>
      %dma_start3A_88 = arith.constant 0 : i32
      %dma_start3A_89 = tpu.memref_slice %arg10[%arg0, %add3A_79, %dma_start3A_88] : memref<2x10240x128xf32, #tpu.memory_space<hbm>> -> memref<1x80x128xf32, #tpu.memory_space<hbm>>
      %dma_start3A_90 = tpu.memref_squeeze %dma_start3A_89 : memref<1x80x128xf32, #tpu.memory_space<hbm>> -> memref<80x128xf32, #tpu.memory_space<hbm>>
      tpu.enqueue_dma source(%arg15 : memref<80x128xf32, #tpu.memory_space<vmem>>) target(%dma_start3A_90 : memref<80x128xf32, #tpu.memory_space<hbm>>) target_semaphore(%run_scoped3A_84 : memref<!tpu.dma_semaphore, #tpu.memory_space<semaphore_mem>>)
      %dma_wait3A_91 = arith.constant 0 : i32
      %dma_wait3A_92 = tpu.memref_slice %arg10[%arg0, %add3A_79, %dma_wait3A_91] : memref<2x10240x128xf32, #tpu.memory_space<hbm>> -> memref<1x80x128xf32, #tpu.memory_space<hbm>>
      %dma_wait3A_93 = tpu.memref_squeeze %dma_wait3A_92 : memref<1x80x128xf32, #tpu.memory_space<hbm>> -> memref<80x128xf32, #tpu.memory_space<hbm>>
      %dma_wait3A_94 = arith.constant 0 : i32
      %dma_wait3A_95 = tpu.memref_slice %arg10[%arg0, %add3A_79, %dma_wait3A_94] : memref<2x10240x128xf32, #tpu.memory_space<hbm>> -> memref<1x80x128xf32, #tpu.memory_space<hbm>>
      %dma_wait3A_96 = tpu.memref_squeeze %dma_wait3A_95 : memref<1x80x128xf32, #tpu.memory_space<hbm>> -> memref<80x128xf32, #tpu.memory_space<hbm>>
      tpu.wait_dma2 semaphore(%run_scoped3A_84 : memref<!tpu.dma_semaphore, #tpu.memory_space<semaphore_mem>>) src(%arg15 : memref<80x128xf32, #tpu.memory_space<vmem>>) dst(%dma_wait3A_96 : memref<80x128xf32, #tpu.memory_space<hbm>>)
      tpu.yield
    }) : () -> ()
    %add3A_80 = arith.constant 480 : i32
    %add3A_81 = arith.addi %multiple_of3A, %add3A_80 : i32
    "tpu.region"() ({
      %run_scoped3A_84 = tpu.sem_alloc : memref<!tpu.dma_semaphore, #tpu.memory_space<semaphore_mem>>
      %dma_start3A_85 = arith.constant 0 : i32
      %dma_start3A_86 = tpu.memref_slice %arg19[%add3A_81, %dma_start3A_85] : memref<10240x128xf32, #tpu.memory_space<vmem_shared>> -> memref<80x128xf32, #tpu.memory_space<vmem_shared>>
      %dma_start3A_87 = arith.constant 0 : i32
      %dma_start3A_88 = tpu.memref_slice %arg19[%add3A_81, %dma_start3A_87] : memref<10240x128xf32, #tpu.memory_space<vmem_shared>> -> memref<80x128xf32, #tpu.memory_space<vmem_shared>>
      tpu.enqueue_dma source(%dma_start3A_88 : memref<80x128xf32, #tpu.memory_space<vmem_shared>>) target(%arg15 : memref<80x128xf32, #tpu.memory_space<vmem>>) target_semaphore(%run_scoped3A_84 : memref<!tpu.dma_semaphore, #tpu.memory_space<semaphore_mem>>)
      %dma_wait3A_89 = arith.constant 0 : i32
      %dma_wait3A_90 = tpu.memref_slice %arg19[%add3A_81, %dma_wait3A_89] : memref<10240x128xf32, #tpu.memory_space<vmem_shared>> -> memref<80x128xf32, #tpu.memory_space<vmem_shared>>
      %dma_wait3A_91 = arith.constant 0 : i32
      %dma_wait3A_92 = tpu.memref_slice %arg19[%add3A_81, %dma_wait3A_91] : memref<10240x128xf32, #tpu.memory_space<vmem_shared>> -> memref<80x128xf32, #tpu.memory_space<vmem_shared>>
      tpu.wait_dma2 semaphore(%run_scoped3A_84 : memref<!tpu.dma_semaphore, #tpu.memory_space<semaphore_mem>>) src(%dma_wait3A_92 : memref<80x128xf32, #tpu.memory_space<vmem_shared>>) dst(%arg15 : memref<80x128xf32, #tpu.memory_space<vmem>>)
      tpu.yield
    }) : () -> ()
    "tpu.region"() ({
      %run_scoped3A_84 = tpu.sem_alloc : memref<!tpu.dma_semaphore, #tpu.memory_space<semaphore_mem>>
      %dma_start3A_85 = arith.constant 0 : i32
      %dma_start3A_86 = tpu.memref_slice %arg10[%arg0, %add3A_81, %dma_start3A_85] : memref<2x10240x128xf32, #tpu.memory_space<hbm>> -> memref<1x80x128xf32, #tpu.memory_space<hbm>>
      %dma_start3A_87 = tpu.memref_squeeze %dma_start3A_86 : memref<1x80x128xf32, #tpu.memory_space<hbm>> -> memref<80x128xf32, #tpu.memory_space<hbm>>
      %dma_start3A_88 = arith.constant 0 : i32
      %dma_start3A_89 = tpu.memref_slice %arg10[%arg0, %add3A_81, %dma_start3A_88] : memref<2x10240x128xf32, #tpu.memory_space<hbm>> -> memref<1x80x128xf32, #tpu.memory_space<hbm>>
      %dma_start3A_90 = tpu.memref_squeeze %dma_start3A_89 : memref<1x80x128xf32, #tpu.memory_space<hbm>> -> memref<80x128xf32, #tpu.memory_space<hbm>>
      tpu.enqueue_dma source(%arg15 : memref<80x128xf32, #tpu.memory_space<vmem>>) target(%dma_start3A_90 : memref<80x128xf32, #tpu.memory_space<hbm>>) target_semaphore(%run_scoped3A_84 : memref<!tpu.dma_semaphore, #tpu.memory_space<semaphore_mem>>)
      %dma_wait3A_91 = arith.constant 0 : i32
      %dma_wait3A_92 = tpu.memref_slice %arg10[%arg0, %add3A_81, %dma_wait3A_91] : memref<2x10240x128xf32, #tpu.memory_space<hbm>> -> memref<1x80x128xf32, #tpu.memory_space<hbm>>
      %dma_wait3A_93 = tpu.memref_squeeze %dma_wait3A_92 : memref<1x80x128xf32, #tpu.memory_space<hbm>> -> memref<80x128xf32, #tpu.memory_space<hbm>>
      %dma_wait3A_94 = arith.constant 0 : i32
      %dma_wait3A_95 = tpu.memref_slice %arg10[%arg0, %add3A_81, %dma_wait3A_94] : memref<2x10240x128xf32, #tpu.memory_space<hbm>> -> memref<1x80x128xf32, #tpu.memory_space<hbm>>
      %dma_wait3A_96 = tpu.memref_squeeze %dma_wait3A_95 : memref<1x80x128xf32, #tpu.memory_space<hbm>> -> memref<80x128xf32, #tpu.memory_space<hbm>>
      tpu.wait_dma2 semaphore(%run_scoped3A_84 : memref<!tpu.dma_semaphore, #tpu.memory_space<semaphore_mem>>) src(%arg15 : memref<80x128xf32, #tpu.memory_space<vmem>>) dst(%dma_wait3A_96 : memref<80x128xf32, #tpu.memory_space<hbm>>)
      tpu.yield
    }) : () -> ()
    %add3A_82 = arith.constant 560 : i32
    %add3A_83 = arith.addi %multiple_of3A, %add3A_82 : i32
    "tpu.region"() ({
      %run_scoped3A_84 = tpu.sem_alloc : memref<!tpu.dma_semaphore, #tpu.memory_space<semaphore_mem>>
      %dma_start3A_85 = arith.constant 0 : i32
      %dma_start3A_86 = tpu.memref_slice %arg19[%add3A_83, %dma_start3A_85] : memref<10240x128xf32, #tpu.memory_space<vmem_shared>> -> memref<80x128xf32, #tpu.memory_space<vmem_shared>>
      %dma_start3A_87 = arith.constant 0 : i32
      %dma_start3A_88 = tpu.memref_slice %arg19[%add3A_83, %dma_start3A_87] : memref<10240x128xf32, #tpu.memory_space<vmem_shared>> -> memref<80x128xf32, #tpu.memory_space<vmem_shared>>
      tpu.enqueue_dma source(%dma_start3A_88 : memref<80x128xf32, #tpu.memory_space<vmem_shared>>) target(%arg15 : memref<80x128xf32, #tpu.memory_space<vmem>>) target_semaphore(%run_scoped3A_84 : memref<!tpu.dma_semaphore, #tpu.memory_space<semaphore_mem>>)
      %dma_wait3A_89 = arith.constant 0 : i32
      %dma_wait3A_90 = tpu.memref_slice %arg19[%add3A_83, %dma_wait3A_89] : memref<10240x128xf32, #tpu.memory_space<vmem_shared>> -> memref<80x128xf32, #tpu.memory_space<vmem_shared>>
      %dma_wait3A_91 = arith.constant 0 : i32
      %dma_wait3A_92 = tpu.memref_slice %arg19[%add3A_83, %dma_wait3A_91] : memref<10240x128xf32, #tpu.memory_space<vmem_shared>> -> memref<80x128xf32, #tpu.memory_space<vmem_shared>>
      tpu.wait_dma2 semaphore(%run_scoped3A_84 : memref<!tpu.dma_semaphore, #tpu.memory_space<semaphore_mem>>) src(%dma_wait3A_92 : memref<80x128xf32, #tpu.memory_space<vmem_shared>>) dst(%arg15 : memref<80x128xf32, #tpu.memory_space<vmem>>)
      tpu.yield
    }) : () -> ()
    "tpu.region"() ({
      %run_scoped3A_84 = tpu.sem_alloc : memref<!tpu.dma_semaphore, #tpu.memory_space<semaphore_mem>>
      %dma_start3A_85 = arith.constant 0 : i32
      %dma_start3A_86 = tpu.memref_slice %arg10[%arg0, %add3A_83, %dma_start3A_85] : memref<2x10240x128xf32, #tpu.memory_space<hbm>> -> memref<1x80x128xf32, #tpu.memory_space<hbm>>
      %dma_start3A_87 = tpu.memref_squeeze %dma_start3A_86 : memref<1x80x128xf32, #tpu.memory_space<hbm>> -> memref<80x128xf32, #tpu.memory_space<hbm>>
      %dma_start3A_88 = arith.constant 0 : i32
      %dma_start3A_89 = tpu.memref_slice %arg10[%arg0, %add3A_83, %dma_start3A_88] : memref<2x10240x128xf32, #tpu.memory_space<hbm>> -> memref<1x80x128xf32, #tpu.memory_space<hbm>>
      %dma_start3A_90 = tpu.memref_squeeze %dma_start3A_89 : memref<1x80x128xf32, #tpu.memory_space<hbm>> -> memref<80x128xf32, #tpu.memory_space<hbm>>
      tpu.enqueue_dma source(%arg15 : memref<80x128xf32, #tpu.memory_space<vmem>>) target(%dma_start3A_90 : memref<80x128xf32, #tpu.memory_space<hbm>>) target_semaphore(%run_scoped3A_84 : memref<!tpu.dma_semaphore, #tpu.memory_space<semaphore_mem>>)
      %dma_wait3A_91 = arith.constant 0 : i32
      %dma_wait3A_92 = tpu.memref_slice %arg10[%arg0, %add3A_83, %dma_wait3A_91] : memref<2x10240x128xf32, #tpu.memory_space<hbm>> -> memref<1x80x128xf32, #tpu.memory_space<hbm>>
      %dma_wait3A_93 = tpu.memref_squeeze %dma_wait3A_92 : memref<1x80x128xf32, #tpu.memory_space<hbm>> -> memref<80x128xf32, #tpu.memory_space<hbm>>
      %dma_wait3A_94 = arith.constant 0 : i32
      %dma_wait3A_95 = tpu.memref_slice %arg10[%arg0, %add3A_83, %dma_wait3A_94] : memref<2x10240x128xf32, #tpu.memory_space<hbm>> -> memref<1x80x128xf32, #tpu.memory_space<hbm>>
      %dma_wait3A_96 = tpu.memref_squeeze %dma_wait3A_95 : memref<1x80x128xf32, #tpu.memory_space<hbm>> -> memref<80x128xf32, #tpu.memory_space<hbm>>
      tpu.wait_dma2 semaphore(%run_scoped3A_84 : memref<!tpu.dma_semaphore, #tpu.memory_space<semaphore_mem>>) src(%arg15 : memref<80x128xf32, #tpu.memory_space<vmem>>) dst(%dma_wait3A_96 : memref<80x128xf32, #tpu.memory_space<hbm>>)
      tpu.yield
    }) : () -> ()
    "tpu.region"() ({
      %run_scoped3A_84 = tpu.sem_alloc : memref<!tpu.dma_semaphore, #tpu.memory_space<semaphore_mem>>
      %dma_start3A_85 = arith.constant 0 : i32
      %dma_start3A_86 = arith.constant 0 : i32
      %dma_start3A_87 = tpu.memref_slice %arg17[%dma_start3A_85, %dma_start3A_86] : memref<80x128xf32, #tpu.memory_space<vmem>> -> memref<40x128xf32, #tpu.memory_space<vmem>>
      %dma_start3A_88 = arith.constant 0 : i32
      %dma_start3A_89 = tpu.memref_slice %arg20[%multiple_of3A_5, %dma_start3A_88] : memref<640x128xf32, #tpu.memory_space<vmem_shared>> -> memref<40x128xf32, #tpu.memory_space<vmem_shared>>
      %dma_start3A_90 = arith.constant 0 : i32
      %dma_start3A_91 = arith.constant 0 : i32
      %dma_start3A_92 = tpu.memref_slice %arg17[%dma_start3A_90, %dma_start3A_91] : memref<80x128xf32, #tpu.memory_space<vmem>> -> memref<40x128xf32, #tpu.memory_space<vmem>>
      %dma_start3A_93 = arith.constant 0 : i32
      %dma_start3A_94 = tpu.memref_slice %arg20[%multiple_of3A_5, %dma_start3A_93] : memref<640x128xf32, #tpu.memory_space<vmem_shared>> -> memref<40x128xf32, #tpu.memory_space<vmem_shared>>
      tpu.enqueue_dma source(%dma_start3A_94 : memref<40x128xf32, #tpu.memory_space<vmem_shared>>) target(%dma_start3A_92 : memref<40x128xf32, #tpu.memory_space<vmem>>) target_semaphore(%run_scoped3A_84 : memref<!tpu.dma_semaphore, #tpu.memory_space<semaphore_mem>>)
      %dma_wait3A_95 = arith.constant 0 : i32
      %dma_wait3A_96 = arith.constant 0 : i32
      %dma_wait3A_97 = tpu.memref_slice %arg17[%dma_wait3A_95, %dma_wait3A_96] : memref<80x128xf32, #tpu.memory_space<vmem>> -> memref<40x128xf32, #tpu.memory_space<vmem>>
      %dma_wait3A_98 = arith.constant 0 : i32
      %dma_wait3A_99 = tpu.memref_slice %arg20[%multiple_of3A_5, %dma_wait3A_98] : memref<640x128xf32, #tpu.memory_space<vmem_shared>> -> memref<40x128xf32, #tpu.memory_space<vmem_shared>>
      %dma_wait3A_100 = arith.constant 0 : i32
      %dma_wait3A_101 = arith.constant 0 : i32
      %dma_wait3A_102 = tpu.memref_slice %arg17[%dma_wait3A_100, %dma_wait3A_101] : memref<80x128xf32, #tpu.memory_space<vmem>> -> memref<40x128xf32, #tpu.memory_space<vmem>>
      %dma_wait3A_103 = arith.constant 0 : i32
      %dma_wait3A_104 = tpu.memref_slice %arg20[%multiple_of3A_5, %dma_wait3A_103] : memref<640x128xf32, #tpu.memory_space<vmem_shared>> -> memref<40x128xf32, #tpu.memory_space<vmem_shared>>
      tpu.wait_dma2 semaphore(%run_scoped3A_84 : memref<!tpu.dma_semaphore, #tpu.memory_space<semaphore_mem>>) src(%dma_wait3A_104 : memref<40x128xf32, #tpu.memory_space<vmem_shared>>) dst(%dma_wait3A_102 : memref<40x128xf32, #tpu.memory_space<vmem>>)
      tpu.yield
    }) : () -> ()
    "tpu.region"() ({
      %run_scoped3A_84 = tpu.sem_alloc : memref<!tpu.dma_semaphore, #tpu.memory_space<semaphore_mem>>
      %dma_start3A_85 = arith.constant 0 : i32
      %dma_start3A_86 = arith.constant 0 : i32
      %dma_start3A_87 = tpu.memref_slice %arg17[%dma_start3A_85, %dma_start3A_86] : memref<80x128xf32, #tpu.memory_space<vmem>> -> memref<40x128xf32, #tpu.memory_space<vmem>>
      %dma_start3A_88 = arith.constant 0 : i32
      %dma_start3A_89 = tpu.memref_slice %arg11[%arg0, %multiple_of3A_5, %dma_start3A_88] : memref<2x640x128xf32, #tpu.memory_space<hbm>> -> memref<1x40x128xf32, #tpu.memory_space<hbm>>
      %dma_start3A_90 = tpu.memref_squeeze %dma_start3A_89 : memref<1x40x128xf32, #tpu.memory_space<hbm>> -> memref<40x128xf32, #tpu.memory_space<hbm>>
      %dma_start3A_91 = arith.constant 0 : i32
      %dma_start3A_92 = tpu.memref_slice %arg11[%arg0, %multiple_of3A_5, %dma_start3A_91] : memref<2x640x128xf32, #tpu.memory_space<hbm>> -> memref<1x40x128xf32, #tpu.memory_space<hbm>>
      %dma_start3A_93 = tpu.memref_squeeze %dma_start3A_92 : memref<1x40x128xf32, #tpu.memory_space<hbm>> -> memref<40x128xf32, #tpu.memory_space<hbm>>
      %dma_start3A_94 = arith.constant 0 : i32
      %dma_start3A_95 = arith.constant 0 : i32
      %dma_start3A_96 = tpu.memref_slice %arg17[%dma_start3A_94, %dma_start3A_95] : memref<80x128xf32, #tpu.memory_space<vmem>> -> memref<40x128xf32, #tpu.memory_space<vmem>>
      tpu.enqueue_dma source(%dma_start3A_96 : memref<40x128xf32, #tpu.memory_space<vmem>>) target(%dma_start3A_93 : memref<40x128xf32, #tpu.memory_space<hbm>>) target_semaphore(%run_scoped3A_84 : memref<!tpu.dma_semaphore, #tpu.memory_space<semaphore_mem>>)
      %dma_wait3A_97 = arith.constant 0 : i32
      %dma_wait3A_98 = arith.constant 0 : i32
      %dma_wait3A_99 = tpu.memref_slice %arg17[%dma_wait3A_97, %dma_wait3A_98] : memref<80x128xf32, #tpu.memory_space<vmem>> -> memref<40x128xf32, #tpu.memory_space<vmem>>
      %dma_wait3A_100 = arith.constant 0 : i32
      %dma_wait3A_101 = tpu.memref_slice %arg11[%arg0, %multiple_of3A_5, %dma_wait3A_100] : memref<2x640x128xf32, #tpu.memory_space<hbm>> -> memref<1x40x128xf32, #tpu.memory_space<hbm>>
      %dma_wait3A_102 = tpu.memref_squeeze %dma_wait3A_101 : memref<1x40x128xf32, #tpu.memory_space<hbm>> -> memref<40x128xf32, #tpu.memory_space<hbm>>
      %dma_wait3A_103 = arith.constant 0 : i32
      %dma_wait3A_104 = tpu.memref_slice %arg11[%arg0, %multiple_of3A_5, %dma_wait3A_103] : memref<2x640x128xf32, #tpu.memory_space<hbm>> -> memref<1x40x128xf32, #tpu.memory_space<hbm>>
      %dma_wait3A_105 = tpu.memref_squeeze %dma_wait3A_104 : memref<1x40x128xf32, #tpu.memory_space<hbm>> -> memref<40x128xf32, #tpu.memory_space<hbm>>
      %dma_wait3A_106 = arith.constant 0 : i32
      %dma_wait3A_107 = arith.constant 0 : i32
      %dma_wait3A_108 = tpu.memref_slice %arg17[%dma_wait3A_106, %dma_wait3A_107] : memref<80x128xf32, #tpu.memory_space<vmem>> -> memref<40x128xf32, #tpu.memory_space<vmem>>
      tpu.wait_dma2 semaphore(%run_scoped3A_84 : memref<!tpu.dma_semaphore, #tpu.memory_space<semaphore_mem>>) src(%dma_wait3A_108 : memref<40x128xf32, #tpu.memory_space<vmem>>) dst(%dma_wait3A_105 : memref<40x128xf32, #tpu.memory_space<hbm>>)
      tpu.yield
    }) : () -> ()
    return
  }
}

#map = affine_map<(d0, d1) -> (0, 0)>
#map1 = affine_map<(d0, d1) -> (0)>
module attributes {stable_mosaic.version = 14 : i64} {
  func.func @_conn_sc(%arg0: i32, %arg1: i32, %arg2: memref<10000x128xf32, #tpu.memory_space<hbm>>, %arg3: memref<10000x128xf32, #tpu.memory_space<hbm>>, %arg4: memref<320000x128xf32, #tpu.memory_space<hbm>>, %arg5: memref<320000xi32, #tpu.memory_space<hbm>>, %arg6: memref<320000xi32, #tpu.memory_space<hbm>>, %arg7: memref<320000x128xf32, #tpu.memory_space<hbm>>, %arg8: memref<2x80xi32, #tpu.memory_space<vmem>>, %arg9: memref<2x80xi32, #tpu.memory_space<vmem>>, %arg10: memref<2x80x128xf32, #tpu.memory_space<vmem>>, %arg11: memref<2x80x128xf32, #tpu.memory_space<vmem>>, %arg12: memref<2x80x128xf32, #tpu.memory_space<vmem>>, %arg13: memref<!tpu.dma_semaphore, #tpu.memory_space<semaphore_mem>>, %arg14: memref<!tpu.dma_semaphore, #tpu.memory_space<semaphore_mem>>) attributes {dimension_semantics = [#tpu.dimension_semantics<core_parallel>, #tpu.dimension_semantics<subcore_parallel>], iteration_bounds = array<i64: 2, 16>, scalar_prefetch = 0 : i64, scratch_operands = 7 : i64, tpu.core_type = #tpu.core_type<sc_vector_subcore>, window_params = [{transform_indices = #map}, {transform_indices = #map}, {transform_indices = #map}, {transform_indices = #map1}, {transform_indices = #map1}, {transform_indices = #map}]} {
    %mul3A = arith.constant 2 : i32
    %mul3A_0 = arith.muli %arg1, %mul3A : i32
    %add3A = arith.addi %mul3A_0, %arg0 : i32
    %mul3A_1 = arith.constant 10000 : i32
    %mul3A_2 = arith.muli %add3A, %mul3A_1 : i32
    %add3A_3 = arith.constant 0 : i32
    %add3A_4 = arith.addi %mul3A_2, %add3A_3 : i32
    %run_scoped3A = arith.constant 0 : i32
    "tpu.region"() ({
      %run_scoped3A_98 = tpu.sem_alloc : memref<!tpu.dma_semaphore, #tpu.memory_space<semaphore_mem>>
      %dma_start3A_99 = arith.constant 0 : i32
      %dma_start3A_100 = tpu.memref_slice %arg8[%run_scoped3A, %dma_start3A_99] : memref<2x80xi32, #tpu.memory_space<vmem>> -> memref<1x80xi32, #tpu.memory_space<vmem>>
      %dma_start3A_101 = tpu.memref_squeeze %dma_start3A_100 : memref<1x80xi32, #tpu.memory_space<vmem>> -> memref<80xi32, #tpu.memory_space<vmem>>
      %dma_start3A_102 = tpu.memref_slice %arg5[%add3A_4] : memref<320000xi32, #tpu.memory_space<hbm>> -> memref<80xi32, #tpu.memory_space<hbm>>
      %dma_start3A_103 = arith.constant 0 : i32
      %dma_start3A_104 = tpu.memref_slice %arg8[%run_scoped3A, %dma_start3A_103] : memref<2x80xi32, #tpu.memory_space<vmem>> -> memref<1x80xi32, #tpu.memory_space<vmem>>
      %dma_start3A_105 = tpu.memref_squeeze %dma_start3A_104 : memref<1x80xi32, #tpu.memory_space<vmem>> -> memref<80xi32, #tpu.memory_space<vmem>>
      %dma_start3A_106 = tpu.memref_slice %arg5[%add3A_4] : memref<320000xi32, #tpu.memory_space<hbm>> -> memref<80xi32, #tpu.memory_space<hbm>>
      tpu.enqueue_dma source(%dma_start3A_106 : memref<80xi32, #tpu.memory_space<hbm>>) target(%dma_start3A_105 : memref<80xi32, #tpu.memory_space<vmem>>) target_semaphore(%run_scoped3A_98 : memref<!tpu.dma_semaphore, #tpu.memory_space<semaphore_mem>>)
      %dma_wait3A_107 = arith.constant 0 : i32
      %dma_wait3A_108 = tpu.memref_slice %arg8[%run_scoped3A, %dma_wait3A_107] : memref<2x80xi32, #tpu.memory_space<vmem>> -> memref<1x80xi32, #tpu.memory_space<vmem>>
      %dma_wait3A_109 = tpu.memref_squeeze %dma_wait3A_108 : memref<1x80xi32, #tpu.memory_space<vmem>> -> memref<80xi32, #tpu.memory_space<vmem>>
      %dma_wait3A_110 = tpu.memref_slice %arg5[%add3A_4] : memref<320000xi32, #tpu.memory_space<hbm>> -> memref<80xi32, #tpu.memory_space<hbm>>
      %dma_wait3A_111 = arith.constant 0 : i32
      %dma_wait3A_112 = tpu.memref_slice %arg8[%run_scoped3A, %dma_wait3A_111] : memref<2x80xi32, #tpu.memory_space<vmem>> -> memref<1x80xi32, #tpu.memory_space<vmem>>
      %dma_wait3A_113 = tpu.memref_squeeze %dma_wait3A_112 : memref<1x80xi32, #tpu.memory_space<vmem>> -> memref<80xi32, #tpu.memory_space<vmem>>
      %dma_wait3A_114 = tpu.memref_slice %arg5[%add3A_4] : memref<320000xi32, #tpu.memory_space<hbm>> -> memref<80xi32, #tpu.memory_space<hbm>>
      tpu.wait_dma2 semaphore(%run_scoped3A_98 : memref<!tpu.dma_semaphore, #tpu.memory_space<semaphore_mem>>) src(%dma_wait3A_114 : memref<80xi32, #tpu.memory_space<hbm>>) dst(%dma_wait3A_113 : memref<80xi32, #tpu.memory_space<vmem>>)
      tpu.yield
    }) : () -> ()
    %run_scoped3A_5 = arith.constant 0 : i32
    "tpu.region"() ({
      %run_scoped3A_98 = tpu.sem_alloc : memref<!tpu.dma_semaphore, #tpu.memory_space<semaphore_mem>>
      %dma_start3A_99 = arith.constant 0 : i32
      %dma_start3A_100 = tpu.memref_slice %arg9[%run_scoped3A_5, %dma_start3A_99] : memref<2x80xi32, #tpu.memory_space<vmem>> -> memref<1x80xi32, #tpu.memory_space<vmem>>
      %dma_start3A_101 = tpu.memref_squeeze %dma_start3A_100 : memref<1x80xi32, #tpu.memory_space<vmem>> -> memref<80xi32, #tpu.memory_space<vmem>>
      %dma_start3A_102 = tpu.memref_slice %arg6[%add3A_4] : memref<320000xi32, #tpu.memory_space<hbm>> -> memref<80xi32, #tpu.memory_space<hbm>>
      %dma_start3A_103 = arith.constant 0 : i32
      %dma_start3A_104 = tpu.memref_slice %arg9[%run_scoped3A_5, %dma_start3A_103] : memref<2x80xi32, #tpu.memory_space<vmem>> -> memref<1x80xi32, #tpu.memory_space<vmem>>
      %dma_start3A_105 = tpu.memref_squeeze %dma_start3A_104 : memref<1x80xi32, #tpu.memory_space<vmem>> -> memref<80xi32, #tpu.memory_space<vmem>>
      %dma_start3A_106 = tpu.memref_slice %arg6[%add3A_4] : memref<320000xi32, #tpu.memory_space<hbm>> -> memref<80xi32, #tpu.memory_space<hbm>>
      tpu.enqueue_dma source(%dma_start3A_106 : memref<80xi32, #tpu.memory_space<hbm>>) target(%dma_start3A_105 : memref<80xi32, #tpu.memory_space<vmem>>) target_semaphore(%run_scoped3A_98 : memref<!tpu.dma_semaphore, #tpu.memory_space<semaphore_mem>>)
      %dma_wait3A_107 = arith.constant 0 : i32
      %dma_wait3A_108 = tpu.memref_slice %arg9[%run_scoped3A_5, %dma_wait3A_107] : memref<2x80xi32, #tpu.memory_space<vmem>> -> memref<1x80xi32, #tpu.memory_space<vmem>>
      %dma_wait3A_109 = tpu.memref_squeeze %dma_wait3A_108 : memref<1x80xi32, #tpu.memory_space<vmem>> -> memref<80xi32, #tpu.memory_space<vmem>>
      %dma_wait3A_110 = tpu.memref_slice %arg6[%add3A_4] : memref<320000xi32, #tpu.memory_space<hbm>> -> memref<80xi32, #tpu.memory_space<hbm>>
      %dma_wait3A_111 = arith.constant 0 : i32
      %dma_wait3A_112 = tpu.memref_slice %arg9[%run_scoped3A_5, %dma_wait3A_111] : memref<2x80xi32, #tpu.memory_space<vmem>> -> memref<1x80xi32, #tpu.memory_space<vmem>>
      %dma_wait3A_113 = tpu.memref_squeeze %dma_wait3A_112 : memref<1x80xi32, #tpu.memory_space<vmem>> -> memref<80xi32, #tpu.memory_space<vmem>>
      %dma_wait3A_114 = tpu.memref_slice %arg6[%add3A_4] : memref<320000xi32, #tpu.memory_space<hbm>> -> memref<80xi32, #tpu.memory_space<hbm>>
      tpu.wait_dma2 semaphore(%run_scoped3A_98 : memref<!tpu.dma_semaphore, #tpu.memory_space<semaphore_mem>>) src(%dma_wait3A_114 : memref<80xi32, #tpu.memory_space<hbm>>) dst(%dma_wait3A_113 : memref<80xi32, #tpu.memory_space<vmem>>)
      tpu.yield
    }) : () -> ()
    %dma_start3A = arith.constant 0 : i32
    %dma_start3A_6 = arith.constant 0 : i32
    %dma_start3A_7 = arith.constant 0 : i32
    %dma_start3A_8 = arith.constant 0 : i32
    %dma_start3A_9 = tpu.memref_slice %arg10[%dma_start3A_6, %dma_start3A_7, %dma_start3A_8] : memref<2x80x128xf32, #tpu.memory_space<vmem>> -> memref<1x80x128xf32, #tpu.memory_space<vmem>>
    %dma_start3A_10 = tpu.memref_squeeze %dma_start3A_9 : memref<1x80x128xf32, #tpu.memory_space<vmem>> -> memref<80x128xf32, #tpu.memory_space<vmem>>
    %dma_start3A_11 = arith.constant 0 : i32
    %dma_start3A_12 = tpu.memref_slice %arg8[%dma_start3A, %dma_start3A_11] : memref<2x80xi32, #tpu.memory_space<vmem>> -> memref<1x80xi32, #tpu.memory_space<vmem>>
    %dma_start3A_13 = tpu.memref_squeeze %dma_start3A_12 : memref<1x80xi32, #tpu.memory_space<vmem>> -> memref<80xi32, #tpu.memory_space<vmem>>
    %dma_start3A_14 = arith.constant 0 : i32
    %dma_start3A_15 = arith.constant 0 : i32
    %dma_start3A_16 = tpu.memref_slice %arg2[%dma_start3A_14, %dma_start3A_15] : memref<10000x128xf32, #tpu.memory_space<hbm>> -> memref<10000x128xf32, #tpu.memory_space<hbm>>
    tpu.enqueue_indirect_dma source(%dma_start3A_16 : memref<10000x128xf32, #tpu.memory_space<hbm>>) target(%dma_start3A_10 : memref<80x128xf32, #tpu.memory_space<vmem>>) offsets(%dma_start3A_13 : memref<80xi32, #tpu.memory_space<vmem>>) semaphore(%arg13 : memref<!tpu.dma_semaphore, #tpu.memory_space<semaphore_mem>>)
    %dma_start3A_17 = arith.constant 0 : i32
    %dma_start3A_18 = arith.constant 0 : i32
    %dma_start3A_19 = arith.constant 0 : i32
    %dma_start3A_20 = arith.constant 0 : i32
    %dma_start3A_21 = tpu.memref_slice %arg11[%dma_start3A_18, %dma_start3A_19, %dma_start3A_20] : memref<2x80x128xf32, #tpu.memory_space<vmem>> -> memref<1x80x128xf32, #tpu.memory_space<vmem>>
    %dma_start3A_22 = tpu.memref_squeeze %dma_start3A_21 : memref<1x80x128xf32, #tpu.memory_space<vmem>> -> memref<80x128xf32, #tpu.memory_space<vmem>>
    %dma_start3A_23 = arith.constant 0 : i32
    %dma_start3A_24 = tpu.memref_slice %arg9[%dma_start3A_17, %dma_start3A_23] : memref<2x80xi32, #tpu.memory_space<vmem>> -> memref<1x80xi32, #tpu.memory_space<vmem>>
    %dma_start3A_25 = tpu.memref_squeeze %dma_start3A_24 : memref<1x80xi32, #tpu.memory_space<vmem>> -> memref<80xi32, #tpu.memory_space<vmem>>
    %dma_start3A_26 = arith.constant 0 : i32
    %dma_start3A_27 = arith.constant 0 : i32
    %dma_start3A_28 = tpu.memref_slice %arg3[%dma_start3A_26, %dma_start3A_27] : memref<10000x128xf32, #tpu.memory_space<hbm>> -> memref<10000x128xf32, #tpu.memory_space<hbm>>
    tpu.enqueue_indirect_dma source(%dma_start3A_28 : memref<10000x128xf32, #tpu.memory_space<hbm>>) target(%dma_start3A_22 : memref<80x128xf32, #tpu.memory_space<vmem>>) offsets(%dma_start3A_25 : memref<80xi32, #tpu.memory_space<vmem>>) semaphore(%arg13 : memref<!tpu.dma_semaphore, #tpu.memory_space<semaphore_mem>>)
    %dma_start3A_29 = arith.constant 0 : i32
    %dma_start3A_30 = arith.constant 0 : i32
    %dma_start3A_31 = arith.constant 0 : i32
    %dma_start3A_32 = tpu.memref_slice %arg12[%dma_start3A_29, %dma_start3A_30, %dma_start3A_31] : memref<2x80x128xf32, #tpu.memory_space<vmem>> -> memref<1x80x128xf32, #tpu.memory_space<vmem>>
    %dma_start3A_33 = tpu.memref_squeeze %dma_start3A_32 : memref<1x80x128xf32, #tpu.memory_space<vmem>> -> memref<80x128xf32, #tpu.memory_space<vmem>>
    %dma_start3A_34 = arith.constant 0 : i32
    %dma_start3A_35 = tpu.memref_slice %arg4[%add3A_4, %dma_start3A_34] : memref<320000x128xf32, #tpu.memory_space<hbm>> -> memref<80x128xf32, #tpu.memory_space<hbm>>
    %dma_start3A_36 = arith.constant 0 : i32
    %dma_start3A_37 = arith.constant 0 : i32
    %dma_start3A_38 = tpu.memref_slice %arg12[%dma_start3A_29, %dma_start3A_36, %dma_start3A_37] : memref<2x80x128xf32, #tpu.memory_space<vmem>> -> memref<1x80x128xf32, #tpu.memory_space<vmem>>
    %dma_start3A_39 = tpu.memref_squeeze %dma_start3A_38 : memref<1x80x128xf32, #tpu.memory_space<vmem>> -> memref<80x128xf32, #tpu.memory_space<vmem>>
    %dma_start3A_40 = arith.constant 0 : i32
    %dma_start3A_41 = tpu.memref_slice %arg4[%add3A_4, %dma_start3A_40] : memref<320000x128xf32, #tpu.memory_space<hbm>> -> memref<80x128xf32, #tpu.memory_space<hbm>>
    tpu.enqueue_dma source(%dma_start3A_41 : memref<80x128xf32, #tpu.memory_space<hbm>>) target(%dma_start3A_39 : memref<80x128xf32, #tpu.memory_space<vmem>>) target_semaphore(%arg13 : memref<!tpu.dma_semaphore, #tpu.memory_space<semaphore_mem>>)
    %scan3A = arith.constant 0 : i32
    %scan3A_42 = arith.constant 0 : i32
    %scan3A_43 = arith.constant 62 : i32
    %scan3A_44 = arith.addi %scan3A_42, %scan3A_43 : i32
    %scan3A_45 = arith.constant 1 : i32
    %scan3A_46 = scf.for %scan3A_98 = %scan3A_42 to %scan3A_44 step %scan3A_45 iter_args(%scan3A_99 = %scan3A) -> (i32)  : i32 {
      %mul3A_100 = arith.constant 2 : i32
      %mul3A_101 = arith.muli %mul3A_100, %scan3A_98 : i32
      %add3A_102 = arith.constant 1 : i32
      %add3A_103 = arith.addi %mul3A_101, %add3A_102 : i32
      %mul3A_104 = arith.constant 10000 : i32
      %mul3A_105 = arith.muli %add3A, %mul3A_104 : i32
      %mul3A_106 = arith.constant 80 : i32
      %mul3A_107 = arith.muli %add3A_103, %mul3A_106 : i32
      %add3A_108 = arith.addi %mul3A_105, %mul3A_107 : i32
      %run_scoped3A_109 = arith.constant 1 : i32
      "tpu.region"() ({
        %run_scoped3A_307 = tpu.sem_alloc : memref<!tpu.dma_semaphore, #tpu.memory_space<semaphore_mem>>
        %dma_start3A_308 = arith.constant 0 : i32
        %dma_start3A_309 = tpu.memref_slice %arg8[%run_scoped3A_109, %dma_start3A_308] : memref<2x80xi32, #tpu.memory_space<vmem>> -> memref<1x80xi32, #tpu.memory_space<vmem>>
        %dma_start3A_310 = tpu.memref_squeeze %dma_start3A_309 : memref<1x80xi32, #tpu.memory_space<vmem>> -> memref<80xi32, #tpu.memory_space<vmem>>
        %dma_start3A_311 = tpu.memref_slice %arg5[%add3A_108] : memref<320000xi32, #tpu.memory_space<hbm>> -> memref<80xi32, #tpu.memory_space<hbm>>
        %dma_start3A_312 = arith.constant 0 : i32
        %dma_start3A_313 = tpu.memref_slice %arg8[%run_scoped3A_109, %dma_start3A_312] : memref<2x80xi32, #tpu.memory_space<vmem>> -> memref<1x80xi32, #tpu.memory_space<vmem>>
        %dma_start3A_314 = tpu.memref_squeeze %dma_start3A_313 : memref<1x80xi32, #tpu.memory_space<vmem>> -> memref<80xi32, #tpu.memory_space<vmem>>
        %dma_start3A_315 = tpu.memref_slice %arg5[%add3A_108] : memref<320000xi32, #tpu.memory_space<hbm>> -> memref<80xi32, #tpu.memory_space<hbm>>
        tpu.enqueue_dma source(%dma_start3A_315 : memref<80xi32, #tpu.memory_space<hbm>>) target(%dma_start3A_314 : memref<80xi32, #tpu.memory_space<vmem>>) target_semaphore(%run_scoped3A_307 : memref<!tpu.dma_semaphore, #tpu.memory_space<semaphore_mem>>)
        %dma_wait3A_316 = arith.constant 0 : i32
        %dma_wait3A_317 = tpu.memref_slice %arg8[%run_scoped3A_109, %dma_wait3A_316] : memref<2x80xi32, #tpu.memory_space<vmem>> -> memref<1x80xi32, #tpu.memory_space<vmem>>
        %dma_wait3A_318 = tpu.memref_squeeze %dma_wait3A_317 : memref<1x80xi32, #tpu.memory_space<vmem>> -> memref<80xi32, #tpu.memory_space<vmem>>
        %dma_wait3A_319 = tpu.memref_slice %arg5[%add3A_108] : memref<320000xi32, #tpu.memory_space<hbm>> -> memref<80xi32, #tpu.memory_space<hbm>>
        %dma_wait3A_320 = arith.constant 0 : i32
        %dma_wait3A_321 = tpu.memref_slice %arg8[%run_scoped3A_109, %dma_wait3A_320] : memref<2x80xi32, #tpu.memory_space<vmem>> -> memref<1x80xi32, #tpu.memory_space<vmem>>
        %dma_wait3A_322 = tpu.memref_squeeze %dma_wait3A_321 : memref<1x80xi32, #tpu.memory_space<vmem>> -> memref<80xi32, #tpu.memory_space<vmem>>
        %dma_wait3A_323 = tpu.memref_slice %arg5[%add3A_108] : memref<320000xi32, #tpu.memory_space<hbm>> -> memref<80xi32, #tpu.memory_space<hbm>>
        tpu.wait_dma2 semaphore(%run_scoped3A_307 : memref<!tpu.dma_semaphore, #tpu.memory_space<semaphore_mem>>) src(%dma_wait3A_323 : memref<80xi32, #tpu.memory_space<hbm>>) dst(%dma_wait3A_322 : memref<80xi32, #tpu.memory_space<vmem>>)
        tpu.yield
      }) : () -> ()
      %run_scoped3A_110 = arith.constant 1 : i32
      "tpu.region"() ({
        %run_scoped3A_307 = tpu.sem_alloc : memref<!tpu.dma_semaphore, #tpu.memory_space<semaphore_mem>>
        %dma_start3A_308 = arith.constant 0 : i32
        %dma_start3A_309 = tpu.memref_slice %arg9[%run_scoped3A_110, %dma_start3A_308] : memref<2x80xi32, #tpu.memory_space<vmem>> -> memref<1x80xi32, #tpu.memory_space<vmem>>
        %dma_start3A_310 = tpu.memref_squeeze %dma_start3A_309 : memref<1x80xi32, #tpu.memory_space<vmem>> -> memref<80xi32, #tpu.memory_space<vmem>>
        %dma_start3A_311 = tpu.memref_slice %arg6[%add3A_108] : memref<320000xi32, #tpu.memory_space<hbm>> -> memref<80xi32, #tpu.memory_space<hbm>>
        %dma_start3A_312 = arith.constant 0 : i32
        %dma_start3A_313 = tpu.memref_slice %arg9[%run_scoped3A_110, %dma_start3A_312] : memref<2x80xi32, #tpu.memory_space<vmem>> -> memref<1x80xi32, #tpu.memory_space<vmem>>
        %dma_start3A_314 = tpu.memref_squeeze %dma_start3A_313 : memref<1x80xi32, #tpu.memory_space<vmem>> -> memref<80xi32, #tpu.memory_space<vmem>>
        %dma_start3A_315 = tpu.memref_slice %arg6[%add3A_108] : memref<320000xi32, #tpu.memory_space<hbm>> -> memref<80xi32, #tpu.memory_space<hbm>>
        tpu.enqueue_dma source(%dma_start3A_315 : memref<80xi32, #tpu.memory_space<hbm>>) target(%dma_start3A_314 : memref<80xi32, #tpu.memory_space<vmem>>) target_semaphore(%run_scoped3A_307 : memref<!tpu.dma_semaphore, #tpu.memory_space<semaphore_mem>>)
        %dma_wait3A_316 = arith.constant 0 : i32
        %dma_wait3A_317 = tpu.memref_slice %arg9[%run_scoped3A_110, %dma_wait3A_316] : memref<2x80xi32, #tpu.memory_space<vmem>> -> memref<1x80xi32, #tpu.memory_space<vmem>>
        %dma_wait3A_318 = tpu.memref_squeeze %dma_wait3A_317 : memref<1x80xi32, #tpu.memory_space<vmem>> -> memref<80xi32, #tpu.memory_space<vmem>>
        %dma_wait3A_319 = tpu.memref_slice %arg6[%add3A_108] : memref<320000xi32, #tpu.memory_space<hbm>> -> memref<80xi32, #tpu.memory_space<hbm>>
        %dma_wait3A_320 = arith.constant 0 : i32
        %dma_wait3A_321 = tpu.memref_slice %arg9[%run_scoped3A_110, %dma_wait3A_320] : memref<2x80xi32, #tpu.memory_space<vmem>> -> memref<1x80xi32, #tpu.memory_space<vmem>>
        %dma_wait3A_322 = tpu.memref_squeeze %dma_wait3A_321 : memref<1x80xi32, #tpu.memory_space<vmem>> -> memref<80xi32, #tpu.memory_space<vmem>>
        %dma_wait3A_323 = tpu.memref_slice %arg6[%add3A_108] : memref<320000xi32, #tpu.memory_space<hbm>> -> memref<80xi32, #tpu.memory_space<hbm>>
        tpu.wait_dma2 semaphore(%run_scoped3A_307 : memref<!tpu.dma_semaphore, #tpu.memory_space<semaphore_mem>>) src(%dma_wait3A_323 : memref<80xi32, #tpu.memory_space<hbm>>) dst(%dma_wait3A_322 : memref<80xi32, #tpu.memory_space<vmem>>)
        tpu.yield
      }) : () -> ()
      %dma_start3A_111 = arith.constant 1 : i32
      %dma_start3A_112 = arith.constant 1 : i32
      %dma_start3A_113 = arith.constant 0 : i32
      %dma_start3A_114 = arith.constant 0 : i32
      %dma_start3A_115 = tpu.memref_slice %arg10[%dma_start3A_112, %dma_start3A_113, %dma_start3A_114] : memref<2x80x128xf32, #tpu.memory_space<vmem>> -> memref<1x80x128xf32, #tpu.memory_space<vmem>>
      %dma_start3A_116 = tpu.memref_squeeze %dma_start3A_115 : memref<1x80x128xf32, #tpu.memory_space<vmem>> -> memref<80x128xf32, #tpu.memory_space<vmem>>
      %dma_start3A_117 = arith.constant 0 : i32
      %dma_start3A_118 = tpu.memref_slice %arg8[%dma_start3A_111, %dma_start3A_117] : memref<2x80xi32, #tpu.memory_space<vmem>> -> memref<1x80xi32, #tpu.memory_space<vmem>>
      %dma_start3A_119 = tpu.memref_squeeze %dma_start3A_118 : memref<1x80xi32, #tpu.memory_space<vmem>> -> memref<80xi32, #tpu.memory_space<vmem>>
      %dma_start3A_120 = arith.constant 0 : i32
      %dma_start3A_121 = arith.constant 0 : i32
      %dma_start3A_122 = tpu.memref_slice %arg2[%dma_start3A_120, %dma_start3A_121] : memref<10000x128xf32, #tpu.memory_space<hbm>> -> memref<10000x128xf32, #tpu.memory_space<hbm>>
      tpu.enqueue_indirect_dma source(%dma_start3A_122 : memref<10000x128xf32, #tpu.memory_space<hbm>>) target(%dma_start3A_116 : memref<80x128xf32, #tpu.memory_space<vmem>>) offsets(%dma_start3A_119 : memref<80xi32, #tpu.memory_space<vmem>>) semaphore(%arg14 : memref<!tpu.dma_semaphore, #tpu.memory_space<semaphore_mem>>)
      %dma_start3A_123 = arith.constant 1 : i32
      %dma_start3A_124 = arith.constant 1 : i32
      %dma_start3A_125 = arith.constant 0 : i32
      %dma_start3A_126 = arith.constant 0 : i32
      %dma_start3A_127 = tpu.memref_slice %arg11[%dma_start3A_124, %dma_start3A_125, %dma_start3A_126] : memref<2x80x128xf32, #tpu.memory_space<vmem>> -> memref<1x80x128xf32, #tpu.memory_space<vmem>>
      %dma_start3A_128 = tpu.memref_squeeze %dma_start3A_127 : memref<1x80x128xf32, #tpu.memory_space<vmem>> -> memref<80x128xf32, #tpu.memory_space<vmem>>
      %dma_start3A_129 = arith.constant 0 : i32
      %dma_start3A_130 = tpu.memref_slice %arg9[%dma_start3A_123, %dma_start3A_129] : memref<2x80xi32, #tpu.memory_space<vmem>> -> memref<1x80xi32, #tpu.memory_space<vmem>>
      %dma_start3A_131 = tpu.memref_squeeze %dma_start3A_130 : memref<1x80xi32, #tpu.memory_space<vmem>> -> memref<80xi32, #tpu.memory_space<vmem>>
      %dma_start3A_132 = arith.constant 0 : i32
      %dma_start3A_133 = arith.constant 0 : i32
      %dma_start3A_134 = tpu.memref_slice %arg3[%dma_start3A_132, %dma_start3A_133] : memref<10000x128xf32, #tpu.memory_space<hbm>> -> memref<10000x128xf32, #tpu.memory_space<hbm>>
      tpu.enqueue_indirect_dma source(%dma_start3A_134 : memref<10000x128xf32, #tpu.memory_space<hbm>>) target(%dma_start3A_128 : memref<80x128xf32, #tpu.memory_space<vmem>>) offsets(%dma_start3A_131 : memref<80xi32, #tpu.memory_space<vmem>>) semaphore(%arg14 : memref<!tpu.dma_semaphore, #tpu.memory_space<semaphore_mem>>)
      %dma_start3A_135 = arith.constant 1 : i32
      %dma_start3A_136 = arith.constant 0 : i32
      %dma_start3A_137 = arith.constant 0 : i32
      %dma_start3A_138 = tpu.memref_slice %arg12[%dma_start3A_135, %dma_start3A_136, %dma_start3A_137] : memref<2x80x128xf32, #tpu.memory_space<vmem>> -> memref<1x80x128xf32, #tpu.memory_space<vmem>>
      %dma_start3A_139 = tpu.memref_squeeze %dma_start3A_138 : memref<1x80x128xf32, #tpu.memory_space<vmem>> -> memref<80x128xf32, #tpu.memory_space<vmem>>
      %dma_start3A_140 = arith.constant 0 : i32
      %dma_start3A_141 = tpu.memref_slice %arg4[%add3A_108, %dma_start3A_140] : memref<320000x128xf32, #tpu.memory_space<hbm>> -> memref<80x128xf32, #tpu.memory_space<hbm>>
      %dma_start3A_142 = arith.constant 0 : i32
      %dma_start3A_143 = arith.constant 0 : i32
      %dma_start3A_144 = tpu.memref_slice %arg12[%dma_start3A_135, %dma_start3A_142, %dma_start3A_143] : memref<2x80x128xf32, #tpu.memory_space<vmem>> -> memref<1x80x128xf32, #tpu.memory_space<vmem>>
      %dma_start3A_145 = tpu.memref_squeeze %dma_start3A_144 : memref<1x80x128xf32, #tpu.memory_space<vmem>> -> memref<80x128xf32, #tpu.memory_space<vmem>>
      %dma_start3A_146 = arith.constant 0 : i32
      %dma_start3A_147 = tpu.memref_slice %arg4[%add3A_108, %dma_start3A_146] : memref<320000x128xf32, #tpu.memory_space<hbm>> -> memref<80x128xf32, #tpu.memory_space<hbm>>
      tpu.enqueue_dma source(%dma_start3A_147 : memref<80x128xf32, #tpu.memory_space<hbm>>) target(%dma_start3A_145 : memref<80x128xf32, #tpu.memory_space<vmem>>) target_semaphore(%arg14 : memref<!tpu.dma_semaphore, #tpu.memory_space<semaphore_mem>>)
      %dma_wait3A_148 = arith.constant 0 : i32
      %dma_wait3A_149 = arith.constant 0 : i32
      %dma_wait3A_150 = arith.constant 0 : i32
      %dma_wait3A_151 = arith.constant 0 : i32
      %dma_wait3A_152 = tpu.memref_slice %arg10[%dma_wait3A_149, %dma_wait3A_150, %dma_wait3A_151] : memref<2x80x128xf32, #tpu.memory_space<vmem>> -> memref<1x80x128xf32, #tpu.memory_space<vmem>>
      %dma_wait3A_153 = tpu.memref_squeeze %dma_wait3A_152 : memref<1x80x128xf32, #tpu.memory_space<vmem>> -> memref<80x128xf32, #tpu.memory_space<vmem>>
      %dma_wait3A_154 = arith.constant 0 : i32
      %dma_wait3A_155 = tpu.memref_slice %arg8[%dma_wait3A_148, %dma_wait3A_154] : memref<2x80xi32, #tpu.memory_space<vmem>> -> memref<1x80xi32, #tpu.memory_space<vmem>>
      %dma_wait3A_156 = tpu.memref_squeeze %dma_wait3A_155 : memref<1x80xi32, #tpu.memory_space<vmem>> -> memref<80xi32, #tpu.memory_space<vmem>>
      %dma_wait3A_157 = arith.constant 0 : i32
      %dma_wait3A_158 = arith.constant 0 : i32
      %dma_wait3A_159 = tpu.memref_slice %arg2[%dma_wait3A_157, %dma_wait3A_158] : memref<10000x128xf32, #tpu.memory_space<hbm>> -> memref<10000x128xf32, #tpu.memory_space<hbm>>
      tpu.wait_indirect_dma semaphore(%arg13 : memref<!tpu.dma_semaphore, #tpu.memory_space<semaphore_mem>>) src(%dma_wait3A_159 : memref<10000x128xf32, #tpu.memory_space<hbm>>) dst(%dma_wait3A_153 : memref<80x128xf32, #tpu.memory_space<vmem>>)
      %dma_wait3A_160 = arith.constant 0 : i32
      %dma_wait3A_161 = arith.constant 0 : i32
      %dma_wait3A_162 = arith.constant 0 : i32
      %dma_wait3A_163 = arith.constant 0 : i32
      %dma_wait3A_164 = tpu.memref_slice %arg11[%dma_wait3A_161, %dma_wait3A_162, %dma_wait3A_163] : memref<2x80x128xf32, #tpu.memory_space<vmem>> -> memref<1x80x128xf32, #tpu.memory_space<vmem>>
      %dma_wait3A_165 = tpu.memref_squeeze %dma_wait3A_164 : memref<1x80x128xf32, #tpu.memory_space<vmem>> -> memref<80x128xf32, #tpu.memory_space<vmem>>
      %dma_wait3A_166 = arith.constant 0 : i32
      %dma_wait3A_167 = tpu.memref_slice %arg9[%dma_wait3A_160, %dma_wait3A_166] : memref<2x80xi32, #tpu.memory_space<vmem>> -> memref<1x80xi32, #tpu.memory_space<vmem>>
      %dma_wait3A_168 = tpu.memref_squeeze %dma_wait3A_167 : memref<1x80xi32, #tpu.memory_space<vmem>> -> memref<80xi32, #tpu.memory_space<vmem>>
      %dma_wait3A_169 = arith.constant 0 : i32
      %dma_wait3A_170 = arith.constant 0 : i32
      %dma_wait3A_171 = tpu.memref_slice %arg3[%dma_wait3A_169, %dma_wait3A_170] : memref<10000x128xf32, #tpu.memory_space<hbm>> -> memref<10000x128xf32, #tpu.memory_space<hbm>>
      tpu.wait_indirect_dma semaphore(%arg13 : memref<!tpu.dma_semaphore, #tpu.memory_space<semaphore_mem>>) src(%dma_wait3A_171 : memref<10000x128xf32, #tpu.memory_space<hbm>>) dst(%dma_wait3A_165 : memref<80x128xf32, #tpu.memory_space<vmem>>)
      %dma_wait3A_172 = arith.constant 0 : i32
      %dma_wait3A_173 = arith.constant 0 : i32
      %dma_wait3A_174 = arith.constant 0 : i32
      %dma_wait3A_175 = tpu.memref_slice %arg12[%dma_wait3A_172, %dma_wait3A_173, %dma_wait3A_174] : memref<2x80x128xf32, #tpu.memory_space<vmem>> -> memref<1x80x128xf32, #tpu.memory_space<vmem>>
      %dma_wait3A_176 = tpu.memref_squeeze %dma_wait3A_175 : memref<1x80x128xf32, #tpu.memory_space<vmem>> -> memref<80x128xf32, #tpu.memory_space<vmem>>
      %dma_wait3A_177 = arith.constant 0 : i32
      %dma_wait3A_178 = arith.constant 0 : i32
      %dma_wait3A_179 = tpu.memref_slice %arg4[%dma_wait3A_177, %dma_wait3A_178] : memref<320000x128xf32, #tpu.memory_space<hbm>> -> memref<80x128xf32, #tpu.memory_space<hbm>>
      %dma_wait3A_180 = arith.constant 0 : i32
      %dma_wait3A_181 = arith.constant 0 : i32
      %dma_wait3A_182 = tpu.memref_slice %arg12[%dma_wait3A_172, %dma_wait3A_180, %dma_wait3A_181] : memref<2x80x128xf32, #tpu.memory_space<vmem>> -> memref<1x80x128xf32, #tpu.memory_space<vmem>>
      %dma_wait3A_183 = tpu.memref_squeeze %dma_wait3A_182 : memref<1x80x128xf32, #tpu.memory_space<vmem>> -> memref<80x128xf32, #tpu.memory_space<vmem>>
      %dma_wait3A_184 = arith.constant 0 : i32
      %dma_wait3A_185 = arith.constant 0 : i32
      %dma_wait3A_186 = tpu.memref_slice %arg4[%dma_wait3A_184, %dma_wait3A_185] : memref<320000x128xf32, #tpu.memory_space<hbm>> -> memref<80x128xf32, #tpu.memory_space<hbm>>
      tpu.wait_dma2 semaphore(%arg13 : memref<!tpu.dma_semaphore, #tpu.memory_space<semaphore_mem>>) src(%dma_wait3A_186 : memref<80x128xf32, #tpu.memory_space<hbm>>) dst(%dma_wait3A_183 : memref<80x128xf32, #tpu.memory_space<vmem>>)
      %mul3A_187 = arith.constant 2 : i32
      %mul3A_188 = arith.muli %mul3A_187, %scan3A_98 : i32
      %scan3A_189 = arith.constant 0 : i32
      %scan3A_190 = arith.constant 0 : i32
      %scan3A_191 = arith.constant 80 : i32
      %scan3A_192 = arith.addi %scan3A_190, %scan3A_191 : i32
      %scan3A_193 = arith.constant 1 : i32
      %scan3A_194 = scf.for %scan3A_307 = %scan3A_190 to %scan3A_192 step %scan3A_193 iter_args(%scan3A_308 = %scan3A_189) -> (i32)  : i32 {
        %get3A = arith.constant 0 : i32
        %get3A_309 = arith.index_cast %get3A : i32 to index
        %get3A_310 = arith.index_cast %scan3A_307 : i32 to index
        %get3A_311 = arith.constant 0 : index
        %get3A_312 = tpu.vector_load %arg10[%get3A_309, %get3A_310, %get3A_311] {strides = array<i32>} : memref<2x80x128xf32, #tpu.memory_space<vmem>>, vector<1x1x16xf32>,
        %get3A_313 = vector.shape_cast %get3A_312 : vector<1x1x16xf32> to vector<16xf32>
        %get3A_314 = arith.constant 0 : i32
        %get3A_315 = arith.index_cast %get3A_314 : i32 to index
        %get3A_316 = arith.index_cast %scan3A_307 : i32 to index
        %get3A_317 = arith.constant 0 : index
        %get3A_318 = tpu.vector_load %arg11[%get3A_315, %get3A_316, %get3A_317] {strides = array<i32>} : memref<2x80x128xf32, #tpu.memory_space<vmem>>, vector<1x1x16xf32>,
        %get3A_319 = vector.shape_cast %get3A_318 : vector<1x1x16xf32> to vector<16xf32>
        %add3A_320 = arith.addf %get3A_313, %get3A_319 : vector<16xf32>
        %get3A_321 = arith.constant 0 : i32
        %get3A_322 = arith.index_cast %get3A_321 : i32 to index
        %get3A_323 = arith.index_cast %scan3A_307 : i32 to index
        %get3A_324 = arith.constant 0 : index
        %get3A_325 = tpu.vector_load %arg12[%get3A_322, %get3A_323, %get3A_324] {strides = array<i32>} : memref<2x80x128xf32, #tpu.memory_space<vmem>>, vector<1x1x16xf32>,
        %get3A_326 = vector.shape_cast %get3A_325 : vector<1x1x16xf32> to vector<16xf32>
        %add3A_327 = arith.addf %add3A_320, %get3A_326 : vector<16xf32>
        %max3A = arith.constant 0.000000e+00 : f32
        %max3A_328 = vector.broadcast %max3A : f32 to vector<16xf32>
        %max3A_329 = arith.maximumf %add3A_327, %max3A_328 : vector<16xf32>
        %swap3A = arith.constant 0 : i32
        %swap3A_330 = arith.index_cast %swap3A : i32 to index
        %swap3A_331 = arith.index_cast %scan3A_307 : i32 to index
        %swap3A_332 = arith.constant 0 : index
        %swap3A_333 = tpu.vector_load %arg12[%swap3A_330, %swap3A_331, %swap3A_332] {strides = array<i32>} : memref<2x80x128xf32, #tpu.memory_space<vmem>>, vector<1x1x16xf32>,
        %swap3A_334 = vector.shape_cast %swap3A_333 : vector<1x1x16xf32> to vector<16xf32>
        %swap3A_335 = vector.shape_cast %max3A_329 : vector<16xf32> to vector<1x1x16xf32>
        tpu.vector_store %arg12[%swap3A_330, %swap3A_331, %swap3A_332], %swap3A_335 {strides = array<i32>} : memref<2x80x128xf32, #tpu.memory_space<vmem>>, vector<1x1x16xf32>,
        %get3A_336 = arith.constant 0 : i32
        %get3A_337 = arith.index_cast %get3A_336 : i32 to index
        %get3A_338 = arith.index_cast %scan3A_307 : i32 to index
        %get3A_339 = arith.constant 16 : index
        %get3A_340 = tpu.vector_load %arg10[%get3A_337, %get3A_338, %get3A_339] {strides = array<i32>} : memref<2x80x128xf32, #tpu.memory_space<vmem>>, vector<1x1x16xf32>,
        %get3A_341 = vector.shape_cast %get3A_340 : vector<1x1x16xf32> to vector<16xf32>
        %get3A_342 = arith.constant 0 : i32
        %get3A_343 = arith.index_cast %get3A_342 : i32 to index
        %get3A_344 = arith.index_cast %scan3A_307 : i32 to index
        %get3A_345 = arith.constant 16 : index
        %get3A_346 = tpu.vector_load %arg11[%get3A_343, %get3A_344, %get3A_345] {strides = array<i32>} : memref<2x80x128xf32, #tpu.memory_space<vmem>>, vector<1x1x16xf32>,
        %get3A_347 = vector.shape_cast %get3A_346 : vector<1x1x16xf32> to vector<16xf32>
        %add3A_348 = arith.addf %get3A_341, %get3A_347 : vector<16xf32>
        %get3A_349 = arith.constant 0 : i32
        %get3A_350 = arith.index_cast %get3A_349 : i32 to index
        %get3A_351 = arith.index_cast %scan3A_307 : i32 to index
        %get3A_352 = arith.constant 16 : index
        %get3A_353 = tpu.vector_load %arg12[%get3A_350, %get3A_351, %get3A_352] {strides = array<i32>} : memref<2x80x128xf32, #tpu.memory_space<vmem>>, vector<1x1x16xf32>,
        %get3A_354 = vector.shape_cast %get3A_353 : vector<1x1x16xf32> to vector<16xf32>
        %add3A_355 = arith.addf %add3A_348, %get3A_354 : vector<16xf32>
        %max3A_356 = arith.constant 0.000000e+00 : f32
        %max3A_357 = vector.broadcast %max3A_356 : f32 to vector<16xf32>
        %max3A_358 = arith.maximumf %add3A_355, %max3A_357 : vector<16xf32>
        %swap3A_359 = arith.constant 0 : i32
        %swap3A_360 = arith.index_cast %swap3A_359 : i32 to index
        %swap3A_361 = arith.index_cast %scan3A_307 : i32 to index
        %swap3A_362 = arith.constant 16 : index
        %swap3A_363 = tpu.vector_load %arg12[%swap3A_360, %swap3A_361, %swap3A_362] {strides = array<i32>} : memref<2x80x128xf32, #tpu.memory_space<vmem>>, vector<1x1x16xf32>,
        %swap3A_364 = vector.shape_cast %swap3A_363 : vector<1x1x16xf32> to vector<16xf32>
        %swap3A_365 = vector.shape_cast %max3A_358 : vector<16xf32> to vector<1x1x16xf32>
        tpu.vector_store %arg12[%swap3A_360, %swap3A_361, %swap3A_362], %swap3A_365 {strides = array<i32>} : memref<2x80x128xf32, #tpu.memory_space<vmem>>, vector<1x1x16xf32>,
        %get3A_366 = arith.constant 0 : i32
        %get3A_367 = arith.index_cast %get3A_366 : i32 to index
        %get3A_368 = arith.index_cast %scan3A_307 : i32 to index
        %get3A_369 = arith.constant 32 : index
        %get3A_370 = tpu.vector_load %arg10[%get3A_367, %get3A_368, %get3A_369] {strides = array<i32>} : memref<2x80x128xf32, #tpu.memory_space<vmem>>, vector<1x1x16xf32>,
        %get3A_371 = vector.shape_cast %get3A_370 : vector<1x1x16xf32> to vector<16xf32>
        %get3A_372 = arith.constant 0 : i32
        %get3A_373 = arith.index_cast %get3A_372 : i32 to index
        %get3A_374 = arith.index_cast %scan3A_307 : i32 to index
        %get3A_375 = arith.constant 32 : index
        %get3A_376 = tpu.vector_load %arg11[%get3A_373, %get3A_374, %get3A_375] {strides = array<i32>} : memref<2x80x128xf32, #tpu.memory_space<vmem>>, vector<1x1x16xf32>,
        %get3A_377 = vector.shape_cast %get3A_376 : vector<1x1x16xf32> to vector<16xf32>
        %add3A_378 = arith.addf %get3A_371, %get3A_377 : vector<16xf32>
        %get3A_379 = arith.constant 0 : i32
        %get3A_380 = arith.index_cast %get3A_379 : i32 to index
        %get3A_381 = arith.index_cast %scan3A_307 : i32 to index
        %get3A_382 = arith.constant 32 : index
        %get3A_383 = tpu.vector_load %arg12[%get3A_380, %get3A_381, %get3A_382] {strides = array<i32>} : memref<2x80x128xf32, #tpu.memory_space<vmem>>, vector<1x1x16xf32>,
        %get3A_384 = vector.shape_cast %get3A_383 : vector<1x1x16xf32> to vector<16xf32>
        %add3A_385 = arith.addf %add3A_378, %get3A_384 : vector<16xf32>
        %max3A_386 = arith.constant 0.000000e+00 : f32
        %max3A_387 = vector.broadcast %max3A_386 : f32 to vector<16xf32>
        %max3A_388 = arith.maximumf %add3A_385, %max3A_387 : vector<16xf32>
        %swap3A_389 = arith.constant 0 : i32
        %swap3A_390 = arith.index_cast %swap3A_389 : i32 to index
        %swap3A_391 = arith.index_cast %scan3A_307 : i32 to index
        %swap3A_392 = arith.constant 32 : index
        %swap3A_393 = tpu.vector_load %arg12[%swap3A_390, %swap3A_391, %swap3A_392] {strides = array<i32>} : memref<2x80x128xf32, #tpu.memory_space<vmem>>, vector<1x1x16xf32>,
        %swap3A_394 = vector.shape_cast %swap3A_393 : vector<1x1x16xf32> to vector<16xf32>
        %swap3A_395 = vector.shape_cast %max3A_388 : vector<16xf32> to vector<1x1x16xf32>
        tpu.vector_store %arg12[%swap3A_390, %swap3A_391, %swap3A_392], %swap3A_395 {strides = array<i32>} : memref<2x80x128xf32, #tpu.memory_space<vmem>>, vector<1x1x16xf32>,
        %get3A_396 = arith.constant 0 : i32
        %get3A_397 = arith.index_cast %get3A_396 : i32 to index
        %get3A_398 = arith.index_cast %scan3A_307 : i32 to index
        %get3A_399 = arith.constant 48 : index
        %get3A_400 = tpu.vector_load %arg10[%get3A_397, %get3A_398, %get3A_399] {strides = array<i32>} : memref<2x80x128xf32, #tpu.memory_space<vmem>>, vector<1x1x16xf32>,
        %get3A_401 = vector.shape_cast %get3A_400 : vector<1x1x16xf32> to vector<16xf32>
        %get3A_402 = arith.constant 0 : i32
        %get3A_403 = arith.index_cast %get3A_402 : i32 to index
        %get3A_404 = arith.index_cast %scan3A_307 : i32 to index
        %get3A_405 = arith.constant 48 : index
        %get3A_406 = tpu.vector_load %arg11[%get3A_403, %get3A_404, %get3A_405] {strides = array<i32>} : memref<2x80x128xf32, #tpu.memory_space<vmem>>, vector<1x1x16xf32>,
        %get3A_407 = vector.shape_cast %get3A_406 : vector<1x1x16xf32> to vector<16xf32>
        %add3A_408 = arith.addf %get3A_401, %get3A_407 : vector<16xf32>
        %get3A_409 = arith.constant 0 : i32
        %get3A_410 = arith.index_cast %get3A_409 : i32 to index
        %get3A_411 = arith.index_cast %scan3A_307 : i32 to index
        %get3A_412 = arith.constant 48 : index
        %get3A_413 = tpu.vector_load %arg12[%get3A_410, %get3A_411, %get3A_412] {strides = array<i32>} : memref<2x80x128xf32, #tpu.memory_space<vmem>>, vector<1x1x16xf32>,
        %get3A_414 = vector.shape_cast %get3A_413 : vector<1x1x16xf32> to vector<16xf32>
        %add3A_415 = arith.addf %add3A_408, %get3A_414 : vector<16xf32>
        %max3A_416 = arith.constant 0.000000e+00 : f32
        %max3A_417 = vector.broadcast %max3A_416 : f32 to vector<16xf32>
        %max3A_418 = arith.maximumf %add3A_415, %max3A_417 : vector<16xf32>
        %swap3A_419 = arith.constant 0 : i32
        %swap3A_420 = arith.index_cast %swap3A_419 : i32 to index
        %swap3A_421 = arith.index_cast %scan3A_307 : i32 to index
        %swap3A_422 = arith.constant 48 : index
        %swap3A_423 = tpu.vector_load %arg12[%swap3A_420, %swap3A_421, %swap3A_422] {strides = array<i32>} : memref<2x80x128xf32, #tpu.memory_space<vmem>>, vector<1x1x16xf32>,
        %swap3A_424 = vector.shape_cast %swap3A_423 : vector<1x1x16xf32> to vector<16xf32>
        %swap3A_425 = vector.shape_cast %max3A_418 : vector<16xf32> to vector<1x1x16xf32>
        tpu.vector_store %arg12[%swap3A_420, %swap3A_421, %swap3A_422], %swap3A_425 {strides = array<i32>} : memref<2x80x128xf32, #tpu.memory_space<vmem>>, vector<1x1x16xf32>,
        %get3A_426 = arith.constant 0 : i32
        %get3A_427 = arith.index_cast %get3A_426 : i32 to index
        %get3A_428 = arith.index_cast %scan3A_307 : i32 to index
        %get3A_429 = arith.constant 64 : index
        %get3A_430 = tpu.vector_load %arg10[%get3A_427, %get3A_428, %get3A_429] {strides = array<i32>} : memref<2x80x128xf32, #tpu.memory_space<vmem>>, vector<1x1x16xf32>,
        %get3A_431 = vector.shape_cast %get3A_430 : vector<1x1x16xf32> to vector<16xf32>
        %get3A_432 = arith.constant 0 : i32
        %get3A_433 = arith.index_cast %get3A_432 : i32 to index
        %get3A_434 = arith.index_cast %scan3A_307 : i32 to index
        %get3A_435 = arith.constant 64 : index
        %get3A_436 = tpu.vector_load %arg11[%get3A_433, %get3A_434, %get3A_435] {strides = array<i32>} : memref<2x80x128xf32, #tpu.memory_space<vmem>>, vector<1x1x16xf32>,
        %get3A_437 = vector.shape_cast %get3A_436 : vector<1x1x16xf32> to vector<16xf32>
        %add3A_438 = arith.addf %get3A_431, %get3A_437 : vector<16xf32>
        %get3A_439 = arith.constant 0 : i32
        %get3A_440 = arith.index_cast %get3A_439 : i32 to index
        %get3A_441 = arith.index_cast %scan3A_307 : i32 to index
        %get3A_442 = arith.constant 64 : index
        %get3A_443 = tpu.vector_load %arg12[%get3A_440, %get3A_441, %get3A_442] {strides = array<i32>} : memref<2x80x128xf32, #tpu.memory_space<vmem>>, vector<1x1x16xf32>,
        %get3A_444 = vector.shape_cast %get3A_443 : vector<1x1x16xf32> to vector<16xf32>
        %add3A_445 = arith.addf %add3A_438, %get3A_444 : vector<16xf32>
        %max3A_446 = arith.constant 0.000000e+00 : f32
        %max3A_447 = vector.broadcast %max3A_446 : f32 to vector<16xf32>
        %max3A_448 = arith.maximumf %add3A_445, %max3A_447 : vector<16xf32>
        %swap3A_449 = arith.constant 0 : i32
        %swap3A_450 = arith.index_cast %swap3A_449 : i32 to index
        %swap3A_451 = arith.index_cast %scan3A_307 : i32 to index
        %swap3A_452 = arith.constant 64 : index
        %swap3A_453 = tpu.vector_load %arg12[%swap3A_450, %swap3A_451, %swap3A_452] {strides = array<i32>} : memref<2x80x128xf32, #tpu.memory_space<vmem>>, vector<1x1x16xf32>,
        %swap3A_454 = vector.shape_cast %swap3A_453 : vector<1x1x16xf32> to vector<16xf32>
        %swap3A_455 = vector.shape_cast %max3A_448 : vector<16xf32> to vector<1x1x16xf32>
        tpu.vector_store %arg12[%swap3A_450, %swap3A_451, %swap3A_452], %swap3A_455 {strides = array<i32>} : memref<2x80x128xf32, #tpu.memory_space<vmem>>, vector<1x1x16xf32>,
        %get3A_456 = arith.constant 0 : i32
        %get3A_457 = arith.index_cast %get3A_456 : i32 to index
        %get3A_458 = arith.index_cast %scan3A_307 : i32 to index
        %get3A_459 = arith.constant 80 : index
        %get3A_460 = tpu.vector_load %arg10[%get3A_457, %get3A_458, %get3A_459] {strides = array<i32>} : memref<2x80x128xf32, #tpu.memory_space<vmem>>, vector<1x1x16xf32>,
        %get3A_461 = vector.shape_cast %get3A_460 : vector<1x1x16xf32> to vector<16xf32>
        %get3A_462 = arith.constant 0 : i32
        %get3A_463 = arith.index_cast %get3A_462 : i32 to index
        %get3A_464 = arith.index_cast %scan3A_307 : i32 to index
        %get3A_465 = arith.constant 80 : index
        %get3A_466 = tpu.vector_load %arg11[%get3A_463, %get3A_464, %get3A_465] {strides = array<i32>} : memref<2x80x128xf32, #tpu.memory_space<vmem>>, vector<1x1x16xf32>,
        %get3A_467 = vector.shape_cast %get3A_466 : vector<1x1x16xf32> to vector<16xf32>
        %add3A_468 = arith.addf %get3A_461, %get3A_467 : vector<16xf32>
        %get3A_469 = arith.constant 0 : i32
        %get3A_470 = arith.index_cast %get3A_469 : i32 to index
        %get3A_471 = arith.index_cast %scan3A_307 : i32 to index
        %get3A_472 = arith.constant 80 : index
        %get3A_473 = tpu.vector_load %arg12[%get3A_470, %get3A_471, %get3A_472] {strides = array<i32>} : memref<2x80x128xf32, #tpu.memory_space<vmem>>, vector<1x1x16xf32>,
        %get3A_474 = vector.shape_cast %get3A_473 : vector<1x1x16xf32> to vector<16xf32>
        %add3A_475 = arith.addf %add3A_468, %get3A_474 : vector<16xf32>
        %max3A_476 = arith.constant 0.000000e+00 : f32
        %max3A_477 = vector.broadcast %max3A_476 : f32 to vector<16xf32>
        %max3A_478 = arith.maximumf %add3A_475, %max3A_477 : vector<16xf32>
        %swap3A_479 = arith.constant 0 : i32
        %swap3A_480 = arith.index_cast %swap3A_479 : i32 to index
        %swap3A_481 = arith.index_cast %scan3A_307 : i32 to index
        %swap3A_482 = arith.constant 80 : index
        %swap3A_483 = tpu.vector_load %arg12[%swap3A_480, %swap3A_481, %swap3A_482] {strides = array<i32>} : memref<2x80x128xf32, #tpu.memory_space<vmem>>, vector<1x1x16xf32>,
        %swap3A_484 = vector.shape_cast %swap3A_483 : vector<1x1x16xf32> to vector<16xf32>
        %swap3A_485 = vector.shape_cast %max3A_478 : vector<16xf32> to vector<1x1x16xf32>
        tpu.vector_store %arg12[%swap3A_480, %swap3A_481, %swap3A_482], %swap3A_485 {strides = array<i32>} : memref<2x80x128xf32, #tpu.memory_space<vmem>>, vector<1x1x16xf32>,
        %get3A_486 = arith.constant 0 : i32
        %get3A_487 = arith.index_cast %get3A_486 : i32 to index
        %get3A_488 = arith.index_cast %scan3A_307 : i32 to index
        %get3A_489 = arith.constant 96 : index
        %get3A_490 = tpu.vector_load %arg10[%get3A_487, %get3A_488, %get3A_489] {strides = array<i32>} : memref<2x80x128xf32, #tpu.memory_space<vmem>>, vector<1x1x16xf32>,
        %get3A_491 = vector.shape_cast %get3A_490 : vector<1x1x16xf32> to vector<16xf32>
        %get3A_492 = arith.constant 0 : i32
        %get3A_493 = arith.index_cast %get3A_492 : i32 to index
        %get3A_494 = arith.index_cast %scan3A_307 : i32 to index
        %get3A_495 = arith.constant 96 : index
        %get3A_496 = tpu.vector_load %arg11[%get3A_493, %get3A_494, %get3A_495] {strides = array<i32>} : memref<2x80x128xf32, #tpu.memory_space<vmem>>, vector<1x1x16xf32>,
        %get3A_497 = vector.shape_cast %get3A_496 : vector<1x1x16xf32> to vector<16xf32>
        %add3A_498 = arith.addf %get3A_491, %get3A_497 : vector<16xf32>
        %get3A_499 = arith.constant 0 : i32
        %get3A_500 = arith.index_cast %get3A_499 : i32 to index
        %get3A_501 = arith.index_cast %scan3A_307 : i32 to index
        %get3A_502 = arith.constant 96 : index
        %get3A_503 = tpu.vector_load %arg12[%get3A_500, %get3A_501, %get3A_502] {strides = array<i32>} : memref<2x80x128xf32, #tpu.memory_space<vmem>>, vector<1x1x16xf32>,
        %get3A_504 = vector.shape_cast %get3A_503 : vector<1x1x16xf32> to vector<16xf32>
        %add3A_505 = arith.addf %add3A_498, %get3A_504 : vector<16xf32>
        %max3A_506 = arith.constant 0.000000e+00 : f32
        %max3A_507 = vector.broadcast %max3A_506 : f32 to vector<16xf32>
        %max3A_508 = arith.maximumf %add3A_505, %max3A_507 : vector<16xf32>
        %swap3A_509 = arith.constant 0 : i32
        %swap3A_510 = arith.index_cast %swap3A_509 : i32 to index
        %swap3A_511 = arith.index_cast %scan3A_307 : i32 to index
        %swap3A_512 = arith.constant 96 : index
        %swap3A_513 = tpu.vector_load %arg12[%swap3A_510, %swap3A_511, %swap3A_512] {strides = array<i32>} : memref<2x80x128xf32, #tpu.memory_space<vmem>>, vector<1x1x16xf32>,
        %swap3A_514 = vector.shape_cast %swap3A_513 : vector<1x1x16xf32> to vector<16xf32>
        %swap3A_515 = vector.shape_cast %max3A_508 : vector<16xf32> to vector<1x1x16xf32>
        tpu.vector_store %arg12[%swap3A_510, %swap3A_511, %swap3A_512], %swap3A_515 {strides = array<i32>} : memref<2x80x128xf32, #tpu.memory_space<vmem>>, vector<1x1x16xf32>,
        %get3A_516 = arith.constant 0 : i32
        %get3A_517 = arith.index_cast %get3A_516 : i32 to index
        %get3A_518 = arith.index_cast %scan3A_307 : i32 to index
        %get3A_519 = arith.constant 112 : index
        %get3A_520 = tpu.vector_load %arg10[%get3A_517, %get3A_518, %get3A_519] {strides = array<i32>} : memref<2x80x128xf32, #tpu.memory_space<vmem>>, vector<1x1x16xf32>,
        %get3A_521 = vector.shape_cast %get3A_520 : vector<1x1x16xf32> to vector<16xf32>
        %get3A_522 = arith.constant 0 : i32
        %get3A_523 = arith.index_cast %get3A_522 : i32 to index
        %get3A_524 = arith.index_cast %scan3A_307 : i32 to index
        %get3A_525 = arith.constant 112 : index
        %get3A_526 = tpu.vector_load %arg11[%get3A_523, %get3A_524, %get3A_525] {strides = array<i32>} : memref<2x80x128xf32, #tpu.memory_space<vmem>>, vector<1x1x16xf32>,
        %get3A_527 = vector.shape_cast %get3A_526 : vector<1x1x16xf32> to vector<16xf32>
        %add3A_528 = arith.addf %get3A_521, %get3A_527 : vector<16xf32>
        %get3A_529 = arith.constant 0 : i32
        %get3A_530 = arith.index_cast %get3A_529 : i32 to index
        %get3A_531 = arith.index_cast %scan3A_307 : i32 to index
        %get3A_532 = arith.constant 112 : index
        %get3A_533 = tpu.vector_load %arg12[%get3A_530, %get3A_531, %get3A_532] {strides = array<i32>} : memref<2x80x128xf32, #tpu.memory_space<vmem>>, vector<1x1x16xf32>,
        %get3A_534 = vector.shape_cast %get3A_533 : vector<1x1x16xf32> to vector<16xf32>
        %add3A_535 = arith.addf %add3A_528, %get3A_534 : vector<16xf32>
        %max3A_536 = arith.constant 0.000000e+00 : f32
        %max3A_537 = vector.broadcast %max3A_536 : f32 to vector<16xf32>
        %max3A_538 = arith.maximumf %add3A_535, %max3A_537 : vector<16xf32>
        %swap3A_539 = arith.constant 0 : i32
        %swap3A_540 = arith.index_cast %swap3A_539 : i32 to index
        %swap3A_541 = arith.index_cast %scan3A_307 : i32 to index
        %swap3A_542 = arith.constant 112 : index
        %swap3A_543 = tpu.vector_load %arg12[%swap3A_540, %swap3A_541, %swap3A_542] {strides = array<i32>} : memref<2x80x128xf32, #tpu.memory_space<vmem>>, vector<1x1x16xf32>,
        %swap3A_544 = vector.shape_cast %swap3A_543 : vector<1x1x16xf32> to vector<16xf32>
        %swap3A_545 = vector.shape_cast %max3A_538 : vector<16xf32> to vector<1x1x16xf32>
        tpu.vector_store %arg12[%swap3A_540, %swap3A_541, %swap3A_542], %swap3A_545 {strides = array<i32>} : memref<2x80x128xf32, #tpu.memory_space<vmem>>, vector<1x1x16xf32>,
        %scan3A_546 = arith.constant 0 : i32
        scf.yield %scan3A_546 : i32
      }
      %scan3A_195 = arith.constant 80 : i32
      %mul3A_196 = arith.constant 10000 : i32
      %mul3A_197 = arith.muli %add3A, %mul3A_196 : i32
      %mul3A_198 = arith.constant 80 : i32
      %mul3A_199 = arith.muli %mul3A_188, %mul3A_198 : i32
      %add3A_200 = arith.addi %mul3A_197, %mul3A_199 : i32
      %run_scoped3A_201 = arith.constant 0 : i32
      "tpu.region"() ({
        %run_scoped3A_307 = tpu.sem_alloc : memref<!tpu.dma_semaphore, #tpu.memory_space<semaphore_mem>>
        %dma_start3A_308 = arith.constant 0 : i32
        %dma_start3A_309 = arith.constant 0 : i32
        %dma_start3A_310 = tpu.memref_slice %arg12[%run_scoped3A_201, %dma_start3A_308, %dma_start3A_309] : memref<2x80x128xf32, #tpu.memory_space<vmem>> -> memref<1x80x128xf32, #tpu.memory_space<vmem>>
        %dma_start3A_311 = tpu.memref_squeeze %dma_start3A_310 : memref<1x80x128xf32, #tpu.memory_space<vmem>> -> memref<80x128xf32, #tpu.memory_space<vmem>>
        %dma_start3A_312 = arith.constant 0 : i32
        %dma_start3A_313 = tpu.memref_slice %arg7[%add3A_200, %dma_start3A_312] : memref<320000x128xf32, #tpu.memory_space<hbm>> -> memref<80x128xf32, #tpu.memory_space<hbm>>
        %dma_start3A_314 = arith.constant 0 : i32
        %dma_start3A_315 = tpu.memref_slice %arg7[%add3A_200, %dma_start3A_314] : memref<320000x128xf32, #tpu.memory_space<hbm>> -> memref<80x128xf32, #tpu.memory_space<hbm>>
        %dma_start3A_316 = arith.constant 0 : i32
        %dma_start3A_317 = arith.constant 0 : i32
        %dma_start3A_318 = tpu.memref_slice %arg12[%run_scoped3A_201, %dma_start3A_316, %dma_start3A_317] : memref<2x80x128xf32, #tpu.memory_space<vmem>> -> memref<1x80x128xf32, #tpu.memory_space<vmem>>
        %dma_start3A_319 = tpu.memref_squeeze %dma_start3A_318 : memref<1x80x128xf32, #tpu.memory_space<vmem>> -> memref<80x128xf32, #tpu.memory_space<vmem>>
        tpu.enqueue_dma source(%dma_start3A_319 : memref<80x128xf32, #tpu.memory_space<vmem>>) target(%dma_start3A_315 : memref<80x128xf32, #tpu.memory_space<hbm>>) target_semaphore(%run_scoped3A_307 : memref<!tpu.dma_semaphore, #tpu.memory_space<semaphore_mem>>)
        %dma_wait3A_320 = arith.constant 0 : i32
        %dma_wait3A_321 = arith.constant 0 : i32
        %dma_wait3A_322 = tpu.memref_slice %arg12[%run_scoped3A_201, %dma_wait3A_320, %dma_wait3A_321] : memref<2x80x128xf32, #tpu.memory_space<vmem>> -> memref<1x80x128xf32, #tpu.memory_space<vmem>>
        %dma_wait3A_323 = tpu.memref_squeeze %dma_wait3A_322 : memref<1x80x128xf32, #tpu.memory_space<vmem>> -> memref<80x128xf32, #tpu.memory_space<vmem>>
        %dma_wait3A_324 = arith.constant 0 : i32
        %dma_wait3A_325 = tpu.memref_slice %arg7[%add3A_200, %dma_wait3A_324] : memref<320000x128xf32, #tpu.memory_space<hbm>> -> memref<80x128xf32, #tpu.memory_space<hbm>>
        %dma_wait3A_326 = arith.constant 0 : i32
        %dma_wait3A_327 = tpu.memref_slice %arg7[%add3A_200, %dma_wait3A_326] : memref<320000x128xf32, #tpu.memory_space<hbm>> -> memref<80x128xf32, #tpu.memory_space<hbm>>
        %dma_wait3A_328 = arith.constant 0 : i32
        %dma_wait3A_329 = arith.constant 0 : i32
        %dma_wait3A_330 = tpu.memref_slice %arg12[%run_scoped3A_201, %dma_wait3A_328, %dma_wait3A_329] : memref<2x80x128xf32, #tpu.memory_space<vmem>> -> memref<1x80x128xf32, #tpu.memory_space<vmem>>
        %dma_wait3A_331 = tpu.memref_squeeze %dma_wait3A_330 : memref<1x80x128xf32, #tpu.memory_space<vmem>> -> memref<80x128xf32, #tpu.memory_space<vmem>>
        tpu.wait_dma2 semaphore(%run_scoped3A_307 : memref<!tpu.dma_semaphore, #tpu.memory_space<semaphore_mem>>) src(%dma_wait3A_331 : memref<80x128xf32, #tpu.memory_space<vmem>>) dst(%dma_wait3A_327 : memref<80x128xf32, #tpu.memory_space<hbm>>)
        tpu.yield
      }) : () -> ()
      %mul3A_202 = arith.constant 2 : i32
      %mul3A_203 = arith.muli %mul3A_202, %scan3A_98 : i32
      %add3A_204 = arith.constant 2 : i32
      %add3A_205 = arith.addi %mul3A_203, %add3A_204 : i32
      %mul3A_206 = arith.constant 10000 : i32
      %mul3A_207 = arith.muli %add3A, %mul3A_206 : i32
      %mul3A_208 = arith.constant 80 : i32
      %mul3A_209 = arith.muli %add3A_205, %mul3A_208 : i32
      %add3A_210 = arith.addi %mul3A_207, %mul3A_209 : i32
      %run_scoped3A_211 = arith.constant 0 : i32
      "tpu.region"() ({
        %run_scoped3A_307 = tpu.sem_alloc : memref<!tpu.dma_semaphore, #tpu.memory_space<semaphore_mem>>
        %dma_start3A_308 = arith.constant 0 : i32
        %dma_start3A_309 = tpu.memref_slice %arg8[%run_scoped3A_211, %dma_start3A_308] : memref<2x80xi32, #tpu.memory_space<vmem>> -> memref<1x80xi32, #tpu.memory_space<vmem>>
        %dma_start3A_310 = tpu.memref_squeeze %dma_start3A_309 : memref<1x80xi32, #tpu.memory_space<vmem>> -> memref<80xi32, #tpu.memory_space<vmem>>
        %dma_start3A_311 = tpu.memref_slice %arg5[%add3A_210] : memref<320000xi32, #tpu.memory_space<hbm>> -> memref<80xi32, #tpu.memory_space<hbm>>
        %dma_start3A_312 = arith.constant 0 : i32
        %dma_start3A_313 = tpu.memref_slice %arg8[%run_scoped3A_211, %dma_start3A_312] : memref<2x80xi32, #tpu.memory_space<vmem>> -> memref<1x80xi32, #tpu.memory_space<vmem>>
        %dma_start3A_314 = tpu.memref_squeeze %dma_start3A_313 : memref<1x80xi32, #tpu.memory_space<vmem>> -> memref<80xi32, #tpu.memory_space<vmem>>
        %dma_start3A_315 = tpu.memref_slice %arg5[%add3A_210] : memref<320000xi32, #tpu.memory_space<hbm>> -> memref<80xi32, #tpu.memory_space<hbm>>
        tpu.enqueue_dma source(%dma_start3A_315 : memref<80xi32, #tpu.memory_space<hbm>>) target(%dma_start3A_314 : memref<80xi32, #tpu.memory_space<vmem>>) target_semaphore(%run_scoped3A_307 : memref<!tpu.dma_semaphore, #tpu.memory_space<semaphore_mem>>)
        %dma_wait3A_316 = arith.constant 0 : i32
        %dma_wait3A_317 = tpu.memref_slice %arg8[%run_scoped3A_211, %dma_wait3A_316] : memref<2x80xi32, #tpu.memory_space<vmem>> -> memref<1x80xi32, #tpu.memory_space<vmem>>
        %dma_wait3A_318 = tpu.memref_squeeze %dma_wait3A_317 : memref<1x80xi32, #tpu.memory_space<vmem>> -> memref<80xi32, #tpu.memory_space<vmem>>
        %dma_wait3A_319 = tpu.memref_slice %arg5[%add3A_210] : memref<320000xi32, #tpu.memory_space<hbm>> -> memref<80xi32, #tpu.memory_space<hbm>>
        %dma_wait3A_320 = arith.constant 0 : i32
        %dma_wait3A_321 = tpu.memref_slice %arg8[%run_scoped3A_211, %dma_wait3A_320] : memref<2x80xi32, #tpu.memory_space<vmem>> -> memref<1x80xi32, #tpu.memory_space<vmem>>
        %dma_wait3A_322 = tpu.memref_squeeze %dma_wait3A_321 : memref<1x80xi32, #tpu.memory_space<vmem>> -> memref<80xi32, #tpu.memory_space<vmem>>
        %dma_wait3A_323 = tpu.memref_slice %arg5[%add3A_210] : memref<320000xi32, #tpu.memory_space<hbm>> -> memref<80xi32, #tpu.memory_space<hbm>>
        tpu.wait_dma2 semaphore(%run_scoped3A_307 : memref<!tpu.dma_semaphore, #tpu.memory_space<semaphore_mem>>) src(%dma_wait3A_323 : memref<80xi32, #tpu.memory_space<hbm>>) dst(%dma_wait3A_322 : memref<80xi32, #tpu.memory_space<vmem>>)
        tpu.yield
      }) : () -> ()
      %run_scoped3A_212 = arith.constant 0 : i32
      "tpu.region"() ({
        %run_scoped3A_307 = tpu.sem_alloc : memref<!tpu.dma_semaphore, #tpu.memory_space<semaphore_mem>>
        %dma_start3A_308 = arith.constant 0 : i32
        %dma_start3A_309 = tpu.memref_slice %arg9[%run_scoped3A_212, %dma_start3A_308] : memref<2x80xi32, #tpu.memory_space<vmem>> -> memref<1x80xi32, #tpu.memory_space<vmem>>
        %dma_start3A_310 = tpu.memref_squeeze %dma_start3A_309 : memref<1x80xi32, #tpu.memory_space<vmem>> -> memref<80xi32, #tpu.memory_space<vmem>>
        %dma_start3A_311 = tpu.memref_slice %arg6[%add3A_210] : memref<320000xi32, #tpu.memory_space<hbm>> -> memref<80xi32, #tpu.memory_space<hbm>>
        %dma_start3A_312 = arith.constant 0 : i32
        %dma_start3A_313 = tpu.memref_slice %arg9[%run_scoped3A_212, %dma_start3A_312] : memref<2x80xi32, #tpu.memory_space<vmem>> -> memref<1x80xi32, #tpu.memory_space<vmem>>
        %dma_start3A_314 = tpu.memref_squeeze %dma_start3A_313 : memref<1x80xi32, #tpu.memory_space<vmem>> -> memref<80xi32, #tpu.memory_space<vmem>>
        %dma_start3A_315 = tpu.memref_slice %arg6[%add3A_210] : memref<320000xi32, #tpu.memory_space<hbm>> -> memref<80xi32, #tpu.memory_space<hbm>>
        tpu.enqueue_dma source(%dma_start3A_315 : memref<80xi32, #tpu.memory_space<hbm>>) target(%dma_start3A_314 : memref<80xi32, #tpu.memory_space<vmem>>) target_semaphore(%run_scoped3A_307 : memref<!tpu.dma_semaphore, #tpu.memory_space<semaphore_mem>>)
        %dma_wait3A_316 = arith.constant 0 : i32
        %dma_wait3A_317 = tpu.memref_slice %arg9[%run_scoped3A_212, %dma_wait3A_316] : memref<2x80xi32, #tpu.memory_space<vmem>> -> memref<1x80xi32, #tpu.memory_space<vmem>>
        %dma_wait3A_318 = tpu.memref_squeeze %dma_wait3A_317 : memref<1x80xi32, #tpu.memory_space<vmem>> -> memref<80xi32, #tpu.memory_space<vmem>>
        %dma_wait3A_319 = tpu.memref_slice %arg6[%add3A_210] : memref<320000xi32, #tpu.memory_space<hbm>> -> memref<80xi32, #tpu.memory_space<hbm>>
        %dma_wait3A_320 = arith.constant 0 : i32
        %dma_wait3A_321 = tpu.memref_slice %arg9[%run_scoped3A_212, %dma_wait3A_320] : memref<2x80xi32, #tpu.memory_space<vmem>> -> memref<1x80xi32, #tpu.memory_space<vmem>>
        %dma_wait3A_322 = tpu.memref_squeeze %dma_wait3A_321 : memref<1x80xi32, #tpu.memory_space<vmem>> -> memref<80xi32, #tpu.memory_space<vmem>>
        %dma_wait3A_323 = tpu.memref_slice %arg6[%add3A_210] : memref<320000xi32, #tpu.memory_space<hbm>> -> memref<80xi32, #tpu.memory_space<hbm>>
        tpu.wait_dma2 semaphore(%run_scoped3A_307 : memref<!tpu.dma_semaphore, #tpu.memory_space<semaphore_mem>>) src(%dma_wait3A_323 : memref<80xi32, #tpu.memory_space<hbm>>) dst(%dma_wait3A_322 : memref<80xi32, #tpu.memory_space<vmem>>)
        tpu.yield
      }) : () -> ()
      %dma_start3A_213 = arith.constant 0 : i32
      %dma_start3A_214 = arith.constant 0 : i32
      %dma_start3A_215 = arith.constant 0 : i32
      %dma_start3A_216 = arith.constant 0 : i32
      %dma_start3A_217 = tpu.memref_slice %arg10[%dma_start3A_214, %dma_start3A_215, %dma_start3A_216] : memref<2x80x128xf32, #tpu.memory_space<vmem>> -> memref<1x80x128xf32, #tpu.memory_space<vmem>>
      %dma_start3A_218 = tpu.memref_squeeze %dma_start3A_217 : memref<1x80x128xf32, #tpu.memory_space<vmem>> -> memref<80x128xf32, #tpu.memory_space<vmem>>
      %dma_start3A_219 = arith.constant 0 : i32
      %dma_start3A_220 = tpu.memref_slice %arg8[%dma_start3A_213, %dma_start3A_219] : memref<2x80xi32, #tpu.memory_space<vmem>> -> memref<1x80xi32, #tpu.memory_space<vmem>>
      %dma_start3A_221 = tpu.memref_squeeze %dma_start3A_220 : memref<1x80xi32, #tpu.memory_space<vmem>> -> memref<80xi32, #tpu.memory_space<vmem>>
      %dma_start3A_222 = arith.constant 0 : i32
      %dma_start3A_223 = arith.constant 0 : i32
      %dma_start3A_224 = tpu.memref_slice %arg2[%dma_start3A_222, %dma_start3A_223] : memref<10000x128xf32, #tpu.memory_space<hbm>> -> memref<10000x128xf32, #tpu.memory_space<hbm>>
      tpu.enqueue_indirect_dma source(%dma_start3A_224 : memref<10000x128xf32, #tpu.memory_space<hbm>>) target(%dma_start3A_218 : memref<80x128xf32, #tpu.memory_space<vmem>>) offsets(%dma_start3A_221 : memref<80xi32, #tpu.memory_space<vmem>>) semaphore(%arg13 : memref<!tpu.dma_semaphore, #tpu.memory_space<semaphore_mem>>)
      %dma_start3A_225 = arith.constant 0 : i32
      %dma_start3A_226 = arith.constant 0 : i32
      %dma_start3A_227 = arith.constant 0 : i32
      %dma_start3A_228 = arith.constant 0 : i32
      %dma_start3A_229 = tpu.memref_slice %arg11[%dma_start3A_226, %dma_start3A_227, %dma_start3A_228] : memref<2x80x128xf32, #tpu.memory_space<vmem>> -> memref<1x80x128xf32, #tpu.memory_space<vmem>>
      %dma_start3A_230 = tpu.memref_squeeze %dma_start3A_229 : memref<1x80x128xf32, #tpu.memory_space<vmem>> -> memref<80x128xf32, #tpu.memory_space<vmem>>
      %dma_start3A_231 = arith.constant 0 : i32
      %dma_start3A_232 = tpu.memref_slice %arg9[%dma_start3A_225, %dma_start3A_231] : memref<2x80xi32, #tpu.memory_space<vmem>> -> memref<1x80xi32, #tpu.memory_space<vmem>>
      %dma_start3A_233 = tpu.memref_squeeze %dma_start3A_232 : memref<1x80xi32, #tpu.memory_space<vmem>> -> memref<80xi32, #tpu.memory_space<vmem>>
      %dma_start3A_234 = arith.constant 0 : i32
      %dma_start3A_235 = arith.constant 0 : i32
      %dma_start3A_236 = tpu.memref_slice %arg3[%dma_start3A_234, %dma_start3A_235] : memref<10000x128xf32, #tpu.memory_space<hbm>> -> memref<10000x128xf32, #tpu.memory_space<hbm>>
      tpu.enqueue_indirect_dma source(%dma_start3A_236 : memref<10000x128xf32, #tpu.memory_space<hbm>>) target(%dma_start3A_230 : memref<80x128xf32, #tpu.memory_space<vmem>>) offsets(%dma_start3A_233 : memref<80xi32, #tpu.memory_space<vmem>>) semaphore(%arg13 : memref<!tpu.dma_semaphore, #tpu.memory_space<semaphore_mem>>)
      %dma_start3A_237 = arith.constant 0 : i32
      %dma_start3A_238 = arith.constant 0 : i32
      %dma_start3A_239 = arith.constant 0 : i32
      %dma_start3A_240 = tpu.memref_slice %arg12[%dma_start3A_237, %dma_start3A_238, %dma_start3A_239] : memref<2x80x128xf32, #tpu.memory_space<vmem>> -> memref<1x80x128xf32, #tpu.memory_space<vmem>>
      %dma_start3A_241 = tpu.memref_squeeze %dma_start3A_240 : memref<1x80x128xf32, #tpu.memory_space<vmem>> -> memref<80x128xf32, #tpu.memory_space<vmem>>
      %dma_start3A_242 = arith.constant 0 : i32
      %dma_start3A_243 = tpu.memref_slice %arg4[%add3A_210, %dma_start3A_242] : memref<320000x128xf32, #tpu.memory_space<hbm>> -> memref<80x128xf32, #tpu.memory_space<hbm>>
      %dma_start3A_244 = arith.constant 0 : i32
      %dma_start3A_245 = arith.constant 0 : i32
      %dma_start3A_246 = tpu.memref_slice %arg12[%dma_start3A_237, %dma_start3A_244, %dma_start3A_245] : memref<2x80x128xf32, #tpu.memory_space<vmem>> -> memref<1x80x128xf32, #tpu.memory_space<vmem>>
      %dma_start3A_247 = tpu.memref_squeeze %dma_start3A_246 : memref<1x80x128xf32, #tpu.memory_space<vmem>> -> memref<80x128xf32, #tpu.memory_space<vmem>>
      %dma_start3A_248 = arith.constant 0 : i32
      %dma_start3A_249 = tpu.memref_slice %arg4[%add3A_210, %dma_start3A_248] : memref<320000x128xf32, #tpu.memory_space<hbm>> -> memref<80x128xf32, #tpu.memory_space<hbm>>
      tpu.enqueue_dma source(%dma_start3A_249 : memref<80x128xf32, #tpu.memory_space<hbm>>) target(%dma_start3A_247 : memref<80x128xf32, #tpu.memory_space<vmem>>) target_semaphore(%arg13 : memref<!tpu.dma_semaphore, #tpu.memory_space<semaphore_mem>>)
      %dma_wait3A_250 = arith.constant 1 : i32
      %dma_wait3A_251 = arith.constant 1 : i32
      %dma_wait3A_252 = arith.constant 0 : i32
      %dma_wait3A_253 = arith.constant 0 : i32
      %dma_wait3A_254 = tpu.memref_slice %arg10[%dma_wait3A_251, %dma_wait3A_252, %dma_wait3A_253] : memref<2x80x128xf32, #tpu.memory_space<vmem>> -> memref<1x80x128xf32, #tpu.memory_space<vmem>>
      %dma_wait3A_255 = tpu.memref_squeeze %dma_wait3A_254 : memref<1x80x128xf32, #tpu.memory_space<vmem>> -> memref<80x128xf32, #tpu.memory_space<vmem>>
      %dma_wait3A_256 = arith.constant 0 : i32
      %dma_wait3A_257 = tpu.memref_slice %arg8[%dma_wait3A_250, %dma_wait3A_256] : memref<2x80xi32, #tpu.memory_space<vmem>> -> memref<1x80xi32, #tpu.memory_space<vmem>>
      %dma_wait3A_258 = tpu.memref_squeeze %dma_wait3A_257 : memref<1x80xi32, #tpu.memory_space<vmem>> -> memref<80xi32, #tpu.memory_space<vmem>>
      %dma_wait3A_259 = arith.constant 0 : i32
      %dma_wait3A_260 = arith.constant 0 : i32
      %dma_wait3A_261 = tpu.memref_slice %arg2[%dma_wait3A_259, %dma_wait3A_260] : memref<10000x128xf32, #tpu.memory_space<hbm>> -> memref<10000x128xf32, #tpu.memory_space<hbm>>
      tpu.wait_indirect_dma semaphore(%arg14 : memref<!tpu.dma_semaphore, #tpu.memory_space<semaphore_mem>>) src(%dma_wait3A_261 : memref<10000x128xf32, #tpu.memory_space<hbm>>) dst(%dma_wait3A_255 : memref<80x128xf32, #tpu.memory_space<vmem>>)
      %dma_wait3A_262 = arith.constant 1 : i32
      %dma_wait3A_263 = arith.constant 1 : i32
      %dma_wait3A_264 = arith.constant 0 : i32
      %dma_wait3A_265 = arith.constant 0 : i32
      %dma_wait3A_266 = tpu.memref_slice %arg11[%dma_wait3A_263, %dma_wait3A_264, %dma_wait3A_265] : memref<2x80x128xf32, #tpu.memory_space<vmem>> -> memref<1x80x128xf32, #tpu.memory_space<vmem>>
      %dma_wait3A_267 = tpu.memref_squeeze %dma_wait3A_266 : memref<1x80x128xf32, #tpu.memory_space<vmem>> -> memref<80x128xf32, #tpu.memory_space<vmem>>
      %dma_wait3A_268 = arith.constant 0 : i32
      %dma_wait3A_269 = tpu.memref_slice %arg9[%dma_wait3A_262, %dma_wait3A_268] : memref<2x80xi32, #tpu.memory_space<vmem>> -> memref<1x80xi32, #tpu.memory_space<vmem>>
      %dma_wait3A_270 = tpu.memref_squeeze %dma_wait3A_269 : memref<1x80xi32, #tpu.memory_space<vmem>> -> memref<80xi32, #tpu.memory_space<vmem>>
      %dma_wait3A_271 = arith.constant 0 : i32
      %dma_wait3A_272 = arith.constant 0 : i32
      %dma_wait3A_273 = tpu.memref_slice %arg3[%dma_wait3A_271, %dma_wait3A_272] : memref<10000x128xf32, #tpu.memory_space<hbm>> -> memref<10000x128xf32, #tpu.memory_space<hbm>>
      tpu.wait_indirect_dma semaphore(%arg14 : memref<!tpu.dma_semaphore, #tpu.memory_space<semaphore_mem>>) src(%dma_wait3A_273 : memref<10000x128xf32, #tpu.memory_space<hbm>>) dst(%dma_wait3A_267 : memref<80x128xf32, #tpu.memory_space<vmem>>)
      %dma_wait3A_274 = arith.constant 1 : i32
      %dma_wait3A_275 = arith.constant 0 : i32
      %dma_wait3A_276 = arith.constant 0 : i32
      %dma_wait3A_277 = tpu.memref_slice %arg12[%dma_wait3A_274, %dma_wait3A_275, %dma_wait3A_276] : memref<2x80x128xf32, #tpu.memory_space<vmem>> -> memref<1x80x128xf32, #tpu.memory_space<vmem>>
      %dma_wait3A_278 = tpu.memref_squeeze %dma_wait3A_277 : memref<1x80x128xf32, #tpu.memory_space<vmem>> -> memref<80x128xf32, #tpu.memory_space<vmem>>
      %dma_wait3A_279 = arith.constant 0 : i32
      %dma_wait3A_280 = arith.constant 0 : i32
      %dma_wait3A_281 = tpu.memref_slice %arg4[%dma_wait3A_279, %dma_wait3A_280] : memref<320000x128xf32, #tpu.memory_space<hbm>> -> memref<80x128xf32, #tpu.memory_space<hbm>>
      %dma_wait3A_282 = arith.constant 0 : i32
      %dma_wait3A_283 = arith.constant 0 : i32
      %dma_wait3A_284 = tpu.memref_slice %arg12[%dma_wait3A_274, %dma_wait3A_282, %dma_wait3A_283] : memref<2x80x128xf32, #tpu.memory_space<vmem>> -> memref<1x80x128xf32, #tpu.memory_space<vmem>>
      %dma_wait3A_285 = tpu.memref_squeeze %dma_wait3A_284 : memref<1x80x128xf32, #tpu.memory_space<vmem>> -> memref<80x128xf32, #tpu.memory_space<vmem>>
      %dma_wait3A_286 = arith.constant 0 : i32
      %dma_wait3A_287 = arith.constant 0 : i32
      %dma_wait3A_288 = tpu.memref_slice %arg4[%dma_wait3A_286, %dma_wait3A_287] : memref<320000x128xf32, #tpu.memory_space<hbm>> -> memref<80x128xf32, #tpu.memory_space<hbm>>
      tpu.wait_dma2 semaphore(%arg14 : memref<!tpu.dma_semaphore, #tpu.memory_space<semaphore_mem>>) src(%dma_wait3A_288 : memref<80x128xf32, #tpu.memory_space<hbm>>) dst(%dma_wait3A_285 : memref<80x128xf32, #tpu.memory_space<vmem>>)
      %mul3A_289 = arith.constant 2 : i32
      %mul3A_290 = arith.muli %mul3A_289, %scan3A_98 : i32
      %add3A_291 = arith.constant 1 : i32
      %add3A_292 = arith.addi %mul3A_290, %add3A_291 : i32
      %scan3A_293 = arith.constant 0 : i32
      %scan3A_294 = arith.constant 0 : i32
      %scan3A_295 = arith.constant 80 : i32
      %scan3A_296 = arith.addi %scan3A_294, %scan3A_295 : i32
      %scan3A_297 = arith.constant 1 : i32
      %scan3A_298 = scf.for %scan3A_307 = %scan3A_294 to %scan3A_296 step %scan3A_297 iter_args(%scan3A_308 = %scan3A_293) -> (i32)  : i32 {
        %get3A = arith.constant 1 : i32
        %get3A_309 = arith.index_cast %get3A : i32 to index
        %get3A_310 = arith.index_cast %scan3A_307 : i32 to index
        %get3A_311 = arith.constant 0 : index
        %get3A_312 = tpu.vector_load %arg10[%get3A_309, %get3A_310, %get3A_311] {strides = array<i32>} : memref<2x80x128xf32, #tpu.memory_space<vmem>>, vector<1x1x16xf32>,
        %get3A_313 = vector.shape_cast %get3A_312 : vector<1x1x16xf32> to vector<16xf32>
        %get3A_314 = arith.constant 1 : i32
        %get3A_315 = arith.index_cast %get3A_314 : i32 to index
        %get3A_316 = arith.index_cast %scan3A_307 : i32 to index
        %get3A_317 = arith.constant 0 : index
        %get3A_318 = tpu.vector_load %arg11[%get3A_315, %get3A_316, %get3A_317] {strides = array<i32>} : memref<2x80x128xf32, #tpu.memory_space<vmem>>, vector<1x1x16xf32>,
        %get3A_319 = vector.shape_cast %get3A_318 : vector<1x1x16xf32> to vector<16xf32>
        %add3A_320 = arith.addf %get3A_313, %get3A_319 : vector<16xf32>
        %get3A_321 = arith.constant 1 : i32
        %get3A_322 = arith.index_cast %get3A_321 : i32 to index
        %get3A_323 = arith.index_cast %scan3A_307 : i32 to index
        %get3A_324 = arith.constant 0 : index
        %get3A_325 = tpu.vector_load %arg12[%get3A_322, %get3A_323, %get3A_324] {strides = array<i32>} : memref<2x80x128xf32, #tpu.memory_space<vmem>>, vector<1x1x16xf32>,
        %get3A_326 = vector.shape_cast %get3A_325 : vector<1x1x16xf32> to vector<16xf32>
        %add3A_327 = arith.addf %add3A_320, %get3A_326 : vector<16xf32>
        %max3A = arith.constant 0.000000e+00 : f32
        %max3A_328 = vector.broadcast %max3A : f32 to vector<16xf32>
        %max3A_329 = arith.maximumf %add3A_327, %max3A_328 : vector<16xf32>
        %swap3A = arith.constant 1 : i32
        %swap3A_330 = arith.index_cast %swap3A : i32 to index
        %swap3A_331 = arith.index_cast %scan3A_307 : i32 to index
        %swap3A_332 = arith.constant 0 : index
        %swap3A_333 = tpu.vector_load %arg12[%swap3A_330, %swap3A_331, %swap3A_332] {strides = array<i32>} : memref<2x80x128xf32, #tpu.memory_space<vmem>>, vector<1x1x16xf32>,
        %swap3A_334 = vector.shape_cast %swap3A_333 : vector<1x1x16xf32> to vector<16xf32>
        %swap3A_335 = vector.shape_cast %max3A_329 : vector<16xf32> to vector<1x1x16xf32>
        tpu.vector_store %arg12[%swap3A_330, %swap3A_331, %swap3A_332], %swap3A_335 {strides = array<i32>} : memref<2x80x128xf32, #tpu.memory_space<vmem>>, vector<1x1x16xf32>,
        %get3A_336 = arith.constant 1 : i32
        %get3A_337 = arith.index_cast %get3A_336 : i32 to index
        %get3A_338 = arith.index_cast %scan3A_307 : i32 to index
        %get3A_339 = arith.constant 16 : index
        %get3A_340 = tpu.vector_load %arg10[%get3A_337, %get3A_338, %get3A_339] {strides = array<i32>} : memref<2x80x128xf32, #tpu.memory_space<vmem>>, vector<1x1x16xf32>,
        %get3A_341 = vector.shape_cast %get3A_340 : vector<1x1x16xf32> to vector<16xf32>
        %get3A_342 = arith.constant 1 : i32
        %get3A_343 = arith.index_cast %get3A_342 : i32 to index
        %get3A_344 = arith.index_cast %scan3A_307 : i32 to index
        %get3A_345 = arith.constant 16 : index
        %get3A_346 = tpu.vector_load %arg11[%get3A_343, %get3A_344, %get3A_345] {strides = array<i32>} : memref<2x80x128xf32, #tpu.memory_space<vmem>>, vector<1x1x16xf32>,
        %get3A_347 = vector.shape_cast %get3A_346 : vector<1x1x16xf32> to vector<16xf32>
        %add3A_348 = arith.addf %get3A_341, %get3A_347 : vector<16xf32>
        %get3A_349 = arith.constant 1 : i32
        %get3A_350 = arith.index_cast %get3A_349 : i32 to index
        %get3A_351 = arith.index_cast %scan3A_307 : i32 to index
        %get3A_352 = arith.constant 16 : index
        %get3A_353 = tpu.vector_load %arg12[%get3A_350, %get3A_351, %get3A_352] {strides = array<i32>} : memref<2x80x128xf32, #tpu.memory_space<vmem>>, vector<1x1x16xf32>,
        %get3A_354 = vector.shape_cast %get3A_353 : vector<1x1x16xf32> to vector<16xf32>
        %add3A_355 = arith.addf %add3A_348, %get3A_354 : vector<16xf32>
        %max3A_356 = arith.constant 0.000000e+00 : f32
        %max3A_357 = vector.broadcast %max3A_356 : f32 to vector<16xf32>
        %max3A_358 = arith.maximumf %add3A_355, %max3A_357 : vector<16xf32>
        %swap3A_359 = arith.constant 1 : i32
        %swap3A_360 = arith.index_cast %swap3A_359 : i32 to index
        %swap3A_361 = arith.index_cast %scan3A_307 : i32 to index
        %swap3A_362 = arith.constant 16 : index
        %swap3A_363 = tpu.vector_load %arg12[%swap3A_360, %swap3A_361, %swap3A_362] {strides = array<i32>} : memref<2x80x128xf32, #tpu.memory_space<vmem>>, vector<1x1x16xf32>,
        %swap3A_364 = vector.shape_cast %swap3A_363 : vector<1x1x16xf32> to vector<16xf32>
        %swap3A_365 = vector.shape_cast %max3A_358 : vector<16xf32> to vector<1x1x16xf32>
        tpu.vector_store %arg12[%swap3A_360, %swap3A_361, %swap3A_362], %swap3A_365 {strides = array<i32>} : memref<2x80x128xf32, #tpu.memory_space<vmem>>, vector<1x1x16xf32>,
        %get3A_366 = arith.constant 1 : i32
        %get3A_367 = arith.index_cast %get3A_366 : i32 to index
        %get3A_368 = arith.index_cast %scan3A_307 : i32 to index
        %get3A_369 = arith.constant 32 : index
        %get3A_370 = tpu.vector_load %arg10[%get3A_367, %get3A_368, %get3A_369] {strides = array<i32>} : memref<2x80x128xf32, #tpu.memory_space<vmem>>, vector<1x1x16xf32>,
        %get3A_371 = vector.shape_cast %get3A_370 : vector<1x1x16xf32> to vector<16xf32>
        %get3A_372 = arith.constant 1 : i32
        %get3A_373 = arith.index_cast %get3A_372 : i32 to index
        %get3A_374 = arith.index_cast %scan3A_307 : i32 to index
        %get3A_375 = arith.constant 32 : index
        %get3A_376 = tpu.vector_load %arg11[%get3A_373, %get3A_374, %get3A_375] {strides = array<i32>} : memref<2x80x128xf32, #tpu.memory_space<vmem>>, vector<1x1x16xf32>,
        %get3A_377 = vector.shape_cast %get3A_376 : vector<1x1x16xf32> to vector<16xf32>
        %add3A_378 = arith.addf %get3A_371, %get3A_377 : vector<16xf32>
        %get3A_379 = arith.constant 1 : i32
        %get3A_380 = arith.index_cast %get3A_379 : i32 to index
        %get3A_381 = arith.index_cast %scan3A_307 : i32 to index
        %get3A_382 = arith.constant 32 : index
        %get3A_383 = tpu.vector_load %arg12[%get3A_380, %get3A_381, %get3A_382] {strides = array<i32>} : memref<2x80x128xf32, #tpu.memory_space<vmem>>, vector<1x1x16xf32>,
        %get3A_384 = vector.shape_cast %get3A_383 : vector<1x1x16xf32> to vector<16xf32>
        %add3A_385 = arith.addf %add3A_378, %get3A_384 : vector<16xf32>
        %max3A_386 = arith.constant 0.000000e+00 : f32
        %max3A_387 = vector.broadcast %max3A_386 : f32 to vector<16xf32>
        %max3A_388 = arith.maximumf %add3A_385, %max3A_387 : vector<16xf32>
        %swap3A_389 = arith.constant 1 : i32
        %swap3A_390 = arith.index_cast %swap3A_389 : i32 to index
        %swap3A_391 = arith.index_cast %scan3A_307 : i32 to index
        %swap3A_392 = arith.constant 32 : index
        %swap3A_393 = tpu.vector_load %arg12[%swap3A_390, %swap3A_391, %swap3A_392] {strides = array<i32>} : memref<2x80x128xf32, #tpu.memory_space<vmem>>, vector<1x1x16xf32>,
        %swap3A_394 = vector.shape_cast %swap3A_393 : vector<1x1x16xf32> to vector<16xf32>
        %swap3A_395 = vector.shape_cast %max3A_388 : vector<16xf32> to vector<1x1x16xf32>
        tpu.vector_store %arg12[%swap3A_390, %swap3A_391, %swap3A_392], %swap3A_395 {strides = array<i32>} : memref<2x80x128xf32, #tpu.memory_space<vmem>>, vector<1x1x16xf32>,
        %get3A_396 = arith.constant 1 : i32
        %get3A_397 = arith.index_cast %get3A_396 : i32 to index
        %get3A_398 = arith.index_cast %scan3A_307 : i32 to index
        %get3A_399 = arith.constant 48 : index
        %get3A_400 = tpu.vector_load %arg10[%get3A_397, %get3A_398, %get3A_399] {strides = array<i32>} : memref<2x80x128xf32, #tpu.memory_space<vmem>>, vector<1x1x16xf32>,
        %get3A_401 = vector.shape_cast %get3A_400 : vector<1x1x16xf32> to vector<16xf32>
        %get3A_402 = arith.constant 1 : i32
        %get3A_403 = arith.index_cast %get3A_402 : i32 to index
        %get3A_404 = arith.index_cast %scan3A_307 : i32 to index
        %get3A_405 = arith.constant 48 : index
        %get3A_406 = tpu.vector_load %arg11[%get3A_403, %get3A_404, %get3A_405] {strides = array<i32>} : memref<2x80x128xf32, #tpu.memory_space<vmem>>, vector<1x1x16xf32>,
        %get3A_407 = vector.shape_cast %get3A_406 : vector<1x1x16xf32> to vector<16xf32>
        %add3A_408 = arith.addf %get3A_401, %get3A_407 : vector<16xf32>
        %get3A_409 = arith.constant 1 : i32
        %get3A_410 = arith.index_cast %get3A_409 : i32 to index
        %get3A_411 = arith.index_cast %scan3A_307 : i32 to index
        %get3A_412 = arith.constant 48 : index
        %get3A_413 = tpu.vector_load %arg12[%get3A_410, %get3A_411, %get3A_412] {strides = array<i32>} : memref<2x80x128xf32, #tpu.memory_space<vmem>>, vector<1x1x16xf32>,
        %get3A_414 = vector.shape_cast %get3A_413 : vector<1x1x16xf32> to vector<16xf32>
        %add3A_415 = arith.addf %add3A_408, %get3A_414 : vector<16xf32>
        %max3A_416 = arith.constant 0.000000e+00 : f32
        %max3A_417 = vector.broadcast %max3A_416 : f32 to vector<16xf32>
        %max3A_418 = arith.maximumf %add3A_415, %max3A_417 : vector<16xf32>
        %swap3A_419 = arith.constant 1 : i32
        %swap3A_420 = arith.index_cast %swap3A_419 : i32 to index
        %swap3A_421 = arith.index_cast %scan3A_307 : i32 to index
        %swap3A_422 = arith.constant 48 : index
        %swap3A_423 = tpu.vector_load %arg12[%swap3A_420, %swap3A_421, %swap3A_422] {strides = array<i32>} : memref<2x80x128xf32, #tpu.memory_space<vmem>>, vector<1x1x16xf32>,
        %swap3A_424 = vector.shape_cast %swap3A_423 : vector<1x1x16xf32> to vector<16xf32>
        %swap3A_425 = vector.shape_cast %max3A_418 : vector<16xf32> to vector<1x1x16xf32>
        tpu.vector_store %arg12[%swap3A_420, %swap3A_421, %swap3A_422], %swap3A_425 {strides = array<i32>} : memref<2x80x128xf32, #tpu.memory_space<vmem>>, vector<1x1x16xf32>,
        %get3A_426 = arith.constant 1 : i32
        %get3A_427 = arith.index_cast %get3A_426 : i32 to index
        %get3A_428 = arith.index_cast %scan3A_307 : i32 to index
        %get3A_429 = arith.constant 64 : index
        %get3A_430 = tpu.vector_load %arg10[%get3A_427, %get3A_428, %get3A_429] {strides = array<i32>} : memref<2x80x128xf32, #tpu.memory_space<vmem>>, vector<1x1x16xf32>,
        %get3A_431 = vector.shape_cast %get3A_430 : vector<1x1x16xf32> to vector<16xf32>
        %get3A_432 = arith.constant 1 : i32
        %get3A_433 = arith.index_cast %get3A_432 : i32 to index
        %get3A_434 = arith.index_cast %scan3A_307 : i32 to index
        %get3A_435 = arith.constant 64 : index
        %get3A_436 = tpu.vector_load %arg11[%get3A_433, %get3A_434, %get3A_435] {strides = array<i32>} : memref<2x80x128xf32, #tpu.memory_space<vmem>>, vector<1x1x16xf32>,
        %get3A_437 = vector.shape_cast %get3A_436 : vector<1x1x16xf32> to vector<16xf32>
        %add3A_438 = arith.addf %get3A_431, %get3A_437 : vector<16xf32>
        %get3A_439 = arith.constant 1 : i32
        %get3A_440 = arith.index_cast %get3A_439 : i32 to index
        %get3A_441 = arith.index_cast %scan3A_307 : i32 to index
        %get3A_442 = arith.constant 64 : index
        %get3A_443 = tpu.vector_load %arg12[%get3A_440, %get3A_441, %get3A_442] {strides = array<i32>} : memref<2x80x128xf32, #tpu.memory_space<vmem>>, vector<1x1x16xf32>,
        %get3A_444 = vector.shape_cast %get3A_443 : vector<1x1x16xf32> to vector<16xf32>
        %add3A_445 = arith.addf %add3A_438, %get3A_444 : vector<16xf32>
        %max3A_446 = arith.constant 0.000000e+00 : f32
        %max3A_447 = vector.broadcast %max3A_446 : f32 to vector<16xf32>
        %max3A_448 = arith.maximumf %add3A_445, %max3A_447 : vector<16xf32>
        %swap3A_449 = arith.constant 1 : i32
        %swap3A_450 = arith.index_cast %swap3A_449 : i32 to index
        %swap3A_451 = arith.index_cast %scan3A_307 : i32 to index
        %swap3A_452 = arith.constant 64 : index
        %swap3A_453 = tpu.vector_load %arg12[%swap3A_450, %swap3A_451, %swap3A_452] {strides = array<i32>} : memref<2x80x128xf32, #tpu.memory_space<vmem>>, vector<1x1x16xf32>,
        %swap3A_454 = vector.shape_cast %swap3A_453 : vector<1x1x16xf32> to vector<16xf32>
        %swap3A_455 = vector.shape_cast %max3A_448 : vector<16xf32> to vector<1x1x16xf32>
        tpu.vector_store %arg12[%swap3A_450, %swap3A_451, %swap3A_452], %swap3A_455 {strides = array<i32>} : memref<2x80x128xf32, #tpu.memory_space<vmem>>, vector<1x1x16xf32>,
        %get3A_456 = arith.constant 1 : i32
        %get3A_457 = arith.index_cast %get3A_456 : i32 to index
        %get3A_458 = arith.index_cast %scan3A_307 : i32 to index
        %get3A_459 = arith.constant 80 : index
        %get3A_460 = tpu.vector_load %arg10[%get3A_457, %get3A_458, %get3A_459] {strides = array<i32>} : memref<2x80x128xf32, #tpu.memory_space<vmem>>, vector<1x1x16xf32>,
        %get3A_461 = vector.shape_cast %get3A_460 : vector<1x1x16xf32> to vector<16xf32>
        %get3A_462 = arith.constant 1 : i32
        %get3A_463 = arith.index_cast %get3A_462 : i32 to index
        %get3A_464 = arith.index_cast %scan3A_307 : i32 to index
        %get3A_465 = arith.constant 80 : index
        %get3A_466 = tpu.vector_load %arg11[%get3A_463, %get3A_464, %get3A_465] {strides = array<i32>} : memref<2x80x128xf32, #tpu.memory_space<vmem>>, vector<1x1x16xf32>,
        %get3A_467 = vector.shape_cast %get3A_466 : vector<1x1x16xf32> to vector<16xf32>
        %add3A_468 = arith.addf %get3A_461, %get3A_467 : vector<16xf32>
        %get3A_469 = arith.constant 1 : i32
        %get3A_470 = arith.index_cast %get3A_469 : i32 to index
        %get3A_471 = arith.index_cast %scan3A_307 : i32 to index
        %get3A_472 = arith.constant 80 : index
        %get3A_473 = tpu.vector_load %arg12[%get3A_470, %get3A_471, %get3A_472] {strides = array<i32>} : memref<2x80x128xf32, #tpu.memory_space<vmem>>, vector<1x1x16xf32>,
        %get3A_474 = vector.shape_cast %get3A_473 : vector<1x1x16xf32> to vector<16xf32>
        %add3A_475 = arith.addf %add3A_468, %get3A_474 : vector<16xf32>
        %max3A_476 = arith.constant 0.000000e+00 : f32
        %max3A_477 = vector.broadcast %max3A_476 : f32 to vector<16xf32>
        %max3A_478 = arith.maximumf %add3A_475, %max3A_477 : vector<16xf32>
        %swap3A_479 = arith.constant 1 : i32
        %swap3A_480 = arith.index_cast %swap3A_479 : i32 to index
        %swap3A_481 = arith.index_cast %scan3A_307 : i32 to index
        %swap3A_482 = arith.constant 80 : index
        %swap3A_483 = tpu.vector_load %arg12[%swap3A_480, %swap3A_481, %swap3A_482] {strides = array<i32>} : memref<2x80x128xf32, #tpu.memory_space<vmem>>, vector<1x1x16xf32>,
        %swap3A_484 = vector.shape_cast %swap3A_483 : vector<1x1x16xf32> to vector<16xf32>
        %swap3A_485 = vector.shape_cast %max3A_478 : vector<16xf32> to vector<1x1x16xf32>
        tpu.vector_store %arg12[%swap3A_480, %swap3A_481, %swap3A_482], %swap3A_485 {strides = array<i32>} : memref<2x80x128xf32, #tpu.memory_space<vmem>>, vector<1x1x16xf32>,
        %get3A_486 = arith.constant 1 : i32
        %get3A_487 = arith.index_cast %get3A_486 : i32 to index
        %get3A_488 = arith.index_cast %scan3A_307 : i32 to index
        %get3A_489 = arith.constant 96 : index
        %get3A_490 = tpu.vector_load %arg10[%get3A_487, %get3A_488, %get3A_489] {strides = array<i32>} : memref<2x80x128xf32, #tpu.memory_space<vmem>>, vector<1x1x16xf32>,
        %get3A_491 = vector.shape_cast %get3A_490 : vector<1x1x16xf32> to vector<16xf32>
        %get3A_492 = arith.constant 1 : i32
        %get3A_493 = arith.index_cast %get3A_492 : i32 to index
        %get3A_494 = arith.index_cast %scan3A_307 : i32 to index
        %get3A_495 = arith.constant 96 : index
        %get3A_496 = tpu.vector_load %arg11[%get3A_493, %get3A_494, %get3A_495] {strides = array<i32>} : memref<2x80x128xf32, #tpu.memory_space<vmem>>, vector<1x1x16xf32>,
        %get3A_497 = vector.shape_cast %get3A_496 : vector<1x1x16xf32> to vector<16xf32>
        %add3A_498 = arith.addf %get3A_491, %get3A_497 : vector<16xf32>
        %get3A_499 = arith.constant 1 : i32
        %get3A_500 = arith.index_cast %get3A_499 : i32 to index
        %get3A_501 = arith.index_cast %scan3A_307 : i32 to index
        %get3A_502 = arith.constant 96 : index
        %get3A_503 = tpu.vector_load %arg12[%get3A_500, %get3A_501, %get3A_502] {strides = array<i32>} : memref<2x80x128xf32, #tpu.memory_space<vmem>>, vector<1x1x16xf32>,
        %get3A_504 = vector.shape_cast %get3A_503 : vector<1x1x16xf32> to vector<16xf32>
        %add3A_505 = arith.addf %add3A_498, %get3A_504 : vector<16xf32>
        %max3A_506 = arith.constant 0.000000e+00 : f32
        %max3A_507 = vector.broadcast %max3A_506 : f32 to vector<16xf32>
        %max3A_508 = arith.maximumf %add3A_505, %max3A_507 : vector<16xf32>
        %swap3A_509 = arith.constant 1 : i32
        %swap3A_510 = arith.index_cast %swap3A_509 : i32 to index
        %swap3A_511 = arith.index_cast %scan3A_307 : i32 to index
        %swap3A_512 = arith.constant 96 : index
        %swap3A_513 = tpu.vector_load %arg12[%swap3A_510, %swap3A_511, %swap3A_512] {strides = array<i32>} : memref<2x80x128xf32, #tpu.memory_space<vmem>>, vector<1x1x16xf32>,
        %swap3A_514 = vector.shape_cast %swap3A_513 : vector<1x1x16xf32> to vector<16xf32>
        %swap3A_515 = vector.shape_cast %max3A_508 : vector<16xf32> to vector<1x1x16xf32>
        tpu.vector_store %arg12[%swap3A_510, %swap3A_511, %swap3A_512], %swap3A_515 {strides = array<i32>} : memref<2x80x128xf32, #tpu.memory_space<vmem>>, vector<1x1x16xf32>,
        %get3A_516 = arith.constant 1 : i32
        %get3A_517 = arith.index_cast %get3A_516 : i32 to index
        %get3A_518 = arith.index_cast %scan3A_307 : i32 to index
        %get3A_519 = arith.constant 112 : index
        %get3A_520 = tpu.vector_load %arg10[%get3A_517, %get3A_518, %get3A_519] {strides = array<i32>} : memref<2x80x128xf32, #tpu.memory_space<vmem>>, vector<1x1x16xf32>,
        %get3A_521 = vector.shape_cast %get3A_520 : vector<1x1x16xf32> to vector<16xf32>
        %get3A_522 = arith.constant 1 : i32
        %get3A_523 = arith.index_cast %get3A_522 : i32 to index
        %get3A_524 = arith.index_cast %scan3A_307 : i32 to index
        %get3A_525 = arith.constant 112 : index
        %get3A_526 = tpu.vector_load %arg11[%get3A_523, %get3A_524, %get3A_525] {strides = array<i32>} : memref<2x80x128xf32, #tpu.memory_space<vmem>>, vector<1x1x16xf32>,
        %get3A_527 = vector.shape_cast %get3A_526 : vector<1x1x16xf32> to vector<16xf32>
        %add3A_528 = arith.addf %get3A_521, %get3A_527 : vector<16xf32>
        %get3A_529 = arith.constant 1 : i32
        %get3A_530 = arith.index_cast %get3A_529 : i32 to index
        %get3A_531 = arith.index_cast %scan3A_307 : i32 to index
        %get3A_532 = arith.constant 112 : index
        %get3A_533 = tpu.vector_load %arg12[%get3A_530, %get3A_531, %get3A_532] {strides = array<i32>} : memref<2x80x128xf32, #tpu.memory_space<vmem>>, vector<1x1x16xf32>,
        %get3A_534 = vector.shape_cast %get3A_533 : vector<1x1x16xf32> to vector<16xf32>
        %add3A_535 = arith.addf %add3A_528, %get3A_534 : vector<16xf32>
        %max3A_536 = arith.constant 0.000000e+00 : f32
        %max3A_537 = vector.broadcast %max3A_536 : f32 to vector<16xf32>
        %max3A_538 = arith.maximumf %add3A_535, %max3A_537 : vector<16xf32>
        %swap3A_539 = arith.constant 1 : i32
        %swap3A_540 = arith.index_cast %swap3A_539 : i32 to index
        %swap3A_541 = arith.index_cast %scan3A_307 : i32 to index
        %swap3A_542 = arith.constant 112 : index
        %swap3A_543 = tpu.vector_load %arg12[%swap3A_540, %swap3A_541, %swap3A_542] {strides = array<i32>} : memref<2x80x128xf32, #tpu.memory_space<vmem>>, vector<1x1x16xf32>,
        %swap3A_544 = vector.shape_cast %swap3A_543 : vector<1x1x16xf32> to vector<16xf32>
        %swap3A_545 = vector.shape_cast %max3A_538 : vector<16xf32> to vector<1x1x16xf32>
        tpu.vector_store %arg12[%swap3A_540, %swap3A_541, %swap3A_542], %swap3A_545 {strides = array<i32>} : memref<2x80x128xf32, #tpu.memory_space<vmem>>, vector<1x1x16xf32>,
        %scan3A_546 = arith.constant 0 : i32
        scf.yield %scan3A_546 : i32
      }
      %scan3A_299 = arith.constant 80 : i32
      %mul3A_300 = arith.constant 10000 : i32
      %mul3A_301 = arith.muli %add3A, %mul3A_300 : i32
      %mul3A_302 = arith.constant 80 : i32
      %mul3A_303 = arith.muli %add3A_292, %mul3A_302 : i32
      %add3A_304 = arith.addi %mul3A_301, %mul3A_303 : i32
      %run_scoped3A_305 = arith.constant 1 : i32
      "tpu.region"() ({
        %run_scoped3A_307 = tpu.sem_alloc : memref<!tpu.dma_semaphore, #tpu.memory_space<semaphore_mem>>
        %dma_start3A_308 = arith.constant 0 : i32
        %dma_start3A_309 = arith.constant 0 : i32
        %dma_start3A_310 = tpu.memref_slice %arg12[%run_scoped3A_305, %dma_start3A_308, %dma_start3A_309] : memref<2x80x128xf32, #tpu.memory_space<vmem>> -> memref<1x80x128xf32, #tpu.memory_space<vmem>>
        %dma_start3A_311 = tpu.memref_squeeze %dma_start3A_310 : memref<1x80x128xf32, #tpu.memory_space<vmem>> -> memref<80x128xf32, #tpu.memory_space<vmem>>
        %dma_start3A_312 = arith.constant 0 : i32
        %dma_start3A_313 = tpu.memref_slice %arg7[%add3A_304, %dma_start3A_312] : memref<320000x128xf32, #tpu.memory_space<hbm>> -> memref<80x128xf32, #tpu.memory_space<hbm>>
        %dma_start3A_314 = arith.constant 0 : i32
        %dma_start3A_315 = tpu.memref_slice %arg7[%add3A_304, %dma_start3A_314] : memref<320000x128xf32, #tpu.memory_space<hbm>> -> memref<80x128xf32, #tpu.memory_space<hbm>>
        %dma_start3A_316 = arith.constant 0 : i32
        %dma_start3A_317 = arith.constant 0 : i32
        %dma_start3A_318 = tpu.memref_slice %arg12[%run_scoped3A_305, %dma_start3A_316, %dma_start3A_317] : memref<2x80x128xf32, #tpu.memory_space<vmem>> -> memref<1x80x128xf32, #tpu.memory_space<vmem>>
        %dma_start3A_319 = tpu.memref_squeeze %dma_start3A_318 : memref<1x80x128xf32, #tpu.memory_space<vmem>> -> memref<80x128xf32, #tpu.memory_space<vmem>>
        tpu.enqueue_dma source(%dma_start3A_319 : memref<80x128xf32, #tpu.memory_space<vmem>>) target(%dma_start3A_315 : memref<80x128xf32, #tpu.memory_space<hbm>>) target_semaphore(%run_scoped3A_307 : memref<!tpu.dma_semaphore, #tpu.memory_space<semaphore_mem>>)
        %dma_wait3A_320 = arith.constant 0 : i32
        %dma_wait3A_321 = arith.constant 0 : i32
        %dma_wait3A_322 = tpu.memref_slice %arg12[%run_scoped3A_305, %dma_wait3A_320, %dma_wait3A_321] : memref<2x80x128xf32, #tpu.memory_space<vmem>> -> memref<1x80x128xf32, #tpu.memory_space<vmem>>
        %dma_wait3A_323 = tpu.memref_squeeze %dma_wait3A_322 : memref<1x80x128xf32, #tpu.memory_space<vmem>> -> memref<80x128xf32, #tpu.memory_space<vmem>>
        %dma_wait3A_324 = arith.constant 0 : i32
        %dma_wait3A_325 = tpu.memref_slice %arg7[%add3A_304, %dma_wait3A_324] : memref<320000x128xf32, #tpu.memory_space<hbm>> -> memref<80x128xf32, #tpu.memory_space<hbm>>
        %dma_wait3A_326 = arith.constant 0 : i32
        %dma_wait3A_327 = tpu.memref_slice %arg7[%add3A_304, %dma_wait3A_326] : memref<320000x128xf32, #tpu.memory_space<hbm>> -> memref<80x128xf32, #tpu.memory_space<hbm>>
        %dma_wait3A_328 = arith.constant 0 : i32
        %dma_wait3A_329 = arith.constant 0 : i32
        %dma_wait3A_330 = tpu.memref_slice %arg12[%run_scoped3A_305, %dma_wait3A_328, %dma_wait3A_329] : memref<2x80x128xf32, #tpu.memory_space<vmem>> -> memref<1x80x128xf32, #tpu.memory_space<vmem>>
        %dma_wait3A_331 = tpu.memref_squeeze %dma_wait3A_330 : memref<1x80x128xf32, #tpu.memory_space<vmem>> -> memref<80x128xf32, #tpu.memory_space<vmem>>
        tpu.wait_dma2 semaphore(%run_scoped3A_307 : memref<!tpu.dma_semaphore, #tpu.memory_space<semaphore_mem>>) src(%dma_wait3A_331 : memref<80x128xf32, #tpu.memory_space<vmem>>) dst(%dma_wait3A_327 : memref<80x128xf32, #tpu.memory_space<hbm>>)
        tpu.yield
      }) : () -> ()
      %scan3A_306 = arith.constant 0 : i32
      scf.yield %scan3A_306 : i32
    }
    %scan3A_47 = arith.constant 62 : i32
    %dma_wait3A = arith.constant 0 : i32
    %dma_wait3A_48 = arith.constant 0 : i32
    %dma_wait3A_49 = arith.constant 0 : i32
    %dma_wait3A_50 = arith.constant 0 : i32
    %dma_wait3A_51 = tpu.memref_slice %arg10[%dma_wait3A_48, %dma_wait3A_49, %dma_wait3A_50] : memref<2x80x128xf32, #tpu.memory_space<vmem>> -> memref<1x80x128xf32, #tpu.memory_space<vmem>>
    %dma_wait3A_52 = tpu.memref_squeeze %dma_wait3A_51 : memref<1x80x128xf32, #tpu.memory_space<vmem>> -> memref<80x128xf32, #tpu.memory_space<vmem>>
    %dma_wait3A_53 = arith.constant 0 : i32
    %dma_wait3A_54 = tpu.memref_slice %arg8[%dma_wait3A, %dma_wait3A_53] : memref<2x80xi32, #tpu.memory_space<vmem>> -> memref<1x80xi32, #tpu.memory_space<vmem>>
    %dma_wait3A_55 = tpu.memref_squeeze %dma_wait3A_54 : memref<1x80xi32, #tpu.memory_space<vmem>> -> memref<80xi32, #tpu.memory_space<vmem>>
    %dma_wait3A_56 = arith.constant 0 : i32
    %dma_wait3A_57 = arith.constant 0 : i32
    %dma_wait3A_58 = tpu.memref_slice %arg2[%dma_wait3A_56, %dma_wait3A_57] : memref<10000x128xf32, #tpu.memory_space<hbm>> -> memref<10000x128xf32, #tpu.memory_space<hbm>>
    tpu.wait_indirect_dma semaphore(%arg13 : memref<!tpu.dma_semaphore, #tpu.memory_space<semaphore_mem>>) src(%dma_wait3A_58 : memref<10000x128xf32, #tpu.memory_space<hbm>>) dst(%dma_wait3A_52 : memref<80x128xf32, #tpu.memory_space<vmem>>)
    %dma_wait3A_59 = arith.constant 0 : i32
    %dma_wait3A_60 = arith.constant 0 : i32
    %dma_wait3A_61 = arith.constant 0 : i32
    %dma_wait3A_62 = arith.constant 0 : i32
    %dma_wait3A_63 = tpu.memref_slice %arg11[%dma_wait3A_60, %dma_wait3A_61, %dma_wait3A_62] : memref<2x80x128xf32, #tpu.memory_space<vmem>> -> memref<1x80x128xf32, #tpu.memory_space<vmem>>
    %dma_wait3A_64 = tpu.memref_squeeze %dma_wait3A_63 : memref<1x80x128xf32, #tpu.memory_space<vmem>> -> memref<80x128xf32, #tpu.memory_space<vmem>>
    %dma_wait3A_65 = arith.constant 0 : i32
    %dma_wait3A_66 = tpu.memref_slice %arg9[%dma_wait3A_59, %dma_wait3A_65] : memref<2x80xi32, #tpu.memory_space<vmem>> -> memref<1x80xi32, #tpu.memory_space<vmem>>
    %dma_wait3A_67 = tpu.memref_squeeze %dma_wait3A_66 : memref<1x80xi32, #tpu.memory_space<vmem>> -> memref<80xi32, #tpu.memory_space<vmem>>
    %dma_wait3A_68 = arith.constant 0 : i32
    %dma_wait3A_69 = arith.constant 0 : i32
    %dma_wait3A_70 = tpu.memref_slice %arg3[%dma_wait3A_68, %dma_wait3A_69] : memref<10000x128xf32, #tpu.memory_space<hbm>> -> memref<10000x128xf32, #tpu.memory_space<hbm>>
    tpu.wait_indirect_dma semaphore(%arg13 : memref<!tpu.dma_semaphore, #tpu.memory_space<semaphore_mem>>) src(%dma_wait3A_70 : memref<10000x128xf32, #tpu.memory_space<hbm>>) dst(%dma_wait3A_64 : memref<80x128xf32, #tpu.memory_space<vmem>>)
    %dma_wait3A_71 = arith.constant 0 : i32
    %dma_wait3A_72 = arith.constant 0 : i32
    %dma_wait3A_73 = arith.constant 0 : i32
    %dma_wait3A_74 = tpu.memref_slice %arg12[%dma_wait3A_71, %dma_wait3A_72, %dma_wait3A_73] : memref<2x80x128xf32, #tpu.memory_space<vmem>> -> memref<1x80x128xf32, #tpu.memory_space<vmem>>
    %dma_wait3A_75 = tpu.memref_squeeze %dma_wait3A_74 : memref<1x80x128xf32, #tpu.memory_space<vmem>> -> memref<80x128xf32, #tpu.memory_space<vmem>>
    %dma_wait3A_76 = arith.constant 0 : i32
    %dma_wait3A_77 = arith.constant 0 : i32
    %dma_wait3A_78 = tpu.memref_slice %arg4[%dma_wait3A_76, %dma_wait3A_77] : memref<320000x128xf32, #tpu.memory_space<hbm>> -> memref<80x128xf32, #tpu.memory_space<hbm>>
    %dma_wait3A_79 = arith.constant 0 : i32
    %dma_wait3A_80 = arith.constant 0 : i32
    %dma_wait3A_81 = tpu.memref_slice %arg12[%dma_wait3A_71, %dma_wait3A_79, %dma_wait3A_80] : memref<2x80x128xf32, #tpu.memory_space<vmem>> -> memref<1x80x128xf32, #tpu.memory_space<vmem>>
    %dma_wait3A_82 = tpu.memref_squeeze %dma_wait3A_81 : memref<1x80x128xf32, #tpu.memory_space<vmem>> -> memref<80x128xf32, #tpu.memory_space<vmem>>
    %dma_wait3A_83 = arith.constant 0 : i32
    %dma_wait3A_84 = arith.constant 0 : i32
    %dma_wait3A_85 = tpu.memref_slice %arg4[%dma_wait3A_83, %dma_wait3A_84] : memref<320000x128xf32, #tpu.memory_space<hbm>> -> memref<80x128xf32, #tpu.memory_space<hbm>>
    tpu.wait_dma2 semaphore(%arg13 : memref<!tpu.dma_semaphore, #tpu.memory_space<semaphore_mem>>) src(%dma_wait3A_85 : memref<80x128xf32, #tpu.memory_space<hbm>>) dst(%dma_wait3A_82 : memref<80x128xf32, #tpu.memory_space<vmem>>)
    %scan3A_86 = arith.constant 0 : i32
    %scan3A_87 = arith.constant 0 : i32
    %scan3A_88 = arith.constant 80 : i32
    %scan3A_89 = arith.addi %scan3A_87, %scan3A_88 : i32
    %scan3A_90 = arith.constant 1 : i32
    %scan3A_91 = scf.for %scan3A_98 = %scan3A_87 to %scan3A_89 step %scan3A_90 iter_args(%scan3A_99 = %scan3A_86) -> (i32)  : i32 {
      %get3A = arith.constant 0 : i32
      %get3A_100 = arith.index_cast %get3A : i32 to index
      %get3A_101 = arith.index_cast %scan3A_98 : i32 to index
      %get3A_102 = arith.constant 0 : index
      %get3A_103 = tpu.vector_load %arg10[%get3A_100, %get3A_101, %get3A_102] {strides = array<i32>} : memref<2x80x128xf32, #tpu.memory_space<vmem>>, vector<1x1x16xf32>,
      %get3A_104 = vector.shape_cast %get3A_103 : vector<1x1x16xf32> to vector<16xf32>
      %get3A_105 = arith.constant 0 : i32
      %get3A_106 = arith.index_cast %get3A_105 : i32 to index
      %get3A_107 = arith.index_cast %scan3A_98 : i32 to index
      %get3A_108 = arith.constant 0 : index
      %get3A_109 = tpu.vector_load %arg11[%get3A_106, %get3A_107, %get3A_108] {strides = array<i32>} : memref<2x80x128xf32, #tpu.memory_space<vmem>>, vector<1x1x16xf32>,
      %get3A_110 = vector.shape_cast %get3A_109 : vector<1x1x16xf32> to vector<16xf32>
      %add3A_111 = arith.addf %get3A_104, %get3A_110 : vector<16xf32>
      %get3A_112 = arith.constant 0 : i32
      %get3A_113 = arith.index_cast %get3A_112 : i32 to index
      %get3A_114 = arith.index_cast %scan3A_98 : i32 to index
      %get3A_115 = arith.constant 0 : index
      %get3A_116 = tpu.vector_load %arg12[%get3A_113, %get3A_114, %get3A_115] {strides = array<i32>} : memref<2x80x128xf32, #tpu.memory_space<vmem>>, vector<1x1x16xf32>,
      %get3A_117 = vector.shape_cast %get3A_116 : vector<1x1x16xf32> to vector<16xf32>
      %add3A_118 = arith.addf %add3A_111, %get3A_117 : vector<16xf32>
      %max3A = arith.constant 0.000000e+00 : f32
      %max3A_119 = vector.broadcast %max3A : f32 to vector<16xf32>
      %max3A_120 = arith.maximumf %add3A_118, %max3A_119 : vector<16xf32>
      %swap3A = arith.constant 0 : i32
      %swap3A_121 = arith.index_cast %swap3A : i32 to index
      %swap3A_122 = arith.index_cast %scan3A_98 : i32 to index
      %swap3A_123 = arith.constant 0 : index
      %swap3A_124 = tpu.vector_load %arg12[%swap3A_121, %swap3A_122, %swap3A_123] {strides = array<i32>} : memref<2x80x128xf32, #tpu.memory_space<vmem>>, vector<1x1x16xf32>,
      %swap3A_125 = vector.shape_cast %swap3A_124 : vector<1x1x16xf32> to vector<16xf32>
      %swap3A_126 = vector.shape_cast %max3A_120 : vector<16xf32> to vector<1x1x16xf32>
      tpu.vector_store %arg12[%swap3A_121, %swap3A_122, %swap3A_123], %swap3A_126 {strides = array<i32>} : memref<2x80x128xf32, #tpu.memory_space<vmem>>, vector<1x1x16xf32>,
      %get3A_127 = arith.constant 0 : i32
      %get3A_128 = arith.index_cast %get3A_127 : i32 to index
      %get3A_129 = arith.index_cast %scan3A_98 : i32 to index
      %get3A_130 = arith.constant 16 : index
      %get3A_131 = tpu.vector_load %arg10[%get3A_128, %get3A_129, %get3A_130] {strides = array<i32>} : memref<2x80x128xf32, #tpu.memory_space<vmem>>, vector<1x1x16xf32>,
      %get3A_132 = vector.shape_cast %get3A_131 : vector<1x1x16xf32> to vector<16xf32>
      %get3A_133 = arith.constant 0 : i32
      %get3A_134 = arith.index_cast %get3A_133 : i32 to index
      %get3A_135 = arith.index_cast %scan3A_98 : i32 to index
      %get3A_136 = arith.constant 16 : index
      %get3A_137 = tpu.vector_load %arg11[%get3A_134, %get3A_135, %get3A_136] {strides = array<i32>} : memref<2x80x128xf32, #tpu.memory_space<vmem>>, vector<1x1x16xf32>,
      %get3A_138 = vector.shape_cast %get3A_137 : vector<1x1x16xf32> to vector<16xf32>
      %add3A_139 = arith.addf %get3A_132, %get3A_138 : vector<16xf32>
      %get3A_140 = arith.constant 0 : i32
      %get3A_141 = arith.index_cast %get3A_140 : i32 to index
      %get3A_142 = arith.index_cast %scan3A_98 : i32 to index
      %get3A_143 = arith.constant 16 : index
      %get3A_144 = tpu.vector_load %arg12[%get3A_141, %get3A_142, %get3A_143] {strides = array<i32>} : memref<2x80x128xf32, #tpu.memory_space<vmem>>, vector<1x1x16xf32>,
      %get3A_145 = vector.shape_cast %get3A_144 : vector<1x1x16xf32> to vector<16xf32>
      %add3A_146 = arith.addf %add3A_139, %get3A_145 : vector<16xf32>
      %max3A_147 = arith.constant 0.000000e+00 : f32
      %max3A_148 = vector.broadcast %max3A_147 : f32 to vector<16xf32>
      %max3A_149 = arith.maximumf %add3A_146, %max3A_148 : vector<16xf32>
      %swap3A_150 = arith.constant 0 : i32
      %swap3A_151 = arith.index_cast %swap3A_150 : i32 to index
      %swap3A_152 = arith.index_cast %scan3A_98 : i32 to index
      %swap3A_153 = arith.constant 16 : index
      %swap3A_154 = tpu.vector_load %arg12[%swap3A_151, %swap3A_152, %swap3A_153] {strides = array<i32>} : memref<2x80x128xf32, #tpu.memory_space<vmem>>, vector<1x1x16xf32>,
      %swap3A_155 = vector.shape_cast %swap3A_154 : vector<1x1x16xf32> to vector<16xf32>
      %swap3A_156 = vector.shape_cast %max3A_149 : vector<16xf32> to vector<1x1x16xf32>
      tpu.vector_store %arg12[%swap3A_151, %swap3A_152, %swap3A_153], %swap3A_156 {strides = array<i32>} : memref<2x80x128xf32, #tpu.memory_space<vmem>>, vector<1x1x16xf32>,
      %get3A_157 = arith.constant 0 : i32
      %get3A_158 = arith.index_cast %get3A_157 : i32 to index
      %get3A_159 = arith.index_cast %scan3A_98 : i32 to index
      %get3A_160 = arith.constant 32 : index
      %get3A_161 = tpu.vector_load %arg10[%get3A_158, %get3A_159, %get3A_160] {strides = array<i32>} : memref<2x80x128xf32, #tpu.memory_space<vmem>>, vector<1x1x16xf32>,
      %get3A_162 = vector.shape_cast %get3A_161 : vector<1x1x16xf32> to vector<16xf32>
      %get3A_163 = arith.constant 0 : i32
      %get3A_164 = arith.index_cast %get3A_163 : i32 to index
      %get3A_165 = arith.index_cast %scan3A_98 : i32 to index
      %get3A_166 = arith.constant 32 : index
      %get3A_167 = tpu.vector_load %arg11[%get3A_164, %get3A_165, %get3A_166] {strides = array<i32>} : memref<2x80x128xf32, #tpu.memory_space<vmem>>, vector<1x1x16xf32>,
      %get3A_168 = vector.shape_cast %get3A_167 : vector<1x1x16xf32> to vector<16xf32>
      %add3A_169 = arith.addf %get3A_162, %get3A_168 : vector<16xf32>
      %get3A_170 = arith.constant 0 : i32
      %get3A_171 = arith.index_cast %get3A_170 : i32 to index
      %get3A_172 = arith.index_cast %scan3A_98 : i32 to index
      %get3A_173 = arith.constant 32 : index
      %get3A_174 = tpu.vector_load %arg12[%get3A_171, %get3A_172, %get3A_173] {strides = array<i32>} : memref<2x80x128xf32, #tpu.memory_space<vmem>>, vector<1x1x16xf32>,
      %get3A_175 = vector.shape_cast %get3A_174 : vector<1x1x16xf32> to vector<16xf32>
      %add3A_176 = arith.addf %add3A_169, %get3A_175 : vector<16xf32>
      %max3A_177 = arith.constant 0.000000e+00 : f32
      %max3A_178 = vector.broadcast %max3A_177 : f32 to vector<16xf32>
      %max3A_179 = arith.maximumf %add3A_176, %max3A_178 : vector<16xf32>
      %swap3A_180 = arith.constant 0 : i32
      %swap3A_181 = arith.index_cast %swap3A_180 : i32 to index
      %swap3A_182 = arith.index_cast %scan3A_98 : i32 to index
      %swap3A_183 = arith.constant 32 : index
      %swap3A_184 = tpu.vector_load %arg12[%swap3A_181, %swap3A_182, %swap3A_183] {strides = array<i32>} : memref<2x80x128xf32, #tpu.memory_space<vmem>>, vector<1x1x16xf32>,
      %swap3A_185 = vector.shape_cast %swap3A_184 : vector<1x1x16xf32> to vector<16xf32>
      %swap3A_186 = vector.shape_cast %max3A_179 : vector<16xf32> to vector<1x1x16xf32>
      tpu.vector_store %arg12[%swap3A_181, %swap3A_182, %swap3A_183], %swap3A_186 {strides = array<i32>} : memref<2x80x128xf32, #tpu.memory_space<vmem>>, vector<1x1x16xf32>,
      %get3A_187 = arith.constant 0 : i32
      %get3A_188 = arith.index_cast %get3A_187 : i32 to index
      %get3A_189 = arith.index_cast %scan3A_98 : i32 to index
      %get3A_190 = arith.constant 48 : index
      %get3A_191 = tpu.vector_load %arg10[%get3A_188, %get3A_189, %get3A_190] {strides = array<i32>} : memref<2x80x128xf32, #tpu.memory_space<vmem>>, vector<1x1x16xf32>,
      %get3A_192 = vector.shape_cast %get3A_191 : vector<1x1x16xf32> to vector<16xf32>
      %get3A_193 = arith.constant 0 : i32
      %get3A_194 = arith.index_cast %get3A_193 : i32 to index
      %get3A_195 = arith.index_cast %scan3A_98 : i32 to index
      %get3A_196 = arith.constant 48 : index
      %get3A_197 = tpu.vector_load %arg11[%get3A_194, %get3A_195, %get3A_196] {strides = array<i32>} : memref<2x80x128xf32, #tpu.memory_space<vmem>>, vector<1x1x16xf32>,
      %get3A_198 = vector.shape_cast %get3A_197 : vector<1x1x16xf32> to vector<16xf32>
      %add3A_199 = arith.addf %get3A_192, %get3A_198 : vector<16xf32>
      %get3A_200 = arith.constant 0 : i32
      %get3A_201 = arith.index_cast %get3A_200 : i32 to index
      %get3A_202 = arith.index_cast %scan3A_98 : i32 to index
      %get3A_203 = arith.constant 48 : index
      %get3A_204 = tpu.vector_load %arg12[%get3A_201, %get3A_202, %get3A_203] {strides = array<i32>} : memref<2x80x128xf32, #tpu.memory_space<vmem>>, vector<1x1x16xf32>,
      %get3A_205 = vector.shape_cast %get3A_204 : vector<1x1x16xf32> to vector<16xf32>
      %add3A_206 = arith.addf %add3A_199, %get3A_205 : vector<16xf32>
      %max3A_207 = arith.constant 0.000000e+00 : f32
      %max3A_208 = vector.broadcast %max3A_207 : f32 to vector<16xf32>
      %max3A_209 = arith.maximumf %add3A_206, %max3A_208 : vector<16xf32>
      %swap3A_210 = arith.constant 0 : i32
      %swap3A_211 = arith.index_cast %swap3A_210 : i32 to index
      %swap3A_212 = arith.index_cast %scan3A_98 : i32 to index
      %swap3A_213 = arith.constant 48 : index
      %swap3A_214 = tpu.vector_load %arg12[%swap3A_211, %swap3A_212, %swap3A_213] {strides = array<i32>} : memref<2x80x128xf32, #tpu.memory_space<vmem>>, vector<1x1x16xf32>,
      %swap3A_215 = vector.shape_cast %swap3A_214 : vector<1x1x16xf32> to vector<16xf32>
      %swap3A_216 = vector.shape_cast %max3A_209 : vector<16xf32> to vector<1x1x16xf32>
      tpu.vector_store %arg12[%swap3A_211, %swap3A_212, %swap3A_213], %swap3A_216 {strides = array<i32>} : memref<2x80x128xf32, #tpu.memory_space<vmem>>, vector<1x1x16xf32>,
      %get3A_217 = arith.constant 0 : i32
      %get3A_218 = arith.index_cast %get3A_217 : i32 to index
      %get3A_219 = arith.index_cast %scan3A_98 : i32 to index
      %get3A_220 = arith.constant 64 : index
      %get3A_221 = tpu.vector_load %arg10[%get3A_218, %get3A_219, %get3A_220] {strides = array<i32>} : memref<2x80x128xf32, #tpu.memory_space<vmem>>, vector<1x1x16xf32>,
      %get3A_222 = vector.shape_cast %get3A_221 : vector<1x1x16xf32> to vector<16xf32>
      %get3A_223 = arith.constant 0 : i32
      %get3A_224 = arith.index_cast %get3A_223 : i32 to index
      %get3A_225 = arith.index_cast %scan3A_98 : i32 to index
      %get3A_226 = arith.constant 64 : index
      %get3A_227 = tpu.vector_load %arg11[%get3A_224, %get3A_225, %get3A_226] {strides = array<i32>} : memref<2x80x128xf32, #tpu.memory_space<vmem>>, vector<1x1x16xf32>,
      %get3A_228 = vector.shape_cast %get3A_227 : vector<1x1x16xf32> to vector<16xf32>
      %add3A_229 = arith.addf %get3A_222, %get3A_228 : vector<16xf32>
      %get3A_230 = arith.constant 0 : i32
      %get3A_231 = arith.index_cast %get3A_230 : i32 to index
      %get3A_232 = arith.index_cast %scan3A_98 : i32 to index
      %get3A_233 = arith.constant 64 : index
      %get3A_234 = tpu.vector_load %arg12[%get3A_231, %get3A_232, %get3A_233] {strides = array<i32>} : memref<2x80x128xf32, #tpu.memory_space<vmem>>, vector<1x1x16xf32>,
      %get3A_235 = vector.shape_cast %get3A_234 : vector<1x1x16xf32> to vector<16xf32>
      %add3A_236 = arith.addf %add3A_229, %get3A_235 : vector<16xf32>
      %max3A_237 = arith.constant 0.000000e+00 : f32
      %max3A_238 = vector.broadcast %max3A_237 : f32 to vector<16xf32>
      %max3A_239 = arith.maximumf %add3A_236, %max3A_238 : vector<16xf32>
      %swap3A_240 = arith.constant 0 : i32
      %swap3A_241 = arith.index_cast %swap3A_240 : i32 to index
      %swap3A_242 = arith.index_cast %scan3A_98 : i32 to index
      %swap3A_243 = arith.constant 64 : index
      %swap3A_244 = tpu.vector_load %arg12[%swap3A_241, %swap3A_242, %swap3A_243] {strides = array<i32>} : memref<2x80x128xf32, #tpu.memory_space<vmem>>, vector<1x1x16xf32>,
      %swap3A_245 = vector.shape_cast %swap3A_244 : vector<1x1x16xf32> to vector<16xf32>
      %swap3A_246 = vector.shape_cast %max3A_239 : vector<16xf32> to vector<1x1x16xf32>
      tpu.vector_store %arg12[%swap3A_241, %swap3A_242, %swap3A_243], %swap3A_246 {strides = array<i32>} : memref<2x80x128xf32, #tpu.memory_space<vmem>>, vector<1x1x16xf32>,
      %get3A_247 = arith.constant 0 : i32
      %get3A_248 = arith.index_cast %get3A_247 : i32 to index
      %get3A_249 = arith.index_cast %scan3A_98 : i32 to index
      %get3A_250 = arith.constant 80 : index
      %get3A_251 = tpu.vector_load %arg10[%get3A_248, %get3A_249, %get3A_250] {strides = array<i32>} : memref<2x80x128xf32, #tpu.memory_space<vmem>>, vector<1x1x16xf32>,
      %get3A_252 = vector.shape_cast %get3A_251 : vector<1x1x16xf32> to vector<16xf32>
      %get3A_253 = arith.constant 0 : i32
      %get3A_254 = arith.index_cast %get3A_253 : i32 to index
      %get3A_255 = arith.index_cast %scan3A_98 : i32 to index
      %get3A_256 = arith.constant 80 : index
      %get3A_257 = tpu.vector_load %arg11[%get3A_254, %get3A_255, %get3A_256] {strides = array<i32>} : memref<2x80x128xf32, #tpu.memory_space<vmem>>, vector<1x1x16xf32>,
      %get3A_258 = vector.shape_cast %get3A_257 : vector<1x1x16xf32> to vector<16xf32>
      %add3A_259 = arith.addf %get3A_252, %get3A_258 : vector<16xf32>
      %get3A_260 = arith.constant 0 : i32
      %get3A_261 = arith.index_cast %get3A_260 : i32 to index
      %get3A_262 = arith.index_cast %scan3A_98 : i32 to index
      %get3A_263 = arith.constant 80 : index
      %get3A_264 = tpu.vector_load %arg12[%get3A_261, %get3A_262, %get3A_263] {strides = array<i32>} : memref<2x80x128xf32, #tpu.memory_space<vmem>>, vector<1x1x16xf32>,
      %get3A_265 = vector.shape_cast %get3A_264 : vector<1x1x16xf32> to vector<16xf32>
      %add3A_266 = arith.addf %add3A_259, %get3A_265 : vector<16xf32>
      %max3A_267 = arith.constant 0.000000e+00 : f32
      %max3A_268 = vector.broadcast %max3A_267 : f32 to vector<16xf32>
      %max3A_269 = arith.maximumf %add3A_266, %max3A_268 : vector<16xf32>
      %swap3A_270 = arith.constant 0 : i32
      %swap3A_271 = arith.index_cast %swap3A_270 : i32 to index
      %swap3A_272 = arith.index_cast %scan3A_98 : i32 to index
      %swap3A_273 = arith.constant 80 : index
      %swap3A_274 = tpu.vector_load %arg12[%swap3A_271, %swap3A_272, %swap3A_273] {strides = array<i32>} : memref<2x80x128xf32, #tpu.memory_space<vmem>>, vector<1x1x16xf32>,
      %swap3A_275 = vector.shape_cast %swap3A_274 : vector<1x1x16xf32> to vector<16xf32>
      %swap3A_276 = vector.shape_cast %max3A_269 : vector<16xf32> to vector<1x1x16xf32>
      tpu.vector_store %arg12[%swap3A_271, %swap3A_272, %swap3A_273], %swap3A_276 {strides = array<i32>} : memref<2x80x128xf32, #tpu.memory_space<vmem>>, vector<1x1x16xf32>,
      %get3A_277 = arith.constant 0 : i32
      %get3A_278 = arith.index_cast %get3A_277 : i32 to index
      %get3A_279 = arith.index_cast %scan3A_98 : i32 to index
      %get3A_280 = arith.constant 96 : index
      %get3A_281 = tpu.vector_load %arg10[%get3A_278, %get3A_279, %get3A_280] {strides = array<i32>} : memref<2x80x128xf32, #tpu.memory_space<vmem>>, vector<1x1x16xf32>,
      %get3A_282 = vector.shape_cast %get3A_281 : vector<1x1x16xf32> to vector<16xf32>
      %get3A_283 = arith.constant 0 : i32
      %get3A_284 = arith.index_cast %get3A_283 : i32 to index
      %get3A_285 = arith.index_cast %scan3A_98 : i32 to index
      %get3A_286 = arith.constant 96 : index
      %get3A_287 = tpu.vector_load %arg11[%get3A_284, %get3A_285, %get3A_286] {strides = array<i32>} : memref<2x80x128xf32, #tpu.memory_space<vmem>>, vector<1x1x16xf32>,
      %get3A_288 = vector.shape_cast %get3A_287 : vector<1x1x16xf32> to vector<16xf32>
      %add3A_289 = arith.addf %get3A_282, %get3A_288 : vector<16xf32>
      %get3A_290 = arith.constant 0 : i32
      %get3A_291 = arith.index_cast %get3A_290 : i32 to index
      %get3A_292 = arith.index_cast %scan3A_98 : i32 to index
      %get3A_293 = arith.constant 96 : index
      %get3A_294 = tpu.vector_load %arg12[%get3A_291, %get3A_292, %get3A_293] {strides = array<i32>} : memref<2x80x128xf32, #tpu.memory_space<vmem>>, vector<1x1x16xf32>,
      %get3A_295 = vector.shape_cast %get3A_294 : vector<1x1x16xf32> to vector<16xf32>
      %add3A_296 = arith.addf %add3A_289, %get3A_295 : vector<16xf32>
      %max3A_297 = arith.constant 0.000000e+00 : f32
      %max3A_298 = vector.broadcast %max3A_297 : f32 to vector<16xf32>
      %max3A_299 = arith.maximumf %add3A_296, %max3A_298 : vector<16xf32>
      %swap3A_300 = arith.constant 0 : i32
      %swap3A_301 = arith.index_cast %swap3A_300 : i32 to index
      %swap3A_302 = arith.index_cast %scan3A_98 : i32 to index
      %swap3A_303 = arith.constant 96 : index
      %swap3A_304 = tpu.vector_load %arg12[%swap3A_301, %swap3A_302, %swap3A_303] {strides = array<i32>} : memref<2x80x128xf32, #tpu.memory_space<vmem>>, vector<1x1x16xf32>,
      %swap3A_305 = vector.shape_cast %swap3A_304 : vector<1x1x16xf32> to vector<16xf32>
      %swap3A_306 = vector.shape_cast %max3A_299 : vector<16xf32> to vector<1x1x16xf32>
      tpu.vector_store %arg12[%swap3A_301, %swap3A_302, %swap3A_303], %swap3A_306 {strides = array<i32>} : memref<2x80x128xf32, #tpu.memory_space<vmem>>, vector<1x1x16xf32>,
      %get3A_307 = arith.constant 0 : i32
      %get3A_308 = arith.index_cast %get3A_307 : i32 to index
      %get3A_309 = arith.index_cast %scan3A_98 : i32 to index
      %get3A_310 = arith.constant 112 : index
      %get3A_311 = tpu.vector_load %arg10[%get3A_308, %get3A_309, %get3A_310] {strides = array<i32>} : memref<2x80x128xf32, #tpu.memory_space<vmem>>, vector<1x1x16xf32>,
      %get3A_312 = vector.shape_cast %get3A_311 : vector<1x1x16xf32> to vector<16xf32>
      %get3A_313 = arith.constant 0 : i32
      %get3A_314 = arith.index_cast %get3A_313 : i32 to index
      %get3A_315 = arith.index_cast %scan3A_98 : i32 to index
      %get3A_316 = arith.constant 112 : index
      %get3A_317 = tpu.vector_load %arg11[%get3A_314, %get3A_315, %get3A_316] {strides = array<i32>} : memref<2x80x128xf32, #tpu.memory_space<vmem>>, vector<1x1x16xf32>,
      %get3A_318 = vector.shape_cast %get3A_317 : vector<1x1x16xf32> to vector<16xf32>
      %add3A_319 = arith.addf %get3A_312, %get3A_318 : vector<16xf32>
      %get3A_320 = arith.constant 0 : i32
      %get3A_321 = arith.index_cast %get3A_320 : i32 to index
      %get3A_322 = arith.index_cast %scan3A_98 : i32 to index
      %get3A_323 = arith.constant 112 : index
      %get3A_324 = tpu.vector_load %arg12[%get3A_321, %get3A_322, %get3A_323] {strides = array<i32>} : memref<2x80x128xf32, #tpu.memory_space<vmem>>, vector<1x1x16xf32>,
      %get3A_325 = vector.shape_cast %get3A_324 : vector<1x1x16xf32> to vector<16xf32>
      %add3A_326 = arith.addf %add3A_319, %get3A_325 : vector<16xf32>
      %max3A_327 = arith.constant 0.000000e+00 : f32
      %max3A_328 = vector.broadcast %max3A_327 : f32 to vector<16xf32>
      %max3A_329 = arith.maximumf %add3A_326, %max3A_328 : vector<16xf32>
      %swap3A_330 = arith.constant 0 : i32
      %swap3A_331 = arith.index_cast %swap3A_330 : i32 to index
      %swap3A_332 = arith.index_cast %scan3A_98 : i32 to index
      %swap3A_333 = arith.constant 112 : index
      %swap3A_334 = tpu.vector_load %arg12[%swap3A_331, %swap3A_332, %swap3A_333] {strides = array<i32>} : memref<2x80x128xf32, #tpu.memory_space<vmem>>, vector<1x1x16xf32>,
      %swap3A_335 = vector.shape_cast %swap3A_334 : vector<1x1x16xf32> to vector<16xf32>
      %swap3A_336 = vector.shape_cast %max3A_329 : vector<16xf32> to vector<1x1x16xf32>
      tpu.vector_store %arg12[%swap3A_331, %swap3A_332, %swap3A_333], %swap3A_336 {strides = array<i32>} : memref<2x80x128xf32, #tpu.memory_space<vmem>>, vector<1x1x16xf32>,
      %scan3A_337 = arith.constant 0 : i32
      scf.yield %scan3A_337 : i32
    }
    %scan3A_92 = arith.constant 80 : i32
    %mul3A_93 = arith.constant 10000 : i32
    %mul3A_94 = arith.muli %add3A, %mul3A_93 : i32
    %add3A_95 = arith.constant 9920 : i32
    %add3A_96 = arith.addi %mul3A_94, %add3A_95 : i32
    %run_scoped3A_97 = arith.constant 0 : i32
    "tpu.region"() ({
      %run_scoped3A_98 = tpu.sem_alloc : memref<!tpu.dma_semaphore, #tpu.memory_space<semaphore_mem>>
      %dma_start3A_99 = arith.constant 0 : i32
      %dma_start3A_100 = arith.constant 0 : i32
      %dma_start3A_101 = tpu.memref_slice %arg12[%run_scoped3A_97, %dma_start3A_99, %dma_start3A_100] : memref<2x80x128xf32, #tpu.memory_space<vmem>> -> memref<1x80x128xf32, #tpu.memory_space<vmem>>
      %dma_start3A_102 = tpu.memref_squeeze %dma_start3A_101 : memref<1x80x128xf32, #tpu.memory_space<vmem>> -> memref<80x128xf32, #tpu.memory_space<vmem>>
      %dma_start3A_103 = arith.constant 0 : i32
      %dma_start3A_104 = tpu.memref_slice %arg7[%add3A_96, %dma_start3A_103] : memref<320000x128xf32, #tpu.memory_space<hbm>> -> memref<80x128xf32, #tpu.memory_space<hbm>>
      %dma_start3A_105 = arith.constant 0 : i32
      %dma_start3A_106 = tpu.memref_slice %arg7[%add3A_96, %dma_start3A_105] : memref<320000x128xf32, #tpu.memory_space<hbm>> -> memref<80x128xf32, #tpu.memory_space<hbm>>
      %dma_start3A_107 = arith.constant 0 : i32
      %dma_start3A_108 = arith.constant 0 : i32
      %dma_start3A_109 = tpu.memref_slice %arg12[%run_scoped3A_97, %dma_start3A_107, %dma_start3A_108] : memref<2x80x128xf32, #tpu.memory_space<vmem>> -> memref<1x80x128xf32, #tpu.memory_space<vmem>>
      %dma_start3A_110 = tpu.memref_squeeze %dma_start3A_109 : memref<1x80x128xf32, #tpu.memory_space<vmem>> -> memref<80x128xf32, #tpu.memory_space<vmem>>
      tpu.enqueue_dma source(%dma_start3A_110 : memref<80x128xf32, #tpu.memory_space<vmem>>) target(%dma_start3A_106 : memref<80x128xf32, #tpu.memory_space<hbm>>) target_semaphore(%run_scoped3A_98 : memref<!tpu.dma_semaphore, #tpu.memory_space<semaphore_mem>>)
      %dma_wait3A_111 = arith.constant 0 : i32
      %dma_wait3A_112 = arith.constant 0 : i32
      %dma_wait3A_113 = tpu.memref_slice %arg12[%run_scoped3A_97, %dma_wait3A_111, %dma_wait3A_112] : memref<2x80x128xf32, #tpu.memory_space<vmem>> -> memref<1x80x128xf32, #tpu.memory_space<vmem>>
      %dma_wait3A_114 = tpu.memref_squeeze %dma_wait3A_113 : memref<1x80x128xf32, #tpu.memory_space<vmem>> -> memref<80x128xf32, #tpu.memory_space<vmem>>
      %dma_wait3A_115 = arith.constant 0 : i32
      %dma_wait3A_116 = tpu.memref_slice %arg7[%add3A_96, %dma_wait3A_115] : memref<320000x128xf32, #tpu.memory_space<hbm>> -> memref<80x128xf32, #tpu.memory_space<hbm>>
      %dma_wait3A_117 = arith.constant 0 : i32
      %dma_wait3A_118 = tpu.memref_slice %arg7[%add3A_96, %dma_wait3A_117] : memref<320000x128xf32, #tpu.memory_space<hbm>> -> memref<80x128xf32, #tpu.memory_space<hbm>>
      %dma_wait3A_119 = arith.constant 0 : i32
      %dma_wait3A_120 = arith.constant 0 : i32
      %dma_wait3A_121 = tpu.memref_slice %arg12[%run_scoped3A_97, %dma_wait3A_119, %dma_wait3A_120] : memref<2x80x128xf32, #tpu.memory_space<vmem>> -> memref<1x80x128xf32, #tpu.memory_space<vmem>>
      %dma_wait3A_122 = tpu.memref_squeeze %dma_wait3A_121 : memref<1x80x128xf32, #tpu.memory_space<vmem>> -> memref<80x128xf32, #tpu.memory_space<vmem>>
      tpu.wait_dma2 semaphore(%run_scoped3A_98 : memref<!tpu.dma_semaphore, #tpu.memory_space<semaphore_mem>>) src(%dma_wait3A_122 : memref<80x128xf32, #tpu.memory_space<vmem>>) dst(%dma_wait3A_118 : memref<80x128xf32, #tpu.memory_space<hbm>>)
      tpu.yield
    }) : () -> ()
    return
  }
}

module attributes {stable_mosaic.version = 14 : i64} {
  func.func @_linear_body(%arg0: i32, %arg1: memref<2000x128xf32, #tpu.memory_space<vmem>>, %arg2: memref<128x384xf32, #tpu.memory_space<vmem>>, %arg3: memref<1x384xf32, #tpu.memory_space<vmem>>, %arg4: memref<2000x384xf32, #tpu.memory_space<vmem>>) attributes {dimension_semantics = [#tpu.dimension_semantics<arbitrary>], iteration_bounds = array<i64: 5>, scalar_prefetch = 0 : i64, scratch_operands = 0 : i64, tpu.core_type = #tpu.core_type<tc>, window_params = [{transform_indices = @transform_0, window_bounds = array<i64: 2000, 128>}, {pipeline_mode = #tpu.pipeline_mode<synchronous>, transform_indices = @transform_1, window_bounds = array<i64: 128, 384>}, {pipeline_mode = #tpu.pipeline_mode<synchronous>, transform_indices = @transform_2, window_bounds = array<i64: 1, 384>}, {transform_indices = @transform_3, window_bounds = array<i64: 2000, 384>}]} {
    %get3A = arith.constant 0 : index
    %get3A_0 = arith.constant 0 : index
    %get3A_1 = vector.load %arg1[%get3A, %get3A_0] : memref<2000x128xf32, #tpu.memory_space<vmem>>, vector<2000x128xf32>
    %get3A_2 = arith.constant 0 : index
    %get3A_3 = arith.constant 0 : index
    %get3A_4 = vector.load %arg2[%get3A_2, %get3A_3] : memref<128x384xf32, #tpu.memory_space<vmem>>, vector<128x384xf32>
    %dot_general3A = arith.constant dense<0.000000e+00> : vector<2000x384xf32>
    %dot_general3A_5 = tpu.matmul %get3A_1, %get3A_4, %dot_general3A {dimension_numbers = #tpu.dot_dimension_numbers<[1], [0], [0], [1], [0, 0, 1, 1], [], []>, transpose_lhs_hint = false} : vector<2000x128xf32>, vector<128x384xf32>, vector<2000x384xf32> -> vector<2000x384xf32>
    %get3A_6 = arith.constant 0 : index
    %get3A_7 = arith.constant 0 : index
    %get3A_8 = vector.load %arg3[%get3A_6, %get3A_7] : memref<1x384xf32, #tpu.memory_space<vmem>>, vector<1x384xf32>
    %add3A = vector.broadcast %get3A_8 : vector<1x384xf32> to vector<2000x384xf32>
    %add3A_9 = arith.addf %dot_general3A_5, %add3A : vector<2000x384xf32>
    %swap3A = arith.constant 0 : index
    %swap3A_10 = arith.constant 0 : index
    %swap3A_11 = vector.load %arg4[%swap3A, %swap3A_10] : memref<2000x384xf32, #tpu.memory_space<vmem>>, vector<2000x384xf32>
    tpu.vector_store %arg4[%swap3A, %swap3A_10], %add3A_9 {strides = array<i32>} : memref<2000x384xf32, #tpu.memory_space<vmem>>, vector<2000x384xf32>,
    return
  }
  func.func @transform_0(%arg0: i32) -> (i32, i32) {
    %c0_i32 = arith.constant 0 : i32
    %c0_i32_0 = arith.constant 0 : i32
    return %arg0, %c0_i32 : i32, i32
  }
  func.func @transform_1(%arg0: i32) -> (i32, i32) {
    %c0_i32 = arith.constant 0 : i32
    %c0_i32_0 = arith.constant 0 : i32
    %c0_i32_1 = arith.constant 0 : i32
    return %c0_i32, %c0_i32_0 : i32, i32
  }
  func.func @transform_2(%arg0: i32) -> (i32, i32) {
    %c0_i32 = arith.constant 0 : i32
    %c0_i32_0 = arith.constant 0 : i32
    %c0_i32_1 = arith.constant 0 : i32
    return %c0_i32, %c0_i32_0 : i32, i32
  }
  func.func @transform_3(%arg0: i32) -> (i32, i32) {
    %c0_i32 = arith.constant 0 : i32
    %c0_i32_0 = arith.constant 0 : i32
    return %arg0, %c0_i32 : i32, i32
  }
}

module attributes {stable_mosaic.version = 14 : i64} {
  func.func @_linear_body(%arg0: i32, %arg1: memref<2000x128xf32, #tpu.memory_space<vmem>>, %arg2: memref<128x128xf32, #tpu.memory_space<vmem>>, %arg3: memref<1x128xf32, #tpu.memory_space<vmem>>, %arg4: memref<2000x128xf32, #tpu.memory_space<vmem>>) attributes {dimension_semantics = [#tpu.dimension_semantics<arbitrary>], iteration_bounds = array<i64: 160>, scalar_prefetch = 0 : i64, scratch_operands = 0 : i64, tpu.core_type = #tpu.core_type<tc>, window_params = [{transform_indices = @transform_0, window_bounds = array<i64: 2000, 128>}, {pipeline_mode = #tpu.pipeline_mode<synchronous>, transform_indices = @transform_1, window_bounds = array<i64: 128, 128>}, {pipeline_mode = #tpu.pipeline_mode<synchronous>, transform_indices = @transform_2, window_bounds = array<i64: 1, 128>}, {transform_indices = @transform_3, window_bounds = array<i64: 2000, 128>}]} {
    %get3A = arith.constant 0 : index
    %get3A_0 = arith.constant 0 : index
    %get3A_1 = vector.load %arg1[%get3A, %get3A_0] : memref<2000x128xf32, #tpu.memory_space<vmem>>, vector<2000x128xf32>
    %get3A_2 = arith.constant 0 : index
    %get3A_3 = arith.constant 0 : index
    %get3A_4 = vector.load %arg2[%get3A_2, %get3A_3] : memref<128x128xf32, #tpu.memory_space<vmem>>, vector<128x128xf32>
    %dot_general3A = arith.constant dense<0.000000e+00> : vector<2000x128xf32>
    %dot_general3A_5 = tpu.matmul %get3A_1, %get3A_4, %dot_general3A {dimension_numbers = #tpu.dot_dimension_numbers<[1], [0], [0], [1], [0, 0, 1, 1], [], []>, transpose_lhs_hint = false} : vector<2000x128xf32>, vector<128x128xf32>, vector<2000x128xf32> -> vector<2000x128xf32>
    %get3A_6 = arith.constant 0 : index
    %get3A_7 = arith.constant 0 : index
    %get3A_8 = vector.load %arg3[%get3A_6, %get3A_7] : memref<1x128xf32, #tpu.memory_space<vmem>>, vector<1x128xf32>
    %add3A = vector.broadcast %get3A_8 : vector<1x128xf32> to vector<2000x128xf32>
    %add3A_9 = arith.addf %dot_general3A_5, %add3A : vector<2000x128xf32>
    %swap3A = arith.constant 0 : index
    %swap3A_10 = arith.constant 0 : index
    %swap3A_11 = vector.load %arg4[%swap3A, %swap3A_10] : memref<2000x128xf32, #tpu.memory_space<vmem>>, vector<2000x128xf32>
    tpu.vector_store %arg4[%swap3A, %swap3A_10], %add3A_9 {strides = array<i32>} : memref<2000x128xf32, #tpu.memory_space<vmem>>, vector<2000x128xf32>,
    return
  }
  func.func @transform_0(%arg0: i32) -> (i32, i32) {
    %c0_i32 = arith.constant 0 : i32
    %c0_i32_0 = arith.constant 0 : i32
    return %arg0, %c0_i32 : i32, i32
  }
  func.func @transform_1(%arg0: i32) -> (i32, i32) {
    %c0_i32 = arith.constant 0 : i32
    %c0_i32_0 = arith.constant 0 : i32
    %c0_i32_1 = arith.constant 0 : i32
    return %c0_i32, %c0_i32_0 : i32, i32
  }
  func.func @transform_2(%arg0: i32) -> (i32, i32) {
    %c0_i32 = arith.constant 0 : i32
    %c0_i32_0 = arith.constant 0 : i32
    %c0_i32_1 = arith.constant 0 : i32
    return %c0_i32, %c0_i32_0 : i32, i32
  }
  func.func @transform_3(%arg0: i32) -> (i32, i32) {
    %c0_i32 = arith.constant 0 : i32
    %c0_i32_0 = arith.constant 0 : i32
    return %arg0, %c0_i32 : i32, i32
  }
}

module attributes {stable_mosaic.version = 14 : i64} {
  func.func @_edgew_body(%arg0: i32, %arg1: memref<2000x128xf32, #tpu.memory_space<vmem>>, %arg2: memref<2000x1xi32, #tpu.memory_space<vmem>>, %arg3: memref<128x128xf32, #tpu.memory_space<vmem>>, %arg4: memref<128x128xf32, #tpu.memory_space<vmem>>, %arg5: memref<128x16xf32, #tpu.memory_space<vmem>>, %arg6: memref<128x128xf32, #tpu.memory_space<vmem>>, %arg7: memref<2000x128xf32, #tpu.memory_space<vmem>>, %arg8: memref<2000x16xf32, #tpu.memory_space<vmem>>, %arg9: memref<2000x128xf32, #tpu.memory_space<vmem>>, %arg10: memref<2000x1xi32, #tpu.memory_space<vmem>>) attributes {dimension_semantics = [#tpu.dimension_semantics<arbitrary>], iteration_bounds = array<i64: 160>, scalar_prefetch = 0 : i64, scratch_operands = 0 : i64, tpu.core_type = #tpu.core_type<tc>, window_params = [{transform_indices = @transform_0, window_bounds = array<i64: 2000, 128>}, {transform_indices = @transform_1, window_bounds = array<i64: 2000, 1>}, {pipeline_mode = #tpu.pipeline_mode<synchronous>, transform_indices = @transform_2, window_bounds = array<i64: 128, 128>}, {pipeline_mode = #tpu.pipeline_mode<synchronous>, transform_indices = @transform_3, window_bounds = array<i64: 128, 128>}, {pipeline_mode = #tpu.pipeline_mode<synchronous>, transform_indices = @transform_4, window_bounds = array<i64: 128, 16>}, {pipeline_mode = #tpu.pipeline_mode<synchronous>, transform_indices = @transform_5, window_bounds = array<i64: 128, 128>}, {transform_indices = @transform_6, window_bounds = array<i64: 2000, 128>}, {transform_indices = @transform_7, window_bounds = array<i64: 2000, 16>}, {transform_indices = @transform_8, window_bounds = array<i64: 2000, 128>}, {transform_indices = @transform_9, window_bounds = array<i64: 2000, 1>}]} {
    %get3A = arith.constant 0 : index
    %get3A_0 = arith.constant 0 : index
    %get3A_1 = vector.load %arg1[%get3A, %get3A_0] : memref<2000x128xf32, #tpu.memory_space<vmem>>, vector<2000x128xf32>
    %get3A_2 = arith.constant 0 : index
    %get3A_3 = arith.constant 0 : index
    %get3A_4 = vector.load %arg3[%get3A_2, %get3A_3] : memref<128x128xf32, #tpu.memory_space<vmem>>, vector<128x128xf32>
    %dot_general3A = arith.constant dense<0.000000e+00> : vector<2000x128xf32>
    %dot_general3A_5 = tpu.matmul %get3A_1, %get3A_4, %dot_general3A {dimension_numbers = #tpu.dot_dimension_numbers<[1], [0], [0], [1], [0, 0, 1, 1], [], []>, transpose_lhs_hint = false} : vector<2000x128xf32>, vector<128x128xf32>, vector<2000x128xf32> -> vector<2000x128xf32>
    %get3A_6 = arith.constant 0 : index
    %get3A_7 = arith.constant 0 : index
    %get3A_8 = vector.load %arg4[%get3A_6, %get3A_7] : memref<128x128xf32, #tpu.memory_space<vmem>>, vector<128x128xf32>
    %dot_general3A_9 = arith.constant dense<0.000000e+00> : vector<2000x128xf32>
    %dot_general3A_10 = tpu.matmul %get3A_1, %get3A_8, %dot_general3A_9 {dimension_numbers = #tpu.dot_dimension_numbers<[1], [0], [0], [1], [0, 0, 1, 1], [], []>, transpose_lhs_hint = false} : vector<2000x128xf32>, vector<128x128xf32>, vector<2000x128xf32> -> vector<2000x128xf32>
    %jit3A = arith.constant -5.000000e+00 : f32
    %jit3A_11 = arith.constant 5.000000e+00 : f32
    %max3A = vector.broadcast %jit3A : f32 to vector<2000x128xf32>
    %max3A_12 = arith.maximumf %max3A, %dot_general3A_10 : vector<2000x128xf32>
    %min3A = vector.broadcast %jit3A_11 : f32 to vector<2000x128xf32>
    %min3A_13 = arith.minimumf %min3A, %max3A_12 : vector<2000x128xf32>
    %exp3A = math.exp %min3A_13 : vector<2000x128xf32>
    %mul3A = arith.mulf %exp3A, %dot_general3A_5 : vector<2000x128xf32>
    %swap3A = arith.constant 0 : index
    %swap3A_14 = arith.constant 0 : index
    %swap3A_15 = vector.load %arg7[%swap3A, %swap3A_14] : memref<2000x128xf32, #tpu.memory_space<vmem>>, vector<2000x128xf32>
    tpu.vector_store %arg7[%swap3A, %swap3A_14], %mul3A {strides = array<i32>} : memref<2000x128xf32, #tpu.memory_space<vmem>>, vector<2000x128xf32>,
    %get3A_16 = arith.constant 0 : index
    %get3A_17 = arith.constant 0 : index
    %get3A_18 = vector.load %arg5[%get3A_16, %get3A_17] : memref<128x16xf32, #tpu.memory_space<vmem>>, vector<128x16xf32>
    %dot_general3A_19 = arith.constant dense<0.000000e+00> : vector<2000x16xf32>
    %dot_general3A_20 = tpu.matmul %get3A_1, %get3A_18, %dot_general3A_19 {dimension_numbers = #tpu.dot_dimension_numbers<[1], [0], [0], [1], [0, 0, 1, 1], [], []>, transpose_lhs_hint = false} : vector<2000x128xf32>, vector<128x16xf32>, vector<2000x16xf32> -> vector<2000x16xf32>
    %jit3A_21 = arith.constant -5.000000e+00 : f32
    %jit3A_22 = arith.constant 5.000000e+00 : f32
    %max3A_23 = vector.broadcast %jit3A_21 : f32 to vector<2000x16xf32>
    %max3A_24 = arith.maximumf %max3A_23, %dot_general3A_20 : vector<2000x16xf32>
    %min3A_25 = vector.broadcast %jit3A_22 : f32 to vector<2000x16xf32>
    %min3A_26 = arith.minimumf %min3A_25, %max3A_24 : vector<2000x16xf32>
    %exp3A_27 = math.exp %min3A_26 : vector<2000x16xf32>
    %swap3A_28 = arith.constant 0 : index
    %swap3A_29 = arith.constant 0 : index
    %swap3A_30 = vector.load %arg8[%swap3A_28, %swap3A_29] : memref<2000x16xf32, #tpu.memory_space<vmem>>, vector<2000x16xf32>
    tpu.vector_store %arg8[%swap3A_28, %swap3A_29], %exp3A_27 {strides = array<i32>} : memref<2000x16xf32, #tpu.memory_space<vmem>>, vector<2000x16xf32>,
    %get3A_31 = arith.constant 0 : index
    %get3A_32 = arith.constant 0 : index
    %get3A_33 = vector.load %arg6[%get3A_31, %get3A_32] : memref<128x128xf32, #tpu.memory_space<vmem>>, vector<128x128xf32>
    %dot_general3A_34 = arith.constant dense<0.000000e+00> : vector<2000x128xf32>
    %dot_general3A_35 = tpu.matmul %get3A_1, %get3A_33, %dot_general3A_34 {dimension_numbers = #tpu.dot_dimension_numbers<[1], [0], [0], [1], [0, 0, 1, 1], [], []>, transpose_lhs_hint = false} : vector<2000x128xf32>, vector<128x128xf32>, vector<2000x128xf32> -> vector<2000x128xf32>
    %jit3A_36 = arith.constant -5.000000e+00 : f32
    %jit3A_37 = arith.constant 5.000000e+00 : f32
    %max3A_38 = vector.broadcast %jit3A_36 : f32 to vector<2000x128xf32>
    %max3A_39 = arith.maximumf %max3A_38, %dot_general3A_35 : vector<2000x128xf32>
    %min3A_40 = vector.broadcast %jit3A_37 : f32 to vector<2000x128xf32>
    %min3A_41 = arith.minimumf %min3A_40, %max3A_39 : vector<2000x128xf32>
    %exp3A_42 = math.exp %min3A_41 : vector<2000x128xf32>
    %iota3A = tpu.iota {dimensions = array<i32: 1>} : vector<2000x128xi32>
    %get3A_43 = arith.constant 0 : index
    %get3A_44 = arith.constant 0 : index
    %get3A_45 = vector.load %arg2[%get3A_43, %get3A_44] : memref<2000x1xi32, #tpu.memory_space<vmem>>, vector<2000x1xi32>
    %rem3A = arith.constant 16 : i32
    %rem3A_46 = vector.broadcast %rem3A : i32 to vector<2000x1xi32>
    %rem3A_47 = arith.remsi %get3A_45, %rem3A_46 : vector<2000x1xi32>
    %shift_right_arithmetic3A = arith.constant 3 : i32
    %shift_right_arithmetic3A_48 = vector.broadcast %shift_right_arithmetic3A : i32 to vector<2000x128xi32>
    %shift_right_arithmetic3A_49 = arith.shrsi %iota3A, %shift_right_arithmetic3A_48 : vector<2000x128xi32>
    %eq3A = vector.broadcast %rem3A_47 : vector<2000x1xi32> to vector<2000x128xi32>
    %eq3A_50 = arith.cmpi eq, %shift_right_arithmetic3A_49, %eq3A : vector<2000x128xi32>
    %jit3A_51 = arith.constant 0.000000e+00 : f32
    %broadcast_in_dim3A = vector.broadcast %jit3A_51 : f32 to vector<2000x128xf32>
    %select_n3A = arith.select %eq3A_50, %exp3A_42, %broadcast_in_dim3A : vector<2000x128xi1>, vector<2000x128xf32>
    %swap3A_52 = arith.constant 0 : index
    %swap3A_53 = arith.constant 0 : index
    %swap3A_54 = vector.load %arg9[%swap3A_52, %swap3A_53] : memref<2000x128xf32, #tpu.memory_space<vmem>>, vector<2000x128xf32>
    tpu.vector_store %arg9[%swap3A_52, %swap3A_53], %select_n3A {strides = array<i32>} : memref<2000x128xf32, #tpu.memory_space<vmem>>, vector<2000x128xf32>,
    %get3A_55 = arith.constant 0 : index
    %get3A_56 = arith.constant 0 : index
    %get3A_57 = vector.load %arg2[%get3A_55, %get3A_56] : memref<2000x1xi32, #tpu.memory_space<vmem>>, vector<2000x1xi32>
    %shift_right_arithmetic3A_58 = arith.constant 4 : i32
    %shift_right_arithmetic3A_59 = vector.broadcast %shift_right_arithmetic3A_58 : i32 to vector<2000x1xi32>
    %shift_right_arithmetic3A_60 = arith.shrsi %get3A_57, %shift_right_arithmetic3A_59 : vector<2000x1xi32>
    %swap3A_61 = arith.constant 0 : index
    %swap3A_62 = arith.constant 0 : index
    %swap3A_63 = vector.load %arg10[%swap3A_61, %swap3A_62] : memref<2000x1xi32, #tpu.memory_space<vmem>>, vector<2000x1xi32>
    tpu.vector_store %arg10[%swap3A_61, %swap3A_62], %shift_right_arithmetic3A_60 {strides = array<i32>} : memref<2000x1xi32, #tpu.memory_space<vmem>>, vector<2000x1xi32>,
    return
  }
  func.func @transform_0(%arg0: i32) -> (i32, i32) {
    %c0_i32 = arith.constant 0 : i32
    %c0_i32_0 = arith.constant 0 : i32
    return %arg0, %c0_i32 : i32, i32
  }
  func.func @transform_1(%arg0: i32) -> (i32, i32) {
    %c0_i32 = arith.constant 0 : i32
    %c0_i32_0 = arith.constant 0 : i32
    return %arg0, %c0_i32 : i32, i32
  }
  func.func @transform_2(%arg0: i32) -> (i32, i32) {
    %c0_i32 = arith.constant 0 : i32
    %c0_i32_0 = arith.constant 0 : i32
    %c0_i32_1 = arith.constant 0 : i32
    return %c0_i32, %c0_i32_0 : i32, i32
  }
  func.func @transform_3(%arg0: i32) -> (i32, i32) {
    %c0_i32 = arith.constant 0 : i32
    %c0_i32_0 = arith.constant 0 : i32
    %c0_i32_1 = arith.constant 0 : i32
    return %c0_i32, %c0_i32_0 : i32, i32
  }
  func.func @transform_4(%arg0: i32) -> (i32, i32) {
    %c0_i32 = arith.constant 0 : i32
    %c0_i32_0 = arith.constant 0 : i32
    %c0_i32_1 = arith.constant 0 : i32
    return %c0_i32, %c0_i32_0 : i32, i32
  }
  func.func @transform_5(%arg0: i32) -> (i32, i32) {
    %c0_i32 = arith.constant 0 : i32
    %c0_i32_0 = arith.constant 0 : i32
    %c0_i32_1 = arith.constant 0 : i32
    return %c0_i32, %c0_i32_0 : i32, i32
  }
  func.func @transform_6(%arg0: i32) -> (i32, i32) {
    %c0_i32 = arith.constant 0 : i32
    %c0_i32_0 = arith.constant 0 : i32
    return %arg0, %c0_i32 : i32, i32
  }
  func.func @transform_7(%arg0: i32) -> (i32, i32) {
    %c0_i32 = arith.constant 0 : i32
    %c0_i32_0 = arith.constant 0 : i32
    return %arg0, %c0_i32 : i32, i32
  }
  func.func @transform_8(%arg0: i32) -> (i32, i32) {
    %c0_i32 = arith.constant 0 : i32
    %c0_i32_0 = arith.constant 0 : i32
    return %arg0, %c0_i32 : i32, i32
  }
  func.func @transform_9(%arg0: i32) -> (i32, i32) {
    %c0_i32 = arith.constant 0 : i32
    %c0_i32_0 = arith.constant 0 : i32
    return %arg0, %c0_i32 : i32, i32
  }
}

module attributes {stable_mosaic.version = 14 : i64} {
  func.func @_final_body(%arg0: i32, %arg1: memref<2x2000x128xf32, #tpu.memory_space<vmem>>, %arg2: memref<2x2000x8xf32, #tpu.memory_space<vmem>>, %arg3: memref<8x128xf32, #tpu.memory_space<vmem>>, %arg4: memref<2000x128xf32, #tpu.memory_space<vmem>>) attributes {dimension_semantics = [#tpu.dimension_semantics<arbitrary>], iteration_bounds = array<i64: 5>, scalar_prefetch = 0 : i64, scratch_operands = 0 : i64, tpu.core_type = #tpu.core_type<tc>, window_params = [{transform_indices = @transform_0, window_bounds = array<i64: 2, 2000, 128>}, {transform_indices = @transform_1, window_bounds = array<i64: 2, 2000, 8>}, {pipeline_mode = #tpu.pipeline_mode<synchronous>, transform_indices = @transform_2, window_bounds = array<i64: 8, 128>}, {transform_indices = @transform_3, window_bounds = array<i64: 2000, 128>}]} {
    %get3A = arith.constant 0 : index
    %get3A_0 = arith.constant 0 : index
    %get3A_1 = arith.constant 0 : index
    %get3A_2 = vector.load %arg1[%get3A, %get3A_0, %get3A_1] : memref<2x2000x128xf32, #tpu.memory_space<vmem>>, vector<1x2000x128xf32>
    %get3A_3 = vector.shape_cast %get3A_2 : vector<1x2000x128xf32> to vector<2000x128xf32>
    %get3A_4 = arith.constant 1 : index
    %get3A_5 = arith.constant 0 : index
    %get3A_6 = arith.constant 0 : index
    %get3A_7 = vector.load %arg1[%get3A_4, %get3A_5, %get3A_6] : memref<2x2000x128xf32, #tpu.memory_space<vmem>>, vector<1x2000x128xf32>
    %get3A_8 = vector.shape_cast %get3A_7 : vector<1x2000x128xf32> to vector<2000x128xf32>
    %add3A = arith.addf %get3A_3, %get3A_8 : vector<2000x128xf32>
    %get3A_9 = arith.constant 0 : index
    %get3A_10 = arith.constant 0 : index
    %get3A_11 = arith.constant 0 : index
    %get3A_12 = vector.load %arg2[%get3A_9, %get3A_10, %get3A_11] : memref<2x2000x8xf32, #tpu.memory_space<vmem>>, vector<1x2000x8xf32>
    %get3A_13 = vector.shape_cast %get3A_12 : vector<1x2000x8xf32> to vector<2000x8xf32>
    %get3A_14 = arith.constant 1 : index
    %get3A_15 = arith.constant 0 : index
    %get3A_16 = arith.constant 0 : index
    %get3A_17 = vector.load %arg2[%get3A_14, %get3A_15, %get3A_16] : memref<2x2000x8xf32, #tpu.memory_space<vmem>>, vector<1x2000x8xf32>
    %get3A_18 = vector.shape_cast %get3A_17 : vector<1x2000x8xf32> to vector<2000x8xf32>
    %add3A_19 = arith.addf %get3A_13, %get3A_18 : vector<2000x8xf32>
    %get3A_20 = arith.constant 0 : index
    %get3A_21 = arith.constant 0 : index
    %get3A_22 = vector.load %arg3[%get3A_20, %get3A_21] : memref<8x128xf32, #tpu.memory_space<vmem>>, vector<8x128xf32>
    %dot_general3A = arith.constant dense<0.000000e+00> : vector<2000x128xf32>
    %dot_general3A_23 = tpu.matmul %add3A_19, %get3A_22, %dot_general3A {dimension_numbers = #tpu.dot_dimension_numbers<[1], [0], [0], [1], [0, 0, 1, 1], [], []>, transpose_lhs_hint = false} : vector<2000x8xf32>, vector<8x128xf32>, vector<2000x128xf32> -> vector<2000x128xf32>
    %add3A_24 = arith.constant 1.000000e-16 : f32
    %add3A_25 = vector.broadcast %add3A_24 : f32 to vector<2000x128xf32>
    %add3A_26 = arith.addf %dot_general3A_23, %add3A_25 : vector<2000x128xf32>
    %div3A = arith.divf %add3A, %add3A_26 : vector<2000x128xf32>
    %swap3A = arith.constant 0 : index
    %swap3A_27 = arith.constant 0 : index
    %swap3A_28 = vector.load %arg4[%swap3A, %swap3A_27] : memref<2000x128xf32, #tpu.memory_space<vmem>>, vector<2000x128xf32>
    tpu.vector_store %arg4[%swap3A, %swap3A_27], %div3A {strides = array<i32>} : memref<2000x128xf32, #tpu.memory_space<vmem>>, vector<2000x128xf32>,
    return
  }
  func.func @transform_0(%arg0: i32) -> (i32, i32, i32) {
    %c0_i32 = arith.constant 0 : i32
    %c0_i32_0 = arith.constant 0 : i32
    %c0_i32_1 = arith.constant 0 : i32
    return %c0_i32, %arg0, %c0_i32_0 : i32, i32, i32
  }
  func.func @transform_1(%arg0: i32) -> (i32, i32, i32) {
    %c0_i32 = arith.constant 0 : i32
    %c0_i32_0 = arith.constant 0 : i32
    %c0_i32_1 = arith.constant 0 : i32
    return %c0_i32, %arg0, %c0_i32_0 : i32, i32, i32
  }
  func.func @transform_2(%arg0: i32) -> (i32, i32) {
    %c0_i32 = arith.constant 0 : i32
    %c0_i32_0 = arith.constant 0 : i32
    %c0_i32_1 = arith.constant 0 : i32
    return %c0_i32, %c0_i32_0 : i32, i32
  }
  func.func @transform_3(%arg0: i32) -> (i32, i32) {
    %c0_i32 = arith.constant 0 : i32
    %c0_i32_0 = arith.constant 0 : i32
    return %arg0, %c0_i32 : i32, i32
  }
}

</mosaic_0001>

<sc_bundles>
// kernel: kernel.11.cloned.1.call-start
scs
__scs_entry_jumppad:
0x0: {  	(pc) =	sbr.rel $0x88, $3  }
0x1: {  	(tag) =	ssettag $0x0;
	lr =	simm.s32 $0x1  }
0x2: {  	[smem:$0x3F94] =	sst lr;
	_ =	strace $0xD0000000  }
0x3: {  	_ = 	snop  }
0x4: {  	_ = 	snop  }
0x5: {  	_ = 	snop  }
0x6: {  	_ = 	snop  }
0x7: {  	_ = 	snop  }
__scs_overlays_trampoline_lowered:
0x8: {  	[smem:$0x3FA3] =	sst s0  }
0x9: {  	[smem:$0x3FA4] =	sst s1  }
0xa: {  	[smem:$0x3FA5] =	sst s2  }
0xb: {  	[smem:$0x3FA6] =	sst s3  }
0xc: {  	[smem:$0x3FA7] =	sst s4  }
0xd: {  	[smem:$0x3FA8] =	sst s5  }
0xe: {  	[smem:$0x3FA9] =	sst s6  }
0xf: {  	[smem:$0x3FAA] =	sst s7  }
0x10: {  	[smem:$0x3FAB] =	sst s8  }
0x11: {  	[smem:$0x3FAC] =	sst s9;
	s0 =	simm.s32 @!p0 $0x0  }
0x12: {  	s1 =	sld [smem:$0x3F92];
	s0 =	simm.s32 @p0 $0x1  }
0x13: {  	[smem:$0x3FAD] =	sst s0;
	s0 =	simm.s32 @!p1 $0x0  }
0x14: {  	s2 =	sld [smem:$0x3F91];
	s0 =	simm.s32 @p1 $0x1  }
0x15: {  	[smem:$0x3FAE] =	sst s0;
	s0 =	simm.s32 @!p2 $0x0  }
0x16: {  	s3 =	sld [smem:$0x3FDB];
	s0 =	simm.s32 @p2 $0x1  }
0x17: {  	s4 =	simm.s32 $0x1BF5;
	[smem:$0x3FB0] =	sst s0  }
0x18: {  	s0 =	sld [smem:$0x3F93];
	_ =	swait.ge [sflag:s4], $0x0  }
0x19: {  	s7 =	sld [smem:$0x3F94]  }
0x1a: {  	s8 =	sadd.s32 $0xFFFFE003, lr  }
0x1b: {  	s9 =	sadd.s32 $0xFFFFFEF7, lr;
	s5 =	simm.s32 $0xFFFFFFFF;
	p2 =	slt.u32 s8, $0xFFFFF086  }
0x1c: {  	p1 =	slt.u32 s9, $0xF7A;
	s5 =	simm.s32 @!p2 $0x0  }
0x1d: {  	s5 =	simm.s32 @p1 $0x1;
	p0 =	seq.s32 s7, s2  }
0x1e: {  	s7 =	smul.u32 @!p0 $0xF7A, s2;
	p2 =	seq.s32 @!p0 s5, $0x0  }
0x1f: {  	s9 =	smul.u32 $0xF7A, s1;
	s8 =	simm.s32 @!p0 $0x1BF5;
	p2 =	por !p2, p0  }
0x20: {  	[sflag:s8] =	ssyncset.s32 @!p0 $0xFFFFF086;
	s6 =	sadd.s32 @!p0 s3, s7;
	s7 =	simm.s32 @!p0 $0x108  }
0x21: {  	s3 =	sadd.s32 s3, s9;
	s6 =	sadd.s32 @!p0 $0x88, s6;
	s7 =	simm.s32 @p2 $0x1082  }
0x22: {  	[simem:s7], [sflag:s8] =	dma.local @!p0 [hbm:s6], $0xF7A  }
0x23: {  	s9 =	sor.u32 $0xD0000000, s2;
	s6 =	simm.s32 $0x108;
	_ =	swait.ge @!p0 [sflag:s8], $0x0  }
0x24: {  	s3 =	sadd.s32 $0x88, s3;
	s6 =	simm.s32 @!p1 $0x1082;
	[sflag:s4] =	ssyncset.s32 $0xFFFFF086  }
0x25: {  	[simem:s6], [sflag:s4] =	dma.local [hbm:s3], $0xF7A  }
0x26: {  	[smem:$0x3F94] =	sst s1;
	(tag) =	ssettag s2;
	_ =	strace s9  }
0x27: {  	s1 =	sld [smem:$0x3FA4]  }
0x28: {  	s2 =	sld [smem:$0x3FA5]  }
0x29: {  	s4 =	sld [smem:$0x3FA7]  }
0x2a: {  	p0 =	seq.s32 s5, $0x0;
	s5 =	sld [smem:$0x3FA8]  }
0x2b: {  	s6 =	sld [smem:$0x3FA9]  }
0x2c: {  	s7 =	sld [smem:$0x3FAA]  }
0x2d: {  	s3 =	simm.s32 $0x108;
	s8 =	sld [smem:$0x3FAB]  }
0x2e: {  	s3 =	simm.s32 @!p0 $0x1082;
	s9 =	sld [smem:$0x3FAC]  }
0x2f: {  	lr =	sadd.s32 s0, s3;
	s0 =	sld [smem:$0x3FA3]  }
0x30: {  	s3 =	sld [smem:$0x3FA6]  }
0x31: {  	[smem:$0x3FAF] =	sst s10  }
0x32: {  	s10 =	sld [smem:$0x3FAD];
	_ =	sdelay $0x3  }
0x33: {  	p0 =	seq.s32 s10, $0x1;
	s10 =	sld [smem:$0x3FAF];
	_ =	sdelay $0x3  }
0x34: {  	[smem:$0x3FAF] =	sst s10  }
0x35: {  	s10 =	sld [smem:$0x3FAE];
	_ =	sdelay $0x3  }
0x36: {  	p1 =	seq.s32 s10, $0x1;
	s10 =	sld [smem:$0x3FAF];
	_ =	sdelay $0x3  }
0x37: {  	[smem:$0x3FAF] =	sst s10  }
0x38: {  	s10 =	sld [smem:$0x3FB0]  }
0x39: {  	_ = 	snop;
	(pc) =	sbr.ind lr, $3  }
0x3a: {  	_ = 	snop  }
0x3b: {  	_ = 	snop  }
0x3c: {  	p2 =	seq.s32 s10, $0x1;
	s10 =	sld [smem:$0x3FAF]  }
0x3d: {  	_ =	shalt  }
0x3e: {  	_ =	shalt  }
0x3f: {  	_ =	shalt  }
0x40: {  	_ =	shalt  }
0x41: {  	_ =	shalt  }
0x42: {  	_ =	shalt  }
0x43: {  	_ =	shalt  }
0x44: {  	_ =	shalt  }
0x45: {  	_ =	shalt  }
0x46: {  	_ =	shalt  }
0x47: {  	_ =	shalt  }
0x48: {  	_ =	shalt  }
0x49: {  	_ =	shalt  }
0x4a: {  	_ =	shalt  }
0x4b: {  	_ =	shalt  }
0x4c: {  	_ =	shalt  }
0x4d: {  	_ =	shalt  }
0x4e: {  	_ =	shalt  }
0x4f: {  	_ =	shalt  }
0x50: {  	_ =	shalt  }
0x51: {  	_ =	shalt  }
0x52: {  	_ =	shalt  }
0x53: {  	_ =	shalt  }
0x54: {  	_ =	shalt  }
0x55: {  	_ =	shalt  }
0x56: {  	_ =	shalt  }
0x57: {  	_ =	shalt  }
0x58: {  	_ =	shalt  }
0x59: {  	_ =	shalt  }
0x5a: {  	_ =	shalt  }
0x5b: {  	_ =	shalt  }
0x5c: {  	_ =	shalt  }
0x5d: {  	_ =	shalt  }
0x5e: {  	_ =	shalt  }
0x5f: {  	_ =	shalt  }
0x60: {  	_ =	shalt  }
0x61: {  	_ =	shalt  }
0x62: {  	_ =	shalt  }
0x63: {  	_ =	shalt  }
0x64: {  	_ =	shalt  }
0x65: {  	_ =	shalt  }
0x66: {  	_ =	shalt  }
0x67: {  	_ =	shalt  }
0x68: {  	_ =	shalt  }
0x69: {  	_ =	shalt  }
0x6a: {  	_ =	shalt  }
0x6b: {  	_ =	shalt  }
0x6c: {  	_ =	shalt  }
0x6d: {  	_ =	shalt  }
0x6e: {  	_ =	shalt  }
0x6f: {  	_ =	shalt  }
0x70: {  	_ =	shalt  }
0x71: {  	_ =	shalt  }
0x72: {  	_ =	shalt  }
0x73: {  	_ =	shalt  }
0x74: {  	_ =	shalt  }
0x75: {  	_ =	shalt  }
0x76: {  	_ =	shalt  }
0x77: {  	_ =	shalt  }
0x78: {  	_ =	shalt  }
0x79: {  	_ =	shalt  }
0x7a: {  	_ =	shalt  }
0x7b: {  	_ =	shalt  }
0x7c: {  	_ =	shalt  }
0x7d: {  	_ =	shalt  }
0x7e: {  	_ =	shalt  }
0x7f: {  	_ =	shalt  }
0x80: {  	_ =	shalt  }
0x81: {  	_ =	shalt  }
0x82: {  	_ =	shalt  }
0x83: {  	_ =	shalt  }
0x84: {  	_ =	shalt  }
0x85: {  	_ =	shalt  }
0x86: {  	_ =	shalt  }
0x87: {  	_ =	shalt  }
.Lfunc_end0:
.L_simem_size_0:
called_computation.1_lowered:
.L_overlay_start_0:
0x88: {  	s2 =	sld [smem:$0x3FD9]  }
0x89: {  	s3 =	sld [smem:$0x3FFE];
	_ =	sdelay $0x1  }
0x8a: {  	s1 =	srdreg.scid  }
0x8b: {  	s0 =	sand.u32 $0x1, s1  }
0x8c: {  	s14 =	sshll.u32 s0, $0xA;
	s2 =	sadd.s32 s3, s2  }
0x8d: {  	s2 =	sadd.s32 s2, s14  }
0x8e: {  	[smem:$0x3FBB] =	sst s2  }
0x8f: {  	_ = 	snop  }
0x90: {  	s2 =	sld [smem:$0x3FD0];
	_ =	sdelay $0x2  }
0x91: {  	s15 =	simm.s32 $0xA;
	s4 =	simm.s32 $0x10  }
0x92: {  	[smem:s4], [sflag:s15] =	dma.local [hbm:s2], $0x1  }
0x93: {  	_ =	swait.eq [sflag:s15], $0x1  }
0x94: {  	[sflag:s15] =	ssyncset.done $0x0  }
0x95: {  	[sflag:s15] =	ssyncadd.s32 $0xFFFFFFFF  }
0x96: {  	s16 =	sld [smem:$0x10];
	(tm) =	ssettm $0x1  }
0x97: {  	s17 =	sld [smem:$0x3FFB];
	_ =	sdelay $0x3  }
0x98: {  	_ =	strace s17  }
0x99: {  	s3 =	sld [smem:$0x3FFC];
	_ =	sdelay $0x3  }
0x9a: {  	_ =	strace s3  }
0x9b: {  	s3 =	sld [smem:$0x3FFD];
	_ =	sdelay $0x3  }
0x9c: {  	_ =	strace s3  }
0x9d: {  	_ =	strace $0x8FFFFFFF  }
0x9e: {  	s18 =	sld [smem:$0x3FDB];
	_ =	sdelay $0x1  }
0x9f: {  	s19 =	simm.s32 $_scs_section_size  }
0xa0: {  	s5 =	simm.s32 $_size__tile_overlayer_lowered;
	s6 =	simm.s32 $_tile_overlayer_lowered  }
0xa1: {  	s22 =	simm.s32 $0x1BFF;
	s21 =	sshll.u32 s6, $0x1;
	s3 =	sadd.s32 s19, s18  }
0xa2: {  	s7 =	simm.s32 $0x0;
	s20 =	sshll.u32 s5, $0x1;
	s5 =	sadd.s32 s21, s3  }
0xa3: {  	[timem:s7], [sflag:s22] =	dma.local [hbm:s5], s20  }
0xa4: {  	_ =	swait.ge [sflag:s22], s20  }
0xa5: {  	s4 =	ssub.s32 $0x0, s20;
	[sflag:s22] =	ssyncset.done $0x0  }
0xa6: {  	[sflag:s22] =	ssyncadd.s32 s4;
	_ =	sdelay $0x1  }
0xa7: {  	s23 =	simm.s32 $0x1B8B  }
0xa8: {  	_ =	swait.ge [sflag:s23], $0x1  }
0xa9: {  	[sflag:s23] =	ssyncset.done $0x0  }
0xaa: {  	s25 =	simm.s32 $0x1B8E;
	s24 =	sld [smem:$0x3FFE];
	[sflag:s23] =	ssyncadd.s32 $0xFFFFFFFF  }
0xab: {  	s26 =	simm.s32 $execute0_lowered;
	[smem:$0x3FD2] =	sst s25  }
0xac: {  	s5 =	sshll.u32 s26, $0x1;
	_ =	strace $0x80000049;
	[dreg:$0x1] =	wrdreg $0xFFFFFFFF  }
0xad: {  	s28 =	simm.s32 $_size_execute0_lowered;
	s3 =	sadd.s32 s3, s5;
	[dreg:$0x0] =	wrdreg $0x0  }
0xae: {  	s5 =	sshll.u32 s28, $0x1;
	[dreg:$0x2] =	wrdreg s3  }
0xaf: {  	[dreg:$0x3] =	wrdreg s5  }
0xb0: {  	[dreg:$0x4] =	wrdreg $0xC0  }
0xb1: {  	_ =	task [dreg:s7], $0x5FFFF  }
0xb2: {  	[dreg:$0x1] =	wrdreg $0xFFFFFFFF  }
0xb3: {  	[dreg:$0x0] =	wrdreg $0x60  }
0xb4: {  	[dreg:$0x2] =	wrdreg s24  }
0xb5: {  	[dreg:$0x3] =	wrdreg s16  }
0xb6: {  	[dreg:$0x4] =	wrdreg $0xA7000  }
0xb7: {  	[dreg:$0x5] =	wrdreg $0x1E7000  }
0xb8: {  	[dreg:$0x6] =	wrdreg $0x9  }
0xb9: {  	_ =	task.clear_ibuf [dreg:s7], $0x7FFFF;
	_ =	strace $0x90000049  }
0xba: {  	s29 =	simm.s32 $0x9;
	_ =	strace $0x8000004B  }
0xbb: {  	_ =	swait.ge [sflag:s29], $0x1  }
0xbc: {  	[sflag:s29] =	ssyncadd.s32 $0xFFFFFFFF  }
0xbd: {  	_ =	strace $0x9000004B  }
0xbe: {  	_ =	sfence  }
0xbf: {  	s30 =	sld [smem:$0x0];
	_ =	sdelay $0x2  }
0xc0: {  	s31 =	sshll.u32 s1, $0xD;
	s1 =	sshrl.u32 s1, $0x2  }
0xc1: {  	s3 =	sand.u32 $0x4000, s31;
	s1 =	sadd.s32 s1, s30  }
0xc2: {  	s0 =	sor.u32 s3, s0;
	s1 =	sshll.u32 s1, $0x11  }
0xc3: {  	s0 =	sor.u32 s1, s0  }
0xc4: {  	s0 =	sadd.s32 $0x8F2B, s0  }
0xc5: {  	[sflag:s0] =	ssyncadd.remote.s32 $0x1  }
0xc6: {  	_ =	sfence.sel $0xFFFF  }
0xc7: {  	[dreg:$0x0] =	wrdreg $0xFFFFFFFF;
	(pc) =	sbr.abs _section_cstart, $3  }
0xc8: {  	[dreg:$0x1] =	wrdreg $0xFFFFFFFF  }
0xc9: {  	_ =	task.clear_ibuf [dreg:s7], $0x2FFFF;
	_ =	strace $0x9FFFFFFF  }
0xca: {  	(tm) =	ssettm $0x7FFFFFFF  }
0xcb: {  	_ =	shalt  }
tec
execute0_lowered:
.L_overlay_start_1:
0x0: {  	(tag) =	ssettag $0x1  }
0x1: {  	s4 =	rddreg [dreg:$0x0]  }
0x2: {  	s1 =	rddreg [dreg:$0x1]  }
0x3: {  	s2 =	rddreg [dreg:$0x2]  }
0x4: {  	s3 =	rddreg [dreg:$0x3]  }
0x5: {  	s0 =	srdreg.scid;
	s24 =	simm.s32 $0x0;
	s22 =	stileid.u32  }
0x6: {  	s5 =	sand.u32 $0x1, s0;
	[smem:$0x7FF] =	sst s24;
	s6 =	smul.u32 $0x1400, s22  }
0x7: {  	s7 =	sadd.s32 $0x20200, s4;
	s9 =	sshll.u32 s22, $0x1;
	s10 =	smul.u32 $0x14000, s22  }
0x8: {  	s0 =	smul.u32 $0x14000, s5;
	_ =	strace $0x8000004A;
	s21 =	ssub.s32 $0x2, s5  }
0x9: {  	s8 =	sshrl.u32 s21, $0x1;
	s11 =	sadd.s32 $0x5000, s10;
	s12 =	sadd.s32 $0x7800, s10  }
0xa: {  	s13 =	sadd.s32 $0xA000, s10;
	s20 =	sadd.s32 $0xC800, s10;
	s6 =	sadd.s32 s6, s0  }
0xb: {  	s0 =	ssub.s32 s21, s8;
	s8 =	sor.u32 s5, s9;
	s28 =	sadd.s32 s11, s2  }
0xc: {  	s5 =	smul.u32 $0x140000, s5;
	s29 =	sadd.s32 s12, s2;
	[dreg:$0x10] =	wrdreg s28  }
0xd: {  	s9 =	sor.u32 $0x2800, s10;
	s30 =	sadd.s32 s13, s2;
	[dreg:$0x11] =	wrdreg s29  }
0xe: {  	s21 =	sadd.s32 $0xF000, s10;
	s31 =	sadd.s32 s20, s2;
	[dreg:$0x12] =	wrdreg s30  }
0xf: {  	s0 =	smax.u32 s0, $0x1;
	[dreg:$0x13] =	wrdreg s31;
	s14 =	sadd.s32 s10, s5  }
0x10: {  	s15 =	sadd.s32 s5, s9;
	s10 =	sadd.s32 $0x11800, s10;
	s25 =	sadd.s32 s5, s11  }
0x11: {  	s26 =	sadd.s32 s5, s12;
	s16 =	sadd.s32 s5, s13;
	s18 =	sadd.s32 s5, s20  }
0x12: {  	s19 =	sadd.s32 s5, s21;
	s12 =	smul.u32 $0x5000, s22;
	[dreg:$0x1e] =	wrdreg s0  }
0x13: {  	s14 =	sshrl.u32 s14, $0x3;
	s23 =	sshrl.u32 s15, $0x3;
	s15 =	sshrl.u32 s26, $0x3  }
0x14: {  	s17 =	sshrl.u32 s16, $0x3;
	s5 =	sadd.s32 s5, s10;
	s26 =	smul.u32 $0x50000, s22  }
0x15: {  	s16 =	sadd.s32 $0x13F6600, s4;
	s14 =	sadd.s32 s7, s14;
	s15 =	sadd.s32 s7, s15  }
0x16: {  	s5 =	sshrl.u32 s5, $0x3;
	[dreg:$0x5] =	wrdreg s14;
	s14 =	sadd.s32 s7, s23  }
0x17: {  	[dreg:$0x8] =	wrdreg s15;
	s15 =	sshrl.u32 s19, $0x3;
	s5 =	sadd.s32 s7, s5  }
0x18: {  	s19 =	sadd.s32 $0x59E600, s4;
	[dreg:$0x6] =	wrdreg s14;
	s14 =	sshrl.u32 s25, $0x3  }
0x19: {  	s23 =	sadd.s32 s7, s15;
	[dreg:$0xc] =	wrdreg s5;
	s25 =	sshrl.u32 s6, $0x3  }
0x1a: {  	s15 =	sadd.s32 $0x502200, s4;
	s6 =	sadd.s32 s10, s2;
	[dreg:$0xb] =	wrdreg s23  }
0x1b: {  	s14 =	sadd.s32 s7, s14;
	s5 =	sadd.s32 s25, s4;
	[dreg:$0x15] =	wrdreg s6  }
0x1c: {  	s23 =	smul.u32 $0x2710, s8;
	s8 =	sadd.s32 s21, s2;
	[dreg:$0x7] =	wrdreg s14  }
0x1d: {  	s14 =	sadd.s32 s7, s17;
	s17 =	sadd.s32 $0x16400, s4;
	[dreg:$0x14] =	wrdreg s8  }
0x1e: {  	[dreg:$0x9] =	wrdreg s14;
	s14 =	sshrl.u32 s18, $0x3;
	s18 =	sadd.s32 $0xC600, s4  }
0x1f: {  	s22 =	sadd.s32 $0x26C0, s23;
	s14 =	sadd.s32 s7, s14;
	s7 =	sshrl.u32 s26, $0x2  }
0x20: {  	s26 =	sadd.s32 s9, s2;
	s10 =	sshrl.u32 s22, $0x3;
	[dreg:$0xa] =	wrdreg s14  }
0x21: {  	s14 =	sadd.s32 $0xF14600, s4;
	s4 =	sadd.s32 $0x2800, s4;
	[dreg:$0xf] =	wrdreg s26  }
0x22: {  	s13 =	sshll.u32 s22, $0x1;
	s11 =	sadd.s32 s18, s10;
	[dreg:$0xd] =	wrdreg s4  }
0x23: {  	s0 =	simm.s32 $0x3;
	s21 =	sadd.s32 s15, s13;
	[dreg:$0x18] =	wrdreg s11  }
0x24: {  	s9 =	simm.s32 $0x100;
	s4 =	sadd.s32 s7, s2;
	[dreg:$0x1c] =	wrdreg s21  }
0x25: {  	s13 =	sadd.s32 $0xA0, s23;
	s7 =	sshrl.u32 s23, $0x3;
	[dreg:$0xe] =	wrdreg s4  }
0x26: {  	s4 =	sshrl.u32 s12, $0x2;
	s12 =	sshll.u32 s22, $0x4;
	s22 =	sadd.s32 $0x2E00, s5  }
0x27: {  	s11 =	simm.s32 $0x7A00;
	s5 =	simm.s32 $0x0;
	[dreg:$0x1d] =	wrdreg s22  }
0x28: {  	s25 =	sadd.s32 s4, s3;
	s4 =	sadd.s32 s17, s7;
	[dreg:$0x1f] =	wrdreg s5  }
0x29: {  	s21 =	simm.s32 $0x1;
	s7 =	sadd.s32 s19, s10;
	[dreg:$0x17] =	wrdreg s4  }
0x2a: {  	s20 =	sadd.s32 s14, s12;
	s10 =	simm.s32 $0x180;
	[dreg:$0x19] =	wrdreg s7  }
0x2b: {  	s22 =	simm.s32 $0x2;
	[dreg:$0x1a] =	wrdreg s20;
	s4 =	sadd.s32 s16, s12  }
0x2c: {  	s12 =	sadd.s32 $0x50, s23;
	s20 =	simm.s32 $0x200;
	[dreg:$0x16] =	wrdreg s25  }
0x2d: {  	s7 =	simm.s32 $0x80;
	[dreg:$0x1b] =	wrdreg s4;
	s4 =	simm.s32 $0x50  }
.LBB2_1:
0x2e: {  	s5 =	rddreg [dreg:$0xd]  }
0x2f: {  	[tilespmem:s20], [sflag:$0x3] =	stream.linear.gather [hbm4b:s5+s24], $0x2800, $0x38;
	[tilespmem:$0x1FB00] =	vst v63  }
0x30: {  	_ =	swait.ge [sflag:s0], $0x2800  }
0x31: {  	[sflag:s0] =	ssyncset.done $0x0  }
0x32: {  	s5 =	rddreg [dreg:$0xe];
	[sflag:s0] =	ssyncadd.s32 $0xFFFFD800  }
0x33: {  	[spmem:s5] =	stream.linear.scatter [tilespmem:s20], [sflag:$0x3], $0x2800, $0x38;
	[tilespmem:$0x1FB00] =	vst v63  }
0x34: {  	_ =	swait.ge [sflag:s0], $0x2800  }
0x35: {  	[sflag:s0] =	ssyncset.done $0x0  }
0x36: {  	[sflag:s0] =	ssyncadd.s32 $0xFFFFD800  }
0x37: {  	[spmem:s26] =	stream.linear.scatter [tilespmem:s20], [sflag:$0x3], $0x2800, $0x38;
	[tilespmem:$0x1FB00] =	vst v63  }
0x38: {  	_ =	swait.ge [sflag:s0], $0x2800  }
0x39: {  	[sflag:s0] =	ssyncset.done $0x0  }
0x3a: {  	[sflag:s0] =	ssyncadd.s32 $0xFFFFD800  }
0x3b: {  	[spmem:s28] =	stream.linear.scatter [tilespmem:s20], [sflag:$0x3], $0x2800, $0x38;
	[tilespmem:$0x1FB00] =	vst v63  }
0x3c: {  	_ =	swait.ge [sflag:s0], $0x2800  }
0x3d: {  	[sflag:s0] =	ssyncset.done $0x0  }
0x3e: {  	[sflag:s0] =	ssyncadd.s32 $0xFFFFD800  }
0x3f: {  	[spmem:s29] =	stream.linear.scatter [tilespmem:s20], [sflag:$0x3], $0x2800, $0x38;
	[tilespmem:$0x1FB00] =	vst v63  }
0x40: {  	_ =	swait.ge [sflag:s0], $0x2800  }
0x41: {  	[sflag:s0] =	ssyncset.done $0x0  }
0x42: {  	[sflag:s0] =	ssyncadd.s32 $0xFFFFD800  }
0x43: {  	[spmem:s30] =	stream.linear.scatter [tilespmem:s20], [sflag:$0x3], $0x2800, $0x38;
	[tilespmem:$0x1FB00] =	vst v63  }
0x44: {  	_ =	swait.ge [sflag:s0], $0x2800  }
0x45: {  	[sflag:s0] =	ssyncset.done $0x0  }
0x46: {  	[sflag:s0] =	ssyncadd.s32 $0xFFFFD800  }
0x47: {  	[spmem:s31] =	stream.linear.scatter [tilespmem:s20], [sflag:$0x3], $0x2800, $0x38;
	[tilespmem:$0x1FB00] =	vst v63  }
0x48: {  	_ =	swait.ge [sflag:s0], $0x2800  }
0x49: {  	[sflag:s0] =	ssyncset.done $0x0  }
0x4a: {  	[sflag:s0] =	ssyncadd.s32 $0xFFFFD800  }
0x4b: {  	[spmem:s8] =	stream.linear.scatter [tilespmem:s20], [sflag:$0x3], $0x2800, $0x38;
	[tilespmem:$0x1FB00] =	vst v63  }
0x4c: {  	_ =	swait.ge [sflag:s0], $0x2800  }
0x4d: {  	[sflag:s0] =	ssyncset.done $0x0  }
0x4e: {  	[sflag:s0] =	ssyncadd.s32 $0xFFFFD800  }
0x4f: {  	[spmem:s6] =	stream.linear.scatter [tilespmem:s20], [sflag:$0x3], $0x2800, $0x38;
	[tilespmem:$0x1FB00] =	vst v63  }
0x50: {  	_ =	swait.ge [sflag:s0], $0x2800  }
0x51: {  	[sflag:s0] =	ssyncset.done $0x0  }
0x52: {  	[sflag:s0] =	ssyncadd.s32 $0xFFFFD800  }
0x53: {  	[spmem:s25] =	stream.linear.scatter [tilespmem:s20], [sflag:$0x3], $0x1400, $0x38;
	[tilespmem:$0x1FB00] =	vst v63  }
0x54: {  	_ =	swait.ge [sflag:s0], $0x1400  }
0x55: {  	[sflag:s0] =	ssyncset.done $0x0  }
0x56: {  	[sflag:s0] =	ssyncadd.s32 $0xFFFFEC00  }
0x57: {  	[bflag:$0x0] =	sbarrier.arrive $0xFFFF  }
0x58: {  	s30 =	rddreg [dreg:$0x17]  }
0x59: {  	[tilespmem:s24], [sflag:$0x3] =	stream.linear.gather [hbm4b:s30+s24], $0x50, $0x38;
	[tilespmem:$0x1FB00] =	vst v63  }
0x5a: {  	_ =	swait.ge [sflag:s0], $0x50  }
0x5b: {  	s31 =	simm.s32 $0x2A00;
	[sflag:s0] =	ssyncset.done $0x0  }
0x5c: {  	s6 =	simm.s32 $0x5200;
	s25 =	simm.s32 $0x0;
	[sflag:s0] =	ssyncadd.s32 $0xFFFFFFB0  }
0x5d: {  	[tilespmem:s31], [sflag:$0x1] =	stream.indirect.gather [hbm4b:s1+s4], $0x80, s24, s4, $0xb8;
	[tilespmem:$0x1FB00] =	vst v63  }
.LBB2_2:
0x5e: {  	s29 =	smul.u32 $0xA0, s25;
	_ =	sdelay $0x1  }
0x5f: {  	s26 =	sadd.s32 s29, s12  }
0x60: {  	s28 =	sshrl.u32 s26, $0x3  }
0x61: {  	s30 =	simm.s32 $0x0;
	s5 =	sadd.s32 s17, s28  }
0x62: {  	[tilespmem:s7], [sflag:$0x3] =	stream.linear.gather [hbm4b:s5+s30], $0x50, $0x38;
	[tilespmem:$0x1FB00] =	vst v63  }
0x63: {  	_ =	swait.ge [sflag:s0], $0x50  }
0x64: {  	s5 =	sadd.s32 s23, s29;
	[sflag:s0] =	ssyncset.done $0x0  }
0x65: {  	s31 =	sshrl.u32 s5, $0x3;
	[sflag:s0] =	ssyncadd.s32 $0xFFFFFFB0  }
0x66: {  	[tilespmem:s6], [sflag:$0x2] =	stream.indirect.gather [hbm4b:s1+s4], $0x80, s7, s4, $0xb8;
	[tilespmem:$0x1FB00] =	vst v63  }
0x67: {  	s24 =	sadd.s32 s18, s31  }
0x68: {  	[tilespmem:s9], [sflag:$0x3] =	stream.linear.gather [hbm4b:s24+s30], $0x50, $0x38;
	[tilespmem:$0x1FB00] =	vst v63  }
0x69: {  	_ =	swait.ge [sflag:s0], $0x50  }
0x6a: {  	[sflag:s0] =	ssyncset.done $0x0  }
0x6b: {  	s8 =	sadd.s32 s19, s31;
	[sflag:s0] =	ssyncadd.s32 $0xFFFFFFB0  }
0x6c: {  	[tilespmem:s10], [sflag:$0x3] =	stream.linear.gather [hbm4b:s8+s30], $0x50, $0x38;
	[tilespmem:$0x1FB00] =	vst v63  }
0x6d: {  	_ =	swait.ge [sflag:s0], $0x50  }
0x6e: {  	s8 =	sshll.u32 s5, $0x4;
	[sflag:s0] =	ssyncset.done $0x0  }
0x6f: {  	s31 =	sadd.s32 s14, s8;
	[sflag:s0] =	ssyncadd.s32 $0xFFFFFFB0  }
0x70: {  	[tilespmem:s20], [sflag:$0x3] =	stream.linear.gather [hbm4b:s31+s30], $0x2800, $0x38;
	[tilespmem:$0x1FB00] =	vst v63  }
0x71: {  	_ =	swait.ge [sflag:s0], $0x2800  }
0x72: {  	[sflag:s0] =	ssyncset.done $0x0  }
0x73: {  	s24 =	sadd.s32 s16, s8;
	[sflag:s0] =	ssyncadd.s32 $0xFFFFD800  }
0x74: {  	[tilespmem:s11], [sflag:$0x3] =	stream.linear.gather [hbm4b:s24+s30], $0x2800, $0x38;
	[tilespmem:$0x1FB00] =	vst v63  }
0x75: {  	_ =	swait.ge [sflag:s0], $0x2800  }
0x76: {  	s5 =	sshll.u32 s5, $0x1;
	[sflag:s0] =	ssyncset.done $0x0  }
0x77: {  	s5 =	sadd.s32 s15, s5;
	s31 =	simm.s32 $0xA200;
	[sflag:s0] =	ssyncadd.s32 $0xFFFFD800  }
0x78: {  	[tilespmem:s31], [sflag:$0x3] =	stream.linear.gather [hbm4b:s5+s30], $0x500, $0x38;
	[tilespmem:$0x1FB00] =	vst v63  }
0x79: {  	_ =	swait.ge [sflag:s0], $0x500  }
0x7a: {  	[sflag:s0] =	ssyncset.done $0x0  }
0x7b: {  	[sflag:s0] =	ssyncadd.s32 $0xFFFFFB00  }
0x7c: {  	_ =	swait.ge [sflag:s21], $0x2800  }
0x7d: {  	[sflag:s21] =	ssyncset.done $0x0  }
0x7e: {  	s30 =	simm.s32 $0x0;
	[sflag:s21] =	ssyncadd.s32 $0xFFFFD800  }
0x7f: {  	v3 =	vld [tilespmem:s30+$0x2A00]  }
0x80: {  	v4 =	vld [tilespmem:s30+$0x2A10]  }
0x81: {  	v2 =	vld [tilespmem:s30+$0x2A20]  }
0x82: {  	v5 =	vld [tilespmem:s30+$0x2A30]  }
0x83: {  	v1 =	vld [tilespmem:s30+$0x2A40]  }
0x84: {  	s5 =	simm.s32 $0x200;
	v0 =	vld [tilespmem:s31+$0x0]  }
.LBB2_3:
0x85: {  	p0 =	sne.s32 s5, $0x9E00;
	v6 =	vld [tilespmem:s30+$0x2A50]  }
0x86: {  	v7 =	vld [tilespmem:s30+$0x230]  }
0x87: {  	v8 =	vld [tilespmem:s30+$0x210]  }
0x88: {  	v9 =	vld [tilespmem:s30+$0x200]  }
0x89: {  	v10 =	vbroadcast v0, $0x0;
	v11 =	vbroadcast v0, $0x1;
	v12 =	vld [tilespmem:s30+$0x220]  }
0x8a: {  	v13 =	vbroadcast v0, $0x2;
	v14 =	vbroadcast v0, $0x3;
	v15 =	vld [tilespmem:s30+$0x2A60]  }
0x8b: {  	v3 =	vmul.f32 v3, v10;
	v4 =	vmul.f32 v4, v11;
	v10 =	vld [tilespmem:s30+$0x2A70]  }
0x8c: {  	v2 =	vmul.f32 v2, v13;
	v5 =	vmul.f32 v5, v14;
	v11 =	vld [tilespmem:s30+$0x240]  }
0x8d: {  	v3 =	vadd.f32 v3, v9;
	v4 =	vadd.f32 v4, v8;
	v8 =	vbroadcast v0, $0x4;
	v9 =	vld [tilespmem:s30+$0x250]  }
0x8e: {  	v5 =	vadd.f32 v5, v7;
	v7 =	vbroadcast v0, $0x5;
	v2 =	vadd.f32 v2, v12;
	v12 =	vld [tilespmem:s30+$0x260]  }
0x8f: {  	[tilespmem:s30+$0x200] =	vst v3;
	v1 =	vmul.f32 v1, v8;
	v3 =	vbroadcast v0, $0x6;
	v8 =	vld [tilespmem:s30+$0x270]  }
0x90: {  	v0 =	vbroadcast v0, $0x7;
	[tilespmem:s30+$0x210] =	vst v4;
	v4 =	vmul.f32 v6, v7  }
0x91: {  	s24 =	sshra.s32 s5, $0x2;
	[tilespmem:s30+$0x220] =	vst v2;
	v1 =	vadd.f32 v1, v11;
	v2 =	vmul.f32 v15, v3  }
0x92: {  	v0 =	vmul.f32 v10, v0;
	v3 =	vld [tilespmem:s24+$0x2A00];
	[tilespmem:s30+$0x230] =	vst v5;
	v5 =	vadd.f32 v4, v9  }
.Ltmp0:
0x93: {  	v4 =	vld [tilespmem:s24+$0x2A10];
	[tilespmem:s30+$0x240] =	vst v1;
	v1 =	vadd.f32 v2, v12;
	(pc) =	sbr.rel @p0 .LBB2_3-.Ltmp0, $4  }
0x94: {  	v2 =	vld [tilespmem:s24+$0x2A20];
	[tilespmem:s30+$0x250] =	vst v5;
	v0 =	vadd.f32 v0, v8  }
0x95: {  	v5 =	vld [tilespmem:s24+$0x2A30];
	[tilespmem:s30+$0x260] =	vst v1  }
0x96: {  	s31 =	sadd.s32 $0x10, s31;
	v1 =	vld [tilespmem:s24+$0x2A40];
	[tilespmem:s30+$0x270] =	vst v0;
	s30 =	smov.u32 s24  }
0x97: {  	s5 =	sadd.s32 $0x200, s5;
	v0 =	vld [tilespmem:s31+$0x0]  }
0x98: {  	v6 =	vld [tilespmem:s30+$0x2A50]  }
0x99: {  	v7 =	vld [tilespmem:s30+$0x230]  }
0x9a: {  	v8 =	vld [tilespmem:s30+$0x210]  }
0x9b: {  	v9 =	vld [tilespmem:s30+$0x200]  }
0x9c: {  	v11 =	vld [tilespmem:s30+$0x220];
	v10 =	vbroadcast v0, $0x0  }
0x9d: {  	v12 =	vld [tilespmem:s30+$0x2A60];
	v13 =	vbroadcast v0, $0x1  }
0x9e: {  	v58 =	vld [tilespmem:s30+$0x2A70];
	v14 =	vbroadcast v0, $0x2;
	v3 =	vmul.f32 v3, v10  }
0x9f: {  	v15 =	vld [tilespmem:s30+$0x240];
	v16 =	vbroadcast v0, $0x3;
	v4 =	vmul.f32 v4, v13  }
0xa0: {  	v59 =	vld [tilespmem:s30+$0x250];
	v60 =	vbroadcast v0, $0x4;
	v2 =	vmul.f32 v2, v14;
	v3 =	vadd.f32 v3, v9  }
0xa1: {  	v61 =	vld [tilespmem:s30+$0x260];
	v62 =	vbroadcast v0, $0x5;
	v5 =	vmul.f32 v5, v16;
	v4 =	vadd.f32 v4, v8  }
0xa2: {  	v63 =	vld [tilespmem:s30+$0x270];
	v1 =	vmul.f32 v1, v60;
	v2 =	vadd.f32 v2, v11;
	[tilespmem:s30+$0x200] =	vst v3;
	v3 =	vbroadcast v0, $0x6  }
0xa3: {  	v5 =	vadd.f32 v5, v7;
	[tilespmem:s30+$0x210] =	vst v4;
	v4 =	vmul.f32 v6, v62;
	v0 =	vbroadcast v0, $0x7  }
0xa4: {  	v1 =	vadd.f32 v1, v15;
	[tilespmem:s30+$0x220] =	vst v2;
	v2 =	vmul.f32 v12, v3  }
0xa5: {  	[tilespmem:s30+$0x230] =	vst v5;
	v3 =	vadd.f32 v4, v59;
	v0 =	vmul.f32 v58, v0  }
0xa6: {  	[tilespmem:s30+$0x240] =	vst v1;
	v1 =	vadd.f32 v2, v61  }
0xa7: {  	[tilespmem:s30+$0x250] =	vst v3;
	v0 =	vadd.f32 v0, v63  }
0xa8: {  	[tilespmem:s30+$0x260] =	vst v1  }
0xa9: {  	[tilespmem:s30+$0x270] =	vst v0  }
0xaa: {  	[spmem:s3] =	stream.indirect.scatter.add.f32 [tilespmem:s11], [sflag:$0x3], $0x80, s10, s4, $0xb8;
	[tilespmem:$0x1FB00] =	vst v63  }
0xab: {  	_ =	swait.ge [sflag:s0], $0x2800  }
0xac: {  	[sflag:s0] =	ssyncset.done $0x0  }
0xad: {  	[sflag:s0] =	ssyncadd.s32 $0xFFFFD800  }
0xae: {  	[spmem:s2] =	stream.indirect.scatter.add.f32 [tilespmem:s20], [sflag:$0x3], $0x80, s9, s4, $0xb8;
	[tilespmem:$0x1FB00] =	vst v63  }
0xaf: {  	s5 =	sadd.s32 s29, s13;
	_ =	swait.ge [sflag:s0], $0x2800  }
0xb0: {  	s5 =	sshrl.u32 s5, $0x3;
	[sflag:s0] =	ssyncset.done $0x0  }
0xb1: {  	s24 =	simm.s32 $0x0;
	s5 =	sadd.s32 s17, s5;
	[sflag:s0] =	ssyncadd.s32 $0xFFFFD800  }
0xb2: {  	[tilespmem:s24], [sflag:$0x3] =	stream.linear.gather [hbm4b:s5+s24], $0x50, $0x38;
	[tilespmem:$0x1FB00] =	vst v63  }
0xb3: {  	_ =	swait.ge [sflag:s0], $0x50  }
0xb4: {  	[sflag:s0] =	ssyncset.done $0x0  }
0xb5: {  	s31 =	simm.s32 $0x2A00;
	[sflag:s0] =	ssyncadd.s32 $0xFFFFFFB0  }
0xb6: {  	[tilespmem:s31], [sflag:$0x1] =	stream.indirect.gather [hbm4b:s1+s4], $0x80, s24, s4, $0xb8;
	[tilespmem:$0x1FB00] =	vst v63  }
0xb7: {  	s8 =	sadd.s32 s18, s28  }
0xb8: {  	[tilespmem:s9], [sflag:$0x3] =	stream.linear.gather [hbm4b:s8+s24], $0x50, $0x38;
	[tilespmem:$0x1FB00] =	vst v63  }
0xb9: {  	_ =	swait.ge [sflag:s0], $0x50  }
0xba: {  	[sflag:s0] =	ssyncset.done $0x0  }
0xbb: {  	s29 =	sadd.s32 s19, s28;
	[sflag:s0] =	ssyncadd.s32 $0xFFFFFFB0  }
0xbc: {  	[tilespmem:s10], [sflag:$0x3] =	stream.linear.gather [hbm4b:s29+s24], $0x50, $0x38;
	[tilespmem:$0x1FB00] =	vst v63  }
0xbd: {  	_ =	swait.ge [sflag:s0], $0x50  }
0xbe: {  	s30 =	sshll.u32 s26, $0x4;
	[sflag:s0] =	ssyncset.done $0x0  }
0xbf: {  	s28 =	sadd.s32 s14, s30;
	[sflag:s0] =	ssyncadd.s32 $0xFFFFFFB0  }
0xc0: {  	[tilespmem:s20], [sflag:$0x3] =	stream.linear.gather [hbm4b:s28+s24], $0x2800, $0x38;
	[tilespmem:$0x1FB00] =	vst v63  }
0xc1: {  	_ =	swait.ge [sflag:s0], $0x2800  }
0xc2: {  	[sflag:s0] =	ssyncset.done $0x0  }
0xc3: {  	s5 =	sadd.s32 s16, s30;
	[sflag:s0] =	ssyncadd.s32 $0xFFFFD800  }
0xc4: {  	[tilespmem:s11], [sflag:$0x3] =	stream.linear.gather [hbm4b:s5+s24], $0x2800, $0x38;
	[tilespmem:$0x1FB00] =	vst v63  }
0xc5: {  	s31 =	sshll.u32 s26, $0x1;
	_ =	swait.ge [sflag:s0], $0x2800  }
0xc6: {  	s5 =	sand.u32 $0x1FFFFFE0, s31;
	[sflag:s0] =	ssyncset.done $0x0  }
0xc7: {  	s28 =	simm.s32 $0xA200;
	s5 =	sadd.s32 s15, s5;
	[sflag:s0] =	ssyncadd.s32 $0xFFFFD800  }
0xc8: {  	[tilespmem:s28], [sflag:$0x3] =	stream.linear.gather [hbm4b:s5+s24], $0x500, $0x38;
	[tilespmem:$0x1FB00] =	vst v63  }
0xc9: {  	_ =	swait.ge [sflag:s0], $0x500  }
0xca: {  	[sflag:s0] =	ssyncset.done $0x0  }
0xcb: {  	[sflag:s0] =	ssyncadd.s32 $0xFFFFFB00  }
0xcc: {  	_ =	swait.ge [sflag:s22], $0x2800  }
0xcd: {  	[sflag:s22] =	ssyncset.done $0x0  }
0xce: {  	s26 =	simm.s32 $0x0;
	[sflag:s22] =	ssyncadd.s32 $0xFFFFD800  }
0xcf: {  	v3 =	vld [tilespmem:s26+$0x5200]  }
0xd0: {  	v4 =	vld [tilespmem:s26+$0x5210]  }
0xd1: {  	v2 =	vld [tilespmem:s26+$0x5220]  }
0xd2: {  	v5 =	vld [tilespmem:s26+$0x5230]  }
0xd3: {  	v1 =	vld [tilespmem:s26+$0x5240]  }
0xd4: {  	s5 =	simm.s32 $0x200;
	v0 =	vld [tilespmem:s28+$0x0]  }
.LBB2_5:
0xd5: {  	p0 =	sne.s32 s5, $0x9E00;
	v6 =	vld [tilespmem:s26+$0x5250]  }
0xd6: {  	v7 =	vld [tilespmem:s26+$0x230]  }
0xd7: {  	v8 =	vld [tilespmem:s26+$0x210]  }
0xd8: {  	v9 =	vld [tilespmem:s26+$0x200]  }
0xd9: {  	v10 =	vbroadcast v0, $0x0;
	v11 =	vbroadcast v0, $0x1;
	v12 =	vld [tilespmem:s26+$0x220]  }
0xda: {  	v13 =	vbroadcast v0, $0x2;
	v14 =	vbroadcast v0, $0x3;
	v15 =	vld [tilespmem:s26+$0x5260]  }
0xdb: {  	v3 =	vmul.f32 v3, v10;
	v4 =	vmul.f32 v4, v11;
	v10 =	vld [tilespmem:s26+$0x5270]  }
0xdc: {  	v2 =	vmul.f32 v2, v13;
	v5 =	vmul.f32 v5, v14;
	v11 =	vld [tilespmem:s26+$0x240]  }
0xdd: {  	v3 =	vadd.f32 v3, v9;
	v4 =	vadd.f32 v4, v8;
	v8 =	vbroadcast v0, $0x4;
	v9 =	vld [tilespmem:s26+$0x250]  }
0xde: {  	v5 =	vadd.f32 v5, v7;
	v7 =	vbroadcast v0, $0x5;
	v2 =	vadd.f32 v2, v12;
	v12 =	vld [tilespmem:s26+$0x260]  }
0xdf: {  	[tilespmem:s26+$0x200] =	vst v3;
	v1 =	vmul.f32 v1, v8;
	v3 =	vbroadcast v0, $0x6;
	v8 =	vld [tilespmem:s26+$0x270]  }
0xe0: {  	v0 =	vbroadcast v0, $0x7;
	[tilespmem:s26+$0x210] =	vst v4;
	v4 =	vmul.f32 v6, v7  }
0xe1: {  	s24 =	sshra.s32 s5, $0x2;
	[tilespmem:s26+$0x220] =	vst v2;
	v1 =	vadd.f32 v1, v11;
	v2 =	vmul.f32 v15, v3  }
0xe2: {  	v0 =	vmul.f32 v10, v0;
	v3 =	vld [tilespmem:s24+$0x5200];
	[tilespmem:s26+$0x230] =	vst v5;
	v5 =	vadd.f32 v4, v9  }
.Ltmp1:
0xe3: {  	v4 =	vld [tilespmem:s24+$0x5210];
	[tilespmem:s26+$0x240] =	vst v1;
	v1 =	vadd.f32 v2, v12;
	(pc) =	sbr.rel @p0 .LBB2_5-.Ltmp1, $4  }
0xe4: {  	v2 =	vld [tilespmem:s24+$0x5220];
	[tilespmem:s26+$0x250] =	vst v5;
	v0 =	vadd.f32 v0, v8  }
0xe5: {  	v5 =	vld [tilespmem:s24+$0x5230];
	[tilespmem:s26+$0x260] =	vst v1  }
0xe6: {  	s28 =	sadd.s32 $0x10, s28;
	v1 =	vld [tilespmem:s24+$0x5240];
	[tilespmem:s26+$0x270] =	vst v0;
	s26 =	smov.u32 s24  }
0xe7: {  	s5 =	sadd.s32 $0x200, s5;
	v0 =	vld [tilespmem:s28+$0x0]  }
0xe8: {  	v6 =	vld [tilespmem:s26+$0x5250]  }
0xe9: {  	v7 =	vld [tilespmem:s26+$0x230]  }
0xea: {  	v8 =	vld [tilespmem:s26+$0x210]  }
0xeb: {  	v9 =	vld [tilespmem:s26+$0x200]  }
0xec: {  	v11 =	vld [tilespmem:s26+$0x220];
	v10 =	vbroadcast v0, $0x0  }
0xed: {  	v12 =	vld [tilespmem:s26+$0x5260];
	v13 =	vbroadcast v0, $0x1  }
0xee: {  	v52 =	vld [tilespmem:s26+$0x5270];
	v14 =	vbroadcast v0, $0x2;
	v3 =	vmul.f32 v3, v10  }
0xef: {  	v15 =	vld [tilespmem:s26+$0x240];
	v16 =	vbroadcast v0, $0x3;
	v4 =	vmul.f32 v4, v13  }
0xf0: {  	v53 =	vld [tilespmem:s26+$0x250];
	v54 =	vbroadcast v0, $0x4;
	v2 =	vmul.f32 v2, v14;
	v3 =	vadd.f32 v3, v9  }
0xf1: {  	v55 =	vld [tilespmem:s26+$0x260];
	v56 =	vbroadcast v0, $0x5;
	v5 =	vmul.f32 v5, v16;
	v4 =	vadd.f32 v4, v8  }
0xf2: {  	v58 =	vld [tilespmem:s26+$0x270];
	v57 =	vbroadcast v0, $0x6;
	v1 =	vmul.f32 v1, v54;
	v2 =	vadd.f32 v2, v11;
	[tilespmem:s26+$0x200] =	vst v3  }
0xf3: {  	v60 =	vbroadcast v0, $0x7;
	v59 =	vmul.f32 v6, v56;
	v5 =	vadd.f32 v5, v7;
	[tilespmem:s26+$0x210] =	vst v4  }
0xf4: {  	v61 =	vmul.f32 v12, v57;
	v1 =	vadd.f32 v1, v15;
	[tilespmem:s26+$0x220] =	vst v2  }
0xf5: {  	v0 =	vmul.f32 v52, v60;
	v62 =	vadd.f32 v59, v53;
	[tilespmem:s26+$0x230] =	vst v5  }
0xf6: {  	v63 =	vadd.f32 v61, v55;
	[tilespmem:s26+$0x240] =	vst v1  }
0xf7: {  	v0 =	vadd.f32 v0, v58;
	[tilespmem:s26+$0x250] =	vst v62  }
0xf8: {  	[tilespmem:s26+$0x260] =	vst v63  }
0xf9: {  	[tilespmem:s26+$0x270] =	vst v0  }
0xfa: {  	[spmem:s3] =	stream.indirect.scatter.add.f32 [tilespmem:s11], [sflag:$0x3], $0x80, s10, s4, $0xb8;
	[tilespmem:$0x1FB00] =	vst v63  }
0xfb: {  	s25 =	sadd.s32 $0x1, s25;
	_ =	swait.ge [sflag:s0], $0x2800  }
0xfc: {  	p0 =	sne.s32 s25, $0x3E;
	[sflag:s0] =	ssyncset.done $0x0  }
.Ltmp2:
0xfd: {  	[sflag:s0] =	ssyncadd.s32 $0xFFFFD800;
	(pc) =	sbr.rel @p0 .LBB2_2-.Ltmp2, $4  }
0xfe: {  	[spmem:s2] =	stream.indirect.scatter.add.f32 [tilespmem:s20], [sflag:$0x3], $0x80, s9, s4, $0xb8;
	[tilespmem:$0x1FB00] =	vst v63  }
0xff: {  	_ =	swait.ge [sflag:s0], $0x2800  }
0x100: {  	[sflag:s0] =	ssyncset.done $0x0  }
0x101: {  	[sflag:s0] =	ssyncadd.s32 $0xFFFFD800  }
0x102: {  	s5 =	simm.s32 $0x0;
	s6 =	rddreg [dreg:$0x18]  }
0x103: {  	[tilespmem:s9], [sflag:$0x3] =	stream.linear.gather [hbm4b:s6+s5], $0x50, $0x38;
	[tilespmem:$0x1FB00] =	vst v63  }
0x104: {  	_ =	swait.ge [sflag:s0], $0x50  }
0x105: {  	[sflag:s0] =	ssyncset.done $0x0  }
0x106: {  	s28 =	rddreg [dreg:$0x19];
	[sflag:s0] =	ssyncadd.s32 $0xFFFFFFB0  }
0x107: {  	[tilespmem:s10], [sflag:$0x3] =	stream.linear.gather [hbm4b:s28+s5], $0x50, $0x38;
	[tilespmem:$0x1FB00] =	vst v63  }
0x108: {  	_ =	swait.ge [sflag:s0], $0x50  }
0x109: {  	[sflag:s0] =	ssyncset.done $0x0  }
0x10a: {  	s29 =	rddreg [dreg:$0x1a];
	[sflag:s0] =	ssyncadd.s32 $0xFFFFFFB0  }
0x10b: {  	[tilespmem:s20], [sflag:$0x3] =	stream.linear.gather [hbm4b:s29+s5], $0x2800, $0x38;
	[tilespmem:$0x1FB00] =	vst v63  }
0x10c: {  	_ =	swait.ge [sflag:s0], $0x2800  }
0x10d: {  	[sflag:s0] =	ssyncset.done $0x0  }
0x10e: {  	s30 =	rddreg [dreg:$0x1b];
	[sflag:s0] =	ssyncadd.s32 $0xFFFFD800  }
0x10f: {  	[tilespmem:s11], [sflag:$0x3] =	stream.linear.gather [hbm4b:s30+s5], $0x2800, $0x38;
	[tilespmem:$0x1FB00] =	vst v63  }
0x110: {  	_ =	swait.ge [sflag:s0], $0x2800  }
0x111: {  	[sflag:s0] =	ssyncset.done $0x0  }
0x112: {  	s26 =	simm.s32 $0xA200;
	s31 =	rddreg [dreg:$0x1c];
	[sflag:s0] =	ssyncadd.s32 $0xFFFFD800  }
0x113: {  	[tilespmem:s26], [sflag:$0x3] =	stream.linear.gather [hbm4b:s31+s5], $0x500, $0x38;
	[tilespmem:$0x1FB00] =	vst v63  }
0x114: {  	_ =	swait.ge [sflag:s0], $0x500  }
0x115: {  	[sflag:s0] =	ssyncset.done $0x0  }
0x116: {  	[sflag:s0] =	ssyncadd.s32 $0xFFFFFB00  }
0x117: {  	_ =	swait.ge [sflag:s21], $0x2800  }
0x118: {  	[sflag:s21] =	ssyncset.done $0x0  }
0x119: {  	s25 =	simm.s32 $0x0;
	[sflag:s21] =	ssyncadd.s32 $0xFFFFD800  }
0x11a: {  	v3 =	vld [tilespmem:s25+$0x2A00]  }
0x11b: {  	v4 =	vld [tilespmem:s25+$0x2A10]  }
0x11c: {  	v2 =	vld [tilespmem:s25+$0x2A20]  }
0x11d: {  	v5 =	vld [tilespmem:s25+$0x2A30]  }
0x11e: {  	v1 =	vld [tilespmem:s25+$0x2A40]  }
0x11f: {  	s5 =	simm.s32 $0x200;
	v0 =	vld [tilespmem:s26+$0x0]  }
.LBB2_8:
0x120: {  	p0 =	sne.s32 s5, $0x9E00;
	v6 =	vld [tilespmem:s25+$0x2A50]  }
0x121: {  	v7 =	vld [tilespmem:s25+$0x230]  }
0x122: {  	v8 =	vld [tilespmem:s25+$0x210]  }
0x123: {  	v9 =	vld [tilespmem:s25+$0x200]  }
0x124: {  	v10 =	vbroadcast v0, $0x0;
	v11 =	vbroadcast v0, $0x1;
	v12 =	vld [tilespmem:s25+$0x220]  }
0x125: {  	v13 =	vbroadcast v0, $0x2;
	v14 =	vbroadcast v0, $0x3;
	v15 =	vld [tilespmem:s25+$0x2A60]  }
0x126: {  	v3 =	vmul.f32 v3, v10;
	v4 =	vmul.f32 v4, v11;
	v10 =	vld [tilespmem:s25+$0x2A70]  }
0x127: {  	v2 =	vmul.f32 v2, v13;
	v5 =	vmul.f32 v5, v14;
	v11 =	vld [tilespmem:s25+$0x240]  }
0x128: {  	v3 =	vadd.f32 v3, v9;
	v4 =	vadd.f32 v4, v8;
	v8 =	vbroadcast v0, $0x4;
	v9 =	vld [tilespmem:s25+$0x250]  }
0x129: {  	v5 =	vadd.f32 v5, v7;
	v7 =	vbroadcast v0, $0x5;
	v2 =	vadd.f32 v2, v12;
	v12 =	vld [tilespmem:s25+$0x260]  }
0x12a: {  	[tilespmem:s25+$0x200] =	vst v3;
	v1 =	vmul.f32 v1, v8;
	v3 =	vbroadcast v0, $0x6;
	v8 =	vld [tilespmem:s25+$0x270]  }
0x12b: {  	v0 =	vbroadcast v0, $0x7;
	[tilespmem:s25+$0x210] =	vst v4;
	v4 =	vmul.f32 v6, v7  }
0x12c: {  	s24 =	sshra.s32 s5, $0x2;
	[tilespmem:s25+$0x220] =	vst v2;
	v1 =	vadd.f32 v1, v11;
	v2 =	vmul.f32 v15, v3  }
0x12d: {  	v0 =	vmul.f32 v10, v0;
	v3 =	vld [tilespmem:s24+$0x2A00];
	[tilespmem:s25+$0x230] =	vst v5;
	v5 =	vadd.f32 v4, v9  }
.Ltmp3:
0x12e: {  	v4 =	vld [tilespmem:s24+$0x2A10];
	[tilespmem:s25+$0x240] =	vst v1;
	v1 =	vadd.f32 v2, v12;
	(pc) =	sbr.rel @p0 .LBB2_8-.Ltmp3, $4  }
0x12f: {  	v2 =	vld [tilespmem:s24+$0x2A20];
	[tilespmem:s25+$0x250] =	vst v5;
	v0 =	vadd.f32 v0, v8  }
0x130: {  	v5 =	vld [tilespmem:s24+$0x2A30];
	[tilespmem:s25+$0x260] =	vst v1  }
0x131: {  	s26 =	sadd.s32 $0x10, s26;
	v1 =	vld [tilespmem:s24+$0x2A40];
	[tilespmem:s25+$0x270] =	vst v0;
	s25 =	smov.u32 s24  }
0x132: {  	s5 =	sadd.s32 $0x200, s5;
	v0 =	vld [tilespmem:s26+$0x0]  }
0x133: {  	v6 =	vld [tilespmem:s25+$0x2A50]  }
0x134: {  	v7 =	vld [tilespmem:s25+$0x230]  }
0x135: {  	v8 =	vld [tilespmem:s25+$0x210]  }
0x136: {  	v9 =	vld [tilespmem:s25+$0x200]  }
0x137: {  	v11 =	vld [tilespmem:s25+$0x220];
	v10 =	vbroadcast v0, $0x0  }
0x138: {  	v12 =	vld [tilespmem:s25+$0x2A60];
	v13 =	vbroadcast v0, $0x1  }
0x139: {  	v52 =	vld [tilespmem:s25+$0x2A70];
	v14 =	vbroadcast v0, $0x2;
	v3 =	vmul.f32 v3, v10  }
0x13a: {  	v15 =	vld [tilespmem:s25+$0x240];
	v16 =	vbroadcast v0, $0x3;
	v4 =	vmul.f32 v4, v13  }
0x13b: {  	v53 =	vld [tilespmem:s25+$0x250];
	v54 =	vbroadcast v0, $0x4;
	v2 =	vmul.f32 v2, v14;
	v3 =	vadd.f32 v3, v9  }
0x13c: {  	v55 =	vld [tilespmem:s25+$0x260];
	v56 =	vbroadcast v0, $0x5;
	v5 =	vmul.f32 v5, v16;
	v4 =	vadd.f32 v4, v8  }
0x13d: {  	v58 =	vld [tilespmem:s25+$0x270];
	v57 =	vbroadcast v0, $0x6;
	v1 =	vmul.f32 v1, v54;
	v2 =	vadd.f32 v2, v11;
	[tilespmem:s25+$0x200] =	vst v3  }
0x13e: {  	v60 =	vbroadcast v0, $0x7;
	v59 =	vmul.f32 v6, v56;
	v5 =	vadd.f32 v5, v7;
	[tilespmem:s25+$0x210] =	vst v4  }
0x13f: {  	v61 =	vmul.f32 v12, v57;
	v1 =	vadd.f32 v1, v15;
	[tilespmem:s25+$0x220] =	vst v2  }
0x140: {  	v0 =	vmul.f32 v52, v60;
	v62 =	vadd.f32 v59, v53;
	[tilespmem:s25+$0x230] =	vst v5  }
0x141: {  	v63 =	vadd.f32 v61, v55;
	[tilespmem:s25+$0x240] =	vst v1  }
0x142: {  	v0 =	vadd.f32 v0, v58;
	[tilespmem:s25+$0x250] =	vst v62  }
0x143: {  	[tilespmem:s25+$0x260] =	vst v63  }
0x144: {  	[tilespmem:s25+$0x270] =	vst v0  }
0x145: {  	[spmem:s3] =	stream.indirect.scatter.add.f32 [tilespmem:s11], [sflag:$0x3], $0x80, s10, s4, $0xb8;
	[tilespmem:$0x1FB00] =	vst v63  }
0x146: {  	_ =	swait.ge [sflag:s0], $0x2800  }
0x147: {  	[sflag:s0] =	ssyncset.done $0x0  }
0x148: {  	[sflag:s0] =	ssyncadd.s32 $0xFFFFD800  }
0x149: {  	[spmem:s2] =	stream.indirect.scatter.add.f32 [tilespmem:s20], [sflag:$0x3], $0x80, s9, s4, $0xb8;
	[tilespmem:$0x1FB00] =	vst v63  }
0x14a: {  	_ =	swait.ge [sflag:s0], $0x2800  }
0x14b: {  	[sflag:s0] =	ssyncset.done $0x0  }
0x14c: {  	[sflag:s0] =	ssyncadd.s32 $0xFFFFD800  }
0x14d: {  	[bflag:$0x0] =	sbarrier.arrive $0xFFFF  }
0x14e: {  	s1 =	rddreg [dreg:$0xe]  }
0x14f: {  	[tilespmem:s20], [sflag:$0x3] =	stream.linear.gather [spmem:s1], $0x2800, $0x38;
	[tilespmem:$0x1FB00] =	vst v63  }
0x150: {  	_ =	swait.ge [sflag:s0], $0x2800  }
0x151: {  	[sflag:s0] =	ssyncset.done $0x0  }
0x152: {  	s24 =	simm.s32 $0x0;
	s5 =	rddreg [dreg:$0x5];
	[sflag:s0] =	ssyncadd.s32 $0xFFFFD800  }
0x153: {  	[hbm4b:s5+s24] =	stream.linear.scatter [tilespmem:s20], [sflag:$0x3], $0x2800, $0x38;
	[tilespmem:$0x1FB00] =	vst v63  }
0x154: {  	_ =	swait.ge [sflag:s0], $0x2800  }
0x155: {  	[sflag:s0] =	ssyncset.done $0x0  }
0x156: {  	s26 =	rddreg [dreg:$0xf];
	[sflag:s0] =	ssyncadd.s32 $0xFFFFD800  }
0x157: {  	[tilespmem:s20], [sflag:$0x3] =	stream.linear.gather [spmem:s26], $0x2800, $0x38;
	[tilespmem:$0x1FB00] =	vst v63  }
0x158: {  	_ =	swait.ge [sflag:s0], $0x2800  }
0x159: {  	[sflag:s0] =	ssyncset.done $0x0  }
0x15a: {  	s1 =	rddreg [dreg:$0x6];
	[sflag:s0] =	ssyncadd.s32 $0xFFFFD800  }
0x15b: {  	[hbm4b:s1+s24] =	stream.linear.scatter [tilespmem:s20], [sflag:$0x3], $0x2800, $0x38;
	[tilespmem:$0x1FB00] =	vst v63  }
0x15c: {  	_ =	swait.ge [sflag:s0], $0x2800  }
0x15d: {  	[sflag:s0] =	ssyncset.done $0x0  }
0x15e: {  	s28 =	rddreg [dreg:$0x10];
	[sflag:s0] =	ssyncadd.s32 $0xFFFFD800  }
0x15f: {  	[tilespmem:s20], [sflag:$0x3] =	stream.linear.gather [spmem:s28], $0x2800, $0x38;
	[tilespmem:$0x1FB00] =	vst v63  }
0x160: {  	_ =	swait.ge [sflag:s0], $0x2800  }
0x161: {  	[sflag:s0] =	ssyncset.done $0x0  }
0x162: {  	s6 =	rddreg [dreg:$0x7];
	[sflag:s0] =	ssyncadd.s32 $0xFFFFD800  }
0x163: {  	[hbm4b:s6+s24] =	stream.linear.scatter [tilespmem:s20], [sflag:$0x3], $0x2800, $0x38;
	[tilespmem:$0x1FB00] =	vst v63  }
0x164: {  	_ =	swait.ge [sflag:s0], $0x2800  }
0x165: {  	[sflag:s0] =	ssyncset.done $0x0  }
0x166: {  	s29 =	rddreg [dreg:$0x11];
	[sflag:s0] =	ssyncadd.s32 $0xFFFFD800  }
0x167: {  	[tilespmem:s20], [sflag:$0x3] =	stream.linear.gather [spmem:s29], $0x2800, $0x38;
	[tilespmem:$0x1FB00] =	vst v63  }
0x168: {  	_ =	swait.ge [sflag:s0], $0x2800  }
0x169: {  	[sflag:s0] =	ssyncset.done $0x0  }
0x16a: {  	s8 =	rddreg [dreg:$0x8];
	[sflag:s0] =	ssyncadd.s32 $0xFFFFD800  }
0x16b: {  	[hbm4b:s8+s24] =	stream.linear.scatter [tilespmem:s20], [sflag:$0x3], $0x2800, $0x38;
	[tilespmem:$0x1FB00] =	vst v63  }
0x16c: {  	_ =	swait.ge [sflag:s0], $0x2800  }
0x16d: {  	[sflag:s0] =	ssyncset.done $0x0  }
0x16e: {  	s30 =	rddreg [dreg:$0x12];
	[sflag:s0] =	ssyncadd.s32 $0xFFFFD800  }
0x16f: {  	[tilespmem:s20], [sflag:$0x3] =	stream.linear.gather [spmem:s30], $0x2800, $0x38;
	[tilespmem:$0x1FB00] =	vst v63  }
0x170: {  	_ =	swait.ge [sflag:s0], $0x2800  }
0x171: {  	[sflag:s0] =	ssyncset.done $0x0  }
0x172: {  	s25 =	rddreg [dreg:$0x9];
	[sflag:s0] =	ssyncadd.s32 $0xFFFFD800  }
0x173: {  	[hbm4b:s25+s24] =	stream.linear.scatter [tilespmem:s20], [sflag:$0x3], $0x2800, $0x38;
	[tilespmem:$0x1FB00] =	vst v63  }
0x174: {  	_ =	swait.ge [sflag:s0], $0x2800  }
0x175: {  	[sflag:s0] =	ssyncset.done $0x0  }
0x176: {  	s31 =	rddreg [dreg:$0x13];
	[sflag:s0] =	ssyncadd.s32 $0xFFFFD800  }
0x177: {  	[tilespmem:s20], [sflag:$0x3] =	stream.linear.gather [spmem:s31], $0x2800, $0x38;
	[tilespmem:$0x1FB00] =	vst v63  }
0x178: {  	_ =	swait.ge [sflag:s0], $0x2800  }
0x179: {  	[sflag:s0] =	ssyncset.done $0x0  }
0x17a: {  	s1 =	rddreg [dreg:$0xa];
	[sflag:s0] =	ssyncadd.s32 $0xFFFFD800  }
0x17b: {  	[hbm4b:s1+s24] =	stream.linear.scatter [tilespmem:s20], [sflag:$0x3], $0x2800, $0x38;
	[tilespmem:$0x1FB00] =	vst v63  }
0x17c: {  	_ =	swait.ge [sflag:s0], $0x2800  }
0x17d: {  	[sflag:s0] =	ssyncset.done $0x0  }
0x17e: {  	s8 =	rddreg [dreg:$0x14];
	[sflag:s0] =	ssyncadd.s32 $0xFFFFD800  }
0x17f: {  	[tilespmem:s20], [sflag:$0x3] =	stream.linear.gather [spmem:s8], $0x2800, $0x38;
	[tilespmem:$0x1FB00] =	vst v63  }
0x180: {  	_ =	swait.ge [sflag:s0], $0x2800  }
0x181: {  	[sflag:s0] =	ssyncset.done $0x0  }
0x182: {  	s6 =	rddreg [dreg:$0xb];
	[sflag:s0] =	ssyncadd.s32 $0xFFFFD800  }
0x183: {  	[hbm4b:s6+s24] =	stream.linear.scatter [tilespmem:s20], [sflag:$0x3], $0x2800, $0x38;
	[tilespmem:$0x1FB00] =	vst v63  }
0x184: {  	_ =	swait.ge [sflag:s0], $0x2800  }
0x185: {  	[sflag:s0] =	ssyncset.done $0x0  }
0x186: {  	s6 =	rddreg [dreg:$0x15];
	[sflag:s0] =	ssyncadd.s32 $0xFFFFD800  }
0x187: {  	[tilespmem:s20], [sflag:$0x3] =	stream.linear.gather [spmem:s6], $0x2800, $0x38;
	[tilespmem:$0x1FB00] =	vst v63  }
0x188: {  	_ =	swait.ge [sflag:s0], $0x2800  }
0x189: {  	[sflag:s0] =	ssyncset.done $0x0  }
0x18a: {  	s25 =	rddreg [dreg:$0xc];
	[sflag:s0] =	ssyncadd.s32 $0xFFFFD800  }
0x18b: {  	[hbm4b:s25+s24] =	stream.linear.scatter [tilespmem:s20], [sflag:$0x3], $0x2800, $0x38;
	[tilespmem:$0x1FB00] =	vst v63  }
0x18c: {  	_ =	swait.ge [sflag:s0], $0x2800  }
0x18d: {  	[sflag:s0] =	ssyncset.done $0x0  }
0x18e: {  	s25 =	rddreg [dreg:$0x16];
	[sflag:s0] =	ssyncadd.s32 $0xFFFFD800  }
0x18f: {  	[tilespmem:s11], [sflag:$0x3] =	stream.linear.gather [spmem:s25], $0x1400, $0x38;
	[tilespmem:$0x1FB00] =	vst v63  }
0x190: {  	_ =	swait.ge [sflag:s0], $0x1400  }
0x191: {  	[sflag:s0] =	ssyncset.done $0x0  }
0x192: {  	s1 =	rddreg [dreg:$0x1d];
	[sflag:s0] =	ssyncadd.s32 $0xFFFFEC00  }
0x193: {  	[hbm4b:s1+s24] =	stream.linear.scatter [tilespmem:s11], [sflag:$0x3], $0x1400, $0x38;
	[tilespmem:$0x1FB00] =	vst v63  }
0x194: {  	_ =	swait.ge [sflag:s0], $0x1400  }
0x195: {  	s5 =	rddreg [dreg:$0x1f]  }
0x196: {  	s1 =	sadd.s32 $0x1, s5;
	s5 =	rddreg [dreg:$0x1e]  }
0x197: {  	p0 =	sne.s32 s1, s5  }
.Ltmp4:
0x198: {  	_ = 	snop;
	(pc) =	sbr.rel @p0 .LBB2_1-.Ltmp4, $4  }
0x199: {  	_ = 	snop  }
0x19a: {  	[sflag:s0] =	ssyncset.done $0x0  }
0x19b: {  	[sflag:s0] =	ssyncadd.s32 $0xFFFFEC00;
	[dreg:$0x1f] =	wrdreg s1  }
0x19c: {  	s1 =	rddreg [dreg:$0x1]  }
0x19d: {  	_ =	sfence.sel $0x180000  }
0x19e: {  	[bflag:$0x0] =	sbarrier.arrive $0xFFFF  }
0x19f: {  	_ =	strace $0x9000004A  }
0x1a0: {  	s0 =	stileid.u32;
	[bflag:$0x2] =	sbarrier.arrive $0xFFFF  }
0x1a1: {  	p0 =	sne.s32 s0, $0x0;
	s0 =	rddreg [dreg:$0x4]  }
0x1a2: {  	s0 =	sadd.s32 @!p0 $0x100000, s0  }
0x1a3: {  	[sflag:s0] =	ssyncadd.tile.s32 @!p0 $0x1;
	_ =	shalt  }
.Lfunc_end2:
_tile_overlayer_lowered:
.L_overlay_start_2:
0x1a4: {  	(tag) =	ssettag $0x2  }
0x1a5: {  	s0 =	rddreg [dreg:$0x0];
	s2 =	stileid.u32  }
0x1a6: {  	s1 =	rddreg [dreg:$0x1];
	p0 =	sne.s32 s2, $0x0  }
0x1a7: {  	s3 =	rddreg [dreg:$0x2];
	[bflag:$0x3] =	sbarrier.arrive $0xFFFF;
	s2 =	simm.s32 @!p0 $0x1C03  }
0x1a8: {  	[timem:s3], [sflag:s2] =	dma.local @!p0 [hbm:s0], s1  }
0x1a9: {  	s0 =	simm.s32 @!p0 $0x3  }
0x1aa: {  	_ =	swait.ge @!p0 [sflag:s0], s1  }
0x1ab: {  	s1 =	ssub.s32 @!p0 $0x0, s1;
	[sflag:s0] =	ssyncset.done @!p0 $0x0  }
0x1ac: {  	[sflag:s0] =	ssyncadd.s32 @!p0 s1  }
0x1ad: {  	[bflag:$0x3] =	sbarrier.arrive $0xFFFF  }
0x1ae: {  	_ =	shalt  }

// kernel: kernel.8.cloned.1.call-start
scs
__scs_entry_jumppad:
0x0: {  	(pc) =	sbr.rel $0x88, $3  }
0x1: {  	(tag) =	ssettag $0x0;
	lr =	simm.s32 $0x1  }
0x2: {  	[smem:$0x3F94] =	sst lr;
	_ =	strace $0xD0000000  }
0x3: {  	_ = 	snop  }
0x4: {  	_ = 	snop  }
0x5: {  	_ = 	snop  }
0x6: {  	_ = 	snop  }
0x7: {  	_ = 	snop  }
__scs_overlays_trampoline_lowered:
0x8: {  	[smem:$0x3FA3] =	sst s0  }
0x9: {  	[smem:$0x3FA4] =	sst s1  }
0xa: {  	[smem:$0x3FA5] =	sst s2  }
0xb: {  	[smem:$0x3FA6] =	sst s3  }
0xc: {  	[smem:$0x3FA7] =	sst s4  }
0xd: {  	[smem:$0x3FA8] =	sst s5  }
0xe: {  	[smem:$0x3FA9] =	sst s6  }
0xf: {  	[smem:$0x3FAA] =	sst s7  }
0x10: {  	[smem:$0x3FAB] =	sst s8  }
0x11: {  	[smem:$0x3FAC] =	sst s9;
	s0 =	simm.s32 @!p0 $0x0  }
0x12: {  	s1 =	sld [smem:$0x3F92];
	s0 =	simm.s32 @p0 $0x1  }
0x13: {  	[smem:$0x3FAD] =	sst s0;
	s0 =	simm.s32 @!p1 $0x0  }
0x14: {  	s2 =	sld [smem:$0x3F91];
	s0 =	simm.s32 @p1 $0x1  }
0x15: {  	[smem:$0x3FAE] =	sst s0;
	s0 =	simm.s32 @!p2 $0x0  }
0x16: {  	s3 =	sld [smem:$0x3FDB];
	s0 =	simm.s32 @p2 $0x1  }
0x17: {  	s4 =	simm.s32 $0x1BF5;
	[smem:$0x3FB0] =	sst s0  }
0x18: {  	s0 =	sld [smem:$0x3F93];
	_ =	swait.ge [sflag:s4], $0x0  }
0x19: {  	s7 =	sld [smem:$0x3F94]  }
0x1a: {  	s8 =	sadd.s32 $0xFFFFE003, lr  }
0x1b: {  	s9 =	sadd.s32 $0xFFFFFEF7, lr;
	s5 =	simm.s32 $0xFFFFFFFF;
	p2 =	slt.u32 s8, $0xFFFFF086  }
0x1c: {  	p1 =	slt.u32 s9, $0xF7A;
	s5 =	simm.s32 @!p2 $0x0  }
0x1d: {  	s5 =	simm.s32 @p1 $0x1;
	p0 =	seq.s32 s7, s2  }
0x1e: {  	s7 =	smul.u32 @!p0 $0xF7A, s2;
	p2 =	seq.s32 @!p0 s5, $0x0  }
0x1f: {  	s9 =	smul.u32 $0xF7A, s1;
	s8 =	simm.s32 @!p0 $0x1BF5;
	p2 =	por !p2, p0  }
0x20: {  	[sflag:s8] =	ssyncset.s32 @!p0 $0xFFFFF086;
	s6 =	sadd.s32 @!p0 s3, s7;
	s7 =	simm.s32 @!p0 $0x108  }
0x21: {  	s3 =	sadd.s32 s3, s9;
	s6 =	sadd.s32 @!p0 $0x88, s6;
	s7 =	simm.s32 @p2 $0x1082  }
0x22: {  	[simem:s7], [sflag:s8] =	dma.local @!p0 [hbm:s6], $0xF7A  }
0x23: {  	s9 =	sor.u32 $0xD0000000, s2;
	s6 =	simm.s32 $0x108;
	_ =	swait.ge @!p0 [sflag:s8], $0x0  }
0x24: {  	s3 =	sadd.s32 $0x88, s3;
	s6 =	simm.s32 @!p1 $0x1082;
	[sflag:s4] =	ssyncset.s32 $0xFFFFF086  }
0x25: {  	[simem:s6], [sflag:s4] =	dma.local [hbm:s3], $0xF7A  }
0x26: {  	[smem:$0x3F94] =	sst s1;
	(tag) =	ssettag s2;
	_ =	strace s9  }
0x27: {  	s1 =	sld [smem:$0x3FA4]  }
0x28: {  	s2 =	sld [smem:$0x3FA5]  }
0x29: {  	s4 =	sld [smem:$0x3FA7]  }
0x2a: {  	p0 =	seq.s32 s5, $0x0;
	s5 =	sld [smem:$0x3FA8]  }
0x2b: {  	s6 =	sld [smem:$0x3FA9]  }
0x2c: {  	s7 =	sld [smem:$0x3FAA]  }
0x2d: {  	s3 =	simm.s32 $0x108;
	s8 =	sld [smem:$0x3FAB]  }
0x2e: {  	s3 =	simm.s32 @!p0 $0x1082;
	s9 =	sld [smem:$0x3FAC]  }
0x2f: {  	lr =	sadd.s32 s0, s3;
	s0 =	sld [smem:$0x3FA3]  }
0x30: {  	s3 =	sld [smem:$0x3FA6]  }
0x31: {  	[smem:$0x3FAF] =	sst s10  }
0x32: {  	s10 =	sld [smem:$0x3FAD];
	_ =	sdelay $0x3  }
0x33: {  	p0 =	seq.s32 s10, $0x1;
	s10 =	sld [smem:$0x3FAF];
	_ =	sdelay $0x3  }
0x34: {  	[smem:$0x3FAF] =	sst s10  }
0x35: {  	s10 =	sld [smem:$0x3FAE];
	_ =	sdelay $0x3  }
0x36: {  	p1 =	seq.s32 s10, $0x1;
	s10 =	sld [smem:$0x3FAF];
	_ =	sdelay $0x3  }
0x37: {  	[smem:$0x3FAF] =	sst s10  }
0x38: {  	s10 =	sld [smem:$0x3FB0]  }
0x39: {  	_ = 	snop;
	(pc) =	sbr.ind lr, $3  }
0x3a: {  	_ = 	snop  }
0x3b: {  	_ = 	snop  }
0x3c: {  	p2 =	seq.s32 s10, $0x1;
	s10 =	sld [smem:$0x3FAF]  }
0x3d: {  	_ =	shalt  }
0x3e: {  	_ =	shalt  }
0x3f: {  	_ =	shalt  }
0x40: {  	_ =	shalt  }
0x41: {  	_ =	shalt  }
0x42: {  	_ =	shalt  }
0x43: {  	_ =	shalt  }
0x44: {  	_ =	shalt  }
0x45: {  	_ =	shalt  }
0x46: {  	_ =	shalt  }
0x47: {  	_ =	shalt  }
0x48: {  	_ =	shalt  }
0x49: {  	_ =	shalt  }
0x4a: {  	_ =	shalt  }
0x4b: {  	_ =	shalt  }
0x4c: {  	_ =	shalt  }
0x4d: {  	_ =	shalt  }
0x4e: {  	_ =	shalt  }
0x4f: {  	_ =	shalt  }
0x50: {  	_ =	shalt  }
0x51: {  	_ =	shalt  }
0x52: {  	_ =	shalt  }
0x53: {  	_ =	shalt  }
0x54: {  	_ =	shalt  }
0x55: {  	_ =	shalt  }
0x56: {  	_ =	shalt  }
0x57: {  	_ =	shalt  }
0x58: {  	_ =	shalt  }
0x59: {  	_ =	shalt  }
0x5a: {  	_ =	shalt  }
0x5b: {  	_ =	shalt  }
0x5c: {  	_ =	shalt  }
0x5d: {  	_ =	shalt  }
0x5e: {  	_ =	shalt  }
0x5f: {  	_ =	shalt  }
0x60: {  	_ =	shalt  }
0x61: {  	_ =	shalt  }
0x62: {  	_ =	shalt  }
0x63: {  	_ =	shalt  }
0x64: {  	_ =	shalt  }
0x65: {  	_ =	shalt  }
0x66: {  	_ =	shalt  }
0x67: {  	_ =	shalt  }
0x68: {  	_ =	shalt  }
0x69: {  	_ =	shalt  }
0x6a: {  	_ =	shalt  }
0x6b: {  	_ =	shalt  }
0x6c: {  	_ =	shalt  }
0x6d: {  	_ =	shalt  }
0x6e: {  	_ =	shalt  }
0x6f: {  	_ =	shalt  }
0x70: {  	_ =	shalt  }
0x71: {  	_ =	shalt  }
0x72: {  	_ =	shalt  }
0x73: {  	_ =	shalt  }
0x74: {  	_ =	shalt  }
0x75: {  	_ =	shalt  }
0x76: {  	_ =	shalt  }
0x77: {  	_ =	shalt  }
0x78: {  	_ =	shalt  }
0x79: {  	_ =	shalt  }
0x7a: {  	_ =	shalt  }
0x7b: {  	_ =	shalt  }
0x7c: {  	_ =	shalt  }
0x7d: {  	_ =	shalt  }
0x7e: {  	_ =	shalt  }
0x7f: {  	_ =	shalt  }
0x80: {  	_ =	shalt  }
0x81: {  	_ =	shalt  }
0x82: {  	_ =	shalt  }
0x83: {  	_ =	shalt  }
0x84: {  	_ =	shalt  }
0x85: {  	_ =	shalt  }
0x86: {  	_ =	shalt  }
0x87: {  	_ =	shalt  }
.Lfunc_end0:
.L_simem_size_0:
called_computation_lowered:
.L_overlay_start_0:
0x88: {  	s2 =	sld [smem:$0x3FD9]  }
0x89: {  	s3 =	sld [smem:$0x3FFE];
	_ =	sdelay $0x1  }
0x8a: {  	s1 =	srdreg.scid  }
0x8b: {  	s0 =	sand.u32 $0x1, s1  }
0x8c: {  	s14 =	sshll.u32 s0, $0xA;
	s2 =	sadd.s32 s3, s2  }
0x8d: {  	s2 =	sadd.s32 s2, s14  }
0x8e: {  	[smem:$0x3FBB] =	sst s2  }
0x8f: {  	_ = 	snop  }
0x90: {  	s2 =	sld [smem:$0x3FD0];
	_ =	sdelay $0x2  }
0x91: {  	s15 =	simm.s32 $0xA;
	s4 =	simm.s32 $0x10  }
0x92: {  	[smem:s4], [sflag:s15] =	dma.local [hbm:s2], $0x1  }
0x93: {  	_ =	swait.eq [sflag:s15], $0x1  }
0x94: {  	[sflag:s15] =	ssyncset.done $0x0  }
0x95: {  	[sflag:s15] =	ssyncadd.s32 $0xFFFFFFFF  }
0x96: {  	s16 =	sld [smem:$0x11];
	(tm) =	ssettm $0x1  }
0x97: {  	s17 =	sld [smem:$0x3FFB];
	_ =	sdelay $0x3  }
0x98: {  	_ =	strace s17  }
0x99: {  	s3 =	sld [smem:$0x3FFC];
	_ =	sdelay $0x3  }
0x9a: {  	_ =	strace s3  }
0x9b: {  	s3 =	sld [smem:$0x3FFD];
	_ =	sdelay $0x3  }
0x9c: {  	_ =	strace s3  }
0x9d: {  	_ =	strace $0x8FFFFFFF  }
0x9e: {  	s18 =	sld [smem:$0x3FDB];
	_ =	sdelay $0x1  }
0x9f: {  	s19 =	simm.s32 $_scs_section_size  }
0xa0: {  	s5 =	simm.s32 $_size__tile_overlayer_lowered;
	s6 =	simm.s32 $_tile_overlayer_lowered  }
0xa1: {  	s22 =	simm.s32 $0x1BFF;
	s21 =	sshll.u32 s6, $0x1;
	s3 =	sadd.s32 s19, s18  }
0xa2: {  	s7 =	simm.s32 $0x0;
	s20 =	sshll.u32 s5, $0x1;
	s5 =	sadd.s32 s21, s3  }
0xa3: {  	[timem:s7], [sflag:s22] =	dma.local [hbm:s5], s20  }
0xa4: {  	_ =	swait.ge [sflag:s22], s20  }
0xa5: {  	s4 =	ssub.s32 $0x0, s20;
	[sflag:s22] =	ssyncset.done $0x0  }
0xa6: {  	[sflag:s22] =	ssyncadd.s32 s4;
	_ =	sdelay $0x1  }
0xa7: {  	s23 =	simm.s32 $0x1B8B  }
0xa8: {  	_ =	swait.ge [sflag:s23], $0x1  }
0xa9: {  	[sflag:s23] =	ssyncset.done $0x0  }
0xaa: {  	s25 =	simm.s32 $0x1B8E;
	s24 =	sld [smem:$0x3FFE];
	[sflag:s23] =	ssyncadd.s32 $0xFFFFFFFF  }
0xab: {  	s26 =	simm.s32 $execute0_lowered;
	[smem:$0x3FD2] =	sst s25  }
0xac: {  	s5 =	sshll.u32 s26, $0x1;
	_ =	strace $0x80000046;
	[dreg:$0x1] =	wrdreg $0xFFFFFFFF  }
0xad: {  	s28 =	simm.s32 $_size_execute0_lowered;
	s3 =	sadd.s32 s3, s5;
	[dreg:$0x0] =	wrdreg $0x0  }
0xae: {  	s5 =	sshll.u32 s28, $0x1;
	[dreg:$0x2] =	wrdreg s3  }
0xaf: {  	[dreg:$0x3] =	wrdreg s5  }
0xb0: {  	[dreg:$0x4] =	wrdreg $0xC0  }
0xb1: {  	_ =	task [dreg:s7], $0x5FFFF  }
0xb2: {  	[dreg:$0x1] =	wrdreg $0xFFFFFFFF  }
0xb3: {  	[dreg:$0x0] =	wrdreg $0x60  }
0xb4: {  	[dreg:$0x2] =	wrdreg s24  }
0xb5: {  	[dreg:$0x3] =	wrdreg s16  }
0xb6: {  	[dreg:$0x4] =	wrdreg $0x9  }
0xb7: {  	_ =	task.clear_ibuf [dreg:s7], $0x5FFFF;
	_ =	strace $0x90000046  }
0xb8: {  	s29 =	simm.s32 $0x9;
	_ =	strace $0x80000048  }
0xb9: {  	_ =	swait.ge [sflag:s29], $0x1  }
0xba: {  	[sflag:s29] =	ssyncadd.s32 $0xFFFFFFFF  }
0xbb: {  	_ =	strace $0x90000048  }
0xbc: {  	_ =	sfence  }
0xbd: {  	s30 =	sld [smem:$0x0];
	_ =	sdelay $0x2  }
0xbe: {  	s31 =	sshll.u32 s1, $0xD;
	s1 =	sshrl.u32 s1, $0x2  }
0xbf: {  	s3 =	sand.u32 $0x4000, s31;
	s1 =	sadd.s32 s1, s30  }
0xc0: {  	s0 =	sor.u32 s3, s0;
	s1 =	sshll.u32 s1, $0x11  }
0xc1: {  	s0 =	sor.u32 s1, s0  }
0xc2: {  	s0 =	sadd.s32 $0x8F2B, s0  }
0xc3: {  	[sflag:s0] =	ssyncadd.remote.s32 $0x1  }
0xc4: {  	_ =	sfence.sel $0xFFFF  }
0xc5: {  	[dreg:$0x0] =	wrdreg $0xFFFFFFFF;
	(pc) =	sbr.abs _section_cstart, $3  }
0xc6: {  	[dreg:$0x1] =	wrdreg $0xFFFFFFFF  }
0xc7: {  	_ =	task.clear_ibuf [dreg:s7], $0x2FFFF;
	_ =	strace $0x9FFFFFFF  }
0xc8: {  	(tm) =	ssettm $0x7FFFFFFF  }
0xc9: {  	_ =	shalt  }
tec
execute0_lowered:
.L_overlay_start_1:
0x0: {  	(tag) =	ssettag $0x1  }
0x1: {  	s0 =	rddreg [dreg:$0x0]  }
0x2: {  	s1 =	rddreg [dreg:$0x1];
	s3 =	simm.s32 $0x0;
	s2 =	srdreg.scid  }
0x3: {  	s4 =	stileid.u32;
	s17 =	simm.s32 $0x3;
	s18 =	simm.s32 $0x100  }
0x4: {  	s19 =	simm.s32 $0x50;
	s20 =	simm.s32 $0x200;
	s21 =	simm.s32 $0x5200  }
0x5: {  	s22 =	simm.s32 $0xA200;
	s28 =	simm.s32 $0xCA00;
	s29 =	simm.s32 $0x1  }
0x6: {  	s30 =	simm.s32 $0x2;
	s31 =	simm.s32 $0x0;
	[smem:$0x7FF] =	sst s3  }
0x7: {  	s2 =	sand.u32 $0x1, s2;
	s6 =	sshll.u32 s4, $0x1;
	s4 =	sadd.s32 $0x47400, s0  }
0x8: {  	s5 =	sadd.s32 $0x20200, s0;
	s7 =	sadd.s32 $0x16400, s0;
	s10 =	sor.u32 s2, s6  }
0x9: {  	s9 =	sadd.s32 $0xC600, s0;
	s23 =	ssub.s32 $0x2, s2;
	s8 =	smul.u32 $0x2710, s10  }
0xa: {  	_ =	strace $0x80000047;
	s24 =	smul.u32 $0x138800, s10;
	s11 =	sshrl.u32 s23, $0x1  }
0xb: {  	s6 =	sadd.s32 $0x6E600, s0;
	s10 =	smul.u32 $0x27100, s10;
	s0 =	ssub.s32 s23, s11  }
0xc: {  	s23 =	simm.s32 $0x80;
	s12 =	sshrl.u32 s8, $0x3;
	s2 =	sshrl.u32 s24, $0x3  }
0xd: {  	s10 =	sadd.s32 s6, s10;
	s13 =	sadd.s32 $0x50, s8;
	s14 =	sadd.s32 $0xA0, s8  }
0xe: {  	s16 =	smax.u32 s0, $0x1;
	s25 =	sadd.s32 s7, s12;
	[dreg:$0x5] =	wrdreg s10  }
0xf: {  	s26 =	sadd.s32 s9, s12;
	s2 =	sadd.s32 s1, s2;
	[dreg:$0x3] =	wrdreg s25  }
0x10: {  	s24 =	simm.s32 $0x180;
	[dreg:$0x4] =	wrdreg s26;
	s2 =	sadd.s32 $0x26C00, s2  }
0x11: {  	s25 =	simm.s32 $0x2A00;
	s26 =	simm.s32 $0x7A00;
	[dreg:$0x6] =	wrdreg s2  }
.LBB2_1:
0x12: {  	s0 =	rddreg [dreg:$0x3]  }
0x13: {  	[tilespmem:s3], [sflag:$0x3] =	stream.linear.gather [hbm4b:s0+s3], $0x50, $0x38;
	[tilespmem:$0xF200] =	vst v63  }
0x14: {  	_ =	swait.ge [sflag:s17], $0x50  }
0x15: {  	[sflag:s17] =	ssyncset.done $0x0  }
0x16: {  	s12 =	rddreg [dreg:$0x4];
	[sflag:s17] =	ssyncadd.s32 $0xFFFFFFB0  }
0x17: {  	[tilespmem:s18], [sflag:$0x3] =	stream.linear.gather [hbm4b:s12+s3], $0x50, $0x38;
	[tilespmem:$0xF200] =	vst v63  }
0x18: {  	_ =	swait.ge [sflag:s17], $0x50  }
0x19: {  	[sflag:s17] =	ssyncset.done $0x0  }
0x1a: {  	[sflag:s17] =	ssyncadd.s32 $0xFFFFFFB0  }
0x1b: {  	[tilespmem:s20], [sflag:$0x1] =	stream.indirect.gather [hbm4b:s4+s19], $0x80, s3, s19, $0xb8;
	[tilespmem:$0xF200] =	vst v63  }
0x1c: {  	_ = 	snop  }
0x1d: {  	[tilespmem:s21], [sflag:$0x1] =	stream.indirect.gather [hbm4b:s5+s19], $0x80, s18, s19, $0xb8;
	[tilespmem:$0xF200] =	vst v63  }
0x1e: {  	s0 =	simm.s32 $0x0;
	s15 =	rddreg [dreg:$0x5]  }
0x1f: {  	[tilespmem:s22], [sflag:$0x1] =	stream.linear.gather [hbm4b:s15+s3], $0x2800, $0x38;
	[tilespmem:$0xF200] =	vst v63  }
.LBB2_2:
0x20: {  	s10 =	smul.u32 $0xA0, s0;
	_ =	sdelay $0x1  }
0x21: {  	s2 =	sadd.s32 s10, s13  }
0x22: {  	s11 =	sshrl.u32 s2, $0x3  }
0x23: {  	s15 =	simm.s32 $0x0;
	s12 =	sadd.s32 s7, s11  }
0x24: {  	[tilespmem:s23], [sflag:$0x3] =	stream.linear.gather [hbm4b:s12+s15], $0x50, $0x38;
	[tilespmem:$0xF200] =	vst v63  }
0x25: {  	_ =	swait.ge [sflag:s17], $0x50  }
0x26: {  	[sflag:s17] =	ssyncset.done $0x0  }
0x27: {  	s11 =	sadd.s32 s9, s11;
	[sflag:s17] =	ssyncadd.s32 $0xFFFFFFB0  }
0x28: {  	[tilespmem:s24], [sflag:$0x3] =	stream.linear.gather [hbm4b:s11+s15], $0x50, $0x38;
	[tilespmem:$0xF200] =	vst v63  }
0x29: {  	_ =	swait.ge [sflag:s17], $0x50  }
0x2a: {  	[sflag:s17] =	ssyncset.done $0x0  }
0x2b: {  	[sflag:s17] =	ssyncadd.s32 $0xFFFFFFB0  }
0x2c: {  	[tilespmem:s25], [sflag:$0x2] =	stream.indirect.gather [hbm4b:s4+s19], $0x80, s23, s19, $0xb8;
	[tilespmem:$0xF200] =	vst v63  }
0x2d: {  	s2 =	sshll.u32 s2, $0x4  }
0x2e: {  	[tilespmem:s26], [sflag:$0x2] =	stream.indirect.gather [hbm4b:s5+s19], $0x80, s24, s19, $0xb8;
	[tilespmem:$0xF200] =	vst v63  }
0x2f: {  	s12 =	sadd.s32 s6, s2  }
0x30: {  	[tilespmem:s28], [sflag:$0x2] =	stream.linear.gather [hbm4b:s12+s15], $0x2800, $0x38;
	[tilespmem:$0xF200] =	vst v63  }
0x31: {  	_ =	swait.ge [sflag:s29], $0x2800  }
0x32: {  	[sflag:s29] =	ssyncset.done $0x0  }
0x33: {  	[sflag:s29] =	ssyncadd.s32 $0xFFFFD800  }
0x34: {  	_ =	swait.ge [sflag:s29], $0x2800  }
0x35: {  	[sflag:s29] =	ssyncset.done $0x0  }
0x36: {  	[sflag:s29] =	ssyncadd.s32 $0xFFFFD800  }
0x37: {  	_ =	swait.ge [sflag:s29], $0x2800  }
0x38: {  	[sflag:s29] =	ssyncset.done $0x0  }
0x39: {  	s11 =	simm.s32 $0x0;
	[sflag:s29] =	ssyncadd.s32 $0xFFFFD800  }
0x3a: {  	v12 =	vld [tilespmem:s11+$0x200]  }
0x3b: {  	v17 =	vld [tilespmem:s11+$0x5200]  }
0x3c: {  	v19 =	vld [tilespmem:s11+$0x210]  }
0x3d: {  	v20 =	vld [tilespmem:s11+$0x5210]  }
0x3e: {  	v5 =	vld [tilespmem:s11+$0x220]  }
0x3f: {  	v9 =	vld [tilespmem:s11+$0x5220]  }
0x40: {  	v7 =	vld [tilespmem:s11+$0x230]  }
0x41: {  	v11 =	vld [tilespmem:s11+$0x5230]  }
0x42: {  	v8 =	vld [tilespmem:s11+$0x240]  }
0x43: {  	v10 =	vld [tilespmem:s11+$0x5240]  }
0x44: {  	v4 =	vld [tilespmem:s11+$0x250]  }
0x45: {  	v6 =	vld [tilespmem:s11+$0x5250]  }
0x46: {  	v2 =	vld [tilespmem:s11+$0x260]  }
0x47: {  	v3 =	vld [tilespmem:s11+$0x5260]  }
0x48: {  	v0 =	vld [tilespmem:s11+$0x270]  }
0x49: {  	v1 =	vld [tilespmem:s11+$0x5270]  }
0x4a: {  	v16 =	vld [tilespmem:s11+$0xA200]  }
0x4b: {  	v15 =	vld [tilespmem:s11+$0xA210]  }
0x4c: {  	v14 =	vld [tilespmem:s11+$0xA220]  }
0x4d: {  	v13 =	vld [tilespmem:s11+$0xA230];
	v18 =	vadd.f32 v17, v12  }
0x4e: {  	s12 =	simm.s32 $0x200;
	v17 =	vadd.f32 v20, v19;
	v12 =	vld [tilespmem:s11+$0xA240]  }
.LBB2_3:
0x4f: {  	p0 =	sne.s32 s12, $0x9E00;
	v16 =	vadd.f32 v16, v18;
	v5 =	vadd.f32 v9, v5;
	v9 =	vld [tilespmem:s11+$0xA250]  }
0x50: {  	v7 =	vadd.f32 v11, v7;
	v15 =	vadd.f32 v15, v17;
	v11 =	vld [tilespmem:s11+$0xA260]  }
0x51: {  	s15 =	sshra.s32 s12, $0x2;
	v8 =	vadd.f32 v10, v8;
	v16 =	vmax.f32 v16, $0.0e+00;
	v5 =	vadd.f32 v14, v5;
	v10 =	vld [tilespmem:s11+$0xA270]  }
0x52: {  	v4 =	vadd.f32 v6, v4;
	v17 =	vld [tilespmem:s15+$0x200];
	[tilespmem:s11+$0xA200] =	vst v16;
	v14 =	vmax.f32 v15, $0.0e+00;
	v7 =	vadd.f32 v13, v7  }
0x53: {  	v2 =	vadd.f32 v3, v2;
	v13 =	vld [tilespmem:s15+$0x5200];
	[tilespmem:s11+$0xA210] =	vst v14;
	v5 =	vmax.f32 v5, $0.0e+00;
	v6 =	vadd.f32 v12, v8  }
0x54: {  	v0 =	vadd.f32 v1, v0;
	v12 =	vld [tilespmem:s15+$0x210];
	[tilespmem:s11+$0xA220] =	vst v5;
	v3 =	vmax.f32 v7, $0.0e+00;
	v4 =	vadd.f32 v9, v4  }
0x55: {  	v19 =	vld [tilespmem:s15+$0x5210];
	[tilespmem:s11+$0xA230] =	vst v3;
	v1 =	vmax.f32 v6, $0.0e+00;
	v2 =	vadd.f32 v11, v2  }
0x56: {  	v5 =	vld [tilespmem:s15+$0x220];
	[tilespmem:s11+$0xA240] =	vst v1;
	v1 =	vmax.f32 v4, $0.0e+00;
	v0 =	vadd.f32 v10, v0  }
0x57: {  	v9 =	vld [tilespmem:s15+$0x5220];
	[tilespmem:s11+$0xA250] =	vst v1;
	v1 =	vmax.f32 v2, $0.0e+00  }
0x58: {  	v7 =	vld [tilespmem:s15+$0x230];
	[tilespmem:s11+$0xA260] =	vst v1;
	v0 =	vmax.f32 v0, $0.0e+00  }
0x59: {  	v11 =	vld [tilespmem:s15+$0x5230];
	[tilespmem:s11+$0xA270] =	vst v0;
	s11 =	smov.u32 s15  }
0x5a: {  	v8 =	vld [tilespmem:s11+$0x240]  }
0x5b: {  	v10 =	vld [tilespmem:s11+$0x5240]  }
0x5c: {  	v4 =	vld [tilespmem:s11+$0x250]  }
0x5d: {  	v6 =	vld [tilespmem:s11+$0x5250]  }
0x5e: {  	v2 =	vld [tilespmem:s11+$0x260]  }
0x5f: {  	v3 =	vld [tilespmem:s11+$0x5260]  }
0x60: {  	v0 =	vld [tilespmem:s11+$0x270]  }
0x61: {  	v1 =	vld [tilespmem:s11+$0x5270]  }
.Ltmp0:
0x62: {  	v16 =	vld [tilespmem:s11+$0xA200];
	(pc) =	sbr.rel @p0 .LBB2_3-.Ltmp0, $4  }
0x63: {  	v15 =	vld [tilespmem:s11+$0xA210]  }
0x64: {  	v14 =	vld [tilespmem:s11+$0xA220]  }
0x65: {  	v18 =	vadd.f32 v13, v17;
	v13 =	vld [tilespmem:s11+$0xA230]  }
0x66: {  	s12 =	sadd.s32 $0x200, s12;
	v17 =	vadd.f32 v19, v12;
	v12 =	vld [tilespmem:s11+$0xA240]  }
0x67: {  	v16 =	vadd.f32 v16, v18  }
0x68: {  	v5 =	vadd.f32 v9, v5;
	v9 =	vld [tilespmem:s11+$0xA250];
	v7 =	vadd.f32 v11, v7  }
0x69: {  	v8 =	vadd.f32 v10, v8;
	v10 =	vld [tilespmem:s11+$0xA270];
	v15 =	vadd.f32 v15, v17  }
0x6a: {  	v11 =	vld [tilespmem:s11+$0xA260];
	v16 =	vmax.f32 v16, $0.0e+00;
	v5 =	vadd.f32 v14, v5  }
0x6b: {  	v4 =	vadd.f32 v6, v4;
	[tilespmem:s11+$0xA200] =	vst v16;
	v14 =	vmax.f32 v15, $0.0e+00;
	v7 =	vadd.f32 v13, v7  }
0x6c: {  	v0 =	vadd.f32 v1, v0;
	[tilespmem:s11+$0xA210] =	vst v14;
	v5 =	vmax.f32 v5, $0.0e+00;
	v6 =	vadd.f32 v12, v8  }
0x6d: {  	v2 =	vadd.f32 v3, v2;
	[tilespmem:s11+$0xA220] =	vst v5;
	v3 =	vmax.f32 v7, $0.0e+00;
	v4 =	vadd.f32 v9, v4  }
0x6e: {  	v0 =	vadd.f32 v10, v0;
	[tilespmem:s11+$0xA230] =	vst v3;
	v1 =	vmax.f32 v6, $0.0e+00  }
0x6f: {  	v2 =	vadd.f32 v11, v2;
	[tilespmem:s11+$0xA240] =	vst v1;
	v1 =	vmax.f32 v4, $0.0e+00  }
0x70: {  	s12 =	sadd.s32 s8, s10;
	v0 =	vmax.f32 v0, $0.0e+00;
	[tilespmem:s11+$0xA250] =	vst v1  }
0x71: {  	s12 =	sshll.u32 s12, $0x4;
	v1 =	vmax.f32 v2, $0.0e+00;
	[tilespmem:s11+$0xA270] =	vst v0  }
0x72: {  	s15 =	sadd.s32 s1, s12;
	s12 =	simm.s32 $0x0;
	[tilespmem:s11+$0xA260] =	vst v1  }
0x73: {  	[hbm4b:s15+s12] =	stream.linear.scatter [tilespmem:s22], [sflag:$0x3], $0x2800, $0x38;
	[tilespmem:$0xF200] =	vst v63  }
0x74: {  	s10 =	sadd.s32 s10, s14;
	_ =	swait.ge [sflag:s17], $0x2800  }
0x75: {  	s11 =	sshrl.u32 s10, $0x3;
	[sflag:s17] =	ssyncset.done $0x0  }
0x76: {  	s15 =	sadd.s32 s7, s11;
	[sflag:s17] =	ssyncadd.s32 $0xFFFFD800  }
0x77: {  	[tilespmem:s12], [sflag:$0x3] =	stream.linear.gather [hbm4b:s15+s12], $0x50, $0x38;
	[tilespmem:$0xF200] =	vst v63  }
0x78: {  	_ =	swait.ge [sflag:s17], $0x50  }
0x79: {  	[sflag:s17] =	ssyncset.done $0x0  }
0x7a: {  	s11 =	sadd.s32 s9, s11;
	[sflag:s17] =	ssyncadd.s32 $0xFFFFFFB0  }
0x7b: {  	[tilespmem:s18], [sflag:$0x3] =	stream.linear.gather [hbm4b:s11+s12], $0x50, $0x38;
	[tilespmem:$0xF200] =	vst v63  }
0x7c: {  	_ =	swait.ge [sflag:s17], $0x50  }
0x7d: {  	[sflag:s17] =	ssyncset.done $0x0  }
0x7e: {  	[sflag:s17] =	ssyncadd.s32 $0xFFFFFFB0  }
0x7f: {  	[tilespmem:s20], [sflag:$0x1] =	stream.indirect.gather [hbm4b:s4+s19], $0x80, s12, s19, $0xb8;
	[tilespmem:$0xF200] =	vst v63  }
0x80: {  	s10 =	sshll.u32 s10, $0x4  }
0x81: {  	[tilespmem:s21], [sflag:$0x1] =	stream.indirect.gather [hbm4b:s5+s19], $0x80, s18, s19, $0xb8;
	[tilespmem:$0xF200] =	vst v63  }
0x82: {  	s10 =	sadd.s32 s6, s10  }
0x83: {  	[tilespmem:s22], [sflag:$0x1] =	stream.linear.gather [hbm4b:s10+s12], $0x2800, $0x38;
	[tilespmem:$0xF200] =	vst v63  }
0x84: {  	_ =	swait.ge [sflag:s30], $0x2800  }
0x85: {  	[sflag:s30] =	ssyncset.done $0x0  }
0x86: {  	[sflag:s30] =	ssyncadd.s32 $0xFFFFD800  }
0x87: {  	_ =	swait.ge [sflag:s30], $0x2800  }
0x88: {  	[sflag:s30] =	ssyncset.done $0x0  }
0x89: {  	[sflag:s30] =	ssyncadd.s32 $0xFFFFD800  }
0x8a: {  	_ =	swait.ge [sflag:s30], $0x2800  }
0x8b: {  	[sflag:s30] =	ssyncset.done $0x0  }
0x8c: {  	s10 =	simm.s32 $0x0;
	[sflag:s30] =	ssyncadd.s32 $0xFFFFD800  }
0x8d: {  	v12 =	vld [tilespmem:s10+$0x2A00]  }
0x8e: {  	v17 =	vld [tilespmem:s10+$0x7A00]  }
0x8f: {  	v19 =	vld [tilespmem:s10+$0x2A10]  }
0x90: {  	v20 =	vld [tilespmem:s10+$0x7A10]  }
0x91: {  	v5 =	vld [tilespmem:s10+$0x2A20]  }
0x92: {  	v9 =	vld [tilespmem:s10+$0x7A20]  }
0x93: {  	v7 =	vld [tilespmem:s10+$0x2A30]  }
0x94: {  	v11 =	vld [tilespmem:s10+$0x7A30]  }
0x95: {  	v8 =	vld [tilespmem:s10+$0x2A40]  }
0x96: {  	v10 =	vld [tilespmem:s10+$0x7A40]  }
0x97: {  	v4 =	vld [tilespmem:s10+$0x2A50]  }
0x98: {  	v6 =	vld [tilespmem:s10+$0x7A50]  }
0x99: {  	v2 =	vld [tilespmem:s10+$0x2A60]  }
0x9a: {  	v3 =	vld [tilespmem:s10+$0x7A60]  }
0x9b: {  	v0 =	vld [tilespmem:s10+$0x2A70]  }
0x9c: {  	v1 =	vld [tilespmem:s10+$0x7A70]  }
0x9d: {  	v16 =	vld [tilespmem:s10+$0xCA00]  }
0x9e: {  	v15 =	vld [tilespmem:s10+$0xCA10]  }
0x9f: {  	v14 =	vld [tilespmem:s10+$0xCA20]  }
0xa0: {  	v13 =	vld [tilespmem:s10+$0xCA30];
	v18 =	vadd.f32 v17, v12  }
0xa1: {  	s11 =	simm.s32 $0x200;
	v17 =	vadd.f32 v20, v19;
	v12 =	vld [tilespmem:s10+$0xCA40]  }
.LBB2_5:
0xa2: {  	p0 =	sne.s32 s11, $0x9E00;
	v16 =	vadd.f32 v16, v18;
	v5 =	vadd.f32 v9, v5;
	v9 =	vld [tilespmem:s10+$0xCA50]  }
0xa3: {  	v7 =	vadd.f32 v11, v7;
	v15 =	vadd.f32 v15, v17;
	v11 =	vld [tilespmem:s10+$0xCA60]  }
0xa4: {  	s12 =	sshra.s32 s11, $0x2;
	v8 =	vadd.f32 v10, v8;
	v16 =	vmax.f32 v16, $0.0e+00;
	v5 =	vadd.f32 v14, v5;
	v10 =	vld [tilespmem:s10+$0xCA70]  }
0xa5: {  	v4 =	vadd.f32 v6, v4;
	v17 =	vld [tilespmem:s12+$0x2A00];
	[tilespmem:s10+$0xCA00] =	vst v16;
	v14 =	vmax.f32 v15, $0.0e+00;
	v7 =	vadd.f32 v13, v7  }
0xa6: {  	v2 =	vadd.f32 v3, v2;
	v13 =	vld [tilespmem:s12+$0x7A00];
	[tilespmem:s10+$0xCA10] =	vst v14;
	v5 =	vmax.f32 v5, $0.0e+00;
	v6 =	vadd.f32 v12, v8  }
0xa7: {  	v0 =	vadd.f32 v1, v0;
	v12 =	vld [tilespmem:s12+$0x2A10];
	[tilespmem:s10+$0xCA20] =	vst v5;
	v3 =	vmax.f32 v7, $0.0e+00;
	v4 =	vadd.f32 v9, v4  }
0xa8: {  	v19 =	vld [tilespmem:s12+$0x7A10];
	[tilespmem:s10+$0xCA30] =	vst v3;
	v1 =	vmax.f32 v6, $0.0e+00;
	v2 =	vadd.f32 v11, v2  }
0xa9: {  	v5 =	vld [tilespmem:s12+$0x2A20];
	[tilespmem:s10+$0xCA40] =	vst v1;
	v1 =	vmax.f32 v4, $0.0e+00;
	v0 =	vadd.f32 v10, v0  }
0xaa: {  	v9 =	vld [tilespmem:s12+$0x7A20];
	[tilespmem:s10+$0xCA50] =	vst v1;
	v1 =	vmax.f32 v2, $0.0e+00  }
0xab: {  	v7 =	vld [tilespmem:s12+$0x2A30];
	[tilespmem:s10+$0xCA60] =	vst v1;
	v0 =	vmax.f32 v0, $0.0e+00  }
0xac: {  	v11 =	vld [tilespmem:s12+$0x7A30];
	[tilespmem:s10+$0xCA70] =	vst v0;
	s10 =	smov.u32 s12  }
0xad: {  	v8 =	vld [tilespmem:s10+$0x2A40]  }
0xae: {  	v10 =	vld [tilespmem:s10+$0x7A40]  }
0xaf: {  	v4 =	vld [tilespmem:s10+$0x2A50]  }
0xb0: {  	v6 =	vld [tilespmem:s10+$0x7A50]  }
0xb1: {  	v2 =	vld [tilespmem:s10+$0x2A60]  }
0xb2: {  	v3 =	vld [tilespmem:s10+$0x7A60]  }
0xb3: {  	v0 =	vld [tilespmem:s10+$0x2A70]  }
0xb4: {  	v1 =	vld [tilespmem:s10+$0x7A70]  }
.Ltmp1:
0xb5: {  	v16 =	vld [tilespmem:s10+$0xCA00];
	(pc) =	sbr.rel @p0 .LBB2_5-.Ltmp1, $4  }
0xb6: {  	v15 =	vld [tilespmem:s10+$0xCA10]  }
0xb7: {  	v14 =	vld [tilespmem:s10+$0xCA20]  }
0xb8: {  	v18 =	vadd.f32 v13, v17;
	v13 =	vld [tilespmem:s10+$0xCA30]  }
0xb9: {  	s11 =	sadd.s32 $0x200, s11;
	v17 =	vadd.f32 v19, v12;
	v12 =	vld [tilespmem:s10+$0xCA40]  }
0xba: {  	v16 =	vadd.f32 v16, v18;
	v5 =	vadd.f32 v9, v5;
	v55 =	vld [tilespmem:s10+$0xCA50]  }
0xbb: {  	v7 =	vadd.f32 v11, v7;
	v56 =	vld [tilespmem:s10+$0xCA60];
	v15 =	vadd.f32 v15, v17  }
0xbc: {  	v8 =	vadd.f32 v10, v8;
	v57 =	vld [tilespmem:s10+$0xCA70];
	v16 =	vmax.f32 v16, $0.0e+00;
	v5 =	vadd.f32 v14, v5  }
0xbd: {  	v4 =	vadd.f32 v6, v4;
	[tilespmem:s10+$0xCA00] =	vst v16;
	v58 =	vmax.f32 v15, $0.0e+00;
	v7 =	vadd.f32 v13, v7  }
0xbe: {  	v2 =	vadd.f32 v3, v2;
	[tilespmem:s10+$0xCA10] =	vst v58;
	v5 =	vmax.f32 v5, $0.0e+00;
	v59 =	vadd.f32 v12, v8  }
0xbf: {  	v0 =	vadd.f32 v1, v0;
	[tilespmem:s10+$0xCA20] =	vst v5;
	v60 =	vmax.f32 v7, $0.0e+00;
	v4 =	vadd.f32 v55, v4  }
0xc0: {  	v2 =	vadd.f32 v56, v2;
	[tilespmem:s10+$0xCA30] =	vst v60;
	v61 =	vmax.f32 v59, $0.0e+00  }
0xc1: {  	v0 =	vadd.f32 v57, v0;
	[tilespmem:s10+$0xCA40] =	vst v61;
	v62 =	vmax.f32 v4, $0.0e+00  }
0xc2: {  	s0 =	sadd.s32 $0x1, s0;
	v63 =	vmax.f32 v2, $0.0e+00;
	[tilespmem:s10+$0xCA50] =	vst v62  }
0xc3: {  	p0 =	sne.s32 s0, $0x3E;
	v0 =	vmax.f32 v0, $0.0e+00;
	[tilespmem:s10+$0xCA60] =	vst v63  }
.Ltmp2:
0xc4: {  	s2 =	sadd.s32 s1, s2;
	[tilespmem:s10+$0xCA70] =	vst v0;
	(pc) =	sbr.rel @p0 .LBB2_2-.Ltmp2, $4  }
0xc5: {  	[hbm4b:s2+s3] =	stream.linear.scatter [tilespmem:s28], [sflag:$0x3], $0x2800, $0x38;
	[tilespmem:$0xF200] =	vst v63  }
0xc6: {  	_ =	swait.ge [sflag:s17], $0x2800  }
0xc7: {  	[sflag:s17] =	ssyncset.done $0x0  }
0xc8: {  	[sflag:s17] =	ssyncadd.s32 $0xFFFFD800  }
0xc9: {  	_ =	swait.ge [sflag:s29], $0x2800  }
0xca: {  	[sflag:s29] =	ssyncset.done $0x0  }
0xcb: {  	[sflag:s29] =	ssyncadd.s32 $0xFFFFD800  }
0xcc: {  	_ =	swait.ge [sflag:s29], $0x2800  }
0xcd: {  	[sflag:s29] =	ssyncset.done $0x0  }
0xce: {  	[sflag:s29] =	ssyncadd.s32 $0xFFFFD800  }
0xcf: {  	_ =	swait.ge [sflag:s29], $0x2800  }
0xd0: {  	[sflag:s29] =	ssyncset.done $0x0  }
0xd1: {  	s0 =	simm.s32 $0x0;
	[sflag:s29] =	ssyncadd.s32 $0xFFFFD800  }
0xd2: {  	v12 =	vld [tilespmem:s0+$0x200]  }
0xd3: {  	v17 =	vld [tilespmem:s0+$0x5200]  }
0xd4: {  	v19 =	vld [tilespmem:s0+$0x210]  }
0xd5: {  	v20 =	vld [tilespmem:s0+$0x5210]  }
0xd6: {  	v5 =	vld [tilespmem:s0+$0x220]  }
0xd7: {  	v9 =	vld [tilespmem:s0+$0x5220]  }
0xd8: {  	v7 =	vld [tilespmem:s0+$0x230]  }
0xd9: {  	v11 =	vld [tilespmem:s0+$0x5230]  }
0xda: {  	v8 =	vld [tilespmem:s0+$0x240]  }
0xdb: {  	v10 =	vld [tilespmem:s0+$0x5240]  }
0xdc: {  	v4 =	vld [tilespmem:s0+$0x250]  }
0xdd: {  	v6 =	vld [tilespmem:s0+$0x5250]  }
0xde: {  	v2 =	vld [tilespmem:s0+$0x260]  }
0xdf: {  	v3 =	vld [tilespmem:s0+$0x5260]  }
0xe0: {  	v0 =	vld [tilespmem:s0+$0x270]  }
0xe1: {  	v1 =	vld [tilespmem:s0+$0x5270]  }
0xe2: {  	v16 =	vld [tilespmem:s0+$0xA200]  }
0xe3: {  	v15 =	vld [tilespmem:s0+$0xA210]  }
0xe4: {  	v14 =	vld [tilespmem:s0+$0xA220]  }
0xe5: {  	v13 =	vld [tilespmem:s0+$0xA230];
	v18 =	vadd.f32 v17, v12  }
0xe6: {  	s2 =	simm.s32 $0x200;
	v17 =	vadd.f32 v20, v19;
	v12 =	vld [tilespmem:s0+$0xA240]  }
.LBB2_8:
0xe7: {  	p0 =	sne.s32 s2, $0x9E00;
	v16 =	vadd.f32 v16, v18;
	v5 =	vadd.f32 v9, v5;
	v9 =	vld [tilespmem:s0+$0xA250]  }
0xe8: {  	v7 =	vadd.f32 v11, v7;
	v15 =	vadd.f32 v15, v17;
	v11 =	vld [tilespmem:s0+$0xA260]  }
0xe9: {  	s10 =	sshra.s32 s2, $0x2;
	v8 =	vadd.f32 v10, v8;
	v16 =	vmax.f32 v16, $0.0e+00;
	v5 =	vadd.f32 v14, v5;
	v10 =	vld [tilespmem:s0+$0xA270]  }
0xea: {  	v4 =	vadd.f32 v6, v4;
	v17 =	vld [tilespmem:s10+$0x200];
	[tilespmem:s0+$0xA200] =	vst v16;
	v14 =	vmax.f32 v15, $0.0e+00;
	v7 =	vadd.f32 v13, v7  }
0xeb: {  	v2 =	vadd.f32 v3, v2;
	v13 =	vld [tilespmem:s10+$0x5200];
	[tilespmem:s0+$0xA210] =	vst v14;
	v5 =	vmax.f32 v5, $0.0e+00;
	v6 =	vadd.f32 v12, v8  }
0xec: {  	v0 =	vadd.f32 v1, v0;
	v12 =	vld [tilespmem:s10+$0x210];
	[tilespmem:s0+$0xA220] =	vst v5;
	v3 =	vmax.f32 v7, $0.0e+00;
	v4 =	vadd.f32 v9, v4  }
0xed: {  	v19 =	vld [tilespmem:s10+$0x5210];
	[tilespmem:s0+$0xA230] =	vst v3;
	v1 =	vmax.f32 v6, $0.0e+00;
	v2 =	vadd.f32 v11, v2  }
0xee: {  	v5 =	vld [tilespmem:s10+$0x220];
	[tilespmem:s0+$0xA240] =	vst v1;
	v1 =	vmax.f32 v4, $0.0e+00;
	v0 =	vadd.f32 v10, v0  }
0xef: {  	v9 =	vld [tilespmem:s10+$0x5220];
	[tilespmem:s0+$0xA250] =	vst v1;
	v1 =	vmax.f32 v2, $0.0e+00  }
0xf0: {  	v7 =	vld [tilespmem:s10+$0x230];
	[tilespmem:s0+$0xA260] =	vst v1;
	v0 =	vmax.f32 v0, $0.0e+00  }
0xf1: {  	v11 =	vld [tilespmem:s10+$0x5230];
	[tilespmem:s0+$0xA270] =	vst v0;
	s0 =	smov.u32 s10  }
0xf2: {  	v8 =	vld [tilespmem:s0+$0x240]  }
0xf3: {  	v10 =	vld [tilespmem:s0+$0x5240]  }
0xf4: {  	v4 =	vld [tilespmem:s0+$0x250]  }
0xf5: {  	v6 =	vld [tilespmem:s0+$0x5250]  }
0xf6: {  	v2 =	vld [tilespmem:s0+$0x260]  }
0xf7: {  	v3 =	vld [tilespmem:s0+$0x5260]  }
0xf8: {  	v0 =	vld [tilespmem:s0+$0x270]  }
0xf9: {  	v1 =	vld [tilespmem:s0+$0x5270]  }
.Ltmp3:
0xfa: {  	v16 =	vld [tilespmem:s0+$0xA200];
	(pc) =	sbr.rel @p0 .LBB2_8-.Ltmp3, $4  }
0xfb: {  	v15 =	vld [tilespmem:s0+$0xA210]  }
0xfc: {  	v14 =	vld [tilespmem:s0+$0xA220]  }
0xfd: {  	v18 =	vadd.f32 v13, v17;
	v13 =	vld [tilespmem:s0+$0xA230]  }
0xfe: {  	s2 =	sadd.s32 $0x200, s2;
	v17 =	vadd.f32 v19, v12;
	v12 =	vld [tilespmem:s0+$0xA240]  }
0xff: {  	v16 =	vadd.f32 v16, v18;
	v5 =	vadd.f32 v9, v5;
	v55 =	vld [tilespmem:s0+$0xA250]  }
0x100: {  	v7 =	vadd.f32 v11, v7;
	v56 =	vld [tilespmem:s0+$0xA260];
	v15 =	vadd.f32 v15, v17  }
0x101: {  	v8 =	vadd.f32 v10, v8;
	v57 =	vld [tilespmem:s0+$0xA270];
	v16 =	vmax.f32 v16, $0.0e+00;
	v5 =	vadd.f32 v14, v5  }
0x102: {  	v4 =	vadd.f32 v6, v4;
	[tilespmem:s0+$0xA200] =	vst v16;
	v58 =	vmax.f32 v15, $0.0e+00;
	v7 =	vadd.f32 v13, v7  }
0x103: {  	v2 =	vadd.f32 v3, v2;
	[tilespmem:s0+$0xA210] =	vst v58;
	v5 =	vmax.f32 v5, $0.0e+00;
	v59 =	vadd.f32 v12, v8  }
0x104: {  	v0 =	vadd.f32 v1, v0;
	[tilespmem:s0+$0xA220] =	vst v5;
	v60 =	vmax.f32 v7, $0.0e+00;
	v4 =	vadd.f32 v55, v4  }
0x105: {  	v2 =	vadd.f32 v56, v2;
	[tilespmem:s0+$0xA230] =	vst v60;
	v61 =	vmax.f32 v59, $0.0e+00  }
0x106: {  	v0 =	vadd.f32 v57, v0;
	[tilespmem:s0+$0xA240] =	vst v61;
	v62 =	vmax.f32 v4, $0.0e+00  }
0x107: {  	s31 =	sadd.s32 $0x1, s31;
	v63 =	vmax.f32 v2, $0.0e+00;
	[tilespmem:s0+$0xA250] =	vst v62  }
0x108: {  	p0 =	sne.s32 s31, s16;
	v0 =	vmax.f32 v0, $0.0e+00;
	[tilespmem:s0+$0xA260] =	vst v63  }
.Ltmp4:
0x109: {  	s15 =	rddreg [dreg:$0x6];
	[tilespmem:s0+$0xA270] =	vst v0;
	(pc) =	sbr.rel @p0 .LBB2_1-.Ltmp4, $4  }
0x10a: {  	[hbm4b:s15+s3] =	stream.linear.scatter [tilespmem:s22], [sflag:$0x3], $0x2800, $0x38;
	[tilespmem:$0xF200] =	vst v63  }
0x10b: {  	_ =	swait.ge [sflag:s17], $0x2800  }
0x10c: {  	[sflag:s17] =	ssyncset.done $0x0  }
0x10d: {  	[sflag:s17] =	ssyncadd.s32 $0xFFFFD800  }
0x10e: {  	_ =	sfence.sel $0x180000  }
0x10f: {  	[bflag:$0x0] =	sbarrier.arrive $0xFFFF  }
0x110: {  	_ =	strace $0x90000047  }
0x111: {  	s0 =	stileid.u32;
	[bflag:$0x2] =	sbarrier.arrive $0xFFFF  }
0x112: {  	p0 =	sne.s32 s0, $0x0;
	s0 =	rddreg [dreg:$0x2]  }
0x113: {  	s0 =	sadd.s32 @!p0 $0x100000, s0  }
0x114: {  	[sflag:s0] =	ssyncadd.tile.s32 @!p0 $0x1;
	_ =	shalt  }
.Lfunc_end2:
_tile_overlayer_lowered:
.L_overlay_start_2:
0x115: {  	(tag) =	ssettag $0x2  }
0x116: {  	s0 =	rddreg [dreg:$0x0];
	s2 =	stileid.u32  }
0x117: {  	s1 =	rddreg [dreg:$0x1];
	p0 =	sne.s32 s2, $0x0  }
0x118: {  	s3 =	rddreg [dreg:$0x2];
	[bflag:$0x3] =	sbarrier.arrive $0xFFFF;
	s2 =	simm.s32 @!p0 $0x1C03  }
0x119: {  	[timem:s3], [sflag:s2] =	dma.local @!p0 [hbm:s0], s1  }
0x11a: {  	s0 =	simm.s32 @!p0 $0x3  }
0x11b: {  	_ =	swait.ge @!p0 [sflag:s0], s1  }
0x11c: {  	s1 =	ssub.s32 @!p0 $0x0, s1;
	[sflag:s0] =	ssyncset.done @!p0 $0x0  }
0x11d: {  	[sflag:s0] =	ssyncadd.s32 @!p0 s1  }
0x11e: {  	[bflag:$0x3] =	sbarrier.arrive $0xFFFF  }
0x11f: {  	_ =	shalt  }

</sc_bundles>
